<compile_context>
chip_gen: v7x
topology: tpu7x:2x2x1
jax: 0.10.2.dev20260603
libtpu: 0.0.44.dev20260713+nightly
codegen_flags: <defaults>
</compile_context>

<pallas_src>
import functools

import jax
import jax.numpy as jnp
from jax import lax
from jax.experimental import pallas as pl
from jax.experimental.pallas import tpu as pltpu
from jax.experimental.pallas import tpu_sc as plsc

NC = 2
NS = 16



def _sc_propagate(np_, e, w, nb, k, const_u=False, dtype=jnp.float32):
    npass = max(nb // NC, 1)
    out_sc = NC if nb == 1 else nb
    if nb == 1:
        nchunk = e // k // (NC * NS)
    else:
        nchunk = e // k // NS
    NBUF = 4
    assert nchunk % NBUF == 0
    rpt = np_ // NS

    @functools.partial(
        pl.kernel,
        out_type=jax.ShapeDtypeStruct((out_sc, np_, w), dtype),
        mesh=plsc.VectorSubcoreMesh(core_axis_name="c", subcore_axis_name="s"),
        compiler_params=pltpu.CompilerParams(use_tc_tiling_on_sc=False),
        scratch_types=[
            pltpu.VMEM_SHARED((np_, w), dtype),
            pltpu.VMEM((nchunk, k), jnp.int32),
            pltpu.VMEM((nchunk, k), jnp.int32),
        ] + [pltpu.VMEM((k, w), dtype)] * NBUF
          + [pltpu.SemaphoreType.DMA] * (2 * NBUF),
    )
    def prop(u_hbm, src_hbm, dst_hbm, out_hbm, acc_sh, src_v, dst_v, *rest):
        bufs = rest[:NBUF]
        gsem = rest[NBUF:2 * NBUF]
        ssem = rest[2 * NBUF:]
        c = lax.axis_index("c")
        s = lax.axis_index("s")
        r0 = s * rpt
        if nb == 1:
            dsec = c * NS + s
        else:
            dsec = s
        pltpu.sync_copy(dst_hbm.at[dsec], dst_v)

        def start_g(uj, i, b):
            pltpu.async_copy(uj.at[src_v.at[i]], bufs[b], gsem[b])

        def wait_g(uj, b):
            pltpu.make_async_copy(uj.at[src_v.at[0]], bufs[b], gsem[b]).wait()

        def start_s(i, b):
            pltpu.async_copy(bufs[b], acc_sh.at[dst_v.at[i]], ssem[b], add=True)

        def wait_s(b):
            pltpu.make_async_copy(bufs[b], acc_sh.at[dst_v.at[0]], ssem[b]).wait()

        for p in range(npass):
            if nb == 1:
                j = 0
                ssec = dsec
            else:
                j = p * NC + c
                ssec = s
            uj = u_hbm.at[j]
            if not const_u and p == 0:
                pltpu.sync_copy(src_hbm.at[ssec], src_v)
            pltpu.sync_copy(u_hbm.at[j, pl.ds(r0, rpt), :],
                            acc_sh.at[pl.ds(r0, rpt), :])
            if const_u and p == 0:
                pltpu.sync_copy(u_hbm.at[0, pl.ds(0, k), :], bufs[0])
            plsc.subcore_barrier()

            if const_u:
                def body_c(i, carry):
                    pltpu.async_copy(bufs[0], acc_sh.at[dst_v.at[i]],
                                     ssem[0], add=True)
                    return carry

                lax.fori_loop(0, nchunk, body_c, 0)

                def body_w(i, carry):
                    pltpu.make_async_copy(bufs[0], acc_sh.at[dst_v.at[0]],
                                          ssem[0]).wait()
                    return carry

                lax.fori_loop(0, nchunk, body_w, 0)
            else:
                for b in range(NBUF):
                    start_g(uj, b, b)

                def body(i, carry):
                    ei = NBUF * i
                    for b in range(NBUF):
                        wait_g(uj, b)
                        start_s(ei + b, b)
                    for b in range(NBUF):
                        wait_s(b)
                        start_g(uj, jnp.minimum(ei + b + NBUF, nchunk - 1), b)
                    return carry

                lax.fori_loop(0, nchunk // NBUF, body, 0)
                for b in range(NBUF):
                    wait_g(uj, b)
            plsc.subcore_barrier()
            oj = c if nb == 1 else j
            pltpu.sync_copy(acc_sh.at[pl.ds(r0, rpt), :],
                            out_hbm.at[oj, pl.ds(r0, rpt), :])
            if p + 1 < npass:
                plsc.subcore_barrier()

    return prop



def _t0(degp, x, np_, bm):
    d_in = x.shape[1]

    def body(degp_ref, x_ref, dinv16_ref, u0_ref):
        d = degp_ref[...]
        deg = d[0, :, 0:1] + d[1, :, 0:1] - 1.0
        dinv = lax.rsqrt(deg)
        dinv16_ref[...] = jnp.broadcast_to(dinv, (bm, 16))
        xb = x_ref[...]
        u0_ref[0] = (xb[:, 0:128] * dinv).astype(jnp.bfloat16)
        u0_ref[1] = (xb[:, 128:256] * dinv).astype(jnp.bfloat16)

    return pl.pallas_call(
        body,
        grid=(np_ // bm,),
        in_specs=[
            pl.BlockSpec((2, bm, 16), lambda i: (0, i, 0)),
            pl.BlockSpec((bm, d_in), lambda i: (i, 0)),
        ],
        out_specs=[
            pl.BlockSpec((bm, 16), lambda i: (i, 0)),
            pl.BlockSpec((2, bm, 128), lambda i: (0, i, 0)),
        ],
        out_shape=[
            jax.ShapeDtypeStruct((np_, 16), jnp.float32),
            jax.ShapeDtypeStruct((2, np_, 128), jnp.bfloat16),
        ],
    )(degp, x)


def _t_layer(acc, dinv16, w, b, np_, bm, nb_in, nb_out):
    kdim = nb_in * 128
    hdim = nb_out * 128

    def body(acc_ref, dinv_ref, w_ref, b_ref, out_ref):
        a = acc_ref[...].astype(jnp.float32)
        dv = dinv_ref[...][:, 0:1]
        wm = w_ref[...]
        h = jnp.zeros((bm, hdim), jnp.float32)
        for j in range(nb_in):
            h = h + jnp.dot(a[j] * dv, wm[j * 128:(j + 1) * 128, :],
                            preferred_element_type=jnp.float32)
        h = jnp.maximum(h + b_ref[...], 0.0)
        u = (h * dv).astype(jnp.bfloat16)
        for j in range(nb_out):
            out_ref[j] = u[:, j * 128:(j + 1) * 128]

    return pl.pallas_call(
        body,
        grid=(np_ // bm,),
        in_specs=[
            pl.BlockSpec((nb_in, bm, 128), lambda i: (0, i, 0)),
            pl.BlockSpec((bm, 16), lambda i: (i, 0)),
            pl.BlockSpec((kdim, hdim), lambda i: (0, 0)),
            pl.BlockSpec((1, hdim), lambda i: (0, 0)),
        ],
        out_specs=pl.BlockSpec((nb_out, bm, 128), lambda i: (0, i, 0)),
        out_shape=jax.ShapeDtypeStruct((nb_out, np_, 128), jnp.bfloat16),
    )(acc, dinv16, w, b)


def _t2(acc, dinv16, w2, b2, w3, wl16, np_, bm):

    def body(acc_ref, dinv_ref, w_ref, b_ref, w3_ref, wl_ref, out_ref):
        a = acc_ref[...].astype(jnp.float32)
        dv = dinv_ref[...][:, 0:1]
        wm = w_ref[...]
        m3 = jnp.dot(w3_ref[...], wl_ref[...], preferred_element_type=jnp.float32)
        h = jnp.zeros((bm, 512), jnp.float32)
        for j in range(4):
            h = h + jnp.dot(a[j] * dv, wm[j * 128:(j + 1) * 128, :],
                            preferred_element_type=jnp.float32)
        h = jnp.maximum(h + b_ref[...], 0.0)
        z = jnp.dot(h, m3, preferred_element_type=jnp.float32)
        out_ref[...] = z * dv

    return pl.pallas_call(
        body,
        grid=(np_ // bm,),
        in_specs=[
            pl.BlockSpec((4, bm, 128), lambda i: (0, i, 0)),
            pl.BlockSpec((bm, 16), lambda i: (i, 0)),
            pl.BlockSpec((512, 512), lambda i: (0, 0)),
            pl.BlockSpec((1, 512), lambda i: (0, 0)),
            pl.BlockSpec((512, 512), lambda i: (0, 0)),
            pl.BlockSpec((512, 16), lambda i: (0, 0)),
        ],
        out_specs=pl.BlockSpec((bm, 16), lambda i: (i, 0)),
        out_shape=jax.ShapeDtypeStruct((np_, 16), jnp.float32),
    )(acc, dinv16, w2, b2, w3, wl16)


def _t3(accp, uz, dinv16, batch2, b3, wl16, bl16, np_, g):

    def body(accp_ref, uz_ref, dinv_ref, b_ref, b3_ref, wl_ref, bl_ref, out_ref):
        a = accp_ref[...]
        cb = jnp.dot(b3_ref[...], wl_ref[...], preferred_element_type=jnp.float32)
        r3 = (a[0] + a[1] - uz_ref[...]) * dinv_ref[...]
        bb = b_ref[...]
        oh = (bb == lax.broadcasted_iota(jnp.int32, (1, g), 1))
        oh = oh.astype(jnp.float32)
        r3e = jnp.concatenate([r3, jnp.ones_like(r3)], axis=1)
        se = lax.dot_general(oh, r3e, (((0,), (0,)), ((), ())),
                             preferred_element_type=jnp.float32)
        sums = se[:, 0:16]
        cnt = se[:, 16:17]
        pooled = sums / jnp.maximum(cnt, 1.0)
        ind = (cnt > 0.0).astype(jnp.float32)
        out_ref[...] = pooled + ind * cb + bl_ref[...]

    return pl.pallas_call(
        body,
        out_shape=jax.ShapeDtypeStruct((g, 16), jnp.float32),
    )(accp, uz, dinv16, batch2, b3, wl16, bl16)



def kernel(x, edge_index, batch, W1, b1, W2, b2, W3, b3, Wl, bl):
    n, d_in = x.shape
    e = edge_index.shape[1]
    h = W2.shape[0]
    g = 64
    c_out = Wl.shape[1]
    np_ = 10240
    bm = 5120
    kw = 125
    kn = 125

    src = edge_index[0]
    dst = edge_index[1]
    ncw = e // kw // NS
    ncn = e // kn // (NC * NS)
    src_w = src.reshape(NS, ncw, kw)
    dst_w = dst.reshape(NS, ncw, kw)
    src_n = src.reshape(NC * NS, ncn, kn)
    dst_n = dst.reshape(NC * NS, ncn, kn)

    x_p = jnp.pad(x, ((0, np_ - n), (0, 0)))
    batch2 = jnp.pad(batch, (0, np_ - n), constant_values=g).reshape(np_, 1)
    ones16 = jnp.ones((np_, 16), jnp.float32)
    b1r = b1.reshape(1, h)
    b2r = b2.reshape(1, h)
    b3r = b3.reshape(1, h)
    wl16 = jnp.pad(Wl, ((0, 0), (0, 16 - c_out)))
    bl16 = jnp.pad(bl.reshape(1, c_out), ((0, 0), (0, 16 - c_out)))

    propdeg = _sc_propagate(np_, e, 16, 1, kn, const_u=True)
    prop16 = _sc_propagate(np_, e, 16, 1, kn)
    prop256 = _sc_propagate(np_, e, 128, 2, kw, dtype=jnp.bfloat16)
    prop512 = _sc_propagate(np_, e, 128, 4, kw, dtype=jnp.bfloat16)

    degp = propdeg(ones16[None], src_n, dst_n)
    dinv16, u0 = _t0(degp, x_p, np_, bm)

    acc1 = prop256(u0, src_w, dst_w)
    u1 = _t_layer(acc1, dinv16, W1, b1r, np_, bm, 2, 4)

    acc2 = prop512(u1, src_w, dst_w)
    uz = _t2(acc2, dinv16, W2, b2r, W3, wl16, np_, bm)

    acc3 = prop16(uz[None], src_n, dst_n)
    out16 = _t3(acc3, uz, dinv16, batch2, b3r, wl16, bl16, np_, g)
    return out16[:g, :c_out]

# --- scband reference (transcript-rebuilt; emitter-appended) ---
"""Pipeline reference for scband-gcn-68350109548560 (READ-ONLY COPY).

The authoritative reference and input builder live on the scoring server;
editing this copy changes nothing except your own understanding.
"""

import jax, jax.numpy as jnp
import numpy as np

N = 10000
E = 160000
D_IN = 256
H = 512
C = 2
G = 64


def gcn_conv(x, edge_index, W, b):
    # GCNConv with self-loops and symmetric normalization:
    # out = D^{-1/2} (A + I) D^{-1/2} X W + b
    src = edge_index[0]
    dst = edge_index[1]
    loop = jnp.arange(N, dtype=edge_index.dtype)
    s = jnp.concatenate([src, loop])
    d = jnp.concatenate([dst, loop])
    deg = jnp.zeros((N,), jnp.float32).at[d].add(1.0)
    dinv = jnp.where(deg > 0, jax.lax.rsqrt(deg), 0.0)
    norm = dinv[s] * dinv[d]
    xw = x @ W
    msg = xw[s] * norm[:, None]
    out = jnp.zeros((N, W.shape[1]), jnp.float32).at[d].add(msg)
    return out + b


def setup_inputs(seed: int = 0) -> dict:
    key = jax.random.key(seed)
    ks = jax.random.split(key, 12)
    x = jax.random.normal(ks[0], (N, D_IN), dtype=jnp.float32)
    edge_index = jax.random.randint(ks[1], (2, E), 0, N, dtype=jnp.int32)
    batch = jnp.sort(jax.random.randint(ks[2], (N,), 0, G, dtype=jnp.int32))
    W1 = jax.random.normal(ks[3], (D_IN, H), dtype=jnp.float32) * (1.0 / np.sqrt(D_IN))
    b1 = jnp.zeros((H,), jnp.float32)
    W2 = jax.random.normal(ks[4], (H, H), dtype=jnp.float32) * (1.0 / np.sqrt(H))
    b2 = jnp.zeros((H,), jnp.float32)
    W3 = jax.random.normal(ks[5], (H, H), dtype=jnp.float32) * (1.0 / np.sqrt(H))
    b3 = jnp.zeros((H,), jnp.float32)
    Wl = jax.random.normal(ks[6], (H, C), dtype=jnp.float32) * (1.0 / np.sqrt(H))
    bl = jnp.zeros((C,), jnp.float32)
    return {"x": x, "edge_index": edge_index, "batch": batch,
            "W1": W1, "b1": b1, "W2": W2, "b2": b2, "W3": W3, "b3": b3,
            "Wl": Wl, "bl": bl}


def reference(x, edge_index, batch, W1, b1, W2, b2, W3, b3, Wl, bl):
    h = jax.nn.relu(gcn_conv(x, edge_index, W1, b1))
    h = jax.nn.relu(gcn_conv(h, edge_index, W2, b2))
    h = gcn_conv(h, edge_index, W3, b3)
    # global_mean_pool over graph ids in `batch`
    sums = jax.ops.segment_sum(h, batch, num_segments=G)
    cnts = jax.ops.segment_sum(jnp.ones((N,), jnp.float32), batch, num_segments=G)
    pooled = sums / jnp.clip(cnts, 1.0)[:, None]
    # dropout is identity in eval mode (training=False)
    return pooled @ Wl + bl

if __name__ == "__main__":
    import jax
    _d = setup_inputs()
    print(jax.jit(kernel)(*tuple(_d.values())))

</pallas_src>

<mosaic_0001>
#map = affine_map<(d0, d1) -> (0, 0, 0)>
module attributes {stable_mosaic.version = 14 : i64} {
  func.func @prop(%arg0: i32, %arg1: i32, %arg2: memref<2x10240x128xbf16, #tpu.memory_space<hbm>>, %arg3: memref<16x80x125xi32, #tpu.memory_space<hbm>>, %arg4: memref<16x80x125xi32, #tpu.memory_space<hbm>>, %arg5: memref<2x10240x128xbf16, #tpu.memory_space<hbm>>, %arg6: memref<10240x128xbf16, #tpu.memory_space<vmem_shared>>, %arg7: memref<80x125xi32, #tpu.memory_space<vmem>>, %arg8: memref<80x125xi32, #tpu.memory_space<vmem>>, %arg9: memref<125x128xbf16, #tpu.memory_space<vmem>>, %arg10: memref<125x128xbf16, #tpu.memory_space<vmem>>, %arg11: memref<125x128xbf16, #tpu.memory_space<vmem>>, %arg12: memref<125x128xbf16, #tpu.memory_space<vmem>>, %arg13: memref<!tpu.dma_semaphore, #tpu.memory_space<semaphore_mem>>, %arg14: memref<!tpu.dma_semaphore, #tpu.memory_space<semaphore_mem>>, %arg15: memref<!tpu.dma_semaphore, #tpu.memory_space<semaphore_mem>>, %arg16: memref<!tpu.dma_semaphore, #tpu.memory_space<semaphore_mem>>, %arg17: memref<!tpu.dma_semaphore, #tpu.memory_space<semaphore_mem>>, %arg18: memref<!tpu.dma_semaphore, #tpu.memory_space<semaphore_mem>>, %arg19: memref<!tpu.dma_semaphore, #tpu.memory_space<semaphore_mem>>, %arg20: memref<!tpu.dma_semaphore, #tpu.memory_space<semaphore_mem>>) attributes {dimension_semantics = [#tpu.dimension_semantics<core_parallel>, #tpu.dimension_semantics<subcore_parallel>], iteration_bounds = array<i64: 2, 16>, scalar_prefetch = 0 : i64, scratch_operands = 15 : i64, tpu.core_type = #tpu.core_type<sc_vector_subcore>, window_params = [{transform_indices = #map}, {transform_indices = #map}, {transform_indices = #map}, {transform_indices = #map}]} {
    %mul3A = arith.constant 640 : i32
    %mul3A_0 = arith.muli %arg1, %mul3A : i32
    "tpu.region"() ({
      %run_scoped3A = tpu.sem_alloc : memref<!tpu.dma_semaphore, #tpu.memory_space<semaphore_mem>>
      %dma_start3A_94 = arith.constant 0 : i32
      %dma_start3A_95 = arith.constant 0 : i32
      %dma_start3A_96 = tpu.memref_slice %arg4[%arg1, %dma_start3A_94, %dma_start3A_95] : memref<16x80x125xi32, #tpu.memory_space<hbm>> -> memref<1x80x125xi32, #tpu.memory_space<hbm>>
      %dma_start3A_97 = tpu.memref_squeeze %dma_start3A_96 : memref<1x80x125xi32, #tpu.memory_space<hbm>> -> memref<80x125xi32, #tpu.memory_space<hbm>>
      %dma_start3A_98 = arith.constant 0 : i32
      %dma_start3A_99 = arith.constant 0 : i32
      %dma_start3A_100 = tpu.memref_slice %arg4[%arg1, %dma_start3A_98, %dma_start3A_99] : memref<16x80x125xi32, #tpu.memory_space<hbm>> -> memref<1x80x125xi32, #tpu.memory_space<hbm>>
      %dma_start3A_101 = tpu.memref_squeeze %dma_start3A_100 : memref<1x80x125xi32, #tpu.memory_space<hbm>> -> memref<80x125xi32, #tpu.memory_space<hbm>>
      tpu.enqueue_dma source(%dma_start3A_101 : memref<80x125xi32, #tpu.memory_space<hbm>>) target(%arg8 : memref<80x125xi32, #tpu.memory_space<vmem>>) target_semaphore(%run_scoped3A : memref<!tpu.dma_semaphore, #tpu.memory_space<semaphore_mem>>)
      %dma_wait3A_102 = arith.constant 0 : i32
      %dma_wait3A_103 = arith.constant 0 : i32
      %dma_wait3A_104 = tpu.memref_slice %arg4[%arg1, %dma_wait3A_102, %dma_wait3A_103] : memref<16x80x125xi32, #tpu.memory_space<hbm>> -> memref<1x80x125xi32, #tpu.memory_space<hbm>>
      %dma_wait3A_105 = tpu.memref_squeeze %dma_wait3A_104 : memref<1x80x125xi32, #tpu.memory_space<hbm>> -> memref<80x125xi32, #tpu.memory_space<hbm>>
      %dma_wait3A_106 = arith.constant 0 : i32
      %dma_wait3A_107 = arith.constant 0 : i32
      %dma_wait3A_108 = tpu.memref_slice %arg4[%arg1, %dma_wait3A_106, %dma_wait3A_107] : memref<16x80x125xi32, #tpu.memory_space<hbm>> -> memref<1x80x125xi32, #tpu.memory_space<hbm>>
      %dma_wait3A_109 = tpu.memref_squeeze %dma_wait3A_108 : memref<1x80x125xi32, #tpu.memory_space<hbm>> -> memref<80x125xi32, #tpu.memory_space<hbm>>
      tpu.wait_dma2 semaphore(%run_scoped3A : memref<!tpu.dma_semaphore, #tpu.memory_space<semaphore_mem>>) src(%dma_wait3A_109 : memref<80x125xi32, #tpu.memory_space<hbm>>) dst(%arg8 : memref<80x125xi32, #tpu.memory_space<vmem>>)
      tpu.yield
    }) : () -> ()
    %add3A = arith.constant 0 : i32
    %add3A_1 = arith.addi %add3A, %arg0 : i32
    "tpu.region"() ({
      %run_scoped3A = tpu.sem_alloc : memref<!tpu.dma_semaphore, #tpu.memory_space<semaphore_mem>>
      %dma_start3A_94 = arith.constant 0 : i32
      %dma_start3A_95 = arith.constant 0 : i32
      %dma_start3A_96 = tpu.memref_slice %arg3[%arg1, %dma_start3A_94, %dma_start3A_95] : memref<16x80x125xi32, #tpu.memory_space<hbm>> -> memref<1x80x125xi32, #tpu.memory_space<hbm>>
      %dma_start3A_97 = tpu.memref_squeeze %dma_start3A_96 : memref<1x80x125xi32, #tpu.memory_space<hbm>> -> memref<80x125xi32, #tpu.memory_space<hbm>>
      %dma_start3A_98 = arith.constant 0 : i32
      %dma_start3A_99 = arith.constant 0 : i32
      %dma_start3A_100 = tpu.memref_slice %arg3[%arg1, %dma_start3A_98, %dma_start3A_99] : memref<16x80x125xi32, #tpu.memory_space<hbm>> -> memref<1x80x125xi32, #tpu.memory_space<hbm>>
      %dma_start3A_101 = tpu.memref_squeeze %dma_start3A_100 : memref<1x80x125xi32, #tpu.memory_space<hbm>> -> memref<80x125xi32, #tpu.memory_space<hbm>>
      tpu.enqueue_dma source(%dma_start3A_101 : memref<80x125xi32, #tpu.memory_space<hbm>>) target(%arg7 : memref<80x125xi32, #tpu.memory_space<vmem>>) target_semaphore(%run_scoped3A : memref<!tpu.dma_semaphore, #tpu.memory_space<semaphore_mem>>)
      %dma_wait3A_102 = arith.constant 0 : i32
      %dma_wait3A_103 = arith.constant 0 : i32
      %dma_wait3A_104 = tpu.memref_slice %arg3[%arg1, %dma_wait3A_102, %dma_wait3A_103] : memref<16x80x125xi32, #tpu.memory_space<hbm>> -> memref<1x80x125xi32, #tpu.memory_space<hbm>>
      %dma_wait3A_105 = tpu.memref_squeeze %dma_wait3A_104 : memref<1x80x125xi32, #tpu.memory_space<hbm>> -> memref<80x125xi32, #tpu.memory_space<hbm>>
      %dma_wait3A_106 = arith.constant 0 : i32
      %dma_wait3A_107 = arith.constant 0 : i32
      %dma_wait3A_108 = tpu.memref_slice %arg3[%arg1, %dma_wait3A_106, %dma_wait3A_107] : memref<16x80x125xi32, #tpu.memory_space<hbm>> -> memref<1x80x125xi32, #tpu.memory_space<hbm>>
      %dma_wait3A_109 = tpu.memref_squeeze %dma_wait3A_108 : memref<1x80x125xi32, #tpu.memory_space<hbm>> -> memref<80x125xi32, #tpu.memory_space<hbm>>
      tpu.wait_dma2 semaphore(%run_scoped3A : memref<!tpu.dma_semaphore, #tpu.memory_space<semaphore_mem>>) src(%dma_wait3A_109 : memref<80x125xi32, #tpu.memory_space<hbm>>) dst(%arg7 : memref<80x125xi32, #tpu.memory_space<vmem>>)
      tpu.yield
    }) : () -> ()
    "tpu.region"() ({
      %run_scoped3A = tpu.sem_alloc : memref<!tpu.dma_semaphore, #tpu.memory_space<semaphore_mem>>
      %dma_start3A_94 = arith.constant 0 : i32
      %dma_start3A_95 = tpu.memref_slice %arg6[%mul3A_0, %dma_start3A_94] : memref<10240x128xbf16, #tpu.memory_space<vmem_shared>> -> memref<640x128xbf16, #tpu.memory_space<vmem_shared>>
      %dma_start3A_96 = arith.constant 0 : i32
      %dma_start3A_97 = tpu.memref_slice %arg2[%add3A_1, %mul3A_0, %dma_start3A_96] : memref<2x10240x128xbf16, #tpu.memory_space<hbm>> -> memref<1x640x128xbf16, #tpu.memory_space<hbm>>
      %dma_start3A_98 = tpu.memref_squeeze %dma_start3A_97 : memref<1x640x128xbf16, #tpu.memory_space<hbm>> -> memref<640x128xbf16, #tpu.memory_space<hbm>>
      tpu.enqueue_dma source(%dma_start3A_98 : memref<640x128xbf16, #tpu.memory_space<hbm>>) target(%dma_start3A_95 : memref<640x128xbf16, #tpu.memory_space<vmem_shared>>) target_semaphore(%run_scoped3A : memref<!tpu.dma_semaphore, #tpu.memory_space<semaphore_mem>>)
      %dma_wait3A_99 = arith.constant 0 : i32
      %dma_wait3A_100 = tpu.memref_slice %arg6[%mul3A_0, %dma_wait3A_99] : memref<10240x128xbf16, #tpu.memory_space<vmem_shared>> -> memref<640x128xbf16, #tpu.memory_space<vmem_shared>>
      %dma_wait3A_101 = arith.constant 0 : i32
      %dma_wait3A_102 = tpu.memref_slice %arg2[%add3A_1, %mul3A_0, %dma_wait3A_101] : memref<2x10240x128xbf16, #tpu.memory_space<hbm>> -> memref<1x640x128xbf16, #tpu.memory_space<hbm>>
      %dma_wait3A_103 = tpu.memref_squeeze %dma_wait3A_102 : memref<1x640x128xbf16, #tpu.memory_space<hbm>> -> memref<640x128xbf16, #tpu.memory_space<hbm>>
      tpu.wait_dma2 semaphore(%run_scoped3A : memref<!tpu.dma_semaphore, #tpu.memory_space<semaphore_mem>>) src(%dma_wait3A_103 : memref<640x128xbf16, #tpu.memory_space<hbm>>) dst(%dma_wait3A_100 : memref<640x128xbf16, #tpu.memory_space<vmem_shared>>)
      tpu.yield
    }) : () -> ()
    %barrier3A = arith.constant 0 : index
    tpu.barrier barrier_id(%barrier3A)
    %dma_start3A = arith.constant 0 : i32
    %dma_start3A_2 = arith.constant 0 : i32
    %dma_start3A_3 = tpu.memref_slice %arg7[%dma_start3A, %dma_start3A_2] : memref<80x125xi32, #tpu.memory_space<vmem>> -> memref<1x125xi32, #tpu.memory_space<vmem>>
    %dma_start3A_4 = tpu.memref_squeeze %dma_start3A_3 : memref<1x125xi32, #tpu.memory_space<vmem>> -> memref<125xi32, #tpu.memory_space<vmem>>
    %dma_start3A_5 = arith.constant 0 : i32
    %dma_start3A_6 = arith.constant 0 : i32
    %dma_start3A_7 = tpu.memref_slice %arg2[%add3A_1, %dma_start3A_5, %dma_start3A_6] : memref<2x10240x128xbf16, #tpu.memory_space<hbm>> -> memref<1x10240x128xbf16, #tpu.memory_space<hbm>>
    %dma_start3A_8 = tpu.memref_squeeze %dma_start3A_7 : memref<1x10240x128xbf16, #tpu.memory_space<hbm>> -> memref<10240x128xbf16, #tpu.memory_space<hbm>>
    %dma_start3A_9 = arith.constant 0 : i32
    %dma_start3A_10 = arith.constant 0 : i32
    %dma_start3A_11 = tpu.memref_slice %dma_start3A_8[%dma_start3A_9, %dma_start3A_10] : memref<10240x128xbf16, #tpu.memory_space<hbm>> -> memref<10240x128xbf16, #tpu.memory_space<hbm>>
    tpu.enqueue_indirect_dma source(%dma_start3A_11 : memref<10240x128xbf16, #tpu.memory_space<hbm>>) target(%arg9 : memref<125x128xbf16, #tpu.memory_space<vmem>>) offsets(%dma_start3A_4 : memref<125xi32, #tpu.memory_space<vmem>>) semaphore(%arg13 : memref<!tpu.dma_semaphore, #tpu.memory_space<semaphore_mem>>)
    %dma_start3A_12 = arith.constant 1 : i32
    %dma_start3A_13 = arith.constant 0 : i32
    %dma_start3A_14 = tpu.memref_slice %arg7[%dma_start3A_12, %dma_start3A_13] : memref<80x125xi32, #tpu.memory_space<vmem>> -> memref<1x125xi32, #tpu.memory_space<vmem>>
    %dma_start3A_15 = tpu.memref_squeeze %dma_start3A_14 : memref<1x125xi32, #tpu.memory_space<vmem>> -> memref<125xi32, #tpu.memory_space<vmem>>
    %dma_start3A_16 = arith.constant 0 : i32
    %dma_start3A_17 = arith.constant 0 : i32
    %dma_start3A_18 = tpu.memref_slice %arg2[%add3A_1, %dma_start3A_16, %dma_start3A_17] : memref<2x10240x128xbf16, #tpu.memory_space<hbm>> -> memref<1x10240x128xbf16, #tpu.memory_space<hbm>>
    %dma_start3A_19 = tpu.memref_squeeze %dma_start3A_18 : memref<1x10240x128xbf16, #tpu.memory_space<hbm>> -> memref<10240x128xbf16, #tpu.memory_space<hbm>>
    %dma_start3A_20 = arith.constant 0 : i32
    %dma_start3A_21 = arith.constant 0 : i32
    %dma_start3A_22 = tpu.memref_slice %dma_start3A_19[%dma_start3A_20, %dma_start3A_21] : memref<10240x128xbf16, #tpu.memory_space<hbm>> -> memref<10240x128xbf16, #tpu.memory_space<hbm>>
    tpu.enqueue_indirect_dma source(%dma_start3A_22 : memref<10240x128xbf16, #tpu.memory_space<hbm>>) target(%arg10 : memref<125x128xbf16, #tpu.memory_space<vmem>>) offsets(%dma_start3A_15 : memref<125xi32, #tpu.memory_space<vmem>>) semaphore(%arg14 : memref<!tpu.dma_semaphore, #tpu.memory_space<semaphore_mem>>)
    %dma_start3A_23 = arith.constant 2 : i32
    %dma_start3A_24 = arith.constant 0 : i32
    %dma_start3A_25 = tpu.memref_slice %arg7[%dma_start3A_23, %dma_start3A_24] : memref<80x125xi32, #tpu.memory_space<vmem>> -> memref<1x125xi32, #tpu.memory_space<vmem>>
    %dma_start3A_26 = tpu.memref_squeeze %dma_start3A_25 : memref<1x125xi32, #tpu.memory_space<vmem>> -> memref<125xi32, #tpu.memory_space<vmem>>
    %dma_start3A_27 = arith.constant 0 : i32
    %dma_start3A_28 = arith.constant 0 : i32
    %dma_start3A_29 = tpu.memref_slice %arg2[%add3A_1, %dma_start3A_27, %dma_start3A_28] : memref<2x10240x128xbf16, #tpu.memory_space<hbm>> -> memref<1x10240x128xbf16, #tpu.memory_space<hbm>>
    %dma_start3A_30 = tpu.memref_squeeze %dma_start3A_29 : memref<1x10240x128xbf16, #tpu.memory_space<hbm>> -> memref<10240x128xbf16, #tpu.memory_space<hbm>>
    %dma_start3A_31 = arith.constant 0 : i32
    %dma_start3A_32 = arith.constant 0 : i32
    %dma_start3A_33 = tpu.memref_slice %dma_start3A_30[%dma_start3A_31, %dma_start3A_32] : memref<10240x128xbf16, #tpu.memory_space<hbm>> -> memref<10240x128xbf16, #tpu.memory_space<hbm>>
    tpu.enqueue_indirect_dma source(%dma_start3A_33 : memref<10240x128xbf16, #tpu.memory_space<hbm>>) target(%arg11 : memref<125x128xbf16, #tpu.memory_space<vmem>>) offsets(%dma_start3A_26 : memref<125xi32, #tpu.memory_space<vmem>>) semaphore(%arg15 : memref<!tpu.dma_semaphore, #tpu.memory_space<semaphore_mem>>)
    %dma_start3A_34 = arith.constant 3 : i32
    %dma_start3A_35 = arith.constant 0 : i32
    %dma_start3A_36 = tpu.memref_slice %arg7[%dma_start3A_34, %dma_start3A_35] : memref<80x125xi32, #tpu.memory_space<vmem>> -> memref<1x125xi32, #tpu.memory_space<vmem>>
    %dma_start3A_37 = tpu.memref_squeeze %dma_start3A_36 : memref<1x125xi32, #tpu.memory_space<vmem>> -> memref<125xi32, #tpu.memory_space<vmem>>
    %dma_start3A_38 = arith.constant 0 : i32
    %dma_start3A_39 = arith.constant 0 : i32
    %dma_start3A_40 = tpu.memref_slice %arg2[%add3A_1, %dma_start3A_38, %dma_start3A_39] : memref<2x10240x128xbf16, #tpu.memory_space<hbm>> -> memref<1x10240x128xbf16, #tpu.memory_space<hbm>>
    %dma_start3A_41 = tpu.memref_squeeze %dma_start3A_40 : memref<1x10240x128xbf16, #tpu.memory_space<hbm>> -> memref<10240x128xbf16, #tpu.memory_space<hbm>>
    %dma_start3A_42 = arith.constant 0 : i32
    %dma_start3A_43 = arith.constant 0 : i32
    %dma_start3A_44 = tpu.memref_slice %dma_start3A_41[%dma_start3A_42, %dma_start3A_43] : memref<10240x128xbf16, #tpu.memory_space<hbm>> -> memref<10240x128xbf16, #tpu.memory_space<hbm>>
    tpu.enqueue_indirect_dma source(%dma_start3A_44 : memref<10240x128xbf16, #tpu.memory_space<hbm>>) target(%arg12 : memref<125x128xbf16, #tpu.memory_space<vmem>>) offsets(%dma_start3A_37 : memref<125xi32, #tpu.memory_space<vmem>>) semaphore(%arg16 : memref<!tpu.dma_semaphore, #tpu.memory_space<semaphore_mem>>)
    %scan3A = arith.constant 0 : i32
    %scan3A_45 = arith.constant 0 : i32
    %scan3A_46 = arith.constant 20 : i32
    %scan3A_47 = arith.addi %scan3A_45, %scan3A_46 : i32
    %scan3A_48 = arith.constant 1 : i32
    scf.for %scan3A_94 = %scan3A_45 to %scan3A_47 step %scan3A_48  : i32 {
      %mul3A_95 = arith.constant 4 : i32
      %mul3A_96 = arith.muli %mul3A_95, %scan3A_94 : i32
      %dma_wait3A_97 = arith.constant 0 : i32
      %dma_wait3A_98 = arith.constant 0 : i32
      %dma_wait3A_99 = tpu.memref_slice %arg7[%dma_wait3A_97, %dma_wait3A_98] : memref<80x125xi32, #tpu.memory_space<vmem>> -> memref<1x125xi32, #tpu.memory_space<vmem>>
      %dma_wait3A_100 = tpu.memref_squeeze %dma_wait3A_99 : memref<1x125xi32, #tpu.memory_space<vmem>> -> memref<125xi32, #tpu.memory_space<vmem>>
      %dma_wait3A_101 = arith.constant 0 : i32
      %dma_wait3A_102 = arith.constant 0 : i32
      %dma_wait3A_103 = tpu.memref_slice %arg2[%add3A_1, %dma_wait3A_101, %dma_wait3A_102] : memref<2x10240x128xbf16, #tpu.memory_space<hbm>> -> memref<1x10240x128xbf16, #tpu.memory_space<hbm>>
      %dma_wait3A_104 = tpu.memref_squeeze %dma_wait3A_103 : memref<1x10240x128xbf16, #tpu.memory_space<hbm>> -> memref<10240x128xbf16, #tpu.memory_space<hbm>>
      %dma_wait3A_105 = arith.constant 0 : i32
      %dma_wait3A_106 = arith.constant 0 : i32
      %dma_wait3A_107 = tpu.memref_slice %dma_wait3A_104[%dma_wait3A_105, %dma_wait3A_106] : memref<10240x128xbf16, #tpu.memory_space<hbm>> -> memref<10240x128xbf16, #tpu.memory_space<hbm>>
      tpu.wait_indirect_dma semaphore(%arg13 : memref<!tpu.dma_semaphore, #tpu.memory_space<semaphore_mem>>) src(%dma_wait3A_107 : memref<10240x128xbf16, #tpu.memory_space<hbm>>) dst(%arg9 : memref<125x128xbf16, #tpu.memory_space<vmem>>)
      %add3A_108 = arith.constant 0 : i32
      %add3A_109 = arith.addi %mul3A_96, %add3A_108 : i32
      %dma_start3A_110 = arith.constant 0 : i32
      %dma_start3A_111 = tpu.memref_slice %arg8[%add3A_109, %dma_start3A_110] : memref<80x125xi32, #tpu.memory_space<vmem>> -> memref<1x125xi32, #tpu.memory_space<vmem>>
      %dma_start3A_112 = tpu.memref_squeeze %dma_start3A_111 : memref<1x125xi32, #tpu.memory_space<vmem>> -> memref<125xi32, #tpu.memory_space<vmem>>
      %dma_start3A_113 = arith.constant 0 : i32
      %dma_start3A_114 = arith.constant 0 : i32
      %dma_start3A_115 = tpu.memref_slice %arg6[%dma_start3A_113, %dma_start3A_114] : memref<10240x128xbf16, #tpu.memory_space<vmem_shared>> -> memref<10240x128xbf16, #tpu.memory_space<vmem_shared>>
      tpu.enqueue_indirect_dma source(%arg9 : memref<125x128xbf16, #tpu.memory_space<vmem>>) target(%dma_start3A_115 : memref<10240x128xbf16, #tpu.memory_space<vmem_shared>>) offsets(%dma_start3A_112 : memref<125xi32, #tpu.memory_space<vmem>>) semaphore(%arg17 : memref<!tpu.dma_semaphore, #tpu.memory_space<semaphore_mem>>) {add = true}
      %dma_wait3A_116 = arith.constant 0 : i32
      %dma_wait3A_117 = arith.constant 0 : i32
      %dma_wait3A_118 = tpu.memref_slice %arg7[%dma_wait3A_116, %dma_wait3A_117] : memref<80x125xi32, #tpu.memory_space<vmem>> -> memref<1x125xi32, #tpu.memory_space<vmem>>
      %dma_wait3A_119 = tpu.memref_squeeze %dma_wait3A_118 : memref<1x125xi32, #tpu.memory_space<vmem>> -> memref<125xi32, #tpu.memory_space<vmem>>
      %dma_wait3A_120 = arith.constant 0 : i32
      %dma_wait3A_121 = arith.constant 0 : i32
      %dma_wait3A_122 = tpu.memref_slice %arg2[%add3A_1, %dma_wait3A_120, %dma_wait3A_121] : memref<2x10240x128xbf16, #tpu.memory_space<hbm>> -> memref<1x10240x128xbf16, #tpu.memory_space<hbm>>
      %dma_wait3A_123 = tpu.memref_squeeze %dma_wait3A_122 : memref<1x10240x128xbf16, #tpu.memory_space<hbm>> -> memref<10240x128xbf16, #tpu.memory_space<hbm>>
      %dma_wait3A_124 = arith.constant 0 : i32
      %dma_wait3A_125 = arith.constant 0 : i32
      %dma_wait3A_126 = tpu.memref_slice %dma_wait3A_123[%dma_wait3A_124, %dma_wait3A_125] : memref<10240x128xbf16, #tpu.memory_space<hbm>> -> memref<10240x128xbf16, #tpu.memory_space<hbm>>
      tpu.wait_indirect_dma semaphore(%arg14 : memref<!tpu.dma_semaphore, #tpu.memory_space<semaphore_mem>>) src(%dma_wait3A_126 : memref<10240x128xbf16, #tpu.memory_space<hbm>>) dst(%arg10 : memref<125x128xbf16, #tpu.memory_space<vmem>>)
      %add3A_127 = arith.constant 1 : i32
      %add3A_128 = arith.addi %mul3A_96, %add3A_127 : i32
      %dma_start3A_129 = arith.constant 0 : i32
      %dma_start3A_130 = tpu.memref_slice %arg8[%add3A_128, %dma_start3A_129] : memref<80x125xi32, #tpu.memory_space<vmem>> -> memref<1x125xi32, #tpu.memory_space<vmem>>
      %dma_start3A_131 = tpu.memref_squeeze %dma_start3A_130 : memref<1x125xi32, #tpu.memory_space<vmem>> -> memref<125xi32, #tpu.memory_space<vmem>>
      %dma_start3A_132 = arith.constant 0 : i32
      %dma_start3A_133 = arith.constant 0 : i32
      %dma_start3A_134 = tpu.memref_slice %arg6[%dma_start3A_132, %dma_start3A_133] : memref<10240x128xbf16, #tpu.memory_space<vmem_shared>> -> memref<10240x128xbf16, #tpu.memory_space<vmem_shared>>
      tpu.enqueue_indirect_dma source(%arg10 : memref<125x128xbf16, #tpu.memory_space<vmem>>) target(%dma_start3A_134 : memref<10240x128xbf16, #tpu.memory_space<vmem_shared>>) offsets(%dma_start3A_131 : memref<125xi32, #tpu.memory_space<vmem>>) semaphore(%arg18 : memref<!tpu.dma_semaphore, #tpu.memory_space<semaphore_mem>>) {add = true}
      %dma_wait3A_135 = arith.constant 0 : i32
      %dma_wait3A_136 = arith.constant 0 : i32
      %dma_wait3A_137 = tpu.memref_slice %arg7[%dma_wait3A_135, %dma_wait3A_136] : memref<80x125xi32, #tpu.memory_space<vmem>> -> memref<1x125xi32, #tpu.memory_space<vmem>>
      %dma_wait3A_138 = tpu.memref_squeeze %dma_wait3A_137 : memref<1x125xi32, #tpu.memory_space<vmem>> -> memref<125xi32, #tpu.memory_space<vmem>>
      %dma_wait3A_139 = arith.constant 0 : i32
      %dma_wait3A_140 = arith.constant 0 : i32
      %dma_wait3A_141 = tpu.memref_slice %arg2[%add3A_1, %dma_wait3A_139, %dma_wait3A_140] : memref<2x10240x128xbf16, #tpu.memory_space<hbm>> -> memref<1x10240x128xbf16, #tpu.memory_space<hbm>>
      %dma_wait3A_142 = tpu.memref_squeeze %dma_wait3A_141 : memref<1x10240x128xbf16, #tpu.memory_space<hbm>> -> memref<10240x128xbf16, #tpu.memory_space<hbm>>
      %dma_wait3A_143 = arith.constant 0 : i32
      %dma_wait3A_144 = arith.constant 0 : i32
      %dma_wait3A_145 = tpu.memref_slice %dma_wait3A_142[%dma_wait3A_143, %dma_wait3A_144] : memref<10240x128xbf16, #tpu.memory_space<hbm>> -> memref<10240x128xbf16, #tpu.memory_space<hbm>>
      tpu.wait_indirect_dma semaphore(%arg15 : memref<!tpu.dma_semaphore, #tpu.memory_space<semaphore_mem>>) src(%dma_wait3A_145 : memref<10240x128xbf16, #tpu.memory_space<hbm>>) dst(%arg11 : memref<125x128xbf16, #tpu.memory_space<vmem>>)
      %add3A_146 = arith.constant 2 : i32
      %add3A_147 = arith.addi %mul3A_96, %add3A_146 : i32
      %dma_start3A_148 = arith.constant 0 : i32
      %dma_start3A_149 = tpu.memref_slice %arg8[%add3A_147, %dma_start3A_148] : memref<80x125xi32, #tpu.memory_space<vmem>> -> memref<1x125xi32, #tpu.memory_space<vmem>>
      %dma_start3A_150 = tpu.memref_squeeze %dma_start3A_149 : memref<1x125xi32, #tpu.memory_space<vmem>> -> memref<125xi32, #tpu.memory_space<vmem>>
      %dma_start3A_151 = arith.constant 0 : i32
      %dma_start3A_152 = arith.constant 0 : i32
      %dma_start3A_153 = tpu.memref_slice %arg6[%dma_start3A_151, %dma_start3A_152] : memref<10240x128xbf16, #tpu.memory_space<vmem_shared>> -> memref<10240x128xbf16, #tpu.memory_space<vmem_shared>>
      tpu.enqueue_indirect_dma source(%arg11 : memref<125x128xbf16, #tpu.memory_space<vmem>>) target(%dma_start3A_153 : memref<10240x128xbf16, #tpu.memory_space<vmem_shared>>) offsets(%dma_start3A_150 : memref<125xi32, #tpu.memory_space<vmem>>) semaphore(%arg19 : memref<!tpu.dma_semaphore, #tpu.memory_space<semaphore_mem>>) {add = true}
      %dma_wait3A_154 = arith.constant 0 : i32
      %dma_wait3A_155 = arith.constant 0 : i32
      %dma_wait3A_156 = tpu.memref_slice %arg7[%dma_wait3A_154, %dma_wait3A_155] : memref<80x125xi32, #tpu.memory_space<vmem>> -> memref<1x125xi32, #tpu.memory_space<vmem>>
      %dma_wait3A_157 = tpu.memref_squeeze %dma_wait3A_156 : memref<1x125xi32, #tpu.memory_space<vmem>> -> memref<125xi32, #tpu.memory_space<vmem>>
      %dma_wait3A_158 = arith.constant 0 : i32
      %dma_wait3A_159 = arith.constant 0 : i32
      %dma_wait3A_160 = tpu.memref_slice %arg2[%add3A_1, %dma_wait3A_158, %dma_wait3A_159] : memref<2x10240x128xbf16, #tpu.memory_space<hbm>> -> memref<1x10240x128xbf16, #tpu.memory_space<hbm>>
      %dma_wait3A_161 = tpu.memref_squeeze %dma_wait3A_160 : memref<1x10240x128xbf16, #tpu.memory_space<hbm>> -> memref<10240x128xbf16, #tpu.memory_space<hbm>>
      %dma_wait3A_162 = arith.constant 0 : i32
      %dma_wait3A_163 = arith.constant 0 : i32
      %dma_wait3A_164 = tpu.memref_slice %dma_wait3A_161[%dma_wait3A_162, %dma_wait3A_163] : memref<10240x128xbf16, #tpu.memory_space<hbm>> -> memref<10240x128xbf16, #tpu.memory_space<hbm>>
      tpu.wait_indirect_dma semaphore(%arg16 : memref<!tpu.dma_semaphore, #tpu.memory_space<semaphore_mem>>) src(%dma_wait3A_164 : memref<10240x128xbf16, #tpu.memory_space<hbm>>) dst(%arg12 : memref<125x128xbf16, #tpu.memory_space<vmem>>)
      %add3A_165 = arith.constant 3 : i32
      %add3A_166 = arith.addi %mul3A_96, %add3A_165 : i32
      %dma_start3A_167 = arith.constant 0 : i32
      %dma_start3A_168 = tpu.memref_slice %arg8[%add3A_166, %dma_start3A_167] : memref<80x125xi32, #tpu.memory_space<vmem>> -> memref<1x125xi32, #tpu.memory_space<vmem>>
      %dma_start3A_169 = tpu.memref_squeeze %dma_start3A_168 : memref<1x125xi32, #tpu.memory_space<vmem>> -> memref<125xi32, #tpu.memory_space<vmem>>
      %dma_start3A_170 = arith.constant 0 : i32
      %dma_start3A_171 = arith.constant 0 : i32
      %dma_start3A_172 = tpu.memref_slice %arg6[%dma_start3A_170, %dma_start3A_171] : memref<10240x128xbf16, #tpu.memory_space<vmem_shared>> -> memref<10240x128xbf16, #tpu.memory_space<vmem_shared>>
      tpu.enqueue_indirect_dma source(%arg12 : memref<125x128xbf16, #tpu.memory_space<vmem>>) target(%dma_start3A_172 : memref<10240x128xbf16, #tpu.memory_space<vmem_shared>>) offsets(%dma_start3A_169 : memref<125xi32, #tpu.memory_space<vmem>>) semaphore(%arg20 : memref<!tpu.dma_semaphore, #tpu.memory_space<semaphore_mem>>) {add = true}
      %dma_wait3A_173 = arith.constant 0 : i32
      %dma_wait3A_174 = arith.constant 0 : i32
      %dma_wait3A_175 = tpu.memref_slice %arg8[%dma_wait3A_173, %dma_wait3A_174] : memref<80x125xi32, #tpu.memory_space<vmem>> -> memref<1x125xi32, #tpu.memory_space<vmem>>
      %dma_wait3A_176 = tpu.memref_squeeze %dma_wait3A_175 : memref<1x125xi32, #tpu.memory_space<vmem>> -> memref<125xi32, #tpu.memory_space<vmem>>
      %dma_wait3A_177 = arith.constant 0 : i32
      %dma_wait3A_178 = arith.constant 0 : i32
      %dma_wait3A_179 = tpu.memref_slice %arg6[%dma_wait3A_177, %dma_wait3A_178] : memref<10240x128xbf16, #tpu.memory_space<vmem_shared>> -> memref<10240x128xbf16, #tpu.memory_space<vmem_shared>>
      tpu.wait_indirect_dma semaphore(%arg17 : memref<!tpu.dma_semaphore, #tpu.memory_space<semaphore_mem>>) src(%arg9 : memref<125x128xbf16, #tpu.memory_space<vmem>>) dst(%dma_wait3A_179 : memref<10240x128xbf16, #tpu.memory_space<vmem_shared>>)
      %add3A_180 = arith.constant 0 : i32
      %add3A_181 = arith.addi %mul3A_96, %add3A_180 : i32
      %add3A_182 = arith.constant 4 : i32
      %add3A_183 = arith.addi %add3A_181, %add3A_182 : i32
      %min3A = arith.constant 79 : i32
      %min3A_184 = arith.minsi %add3A_183, %min3A : i32
      %dma_start3A_185 = arith.constant 0 : i32
      %dma_start3A_186 = tpu.memref_slice %arg7[%min3A_184, %dma_start3A_185] : memref<80x125xi32, #tpu.memory_space<vmem>> -> memref<1x125xi32, #tpu.memory_space<vmem>>
      %dma_start3A_187 = tpu.memref_squeeze %dma_start3A_186 : memref<1x125xi32, #tpu.memory_space<vmem>> -> memref<125xi32, #tpu.memory_space<vmem>>
      %dma_start3A_188 = arith.constant 0 : i32
      %dma_start3A_189 = arith.constant 0 : i32
      %dma_start3A_190 = tpu.memref_slice %arg2[%add3A_1, %dma_start3A_188, %dma_start3A_189] : memref<2x10240x128xbf16, #tpu.memory_space<hbm>> -> memref<1x10240x128xbf16, #tpu.memory_space<hbm>>
      %dma_start3A_191 = tpu.memref_squeeze %dma_start3A_190 : memref<1x10240x128xbf16, #tpu.memory_space<hbm>> -> memref<10240x128xbf16, #tpu.memory_space<hbm>>
      %dma_start3A_192 = arith.constant 0 : i32
      %dma_start3A_193 = arith.constant 0 : i32
      %dma_start3A_194 = tpu.memref_slice %dma_start3A_191[%dma_start3A_192, %dma_start3A_193] : memref<10240x128xbf16, #tpu.memory_space<hbm>> -> memref<10240x128xbf16, #tpu.memory_space<hbm>>
      tpu.enqueue_indirect_dma source(%dma_start3A_194 : memref<10240x128xbf16, #tpu.memory_space<hbm>>) target(%arg9 : memref<125x128xbf16, #tpu.memory_space<vmem>>) offsets(%dma_start3A_187 : memref<125xi32, #tpu.memory_space<vmem>>) semaphore(%arg13 : memref<!tpu.dma_semaphore, #tpu.memory_space<semaphore_mem>>)
      %dma_wait3A_195 = arith.constant 0 : i32
      %dma_wait3A_196 = arith.constant 0 : i32
      %dma_wait3A_197 = tpu.memref_slice %arg8[%dma_wait3A_195, %dma_wait3A_196] : memref<80x125xi32, #tpu.memory_space<vmem>> -> memref<1x125xi32, #tpu.memory_space<vmem>>
      %dma_wait3A_198 = tpu.memref_squeeze %dma_wait3A_197 : memref<1x125xi32, #tpu.memory_space<vmem>> -> memref<125xi32, #tpu.memory_space<vmem>>
      %dma_wait3A_199 = arith.constant 0 : i32
      %dma_wait3A_200 = arith.constant 0 : i32
      %dma_wait3A_201 = tpu.memref_slice %arg6[%dma_wait3A_199, %dma_wait3A_200] : memref<10240x128xbf16, #tpu.memory_space<vmem_shared>> -> memref<10240x128xbf16, #tpu.memory_space<vmem_shared>>
      tpu.wait_indirect_dma semaphore(%arg18 : memref<!tpu.dma_semaphore, #tpu.memory_space<semaphore_mem>>) src(%arg10 : memref<125x128xbf16, #tpu.memory_space<vmem>>) dst(%dma_wait3A_201 : memref<10240x128xbf16, #tpu.memory_space<vmem_shared>>)
      %add3A_202 = arith.constant 1 : i32
      %add3A_203 = arith.addi %mul3A_96, %add3A_202 : i32
      %add3A_204 = arith.constant 4 : i32
      %add3A_205 = arith.addi %add3A_203, %add3A_204 : i32
      %min3A_206 = arith.constant 79 : i32
      %min3A_207 = arith.minsi %add3A_205, %min3A_206 : i32
      %dma_start3A_208 = arith.constant 0 : i32
      %dma_start3A_209 = tpu.memref_slice %arg7[%min3A_207, %dma_start3A_208] : memref<80x125xi32, #tpu.memory_space<vmem>> -> memref<1x125xi32, #tpu.memory_space<vmem>>
      %dma_start3A_210 = tpu.memref_squeeze %dma_start3A_209 : memref<1x125xi32, #tpu.memory_space<vmem>> -> memref<125xi32, #tpu.memory_space<vmem>>
      %dma_start3A_211 = arith.constant 0 : i32
      %dma_start3A_212 = arith.constant 0 : i32
      %dma_start3A_213 = tpu.memref_slice %arg2[%add3A_1, %dma_start3A_211, %dma_start3A_212] : memref<2x10240x128xbf16, #tpu.memory_space<hbm>> -> memref<1x10240x128xbf16, #tpu.memory_space<hbm>>
      %dma_start3A_214 = tpu.memref_squeeze %dma_start3A_213 : memref<1x10240x128xbf16, #tpu.memory_space<hbm>> -> memref<10240x128xbf16, #tpu.memory_space<hbm>>
      %dma_start3A_215 = arith.constant 0 : i32
      %dma_start3A_216 = arith.constant 0 : i32
      %dma_start3A_217 = tpu.memref_slice %dma_start3A_214[%dma_start3A_215, %dma_start3A_216] : memref<10240x128xbf16, #tpu.memory_space<hbm>> -> memref<10240x128xbf16, #tpu.memory_space<hbm>>
      tpu.enqueue_indirect_dma source(%dma_start3A_217 : memref<10240x128xbf16, #tpu.memory_space<hbm>>) target(%arg10 : memref<125x128xbf16, #tpu.memory_space<vmem>>) offsets(%dma_start3A_210 : memref<125xi32, #tpu.memory_space<vmem>>) semaphore(%arg14 : memref<!tpu.dma_semaphore, #tpu.memory_space<semaphore_mem>>)
      %dma_wait3A_218 = arith.constant 0 : i32
      %dma_wait3A_219 = arith.constant 0 : i32
      %dma_wait3A_220 = tpu.memref_slice %arg8[%dma_wait3A_218, %dma_wait3A_219] : memref<80x125xi32, #tpu.memory_space<vmem>> -> memref<1x125xi32, #tpu.memory_space<vmem>>
      %dma_wait3A_221 = tpu.memref_squeeze %dma_wait3A_220 : memref<1x125xi32, #tpu.memory_space<vmem>> -> memref<125xi32, #tpu.memory_space<vmem>>
      %dma_wait3A_222 = arith.constant 0 : i32
      %dma_wait3A_223 = arith.constant 0 : i32
      %dma_wait3A_224 = tpu.memref_slice %arg6[%dma_wait3A_222, %dma_wait3A_223] : memref<10240x128xbf16, #tpu.memory_space<vmem_shared>> -> memref<10240x128xbf16, #tpu.memory_space<vmem_shared>>
      tpu.wait_indirect_dma semaphore(%arg19 : memref<!tpu.dma_semaphore, #tpu.memory_space<semaphore_mem>>) src(%arg11 : memref<125x128xbf16, #tpu.memory_space<vmem>>) dst(%dma_wait3A_224 : memref<10240x128xbf16, #tpu.memory_space<vmem_shared>>)
      %add3A_225 = arith.constant 2 : i32
      %add3A_226 = arith.addi %mul3A_96, %add3A_225 : i32
      %add3A_227 = arith.constant 4 : i32
      %add3A_228 = arith.addi %add3A_226, %add3A_227 : i32
      %min3A_229 = arith.constant 79 : i32
      %min3A_230 = arith.minsi %add3A_228, %min3A_229 : i32
      %dma_start3A_231 = arith.constant 0 : i32
      %dma_start3A_232 = tpu.memref_slice %arg7[%min3A_230, %dma_start3A_231] : memref<80x125xi32, #tpu.memory_space<vmem>> -> memref<1x125xi32, #tpu.memory_space<vmem>>
      %dma_start3A_233 = tpu.memref_squeeze %dma_start3A_232 : memref<1x125xi32, #tpu.memory_space<vmem>> -> memref<125xi32, #tpu.memory_space<vmem>>
      %dma_start3A_234 = arith.constant 0 : i32
      %dma_start3A_235 = arith.constant 0 : i32
      %dma_start3A_236 = tpu.memref_slice %arg2[%add3A_1, %dma_start3A_234, %dma_start3A_235] : memref<2x10240x128xbf16, #tpu.memory_space<hbm>> -> memref<1x10240x128xbf16, #tpu.memory_space<hbm>>
      %dma_start3A_237 = tpu.memref_squeeze %dma_start3A_236 : memref<1x10240x128xbf16, #tpu.memory_space<hbm>> -> memref<10240x128xbf16, #tpu.memory_space<hbm>>
      %dma_start3A_238 = arith.constant 0 : i32
      %dma_start3A_239 = arith.constant 0 : i32
      %dma_start3A_240 = tpu.memref_slice %dma_start3A_237[%dma_start3A_238, %dma_start3A_239] : memref<10240x128xbf16, #tpu.memory_space<hbm>> -> memref<10240x128xbf16, #tpu.memory_space<hbm>>
      tpu.enqueue_indirect_dma source(%dma_start3A_240 : memref<10240x128xbf16, #tpu.memory_space<hbm>>) target(%arg11 : memref<125x128xbf16, #tpu.memory_space<vmem>>) offsets(%dma_start3A_233 : memref<125xi32, #tpu.memory_space<vmem>>) semaphore(%arg15 : memref<!tpu.dma_semaphore, #tpu.memory_space<semaphore_mem>>)
      %dma_wait3A_241 = arith.constant 0 : i32
      %dma_wait3A_242 = arith.constant 0 : i32
      %dma_wait3A_243 = tpu.memref_slice %arg8[%dma_wait3A_241, %dma_wait3A_242] : memref<80x125xi32, #tpu.memory_space<vmem>> -> memref<1x125xi32, #tpu.memory_space<vmem>>
      %dma_wait3A_244 = tpu.memref_squeeze %dma_wait3A_243 : memref<1x125xi32, #tpu.memory_space<vmem>> -> memref<125xi32, #tpu.memory_space<vmem>>
      %dma_wait3A_245 = arith.constant 0 : i32
      %dma_wait3A_246 = arith.constant 0 : i32
      %dma_wait3A_247 = tpu.memref_slice %arg6[%dma_wait3A_245, %dma_wait3A_246] : memref<10240x128xbf16, #tpu.memory_space<vmem_shared>> -> memref<10240x128xbf16, #tpu.memory_space<vmem_shared>>
      tpu.wait_indirect_dma semaphore(%arg20 : memref<!tpu.dma_semaphore, #tpu.memory_space<semaphore_mem>>) src(%arg12 : memref<125x128xbf16, #tpu.memory_space<vmem>>) dst(%dma_wait3A_247 : memref<10240x128xbf16, #tpu.memory_space<vmem_shared>>)
      %add3A_248 = arith.constant 3 : i32
      %add3A_249 = arith.addi %mul3A_96, %add3A_248 : i32
      %add3A_250 = arith.constant 4 : i32
      %add3A_251 = arith.addi %add3A_249, %add3A_250 : i32
      %min3A_252 = arith.constant 79 : i32
      %min3A_253 = arith.minsi %add3A_251, %min3A_252 : i32
      %dma_start3A_254 = arith.constant 0 : i32
      %dma_start3A_255 = tpu.memref_slice %arg7[%min3A_253, %dma_start3A_254] : memref<80x125xi32, #tpu.memory_space<vmem>> -> memref<1x125xi32, #tpu.memory_space<vmem>>
      %dma_start3A_256 = tpu.memref_squeeze %dma_start3A_255 : memref<1x125xi32, #tpu.memory_space<vmem>> -> memref<125xi32, #tpu.memory_space<vmem>>
      %dma_start3A_257 = arith.constant 0 : i32
      %dma_start3A_258 = arith.constant 0 : i32
      %dma_start3A_259 = tpu.memref_slice %arg2[%add3A_1, %dma_start3A_257, %dma_start3A_258] : memref<2x10240x128xbf16, #tpu.memory_space<hbm>> -> memref<1x10240x128xbf16, #tpu.memory_space<hbm>>
      %dma_start3A_260 = tpu.memref_squeeze %dma_start3A_259 : memref<1x10240x128xbf16, #tpu.memory_space<hbm>> -> memref<10240x128xbf16, #tpu.memory_space<hbm>>
      %dma_start3A_261 = arith.constant 0 : i32
      %dma_start3A_262 = arith.constant 0 : i32
      %dma_start3A_263 = tpu.memref_slice %dma_start3A_260[%dma_start3A_261, %dma_start3A_262] : memref<10240x128xbf16, #tpu.memory_space<hbm>> -> memref<10240x128xbf16, #tpu.memory_space<hbm>>
      tpu.enqueue_indirect_dma source(%dma_start3A_263 : memref<10240x128xbf16, #tpu.memory_space<hbm>>) target(%arg12 : memref<125x128xbf16, #tpu.memory_space<vmem>>) offsets(%dma_start3A_256 : memref<125xi32, #tpu.memory_space<vmem>>) semaphore(%arg16 : memref<!tpu.dma_semaphore, #tpu.memory_space<semaphore_mem>>)
    }
    %scan3A_49 = arith.constant 20 : i32
    %dma_wait3A = arith.constant 0 : i32
    %dma_wait3A_50 = arith.constant 0 : i32
    %dma_wait3A_51 = tpu.memref_slice %arg7[%dma_wait3A, %dma_wait3A_50] : memref<80x125xi32, #tpu.memory_space<vmem>> -> memref<1x125xi32, #tpu.memory_space<vmem>>
    %dma_wait3A_52 = tpu.memref_squeeze %dma_wait3A_51 : memref<1x125xi32, #tpu.memory_space<vmem>> -> memref<125xi32, #tpu.memory_space<vmem>>
    %dma_wait3A_53 = arith.constant 0 : i32
    %dma_wait3A_54 = arith.constant 0 : i32
    %dma_wait3A_55 = tpu.memref_slice %arg2[%add3A_1, %dma_wait3A_53, %dma_wait3A_54] : memref<2x10240x128xbf16, #tpu.memory_space<hbm>> -> memref<1x10240x128xbf16, #tpu.memory_space<hbm>>
    %dma_wait3A_56 = tpu.memref_squeeze %dma_wait3A_55 : memref<1x10240x128xbf16, #tpu.memory_space<hbm>> -> memref<10240x128xbf16, #tpu.memory_space<hbm>>
    %dma_wait3A_57 = arith.constant 0 : i32
    %dma_wait3A_58 = arith.constant 0 : i32
    %dma_wait3A_59 = tpu.memref_slice %dma_wait3A_56[%dma_wait3A_57, %dma_wait3A_58] : memref<10240x128xbf16, #tpu.memory_space<hbm>> -> memref<10240x128xbf16, #tpu.memory_space<hbm>>
    tpu.wait_indirect_dma semaphore(%arg13 : memref<!tpu.dma_semaphore, #tpu.memory_space<semaphore_mem>>) src(%dma_wait3A_59 : memref<10240x128xbf16, #tpu.memory_space<hbm>>) dst(%arg9 : memref<125x128xbf16, #tpu.memory_space<vmem>>)
    %dma_wait3A_60 = arith.constant 0 : i32
    %dma_wait3A_61 = arith.constant 0 : i32
    %dma_wait3A_62 = tpu.memref_slice %arg7[%dma_wait3A_60, %dma_wait3A_61] : memref<80x125xi32, #tpu.memory_space<vmem>> -> memref<1x125xi32, #tpu.memory_space<vmem>>
    %dma_wait3A_63 = tpu.memref_squeeze %dma_wait3A_62 : memref<1x125xi32, #tpu.memory_space<vmem>> -> memref<125xi32, #tpu.memory_space<vmem>>
    %dma_wait3A_64 = arith.constant 0 : i32
    %dma_wait3A_65 = arith.constant 0 : i32
    %dma_wait3A_66 = tpu.memref_slice %arg2[%add3A_1, %dma_wait3A_64, %dma_wait3A_65] : memref<2x10240x128xbf16, #tpu.memory_space<hbm>> -> memref<1x10240x128xbf16, #tpu.memory_space<hbm>>
    %dma_wait3A_67 = tpu.memref_squeeze %dma_wait3A_66 : memref<1x10240x128xbf16, #tpu.memory_space<hbm>> -> memref<10240x128xbf16, #tpu.memory_space<hbm>>
    %dma_wait3A_68 = arith.constant 0 : i32
    %dma_wait3A_69 = arith.constant 0 : i32
    %dma_wait3A_70 = tpu.memref_slice %dma_wait3A_67[%dma_wait3A_68, %dma_wait3A_69] : memref<10240x128xbf16, #tpu.memory_space<hbm>> -> memref<10240x128xbf16, #tpu.memory_space<hbm>>
    tpu.wait_indirect_dma semaphore(%arg14 : memref<!tpu.dma_semaphore, #tpu.memory_space<semaphore_mem>>) src(%dma_wait3A_70 : memref<10240x128xbf16, #tpu.memory_space<hbm>>) dst(%arg10 : memref<125x128xbf16, #tpu.memory_space<vmem>>)
    %dma_wait3A_71 = arith.constant 0 : i32
    %dma_wait3A_72 = arith.constant 0 : i32
    %dma_wait3A_73 = tpu.memref_slice %arg7[%dma_wait3A_71, %dma_wait3A_72] : memref<80x125xi32, #tpu.memory_space<vmem>> -> memref<1x125xi32, #tpu.memory_space<vmem>>
    %dma_wait3A_74 = tpu.memref_squeeze %dma_wait3A_73 : memref<1x125xi32, #tpu.memory_space<vmem>> -> memref<125xi32, #tpu.memory_space<vmem>>
    %dma_wait3A_75 = arith.constant 0 : i32
    %dma_wait3A_76 = arith.constant 0 : i32
    %dma_wait3A_77 = tpu.memref_slice %arg2[%add3A_1, %dma_wait3A_75, %dma_wait3A_76] : memref<2x10240x128xbf16, #tpu.memory_space<hbm>> -> memref<1x10240x128xbf16, #tpu.memory_space<hbm>>
    %dma_wait3A_78 = tpu.memref_squeeze %dma_wait3A_77 : memref<1x10240x128xbf16, #tpu.memory_space<hbm>> -> memref<10240x128xbf16, #tpu.memory_space<hbm>>
    %dma_wait3A_79 = arith.constant 0 : i32
    %dma_wait3A_80 = arith.constant 0 : i32
    %dma_wait3A_81 = tpu.memref_slice %dma_wait3A_78[%dma_wait3A_79, %dma_wait3A_80] : memref<10240x128xbf16, #tpu.memory_space<hbm>> -> memref<10240x128xbf16, #tpu.memory_space<hbm>>
    tpu.wait_indirect_dma semaphore(%arg15 : memref<!tpu.dma_semaphore, #tpu.memory_space<semaphore_mem>>) src(%dma_wait3A_81 : memref<10240x128xbf16, #tpu.memory_space<hbm>>) dst(%arg11 : memref<125x128xbf16, #tpu.memory_space<vmem>>)
    %dma_wait3A_82 = arith.constant 0 : i32
    %dma_wait3A_83 = arith.constant 0 : i32
    %dma_wait3A_84 = tpu.memref_slice %arg7[%dma_wait3A_82, %dma_wait3A_83] : memref<80x125xi32, #tpu.memory_space<vmem>> -> memref<1x125xi32, #tpu.memory_space<vmem>>
    %dma_wait3A_85 = tpu.memref_squeeze %dma_wait3A_84 : memref<1x125xi32, #tpu.memory_space<vmem>> -> memref<125xi32, #tpu.memory_space<vmem>>
    %dma_wait3A_86 = arith.constant 0 : i32
    %dma_wait3A_87 = arith.constant 0 : i32
    %dma_wait3A_88 = tpu.memref_slice %arg2[%add3A_1, %dma_wait3A_86, %dma_wait3A_87] : memref<2x10240x128xbf16, #tpu.memory_space<hbm>> -> memref<1x10240x128xbf16, #tpu.memory_space<hbm>>
    %dma_wait3A_89 = tpu.memref_squeeze %dma_wait3A_88 : memref<1x10240x128xbf16, #tpu.memory_space<hbm>> -> memref<10240x128xbf16, #tpu.memory_space<hbm>>
    %dma_wait3A_90 = arith.constant 0 : i32
    %dma_wait3A_91 = arith.constant 0 : i32
    %dma_wait3A_92 = tpu.memref_slice %dma_wait3A_89[%dma_wait3A_90, %dma_wait3A_91] : memref<10240x128xbf16, #tpu.memory_space<hbm>> -> memref<10240x128xbf16, #tpu.memory_space<hbm>>
    tpu.wait_indirect_dma semaphore(%arg16 : memref<!tpu.dma_semaphore, #tpu.memory_space<semaphore_mem>>) src(%dma_wait3A_92 : memref<10240x128xbf16, #tpu.memory_space<hbm>>) dst(%arg12 : memref<125x128xbf16, #tpu.memory_space<vmem>>)
    %barrier3A_93 = arith.constant 0 : index
    tpu.barrier barrier_id(%barrier3A_93)
    "tpu.region"() ({
      %run_scoped3A = tpu.sem_alloc : memref<!tpu.dma_semaphore, #tpu.memory_space<semaphore_mem>>
      %dma_start3A_94 = arith.constant 0 : i32
      %dma_start3A_95 = tpu.memref_slice %arg5[%add3A_1, %mul3A_0, %dma_start3A_94] : memref<2x10240x128xbf16, #tpu.memory_space<hbm>> -> memref<1x640x128xbf16, #tpu.memory_space<hbm>>
      %dma_start3A_96 = tpu.memref_squeeze %dma_start3A_95 : memref<1x640x128xbf16, #tpu.memory_space<hbm>> -> memref<640x128xbf16, #tpu.memory_space<hbm>>
      %dma_start3A_97 = arith.constant 0 : i32
      %dma_start3A_98 = tpu.memref_slice %arg6[%mul3A_0, %dma_start3A_97] : memref<10240x128xbf16, #tpu.memory_space<vmem_shared>> -> memref<640x128xbf16, #tpu.memory_space<vmem_shared>>
      tpu.enqueue_dma source(%dma_start3A_98 : memref<640x128xbf16, #tpu.memory_space<vmem_shared>>) target(%dma_start3A_96 : memref<640x128xbf16, #tpu.memory_space<hbm>>) target_semaphore(%run_scoped3A : memref<!tpu.dma_semaphore, #tpu.memory_space<semaphore_mem>>)
      %dma_wait3A_99 = arith.constant 0 : i32
      %dma_wait3A_100 = tpu.memref_slice %arg5[%add3A_1, %mul3A_0, %dma_wait3A_99] : memref<2x10240x128xbf16, #tpu.memory_space<hbm>> -> memref<1x640x128xbf16, #tpu.memory_space<hbm>>
      %dma_wait3A_101 = tpu.memref_squeeze %dma_wait3A_100 : memref<1x640x128xbf16, #tpu.memory_space<hbm>> -> memref<640x128xbf16, #tpu.memory_space<hbm>>
      %dma_wait3A_102 = arith.constant 0 : i32
      %dma_wait3A_103 = tpu.memref_slice %arg6[%mul3A_0, %dma_wait3A_102] : memref<10240x128xbf16, #tpu.memory_space<vmem_shared>> -> memref<640x128xbf16, #tpu.memory_space<vmem_shared>>
      tpu.wait_dma2 semaphore(%run_scoped3A : memref<!tpu.dma_semaphore, #tpu.memory_space<semaphore_mem>>) src(%dma_wait3A_103 : memref<640x128xbf16, #tpu.memory_space<vmem_shared>>) dst(%dma_wait3A_101 : memref<640x128xbf16, #tpu.memory_space<hbm>>)
      tpu.yield
    }) : () -> ()
    return
  }
}

#map = affine_map<(d0, d1) -> (0, 0, 0)>
module attributes {stable_mosaic.version = 14 : i64} {
  func.func @prop(%arg0: i32, %arg1: i32, %arg2: memref<1x10240x16xf32, #tpu.memory_space<hbm>>, %arg3: memref<32x40x125xi32, #tpu.memory_space<hbm>>, %arg4: memref<32x40x125xi32, #tpu.memory_space<hbm>>, %arg5: memref<2x10240x16xf32, #tpu.memory_space<hbm>>, %arg6: memref<10240x16xf32, #tpu.memory_space<vmem_shared>>, %arg7: memref<40x125xi32, #tpu.memory_space<vmem>>, %arg8: memref<40x125xi32, #tpu.memory_space<vmem>>, %arg9: memref<125x16xf32, #tpu.memory_space<vmem>>, %arg10: memref<125x16xf32, #tpu.memory_space<vmem>>, %arg11: memref<125x16xf32, #tpu.memory_space<vmem>>, %arg12: memref<125x16xf32, #tpu.memory_space<vmem>>, %arg13: memref<!tpu.dma_semaphore, #tpu.memory_space<semaphore_mem>>, %arg14: memref<!tpu.dma_semaphore, #tpu.memory_space<semaphore_mem>>, %arg15: memref<!tpu.dma_semaphore, #tpu.memory_space<semaphore_mem>>, %arg16: memref<!tpu.dma_semaphore, #tpu.memory_space<semaphore_mem>>, %arg17: memref<!tpu.dma_semaphore, #tpu.memory_space<semaphore_mem>>, %arg18: memref<!tpu.dma_semaphore, #tpu.memory_space<semaphore_mem>>, %arg19: memref<!tpu.dma_semaphore, #tpu.memory_space<semaphore_mem>>, %arg20: memref<!tpu.dma_semaphore, #tpu.memory_space<semaphore_mem>>) attributes {dimension_semantics = [#tpu.dimension_semantics<core_parallel>, #tpu.dimension_semantics<subcore_parallel>], iteration_bounds = array<i64: 2, 16>, scalar_prefetch = 0 : i64, scratch_operands = 15 : i64, tpu.core_type = #tpu.core_type<sc_vector_subcore>, window_params = [{transform_indices = #map}, {transform_indices = #map}, {transform_indices = #map}, {transform_indices = #map}]} {
    %mul3A = arith.constant 640 : i32
    %mul3A_0 = arith.muli %arg1, %mul3A : i32
    %mul3A_1 = arith.constant 16 : i32
    %mul3A_2 = arith.muli %arg0, %mul3A_1 : i32
    %add3A = arith.addi %mul3A_2, %arg1 : i32
    "tpu.region"() ({
      %run_scoped3A_16 = tpu.sem_alloc : memref<!tpu.dma_semaphore, #tpu.memory_space<semaphore_mem>>
      %dma_start3A = arith.constant 0 : i32
      %dma_start3A_17 = arith.constant 0 : i32
      %dma_start3A_18 = tpu.memref_slice %arg4[%add3A, %dma_start3A, %dma_start3A_17] : memref<32x40x125xi32, #tpu.memory_space<hbm>> -> memref<1x40x125xi32, #tpu.memory_space<hbm>>
      %dma_start3A_19 = tpu.memref_squeeze %dma_start3A_18 : memref<1x40x125xi32, #tpu.memory_space<hbm>> -> memref<40x125xi32, #tpu.memory_space<hbm>>
      %dma_start3A_20 = arith.constant 0 : i32
      %dma_start3A_21 = arith.constant 0 : i32
      %dma_start3A_22 = tpu.memref_slice %arg4[%add3A, %dma_start3A_20, %dma_start3A_21] : memref<32x40x125xi32, #tpu.memory_space<hbm>> -> memref<1x40x125xi32, #tpu.memory_space<hbm>>
      %dma_start3A_23 = tpu.memref_squeeze %dma_start3A_22 : memref<1x40x125xi32, #tpu.memory_space<hbm>> -> memref<40x125xi32, #tpu.memory_space<hbm>>
      tpu.enqueue_dma source(%dma_start3A_23 : memref<40x125xi32, #tpu.memory_space<hbm>>) target(%arg8 : memref<40x125xi32, #tpu.memory_space<vmem>>) target_semaphore(%run_scoped3A_16 : memref<!tpu.dma_semaphore, #tpu.memory_space<semaphore_mem>>)
      %dma_wait3A = arith.constant 0 : i32
      %dma_wait3A_24 = arith.constant 0 : i32
      %dma_wait3A_25 = tpu.memref_slice %arg4[%add3A, %dma_wait3A, %dma_wait3A_24] : memref<32x40x125xi32, #tpu.memory_space<hbm>> -> memref<1x40x125xi32, #tpu.memory_space<hbm>>
      %dma_wait3A_26 = tpu.memref_squeeze %dma_wait3A_25 : memref<1x40x125xi32, #tpu.memory_space<hbm>> -> memref<40x125xi32, #tpu.memory_space<hbm>>
      %dma_wait3A_27 = arith.constant 0 : i32
      %dma_wait3A_28 = arith.constant 0 : i32
      %dma_wait3A_29 = tpu.memref_slice %arg4[%add3A, %dma_wait3A_27, %dma_wait3A_28] : memref<32x40x125xi32, #tpu.memory_space<hbm>> -> memref<1x40x125xi32, #tpu.memory_space<hbm>>
      %dma_wait3A_30 = tpu.memref_squeeze %dma_wait3A_29 : memref<1x40x125xi32, #tpu.memory_space<hbm>> -> memref<40x125xi32, #tpu.memory_space<hbm>>
      tpu.wait_dma2 semaphore(%run_scoped3A_16 : memref<!tpu.dma_semaphore, #tpu.memory_space<semaphore_mem>>) src(%dma_wait3A_30 : memref<40x125xi32, #tpu.memory_space<hbm>>) dst(%arg8 : memref<40x125xi32, #tpu.memory_space<vmem>>)
      tpu.yield
    }) : () -> ()
    %run_scoped3A = arith.constant 0 : i32
    "tpu.region"() ({
      %run_scoped3A_16 = tpu.sem_alloc : memref<!tpu.dma_semaphore, #tpu.memory_space<semaphore_mem>>
      %dma_start3A = arith.constant 0 : i32
      %dma_start3A_17 = tpu.memref_slice %arg6[%mul3A_0, %dma_start3A] : memref<10240x16xf32, #tpu.memory_space<vmem_shared>> -> memref<640x16xf32, #tpu.memory_space<vmem_shared>>
      %dma_start3A_18 = arith.constant 0 : i32
      %dma_start3A_19 = tpu.memref_slice %arg2[%run_scoped3A, %mul3A_0, %dma_start3A_18] : memref<1x10240x16xf32, #tpu.memory_space<hbm>> -> memref<1x640x16xf32, #tpu.memory_space<hbm>>
      %dma_start3A_20 = tpu.memref_squeeze %dma_start3A_19 : memref<1x640x16xf32, #tpu.memory_space<hbm>> -> memref<640x16xf32, #tpu.memory_space<hbm>>
      tpu.enqueue_dma source(%dma_start3A_20 : memref<640x16xf32, #tpu.memory_space<hbm>>) target(%dma_start3A_17 : memref<640x16xf32, #tpu.memory_space<vmem_shared>>) target_semaphore(%run_scoped3A_16 : memref<!tpu.dma_semaphore, #tpu.memory_space<semaphore_mem>>)
      %dma_wait3A = arith.constant 0 : i32
      %dma_wait3A_21 = tpu.memref_slice %arg6[%mul3A_0, %dma_wait3A] : memref<10240x16xf32, #tpu.memory_space<vmem_shared>> -> memref<640x16xf32, #tpu.memory_space<vmem_shared>>
      %dma_wait3A_22 = arith.constant 0 : i32
      %dma_wait3A_23 = tpu.memref_slice %arg2[%run_scoped3A, %mul3A_0, %dma_wait3A_22] : memref<1x10240x16xf32, #tpu.memory_space<hbm>> -> memref<1x640x16xf32, #tpu.memory_space<hbm>>
      %dma_wait3A_24 = tpu.memref_squeeze %dma_wait3A_23 : memref<1x640x16xf32, #tpu.memory_space<hbm>> -> memref<640x16xf32, #tpu.memory_space<hbm>>
      tpu.wait_dma2 semaphore(%run_scoped3A_16 : memref<!tpu.dma_semaphore, #tpu.memory_space<semaphore_mem>>) src(%dma_wait3A_24 : memref<640x16xf32, #tpu.memory_space<hbm>>) dst(%dma_wait3A_21 : memref<640x16xf32, #tpu.memory_space<vmem_shared>>)
      tpu.yield
    }) : () -> ()
    %run_scoped3A_3 = arith.constant 0 : i32
    "tpu.region"() ({
      %run_scoped3A_16 = tpu.sem_alloc : memref<!tpu.dma_semaphore, #tpu.memory_space<semaphore_mem>>
      %dma_start3A = arith.constant 0 : i32
      %dma_start3A_17 = arith.constant 0 : i32
      %dma_start3A_18 = tpu.memref_slice %arg2[%run_scoped3A_3, %dma_start3A, %dma_start3A_17] : memref<1x10240x16xf32, #tpu.memory_space<hbm>> -> memref<1x125x16xf32, #tpu.memory_space<hbm>>
      %dma_start3A_19 = tpu.memref_squeeze %dma_start3A_18 : memref<1x125x16xf32, #tpu.memory_space<hbm>> -> memref<125x16xf32, #tpu.memory_space<hbm>>
      %dma_start3A_20 = arith.constant 0 : i32
      %dma_start3A_21 = arith.constant 0 : i32
      %dma_start3A_22 = tpu.memref_slice %arg2[%run_scoped3A_3, %dma_start3A_20, %dma_start3A_21] : memref<1x10240x16xf32, #tpu.memory_space<hbm>> -> memref<1x125x16xf32, #tpu.memory_space<hbm>>
      %dma_start3A_23 = tpu.memref_squeeze %dma_start3A_22 : memref<1x125x16xf32, #tpu.memory_space<hbm>> -> memref<125x16xf32, #tpu.memory_space<hbm>>
      tpu.enqueue_dma source(%dma_start3A_23 : memref<125x16xf32, #tpu.memory_space<hbm>>) target(%arg9 : memref<125x16xf32, #tpu.memory_space<vmem>>) target_semaphore(%run_scoped3A_16 : memref<!tpu.dma_semaphore, #tpu.memory_space<semaphore_mem>>)
      %dma_wait3A = arith.constant 0 : i32
      %dma_wait3A_24 = arith.constant 0 : i32
      %dma_wait3A_25 = tpu.memref_slice %arg2[%run_scoped3A_3, %dma_wait3A, %dma_wait3A_24] : memref<1x10240x16xf32, #tpu.memory_space<hbm>> -> memref<1x125x16xf32, #tpu.memory_space<hbm>>
      %dma_wait3A_26 = tpu.memref_squeeze %dma_wait3A_25 : memref<1x125x16xf32, #tpu.memory_space<hbm>> -> memref<125x16xf32, #tpu.memory_space<hbm>>
      %dma_wait3A_27 = arith.constant 0 : i32
      %dma_wait3A_28 = arith.constant 0 : i32
      %dma_wait3A_29 = tpu.memref_slice %arg2[%run_scoped3A_3, %dma_wait3A_27, %dma_wait3A_28] : memref<1x10240x16xf32, #tpu.memory_space<hbm>> -> memref<1x125x16xf32, #tpu.memory_space<hbm>>
      %dma_wait3A_30 = tpu.memref_squeeze %dma_wait3A_29 : memref<1x125x16xf32, #tpu.memory_space<hbm>> -> memref<125x16xf32, #tpu.memory_space<hbm>>
      tpu.wait_dma2 semaphore(%run_scoped3A_16 : memref<!tpu.dma_semaphore, #tpu.memory_space<semaphore_mem>>) src(%dma_wait3A_30 : memref<125x16xf32, #tpu.memory_space<hbm>>) dst(%arg9 : memref<125x16xf32, #tpu.memory_space<vmem>>)
      tpu.yield
    }) : () -> ()
    %barrier3A = arith.constant 0 : index
    tpu.barrier barrier_id(%barrier3A)
    %scan3A = arith.constant 0 : i32
    %scan3A_4 = arith.constant 0 : i32
    %scan3A_5 = arith.constant 40 : i32
    %scan3A_6 = arith.addi %scan3A_4, %scan3A_5 : i32
    %scan3A_7 = arith.constant 1 : i32
    scf.for %scan3A_16 = %scan3A_4 to %scan3A_6 step %scan3A_7  : i32 {
      %dma_start3A = arith.constant 0 : i32
      %dma_start3A_17 = tpu.memref_slice %arg8[%scan3A_16, %dma_start3A] : memref<40x125xi32, #tpu.memory_space<vmem>> -> memref<1x125xi32, #tpu.memory_space<vmem>>
      %dma_start3A_18 = tpu.memref_squeeze %dma_start3A_17 : memref<1x125xi32, #tpu.memory_space<vmem>> -> memref<125xi32, #tpu.memory_space<vmem>>
      %dma_start3A_19 = arith.constant 0 : i32
      %dma_start3A_20 = arith.constant 0 : i32
      %dma_start3A_21 = tpu.memref_slice %arg6[%dma_start3A_19, %dma_start3A_20] : memref<10240x16xf32, #tpu.memory_space<vmem_shared>> -> memref<10240x16xf32, #tpu.memory_space<vmem_shared>>
      tpu.enqueue_indirect_dma source(%arg9 : memref<125x16xf32, #tpu.memory_space<vmem>>) target(%dma_start3A_21 : memref<10240x16xf32, #tpu.memory_space<vmem_shared>>) offsets(%dma_start3A_18 : memref<125xi32, #tpu.memory_space<vmem>>) semaphore(%arg17 : memref<!tpu.dma_semaphore, #tpu.memory_space<semaphore_mem>>) {add = true}
    }
    %scan3A_8 = arith.constant 40 : i32
    %scan3A_9 = arith.constant 0 : i32
    %scan3A_10 = arith.constant 0 : i32
    %scan3A_11 = arith.constant 40 : i32
    %scan3A_12 = arith.addi %scan3A_10, %scan3A_11 : i32
    %scan3A_13 = arith.constant 1 : i32
    scf.for %scan3A_16 = %scan3A_10 to %scan3A_12 step %scan3A_13  : i32 {
      %dma_wait3A = arith.constant 0 : i32
      %dma_wait3A_17 = arith.constant 0 : i32
      %dma_wait3A_18 = tpu.memref_slice %arg8[%dma_wait3A, %dma_wait3A_17] : memref<40x125xi32, #tpu.memory_space<vmem>> -> memref<1x125xi32, #tpu.memory_space<vmem>>
      %dma_wait3A_19 = tpu.memref_squeeze %dma_wait3A_18 : memref<1x125xi32, #tpu.memory_space<vmem>> -> memref<125xi32, #tpu.memory_space<vmem>>
      %dma_wait3A_20 = arith.constant 0 : i32
      %dma_wait3A_21 = arith.constant 0 : i32
      %dma_wait3A_22 = tpu.memref_slice %arg6[%dma_wait3A_20, %dma_wait3A_21] : memref<10240x16xf32, #tpu.memory_space<vmem_shared>> -> memref<10240x16xf32, #tpu.memory_space<vmem_shared>>
      tpu.wait_indirect_dma semaphore(%arg17 : memref<!tpu.dma_semaphore, #tpu.memory_space<semaphore_mem>>) src(%arg9 : memref<125x16xf32, #tpu.memory_space<vmem>>) dst(%dma_wait3A_22 : memref<10240x16xf32, #tpu.memory_space<vmem_shared>>)
    }
    %scan3A_14 = arith.constant 40 : i32
    %barrier3A_15 = arith.constant 0 : index
    tpu.barrier barrier_id(%barrier3A_15)
    "tpu.region"() ({
      %run_scoped3A_16 = tpu.sem_alloc : memref<!tpu.dma_semaphore, #tpu.memory_space<semaphore_mem>>
      %dma_start3A = arith.constant 0 : i32
      %dma_start3A_17 = tpu.memref_slice %arg5[%arg0, %mul3A_0, %dma_start3A] : memref<2x10240x16xf32, #tpu.memory_space<hbm>> -> memref<1x640x16xf32, #tpu.memory_space<hbm>>
      %dma_start3A_18 = tpu.memref_squeeze %dma_start3A_17 : memref<1x640x16xf32, #tpu.memory_space<hbm>> -> memref<640x16xf32, #tpu.memory_space<hbm>>
      %dma_start3A_19 = arith.constant 0 : i32
      %dma_start3A_20 = tpu.memref_slice %arg6[%mul3A_0, %dma_start3A_19] : memref<10240x16xf32, #tpu.memory_space<vmem_shared>> -> memref<640x16xf32, #tpu.memory_space<vmem_shared>>
      tpu.enqueue_dma source(%dma_start3A_20 : memref<640x16xf32, #tpu.memory_space<vmem_shared>>) target(%dma_start3A_18 : memref<640x16xf32, #tpu.memory_space<hbm>>) target_semaphore(%run_scoped3A_16 : memref<!tpu.dma_semaphore, #tpu.memory_space<semaphore_mem>>)
      %dma_wait3A = arith.constant 0 : i32
      %dma_wait3A_21 = tpu.memref_slice %arg5[%arg0, %mul3A_0, %dma_wait3A] : memref<2x10240x16xf32, #tpu.memory_space<hbm>> -> memref<1x640x16xf32, #tpu.memory_space<hbm>>
      %dma_wait3A_22 = tpu.memref_squeeze %dma_wait3A_21 : memref<1x640x16xf32, #tpu.memory_space<hbm>> -> memref<640x16xf32, #tpu.memory_space<hbm>>
      %dma_wait3A_23 = arith.constant 0 : i32
      %dma_wait3A_24 = tpu.memref_slice %arg6[%mul3A_0, %dma_wait3A_23] : memref<10240x16xf32, #tpu.memory_space<vmem_shared>> -> memref<640x16xf32, #tpu.memory_space<vmem_shared>>
      tpu.wait_dma2 semaphore(%run_scoped3A_16 : memref<!tpu.dma_semaphore, #tpu.memory_space<semaphore_mem>>) src(%dma_wait3A_24 : memref<640x16xf32, #tpu.memory_space<vmem_shared>>) dst(%dma_wait3A_22 : memref<640x16xf32, #tpu.memory_space<hbm>>)
      tpu.yield
    }) : () -> ()
    return
  }
}

#map = affine_map<(d0, d1) -> (0, 0, 0)>
module attributes {stable_mosaic.version = 14 : i64} {
  func.func @prop(%arg0: i32, %arg1: i32, %arg2: memref<1x10240x16xf32, #tpu.memory_space<hbm>>, %arg3: memref<32x40x125xi32, #tpu.memory_space<hbm>>, %arg4: memref<32x40x125xi32, #tpu.memory_space<hbm>>, %arg5: memref<2x10240x16xf32, #tpu.memory_space<hbm>>, %arg6: memref<10240x16xf32, #tpu.memory_space<vmem_shared>>, %arg7: memref<40x125xi32, #tpu.memory_space<vmem>>, %arg8: memref<40x125xi32, #tpu.memory_space<vmem>>, %arg9: memref<125x16xf32, #tpu.memory_space<vmem>>, %arg10: memref<125x16xf32, #tpu.memory_space<vmem>>, %arg11: memref<125x16xf32, #tpu.memory_space<vmem>>, %arg12: memref<125x16xf32, #tpu.memory_space<vmem>>, %arg13: memref<!tpu.dma_semaphore, #tpu.memory_space<semaphore_mem>>, %arg14: memref<!tpu.dma_semaphore, #tpu.memory_space<semaphore_mem>>, %arg15: memref<!tpu.dma_semaphore, #tpu.memory_space<semaphore_mem>>, %arg16: memref<!tpu.dma_semaphore, #tpu.memory_space<semaphore_mem>>, %arg17: memref<!tpu.dma_semaphore, #tpu.memory_space<semaphore_mem>>, %arg18: memref<!tpu.dma_semaphore, #tpu.memory_space<semaphore_mem>>, %arg19: memref<!tpu.dma_semaphore, #tpu.memory_space<semaphore_mem>>, %arg20: memref<!tpu.dma_semaphore, #tpu.memory_space<semaphore_mem>>) attributes {dimension_semantics = [#tpu.dimension_semantics<core_parallel>, #tpu.dimension_semantics<subcore_parallel>], iteration_bounds = array<i64: 2, 16>, scalar_prefetch = 0 : i64, scratch_operands = 15 : i64, tpu.core_type = #tpu.core_type<sc_vector_subcore>, window_params = [{transform_indices = #map}, {transform_indices = #map}, {transform_indices = #map}, {transform_indices = #map}]} {
    %mul3A = arith.constant 640 : i32
    %mul3A_0 = arith.muli %arg1, %mul3A : i32
    %mul3A_1 = arith.constant 16 : i32
    %mul3A_2 = arith.muli %arg0, %mul3A_1 : i32
    %add3A = arith.addi %mul3A_2, %arg1 : i32
    "tpu.region"() ({
      %run_scoped3A_104 = tpu.sem_alloc : memref<!tpu.dma_semaphore, #tpu.memory_space<semaphore_mem>>
      %dma_start3A_105 = arith.constant 0 : i32
      %dma_start3A_106 = arith.constant 0 : i32
      %dma_start3A_107 = tpu.memref_slice %arg4[%add3A, %dma_start3A_105, %dma_start3A_106] : memref<32x40x125xi32, #tpu.memory_space<hbm>> -> memref<1x40x125xi32, #tpu.memory_space<hbm>>
      %dma_start3A_108 = tpu.memref_squeeze %dma_start3A_107 : memref<1x40x125xi32, #tpu.memory_space<hbm>> -> memref<40x125xi32, #tpu.memory_space<hbm>>
      %dma_start3A_109 = arith.constant 0 : i32
      %dma_start3A_110 = arith.constant 0 : i32
      %dma_start3A_111 = tpu.memref_slice %arg4[%add3A, %dma_start3A_109, %dma_start3A_110] : memref<32x40x125xi32, #tpu.memory_space<hbm>> -> memref<1x40x125xi32, #tpu.memory_space<hbm>>
      %dma_start3A_112 = tpu.memref_squeeze %dma_start3A_111 : memref<1x40x125xi32, #tpu.memory_space<hbm>> -> memref<40x125xi32, #tpu.memory_space<hbm>>
      tpu.enqueue_dma source(%dma_start3A_112 : memref<40x125xi32, #tpu.memory_space<hbm>>) target(%arg8 : memref<40x125xi32, #tpu.memory_space<vmem>>) target_semaphore(%run_scoped3A_104 : memref<!tpu.dma_semaphore, #tpu.memory_space<semaphore_mem>>)
      %dma_wait3A_113 = arith.constant 0 : i32
      %dma_wait3A_114 = arith.constant 0 : i32
      %dma_wait3A_115 = tpu.memref_slice %arg4[%add3A, %dma_wait3A_113, %dma_wait3A_114] : memref<32x40x125xi32, #tpu.memory_space<hbm>> -> memref<1x40x125xi32, #tpu.memory_space<hbm>>
      %dma_wait3A_116 = tpu.memref_squeeze %dma_wait3A_115 : memref<1x40x125xi32, #tpu.memory_space<hbm>> -> memref<40x125xi32, #tpu.memory_space<hbm>>
      %dma_wait3A_117 = arith.constant 0 : i32
      %dma_wait3A_118 = arith.constant 0 : i32
      %dma_wait3A_119 = tpu.memref_slice %arg4[%add3A, %dma_wait3A_117, %dma_wait3A_118] : memref<32x40x125xi32, #tpu.memory_space<hbm>> -> memref<1x40x125xi32, #tpu.memory_space<hbm>>
      %dma_wait3A_120 = tpu.memref_squeeze %dma_wait3A_119 : memref<1x40x125xi32, #tpu.memory_space<hbm>> -> memref<40x125xi32, #tpu.memory_space<hbm>>
      tpu.wait_dma2 semaphore(%run_scoped3A_104 : memref<!tpu.dma_semaphore, #tpu.memory_space<semaphore_mem>>) src(%dma_wait3A_120 : memref<40x125xi32, #tpu.memory_space<hbm>>) dst(%arg8 : memref<40x125xi32, #tpu.memory_space<vmem>>)
      tpu.yield
    }) : () -> ()
    "tpu.region"() ({
      %run_scoped3A_104 = tpu.sem_alloc : memref<!tpu.dma_semaphore, #tpu.memory_space<semaphore_mem>>
      %dma_start3A_105 = arith.constant 0 : i32
      %dma_start3A_106 = arith.constant 0 : i32
      %dma_start3A_107 = tpu.memref_slice %arg3[%add3A, %dma_start3A_105, %dma_start3A_106] : memref<32x40x125xi32, #tpu.memory_space<hbm>> -> memref<1x40x125xi32, #tpu.memory_space<hbm>>
      %dma_start3A_108 = tpu.memref_squeeze %dma_start3A_107 : memref<1x40x125xi32, #tpu.memory_space<hbm>> -> memref<40x125xi32, #tpu.memory_space<hbm>>
      %dma_start3A_109 = arith.constant 0 : i32
      %dma_start3A_110 = arith.constant 0 : i32
      %dma_start3A_111 = tpu.memref_slice %arg3[%add3A, %dma_start3A_109, %dma_start3A_110] : memref<32x40x125xi32, #tpu.memory_space<hbm>> -> memref<1x40x125xi32, #tpu.memory_space<hbm>>
      %dma_start3A_112 = tpu.memref_squeeze %dma_start3A_111 : memref<1x40x125xi32, #tpu.memory_space<hbm>> -> memref<40x125xi32, #tpu.memory_space<hbm>>
      tpu.enqueue_dma source(%dma_start3A_112 : memref<40x125xi32, #tpu.memory_space<hbm>>) target(%arg7 : memref<40x125xi32, #tpu.memory_space<vmem>>) target_semaphore(%run_scoped3A_104 : memref<!tpu.dma_semaphore, #tpu.memory_space<semaphore_mem>>)
      %dma_wait3A_113 = arith.constant 0 : i32
      %dma_wait3A_114 = arith.constant 0 : i32
      %dma_wait3A_115 = tpu.memref_slice %arg3[%add3A, %dma_wait3A_113, %dma_wait3A_114] : memref<32x40x125xi32, #tpu.memory_space<hbm>> -> memref<1x40x125xi32, #tpu.memory_space<hbm>>
      %dma_wait3A_116 = tpu.memref_squeeze %dma_wait3A_115 : memref<1x40x125xi32, #tpu.memory_space<hbm>> -> memref<40x125xi32, #tpu.memory_space<hbm>>
      %dma_wait3A_117 = arith.constant 0 : i32
      %dma_wait3A_118 = arith.constant 0 : i32
      %dma_wait3A_119 = tpu.memref_slice %arg3[%add3A, %dma_wait3A_117, %dma_wait3A_118] : memref<32x40x125xi32, #tpu.memory_space<hbm>> -> memref<1x40x125xi32, #tpu.memory_space<hbm>>
      %dma_wait3A_120 = tpu.memref_squeeze %dma_wait3A_119 : memref<1x40x125xi32, #tpu.memory_space<hbm>> -> memref<40x125xi32, #tpu.memory_space<hbm>>
      tpu.wait_dma2 semaphore(%run_scoped3A_104 : memref<!tpu.dma_semaphore, #tpu.memory_space<semaphore_mem>>) src(%dma_wait3A_120 : memref<40x125xi32, #tpu.memory_space<hbm>>) dst(%arg7 : memref<40x125xi32, #tpu.memory_space<vmem>>)
      tpu.yield
    }) : () -> ()
    %run_scoped3A = arith.constant 0 : i32
    "tpu.region"() ({
      %run_scoped3A_104 = tpu.sem_alloc : memref<!tpu.dma_semaphore, #tpu.memory_space<semaphore_mem>>
      %dma_start3A_105 = arith.constant 0 : i32
      %dma_start3A_106 = tpu.memref_slice %arg6[%mul3A_0, %dma_start3A_105] : memref<10240x16xf32, #tpu.memory_space<vmem_shared>> -> memref<640x16xf32, #tpu.memory_space<vmem_shared>>
      %dma_start3A_107 = arith.constant 0 : i32
      %dma_start3A_108 = tpu.memref_slice %arg2[%run_scoped3A, %mul3A_0, %dma_start3A_107] : memref<1x10240x16xf32, #tpu.memory_space<hbm>> -> memref<1x640x16xf32, #tpu.memory_space<hbm>>
      %dma_start3A_109 = tpu.memref_squeeze %dma_start3A_108 : memref<1x640x16xf32, #tpu.memory_space<hbm>> -> memref<640x16xf32, #tpu.memory_space<hbm>>
      tpu.enqueue_dma source(%dma_start3A_109 : memref<640x16xf32, #tpu.memory_space<hbm>>) target(%dma_start3A_106 : memref<640x16xf32, #tpu.memory_space<vmem_shared>>) target_semaphore(%run_scoped3A_104 : memref<!tpu.dma_semaphore, #tpu.memory_space<semaphore_mem>>)
      %dma_wait3A_110 = arith.constant 0 : i32
      %dma_wait3A_111 = tpu.memref_slice %arg6[%mul3A_0, %dma_wait3A_110] : memref<10240x16xf32, #tpu.memory_space<vmem_shared>> -> memref<640x16xf32, #tpu.memory_space<vmem_shared>>
      %dma_wait3A_112 = arith.constant 0 : i32
      %dma_wait3A_113 = tpu.memref_slice %arg2[%run_scoped3A, %mul3A_0, %dma_wait3A_112] : memref<1x10240x16xf32, #tpu.memory_space<hbm>> -> memref<1x640x16xf32, #tpu.memory_space<hbm>>
      %dma_wait3A_114 = tpu.memref_squeeze %dma_wait3A_113 : memref<1x640x16xf32, #tpu.memory_space<hbm>> -> memref<640x16xf32, #tpu.memory_space<hbm>>
      tpu.wait_dma2 semaphore(%run_scoped3A_104 : memref<!tpu.dma_semaphore, #tpu.memory_space<semaphore_mem>>) src(%dma_wait3A_114 : memref<640x16xf32, #tpu.memory_space<hbm>>) dst(%dma_wait3A_111 : memref<640x16xf32, #tpu.memory_space<vmem_shared>>)
      tpu.yield
    }) : () -> ()
    %barrier3A = arith.constant 0 : index
    tpu.barrier barrier_id(%barrier3A)
    %dma_start3A = arith.constant 0 : i32
    %dma_start3A_3 = arith.constant 0 : i32
    %dma_start3A_4 = arith.constant 0 : i32
    %dma_start3A_5 = tpu.memref_slice %arg7[%dma_start3A_3, %dma_start3A_4] : memref<40x125xi32, #tpu.memory_space<vmem>> -> memref<1x125xi32, #tpu.memory_space<vmem>>
    %dma_start3A_6 = tpu.memref_squeeze %dma_start3A_5 : memref<1x125xi32, #tpu.memory_space<vmem>> -> memref<125xi32, #tpu.memory_space<vmem>>
    %dma_start3A_7 = arith.constant 0 : i32
    %dma_start3A_8 = arith.constant 0 : i32
    %dma_start3A_9 = tpu.memref_slice %arg2[%dma_start3A, %dma_start3A_7, %dma_start3A_8] : memref<1x10240x16xf32, #tpu.memory_space<hbm>> -> memref<1x10240x16xf32, #tpu.memory_space<hbm>>
    %dma_start3A_10 = tpu.memref_squeeze %dma_start3A_9 : memref<1x10240x16xf32, #tpu.memory_space<hbm>> -> memref<10240x16xf32, #tpu.memory_space<hbm>>
    %dma_start3A_11 = arith.constant 0 : i32
    %dma_start3A_12 = arith.constant 0 : i32
    %dma_start3A_13 = tpu.memref_slice %dma_start3A_10[%dma_start3A_11, %dma_start3A_12] : memref<10240x16xf32, #tpu.memory_space<hbm>> -> memref<10240x16xf32, #tpu.memory_space<hbm>>
    tpu.enqueue_indirect_dma source(%dma_start3A_13 : memref<10240x16xf32, #tpu.memory_space<hbm>>) target(%arg9 : memref<125x16xf32, #tpu.memory_space<vmem>>) offsets(%dma_start3A_6 : memref<125xi32, #tpu.memory_space<vmem>>) semaphore(%arg13 : memref<!tpu.dma_semaphore, #tpu.memory_space<semaphore_mem>>)
    %dma_start3A_14 = arith.constant 0 : i32
    %dma_start3A_15 = arith.constant 1 : i32
    %dma_start3A_16 = arith.constant 0 : i32
    %dma_start3A_17 = tpu.memref_slice %arg7[%dma_start3A_15, %dma_start3A_16] : memref<40x125xi32, #tpu.memory_space<vmem>> -> memref<1x125xi32, #tpu.memory_space<vmem>>
    %dma_start3A_18 = tpu.memref_squeeze %dma_start3A_17 : memref<1x125xi32, #tpu.memory_space<vmem>> -> memref<125xi32, #tpu.memory_space<vmem>>
    %dma_start3A_19 = arith.constant 0 : i32
    %dma_start3A_20 = arith.constant 0 : i32
    %dma_start3A_21 = tpu.memref_slice %arg2[%dma_start3A_14, %dma_start3A_19, %dma_start3A_20] : memref<1x10240x16xf32, #tpu.memory_space<hbm>> -> memref<1x10240x16xf32, #tpu.memory_space<hbm>>
    %dma_start3A_22 = tpu.memref_squeeze %dma_start3A_21 : memref<1x10240x16xf32, #tpu.memory_space<hbm>> -> memref<10240x16xf32, #tpu.memory_space<hbm>>
    %dma_start3A_23 = arith.constant 0 : i32
    %dma_start3A_24 = arith.constant 0 : i32
    %dma_start3A_25 = tpu.memref_slice %dma_start3A_22[%dma_start3A_23, %dma_start3A_24] : memref<10240x16xf32, #tpu.memory_space<hbm>> -> memref<10240x16xf32, #tpu.memory_space<hbm>>
    tpu.enqueue_indirect_dma source(%dma_start3A_25 : memref<10240x16xf32, #tpu.memory_space<hbm>>) target(%arg10 : memref<125x16xf32, #tpu.memory_space<vmem>>) offsets(%dma_start3A_18 : memref<125xi32, #tpu.memory_space<vmem>>) semaphore(%arg14 : memref<!tpu.dma_semaphore, #tpu.memory_space<semaphore_mem>>)
    %dma_start3A_26 = arith.constant 0 : i32
    %dma_start3A_27 = arith.constant 2 : i32
    %dma_start3A_28 = arith.constant 0 : i32
    %dma_start3A_29 = tpu.memref_slice %arg7[%dma_start3A_27, %dma_start3A_28] : memref<40x125xi32, #tpu.memory_space<vmem>> -> memref<1x125xi32, #tpu.memory_space<vmem>>
    %dma_start3A_30 = tpu.memref_squeeze %dma_start3A_29 : memref<1x125xi32, #tpu.memory_space<vmem>> -> memref<125xi32, #tpu.memory_space<vmem>>
    %dma_start3A_31 = arith.constant 0 : i32
    %dma_start3A_32 = arith.constant 0 : i32
    %dma_start3A_33 = tpu.memref_slice %arg2[%dma_start3A_26, %dma_start3A_31, %dma_start3A_32] : memref<1x10240x16xf32, #tpu.memory_space<hbm>> -> memref<1x10240x16xf32, #tpu.memory_space<hbm>>
    %dma_start3A_34 = tpu.memref_squeeze %dma_start3A_33 : memref<1x10240x16xf32, #tpu.memory_space<hbm>> -> memref<10240x16xf32, #tpu.memory_space<hbm>>
    %dma_start3A_35 = arith.constant 0 : i32
    %dma_start3A_36 = arith.constant 0 : i32
    %dma_start3A_37 = tpu.memref_slice %dma_start3A_34[%dma_start3A_35, %dma_start3A_36] : memref<10240x16xf32, #tpu.memory_space<hbm>> -> memref<10240x16xf32, #tpu.memory_space<hbm>>
    tpu.enqueue_indirect_dma source(%dma_start3A_37 : memref<10240x16xf32, #tpu.memory_space<hbm>>) target(%arg11 : memref<125x16xf32, #tpu.memory_space<vmem>>) offsets(%dma_start3A_30 : memref<125xi32, #tpu.memory_space<vmem>>) semaphore(%arg15 : memref<!tpu.dma_semaphore, #tpu.memory_space<semaphore_mem>>)
    %dma_start3A_38 = arith.constant 0 : i32
    %dma_start3A_39 = arith.constant 3 : i32
    %dma_start3A_40 = arith.constant 0 : i32
    %dma_start3A_41 = tpu.memref_slice %arg7[%dma_start3A_39, %dma_start3A_40] : memref<40x125xi32, #tpu.memory_space<vmem>> -> memref<1x125xi32, #tpu.memory_space<vmem>>
    %dma_start3A_42 = tpu.memref_squeeze %dma_start3A_41 : memref<1x125xi32, #tpu.memory_space<vmem>> -> memref<125xi32, #tpu.memory_space<vmem>>
    %dma_start3A_43 = arith.constant 0 : i32
    %dma_start3A_44 = arith.constant 0 : i32
    %dma_start3A_45 = tpu.memref_slice %arg2[%dma_start3A_38, %dma_start3A_43, %dma_start3A_44] : memref<1x10240x16xf32, #tpu.memory_space<hbm>> -> memref<1x10240x16xf32, #tpu.memory_space<hbm>>
    %dma_start3A_46 = tpu.memref_squeeze %dma_start3A_45 : memref<1x10240x16xf32, #tpu.memory_space<hbm>> -> memref<10240x16xf32, #tpu.memory_space<hbm>>
    %dma_start3A_47 = arith.constant 0 : i32
    %dma_start3A_48 = arith.constant 0 : i32
    %dma_start3A_49 = tpu.memref_slice %dma_start3A_46[%dma_start3A_47, %dma_start3A_48] : memref<10240x16xf32, #tpu.memory_space<hbm>> -> memref<10240x16xf32, #tpu.memory_space<hbm>>
    tpu.enqueue_indirect_dma source(%dma_start3A_49 : memref<10240x16xf32, #tpu.memory_space<hbm>>) target(%arg12 : memref<125x16xf32, #tpu.memory_space<vmem>>) offsets(%dma_start3A_42 : memref<125xi32, #tpu.memory_space<vmem>>) semaphore(%arg16 : memref<!tpu.dma_semaphore, #tpu.memory_space<semaphore_mem>>)
    %scan3A = arith.constant 0 : i32
    %scan3A_50 = arith.constant 0 : i32
    %scan3A_51 = arith.constant 0 : i32
    %scan3A_52 = arith.constant 10 : i32
    %scan3A_53 = arith.addi %scan3A_51, %scan3A_52 : i32
    %scan3A_54 = arith.constant 1 : i32
    scf.for %scan3A_104 = %scan3A_51 to %scan3A_53 step %scan3A_54  : i32 {
      %mul3A_105 = arith.constant 4 : i32
      %mul3A_106 = arith.muli %mul3A_105, %scan3A_104 : i32
      %dma_wait3A_107 = arith.constant 0 : i32
      %dma_wait3A_108 = arith.constant 0 : i32
      %dma_wait3A_109 = tpu.memref_slice %arg7[%dma_wait3A_107, %dma_wait3A_108] : memref<40x125xi32, #tpu.memory_space<vmem>> -> memref<1x125xi32, #tpu.memory_space<vmem>>
      %dma_wait3A_110 = tpu.memref_squeeze %dma_wait3A_109 : memref<1x125xi32, #tpu.memory_space<vmem>> -> memref<125xi32, #tpu.memory_space<vmem>>
      %dma_wait3A_111 = arith.constant 0 : i32
      %dma_wait3A_112 = arith.constant 0 : i32
      %dma_wait3A_113 = tpu.memref_slice %arg2[%scan3A_50, %dma_wait3A_111, %dma_wait3A_112] : memref<1x10240x16xf32, #tpu.memory_space<hbm>> -> memref<1x10240x16xf32, #tpu.memory_space<hbm>>
      %dma_wait3A_114 = tpu.memref_squeeze %dma_wait3A_113 : memref<1x10240x16xf32, #tpu.memory_space<hbm>> -> memref<10240x16xf32, #tpu.memory_space<hbm>>
      %dma_wait3A_115 = arith.constant 0 : i32
      %dma_wait3A_116 = arith.constant 0 : i32
      %dma_wait3A_117 = tpu.memref_slice %dma_wait3A_114[%dma_wait3A_115, %dma_wait3A_116] : memref<10240x16xf32, #tpu.memory_space<hbm>> -> memref<10240x16xf32, #tpu.memory_space<hbm>>
      tpu.wait_indirect_dma semaphore(%arg13 : memref<!tpu.dma_semaphore, #tpu.memory_space<semaphore_mem>>) src(%dma_wait3A_117 : memref<10240x16xf32, #tpu.memory_space<hbm>>) dst(%arg9 : memref<125x16xf32, #tpu.memory_space<vmem>>)
      %add3A_118 = arith.constant 0 : i32
      %add3A_119 = arith.addi %mul3A_106, %add3A_118 : i32
      %dma_start3A_120 = arith.constant 0 : i32
      %dma_start3A_121 = tpu.memref_slice %arg8[%add3A_119, %dma_start3A_120] : memref<40x125xi32, #tpu.memory_space<vmem>> -> memref<1x125xi32, #tpu.memory_space<vmem>>
      %dma_start3A_122 = tpu.memref_squeeze %dma_start3A_121 : memref<1x125xi32, #tpu.memory_space<vmem>> -> memref<125xi32, #tpu.memory_space<vmem>>
      %dma_start3A_123 = arith.constant 0 : i32
      %dma_start3A_124 = arith.constant 0 : i32
      %dma_start3A_125 = tpu.memref_slice %arg6[%dma_start3A_123, %dma_start3A_124] : memref<10240x16xf32, #tpu.memory_space<vmem_shared>> -> memref<10240x16xf32, #tpu.memory_space<vmem_shared>>
      tpu.enqueue_indirect_dma source(%arg9 : memref<125x16xf32, #tpu.memory_space<vmem>>) target(%dma_start3A_125 : memref<10240x16xf32, #tpu.memory_space<vmem_shared>>) offsets(%dma_start3A_122 : memref<125xi32, #tpu.memory_space<vmem>>) semaphore(%arg17 : memref<!tpu.dma_semaphore, #tpu.memory_space<semaphore_mem>>) {add = true}
      %dma_wait3A_126 = arith.constant 0 : i32
      %dma_wait3A_127 = arith.constant 0 : i32
      %dma_wait3A_128 = tpu.memref_slice %arg7[%dma_wait3A_126, %dma_wait3A_127] : memref<40x125xi32, #tpu.memory_space<vmem>> -> memref<1x125xi32, #tpu.memory_space<vmem>>
      %dma_wait3A_129 = tpu.memref_squeeze %dma_wait3A_128 : memref<1x125xi32, #tpu.memory_space<vmem>> -> memref<125xi32, #tpu.memory_space<vmem>>
      %dma_wait3A_130 = arith.constant 0 : i32
      %dma_wait3A_131 = arith.constant 0 : i32
      %dma_wait3A_132 = tpu.memref_slice %arg2[%scan3A_50, %dma_wait3A_130, %dma_wait3A_131] : memref<1x10240x16xf32, #tpu.memory_space<hbm>> -> memref<1x10240x16xf32, #tpu.memory_space<hbm>>
      %dma_wait3A_133 = tpu.memref_squeeze %dma_wait3A_132 : memref<1x10240x16xf32, #tpu.memory_space<hbm>> -> memref<10240x16xf32, #tpu.memory_space<hbm>>
      %dma_wait3A_134 = arith.constant 0 : i32
      %dma_wait3A_135 = arith.constant 0 : i32
      %dma_wait3A_136 = tpu.memref_slice %dma_wait3A_133[%dma_wait3A_134, %dma_wait3A_135] : memref<10240x16xf32, #tpu.memory_space<hbm>> -> memref<10240x16xf32, #tpu.memory_space<hbm>>
      tpu.wait_indirect_dma semaphore(%arg14 : memref<!tpu.dma_semaphore, #tpu.memory_space<semaphore_mem>>) src(%dma_wait3A_136 : memref<10240x16xf32, #tpu.memory_space<hbm>>) dst(%arg10 : memref<125x16xf32, #tpu.memory_space<vmem>>)
      %add3A_137 = arith.constant 1 : i32
      %add3A_138 = arith.addi %mul3A_106, %add3A_137 : i32
      %dma_start3A_139 = arith.constant 0 : i32
      %dma_start3A_140 = tpu.memref_slice %arg8[%add3A_138, %dma_start3A_139] : memref<40x125xi32, #tpu.memory_space<vmem>> -> memref<1x125xi32, #tpu.memory_space<vmem>>
      %dma_start3A_141 = tpu.memref_squeeze %dma_start3A_140 : memref<1x125xi32, #tpu.memory_space<vmem>> -> memref<125xi32, #tpu.memory_space<vmem>>
      %dma_start3A_142 = arith.constant 0 : i32
      %dma_start3A_143 = arith.constant 0 : i32
      %dma_start3A_144 = tpu.memref_slice %arg6[%dma_start3A_142, %dma_start3A_143] : memref<10240x16xf32, #tpu.memory_space<vmem_shared>> -> memref<10240x16xf32, #tpu.memory_space<vmem_shared>>
      tpu.enqueue_indirect_dma source(%arg10 : memref<125x16xf32, #tpu.memory_space<vmem>>) target(%dma_start3A_144 : memref<10240x16xf32, #tpu.memory_space<vmem_shared>>) offsets(%dma_start3A_141 : memref<125xi32, #tpu.memory_space<vmem>>) semaphore(%arg18 : memref<!tpu.dma_semaphore, #tpu.memory_space<semaphore_mem>>) {add = true}
      %dma_wait3A_145 = arith.constant 0 : i32
      %dma_wait3A_146 = arith.constant 0 : i32
      %dma_wait3A_147 = tpu.memref_slice %arg7[%dma_wait3A_145, %dma_wait3A_146] : memref<40x125xi32, #tpu.memory_space<vmem>> -> memref<1x125xi32, #tpu.memory_space<vmem>>
      %dma_wait3A_148 = tpu.memref_squeeze %dma_wait3A_147 : memref<1x125xi32, #tpu.memory_space<vmem>> -> memref<125xi32, #tpu.memory_space<vmem>>
      %dma_wait3A_149 = arith.constant 0 : i32
      %dma_wait3A_150 = arith.constant 0 : i32
      %dma_wait3A_151 = tpu.memref_slice %arg2[%scan3A_50, %dma_wait3A_149, %dma_wait3A_150] : memref<1x10240x16xf32, #tpu.memory_space<hbm>> -> memref<1x10240x16xf32, #tpu.memory_space<hbm>>
      %dma_wait3A_152 = tpu.memref_squeeze %dma_wait3A_151 : memref<1x10240x16xf32, #tpu.memory_space<hbm>> -> memref<10240x16xf32, #tpu.memory_space<hbm>>
      %dma_wait3A_153 = arith.constant 0 : i32
      %dma_wait3A_154 = arith.constant 0 : i32
      %dma_wait3A_155 = tpu.memref_slice %dma_wait3A_152[%dma_wait3A_153, %dma_wait3A_154] : memref<10240x16xf32, #tpu.memory_space<hbm>> -> memref<10240x16xf32, #tpu.memory_space<hbm>>
      tpu.wait_indirect_dma semaphore(%arg15 : memref<!tpu.dma_semaphore, #tpu.memory_space<semaphore_mem>>) src(%dma_wait3A_155 : memref<10240x16xf32, #tpu.memory_space<hbm>>) dst(%arg11 : memref<125x16xf32, #tpu.memory_space<vmem>>)
      %add3A_156 = arith.constant 2 : i32
      %add3A_157 = arith.addi %mul3A_106, %add3A_156 : i32
      %dma_start3A_158 = arith.constant 0 : i32
      %dma_start3A_159 = tpu.memref_slice %arg8[%add3A_157, %dma_start3A_158] : memref<40x125xi32, #tpu.memory_space<vmem>> -> memref<1x125xi32, #tpu.memory_space<vmem>>
      %dma_start3A_160 = tpu.memref_squeeze %dma_start3A_159 : memref<1x125xi32, #tpu.memory_space<vmem>> -> memref<125xi32, #tpu.memory_space<vmem>>
      %dma_start3A_161 = arith.constant 0 : i32
      %dma_start3A_162 = arith.constant 0 : i32
      %dma_start3A_163 = tpu.memref_slice %arg6[%dma_start3A_161, %dma_start3A_162] : memref<10240x16xf32, #tpu.memory_space<vmem_shared>> -> memref<10240x16xf32, #tpu.memory_space<vmem_shared>>
      tpu.enqueue_indirect_dma source(%arg11 : memref<125x16xf32, #tpu.memory_space<vmem>>) target(%dma_start3A_163 : memref<10240x16xf32, #tpu.memory_space<vmem_shared>>) offsets(%dma_start3A_160 : memref<125xi32, #tpu.memory_space<vmem>>) semaphore(%arg19 : memref<!tpu.dma_semaphore, #tpu.memory_space<semaphore_mem>>) {add = true}
      %dma_wait3A_164 = arith.constant 0 : i32
      %dma_wait3A_165 = arith.constant 0 : i32
      %dma_wait3A_166 = tpu.memref_slice %arg7[%dma_wait3A_164, %dma_wait3A_165] : memref<40x125xi32, #tpu.memory_space<vmem>> -> memref<1x125xi32, #tpu.memory_space<vmem>>
      %dma_wait3A_167 = tpu.memref_squeeze %dma_wait3A_166 : memref<1x125xi32, #tpu.memory_space<vmem>> -> memref<125xi32, #tpu.memory_space<vmem>>
      %dma_wait3A_168 = arith.constant 0 : i32
      %dma_wait3A_169 = arith.constant 0 : i32
      %dma_wait3A_170 = tpu.memref_slice %arg2[%scan3A_50, %dma_wait3A_168, %dma_wait3A_169] : memref<1x10240x16xf32, #tpu.memory_space<hbm>> -> memref<1x10240x16xf32, #tpu.memory_space<hbm>>
      %dma_wait3A_171 = tpu.memref_squeeze %dma_wait3A_170 : memref<1x10240x16xf32, #tpu.memory_space<hbm>> -> memref<10240x16xf32, #tpu.memory_space<hbm>>
      %dma_wait3A_172 = arith.constant 0 : i32
      %dma_wait3A_173 = arith.constant 0 : i32
      %dma_wait3A_174 = tpu.memref_slice %dma_wait3A_171[%dma_wait3A_172, %dma_wait3A_173] : memref<10240x16xf32, #tpu.memory_space<hbm>> -> memref<10240x16xf32, #tpu.memory_space<hbm>>
      tpu.wait_indirect_dma semaphore(%arg16 : memref<!tpu.dma_semaphore, #tpu.memory_space<semaphore_mem>>) src(%dma_wait3A_174 : memref<10240x16xf32, #tpu.memory_space<hbm>>) dst(%arg12 : memref<125x16xf32, #tpu.memory_space<vmem>>)
      %add3A_175 = arith.constant 3 : i32
      %add3A_176 = arith.addi %mul3A_106, %add3A_175 : i32
      %dma_start3A_177 = arith.constant 0 : i32
      %dma_start3A_178 = tpu.memref_slice %arg8[%add3A_176, %dma_start3A_177] : memref<40x125xi32, #tpu.memory_space<vmem>> -> memref<1x125xi32, #tpu.memory_space<vmem>>
      %dma_start3A_179 = tpu.memref_squeeze %dma_start3A_178 : memref<1x125xi32, #tpu.memory_space<vmem>> -> memref<125xi32, #tpu.memory_space<vmem>>
      %dma_start3A_180 = arith.constant 0 : i32
      %dma_start3A_181 = arith.constant 0 : i32
      %dma_start3A_182 = tpu.memref_slice %arg6[%dma_start3A_180, %dma_start3A_181] : memref<10240x16xf32, #tpu.memory_space<vmem_shared>> -> memref<10240x16xf32, #tpu.memory_space<vmem_shared>>
      tpu.enqueue_indirect_dma source(%arg12 : memref<125x16xf32, #tpu.memory_space<vmem>>) target(%dma_start3A_182 : memref<10240x16xf32, #tpu.memory_space<vmem_shared>>) offsets(%dma_start3A_179 : memref<125xi32, #tpu.memory_space<vmem>>) semaphore(%arg20 : memref<!tpu.dma_semaphore, #tpu.memory_space<semaphore_mem>>) {add = true}
      %dma_wait3A_183 = arith.constant 0 : i32
      %dma_wait3A_184 = arith.constant 0 : i32
      %dma_wait3A_185 = tpu.memref_slice %arg8[%dma_wait3A_183, %dma_wait3A_184] : memref<40x125xi32, #tpu.memory_space<vmem>> -> memref<1x125xi32, #tpu.memory_space<vmem>>
      %dma_wait3A_186 = tpu.memref_squeeze %dma_wait3A_185 : memref<1x125xi32, #tpu.memory_space<vmem>> -> memref<125xi32, #tpu.memory_space<vmem>>
      %dma_wait3A_187 = arith.constant 0 : i32
      %dma_wait3A_188 = arith.constant 0 : i32
      %dma_wait3A_189 = tpu.memref_slice %arg6[%dma_wait3A_187, %dma_wait3A_188] : memref<10240x16xf32, #tpu.memory_space<vmem_shared>> -> memref<10240x16xf32, #tpu.memory_space<vmem_shared>>
      tpu.wait_indirect_dma semaphore(%arg17 : memref<!tpu.dma_semaphore, #tpu.memory_space<semaphore_mem>>) src(%arg9 : memref<125x16xf32, #tpu.memory_space<vmem>>) dst(%dma_wait3A_189 : memref<10240x16xf32, #tpu.memory_space<vmem_shared>>)
      %add3A_190 = arith.constant 0 : i32
      %add3A_191 = arith.addi %mul3A_106, %add3A_190 : i32
      %add3A_192 = arith.constant 4 : i32
      %add3A_193 = arith.addi %add3A_191, %add3A_192 : i32
      %min3A = arith.constant 39 : i32
      %min3A_194 = arith.minsi %add3A_193, %min3A : i32
      %dma_start3A_195 = arith.constant 0 : i32
      %dma_start3A_196 = tpu.memref_slice %arg7[%min3A_194, %dma_start3A_195] : memref<40x125xi32, #tpu.memory_space<vmem>> -> memref<1x125xi32, #tpu.memory_space<vmem>>
      %dma_start3A_197 = tpu.memref_squeeze %dma_start3A_196 : memref<1x125xi32, #tpu.memory_space<vmem>> -> memref<125xi32, #tpu.memory_space<vmem>>
      %dma_start3A_198 = arith.constant 0 : i32
      %dma_start3A_199 = arith.constant 0 : i32
      %dma_start3A_200 = tpu.memref_slice %arg2[%scan3A_50, %dma_start3A_198, %dma_start3A_199] : memref<1x10240x16xf32, #tpu.memory_space<hbm>> -> memref<1x10240x16xf32, #tpu.memory_space<hbm>>
      %dma_start3A_201 = tpu.memref_squeeze %dma_start3A_200 : memref<1x10240x16xf32, #tpu.memory_space<hbm>> -> memref<10240x16xf32, #tpu.memory_space<hbm>>
      %dma_start3A_202 = arith.constant 0 : i32
      %dma_start3A_203 = arith.constant 0 : i32
      %dma_start3A_204 = tpu.memref_slice %dma_start3A_201[%dma_start3A_202, %dma_start3A_203] : memref<10240x16xf32, #tpu.memory_space<hbm>> -> memref<10240x16xf32, #tpu.memory_space<hbm>>
      tpu.enqueue_indirect_dma source(%dma_start3A_204 : memref<10240x16xf32, #tpu.memory_space<hbm>>) target(%arg9 : memref<125x16xf32, #tpu.memory_space<vmem>>) offsets(%dma_start3A_197 : memref<125xi32, #tpu.memory_space<vmem>>) semaphore(%arg13 : memref<!tpu.dma_semaphore, #tpu.memory_space<semaphore_mem>>)
      %dma_wait3A_205 = arith.constant 0 : i32
      %dma_wait3A_206 = arith.constant 0 : i32
      %dma_wait3A_207 = tpu.memref_slice %arg8[%dma_wait3A_205, %dma_wait3A_206] : memref<40x125xi32, #tpu.memory_space<vmem>> -> memref<1x125xi32, #tpu.memory_space<vmem>>
      %dma_wait3A_208 = tpu.memref_squeeze %dma_wait3A_207 : memref<1x125xi32, #tpu.memory_space<vmem>> -> memref<125xi32, #tpu.memory_space<vmem>>
      %dma_wait3A_209 = arith.constant 0 : i32
      %dma_wait3A_210 = arith.constant 0 : i32
      %dma_wait3A_211 = tpu.memref_slice %arg6[%dma_wait3A_209, %dma_wait3A_210] : memref<10240x16xf32, #tpu.memory_space<vmem_shared>> -> memref<10240x16xf32, #tpu.memory_space<vmem_shared>>
      tpu.wait_indirect_dma semaphore(%arg18 : memref<!tpu.dma_semaphore, #tpu.memory_space<semaphore_mem>>) src(%arg10 : memref<125x16xf32, #tpu.memory_space<vmem>>) dst(%dma_wait3A_211 : memref<10240x16xf32, #tpu.memory_space<vmem_shared>>)
      %add3A_212 = arith.constant 1 : i32
      %add3A_213 = arith.addi %mul3A_106, %add3A_212 : i32
      %add3A_214 = arith.constant 4 : i32
      %add3A_215 = arith.addi %add3A_213, %add3A_214 : i32
      %min3A_216 = arith.constant 39 : i32
      %min3A_217 = arith.minsi %add3A_215, %min3A_216 : i32
      %dma_start3A_218 = arith.constant 0 : i32
      %dma_start3A_219 = tpu.memref_slice %arg7[%min3A_217, %dma_start3A_218] : memref<40x125xi32, #tpu.memory_space<vmem>> -> memref<1x125xi32, #tpu.memory_space<vmem>>
      %dma_start3A_220 = tpu.memref_squeeze %dma_start3A_219 : memref<1x125xi32, #tpu.memory_space<vmem>> -> memref<125xi32, #tpu.memory_space<vmem>>
      %dma_start3A_221 = arith.constant 0 : i32
      %dma_start3A_222 = arith.constant 0 : i32
      %dma_start3A_223 = tpu.memref_slice %arg2[%scan3A_50, %dma_start3A_221, %dma_start3A_222] : memref<1x10240x16xf32, #tpu.memory_space<hbm>> -> memref<1x10240x16xf32, #tpu.memory_space<hbm>>
      %dma_start3A_224 = tpu.memref_squeeze %dma_start3A_223 : memref<1x10240x16xf32, #tpu.memory_space<hbm>> -> memref<10240x16xf32, #tpu.memory_space<hbm>>
      %dma_start3A_225 = arith.constant 0 : i32
      %dma_start3A_226 = arith.constant 0 : i32
      %dma_start3A_227 = tpu.memref_slice %dma_start3A_224[%dma_start3A_225, %dma_start3A_226] : memref<10240x16xf32, #tpu.memory_space<hbm>> -> memref<10240x16xf32, #tpu.memory_space<hbm>>
      tpu.enqueue_indirect_dma source(%dma_start3A_227 : memref<10240x16xf32, #tpu.memory_space<hbm>>) target(%arg10 : memref<125x16xf32, #tpu.memory_space<vmem>>) offsets(%dma_start3A_220 : memref<125xi32, #tpu.memory_space<vmem>>) semaphore(%arg14 : memref<!tpu.dma_semaphore, #tpu.memory_space<semaphore_mem>>)
      %dma_wait3A_228 = arith.constant 0 : i32
      %dma_wait3A_229 = arith.constant 0 : i32
      %dma_wait3A_230 = tpu.memref_slice %arg8[%dma_wait3A_228, %dma_wait3A_229] : memref<40x125xi32, #tpu.memory_space<vmem>> -> memref<1x125xi32, #tpu.memory_space<vmem>>
      %dma_wait3A_231 = tpu.memref_squeeze %dma_wait3A_230 : memref<1x125xi32, #tpu.memory_space<vmem>> -> memref<125xi32, #tpu.memory_space<vmem>>
      %dma_wait3A_232 = arith.constant 0 : i32
      %dma_wait3A_233 = arith.constant 0 : i32
      %dma_wait3A_234 = tpu.memref_slice %arg6[%dma_wait3A_232, %dma_wait3A_233] : memref<10240x16xf32, #tpu.memory_space<vmem_shared>> -> memref<10240x16xf32, #tpu.memory_space<vmem_shared>>
      tpu.wait_indirect_dma semaphore(%arg19 : memref<!tpu.dma_semaphore, #tpu.memory_space<semaphore_mem>>) src(%arg11 : memref<125x16xf32, #tpu.memory_space<vmem>>) dst(%dma_wait3A_234 : memref<10240x16xf32, #tpu.memory_space<vmem_shared>>)
      %add3A_235 = arith.constant 2 : i32
      %add3A_236 = arith.addi %mul3A_106, %add3A_235 : i32
      %add3A_237 = arith.constant 4 : i32
      %add3A_238 = arith.addi %add3A_236, %add3A_237 : i32
      %min3A_239 = arith.constant 39 : i32
      %min3A_240 = arith.minsi %add3A_238, %min3A_239 : i32
      %dma_start3A_241 = arith.constant 0 : i32
      %dma_start3A_242 = tpu.memref_slice %arg7[%min3A_240, %dma_start3A_241] : memref<40x125xi32, #tpu.memory_space<vmem>> -> memref<1x125xi32, #tpu.memory_space<vmem>>
      %dma_start3A_243 = tpu.memref_squeeze %dma_start3A_242 : memref<1x125xi32, #tpu.memory_space<vmem>> -> memref<125xi32, #tpu.memory_space<vmem>>
      %dma_start3A_244 = arith.constant 0 : i32
      %dma_start3A_245 = arith.constant 0 : i32
      %dma_start3A_246 = tpu.memref_slice %arg2[%scan3A_50, %dma_start3A_244, %dma_start3A_245] : memref<1x10240x16xf32, #tpu.memory_space<hbm>> -> memref<1x10240x16xf32, #tpu.memory_space<hbm>>
      %dma_start3A_247 = tpu.memref_squeeze %dma_start3A_246 : memref<1x10240x16xf32, #tpu.memory_space<hbm>> -> memref<10240x16xf32, #tpu.memory_space<hbm>>
      %dma_start3A_248 = arith.constant 0 : i32
      %dma_start3A_249 = arith.constant 0 : i32
      %dma_start3A_250 = tpu.memref_slice %dma_start3A_247[%dma_start3A_248, %dma_start3A_249] : memref<10240x16xf32, #tpu.memory_space<hbm>> -> memref<10240x16xf32, #tpu.memory_space<hbm>>
      tpu.enqueue_indirect_dma source(%dma_start3A_250 : memref<10240x16xf32, #tpu.memory_space<hbm>>) target(%arg11 : memref<125x16xf32, #tpu.memory_space<vmem>>) offsets(%dma_start3A_243 : memref<125xi32, #tpu.memory_space<vmem>>) semaphore(%arg15 : memref<!tpu.dma_semaphore, #tpu.memory_space<semaphore_mem>>)
      %dma_wait3A_251 = arith.constant 0 : i32
      %dma_wait3A_252 = arith.constant 0 : i32
      %dma_wait3A_253 = tpu.memref_slice %arg8[%dma_wait3A_251, %dma_wait3A_252] : memref<40x125xi32, #tpu.memory_space<vmem>> -> memref<1x125xi32, #tpu.memory_space<vmem>>
      %dma_wait3A_254 = tpu.memref_squeeze %dma_wait3A_253 : memref<1x125xi32, #tpu.memory_space<vmem>> -> memref<125xi32, #tpu.memory_space<vmem>>
      %dma_wait3A_255 = arith.constant 0 : i32
      %dma_wait3A_256 = arith.constant 0 : i32
      %dma_wait3A_257 = tpu.memref_slice %arg6[%dma_wait3A_255, %dma_wait3A_256] : memref<10240x16xf32, #tpu.memory_space<vmem_shared>> -> memref<10240x16xf32, #tpu.memory_space<vmem_shared>>
      tpu.wait_indirect_dma semaphore(%arg20 : memref<!tpu.dma_semaphore, #tpu.memory_space<semaphore_mem>>) src(%arg12 : memref<125x16xf32, #tpu.memory_space<vmem>>) dst(%dma_wait3A_257 : memref<10240x16xf32, #tpu.memory_space<vmem_shared>>)
      %add3A_258 = arith.constant 3 : i32
      %add3A_259 = arith.addi %mul3A_106, %add3A_258 : i32
      %add3A_260 = arith.constant 4 : i32
      %add3A_261 = arith.addi %add3A_259, %add3A_260 : i32
      %min3A_262 = arith.constant 39 : i32
      %min3A_263 = arith.minsi %add3A_261, %min3A_262 : i32
      %dma_start3A_264 = arith.constant 0 : i32
      %dma_start3A_265 = tpu.memref_slice %arg7[%min3A_263, %dma_start3A_264] : memref<40x125xi32, #tpu.memory_space<vmem>> -> memref<1x125xi32, #tpu.memory_space<vmem>>
      %dma_start3A_266 = tpu.memref_squeeze %dma_start3A_265 : memref<1x125xi32, #tpu.memory_space<vmem>> -> memref<125xi32, #tpu.memory_space<vmem>>
      %dma_start3A_267 = arith.constant 0 : i32
      %dma_start3A_268 = arith.constant 0 : i32
      %dma_start3A_269 = tpu.memref_slice %arg2[%scan3A_50, %dma_start3A_267, %dma_start3A_268] : memref<1x10240x16xf32, #tpu.memory_space<hbm>> -> memref<1x10240x16xf32, #tpu.memory_space<hbm>>
      %dma_start3A_270 = tpu.memref_squeeze %dma_start3A_269 : memref<1x10240x16xf32, #tpu.memory_space<hbm>> -> memref<10240x16xf32, #tpu.memory_space<hbm>>
      %dma_start3A_271 = arith.constant 0 : i32
      %dma_start3A_272 = arith.constant 0 : i32
      %dma_start3A_273 = tpu.memref_slice %dma_start3A_270[%dma_start3A_271, %dma_start3A_272] : memref<10240x16xf32, #tpu.memory_space<hbm>> -> memref<10240x16xf32, #tpu.memory_space<hbm>>
      tpu.enqueue_indirect_dma source(%dma_start3A_273 : memref<10240x16xf32, #tpu.memory_space<hbm>>) target(%arg12 : memref<125x16xf32, #tpu.memory_space<vmem>>) offsets(%dma_start3A_266 : memref<125xi32, #tpu.memory_space<vmem>>) semaphore(%arg16 : memref<!tpu.dma_semaphore, #tpu.memory_space<semaphore_mem>>)
    }
    %scan3A_55 = arith.constant 10 : i32
    %dma_wait3A = arith.constant 0 : i32
    %dma_wait3A_56 = arith.constant 0 : i32
    %dma_wait3A_57 = arith.constant 0 : i32
    %dma_wait3A_58 = tpu.memref_slice %arg7[%dma_wait3A_56, %dma_wait3A_57] : memref<40x125xi32, #tpu.memory_space<vmem>> -> memref<1x125xi32, #tpu.memory_space<vmem>>
    %dma_wait3A_59 = tpu.memref_squeeze %dma_wait3A_58 : memref<1x125xi32, #tpu.memory_space<vmem>> -> memref<125xi32, #tpu.memory_space<vmem>>
    %dma_wait3A_60 = arith.constant 0 : i32
    %dma_wait3A_61 = arith.constant 0 : i32
    %dma_wait3A_62 = tpu.memref_slice %arg2[%dma_wait3A, %dma_wait3A_60, %dma_wait3A_61] : memref<1x10240x16xf32, #tpu.memory_space<hbm>> -> memref<1x10240x16xf32, #tpu.memory_space<hbm>>
    %dma_wait3A_63 = tpu.memref_squeeze %dma_wait3A_62 : memref<1x10240x16xf32, #tpu.memory_space<hbm>> -> memref<10240x16xf32, #tpu.memory_space<hbm>>
    %dma_wait3A_64 = arith.constant 0 : i32
    %dma_wait3A_65 = arith.constant 0 : i32
    %dma_wait3A_66 = tpu.memref_slice %dma_wait3A_63[%dma_wait3A_64, %dma_wait3A_65] : memref<10240x16xf32, #tpu.memory_space<hbm>> -> memref<10240x16xf32, #tpu.memory_space<hbm>>
    tpu.wait_indirect_dma semaphore(%arg13 : memref<!tpu.dma_semaphore, #tpu.memory_space<semaphore_mem>>) src(%dma_wait3A_66 : memref<10240x16xf32, #tpu.memory_space<hbm>>) dst(%arg9 : memref<125x16xf32, #tpu.memory_space<vmem>>)
    %dma_wait3A_67 = arith.constant 0 : i32
    %dma_wait3A_68 = arith.constant 0 : i32
    %dma_wait3A_69 = arith.constant 0 : i32
    %dma_wait3A_70 = tpu.memref_slice %arg7[%dma_wait3A_68, %dma_wait3A_69] : memref<40x125xi32, #tpu.memory_space<vmem>> -> memref<1x125xi32, #tpu.memory_space<vmem>>
    %dma_wait3A_71 = tpu.memref_squeeze %dma_wait3A_70 : memref<1x125xi32, #tpu.memory_space<vmem>> -> memref<125xi32, #tpu.memory_space<vmem>>
    %dma_wait3A_72 = arith.constant 0 : i32
    %dma_wait3A_73 = arith.constant 0 : i32
    %dma_wait3A_74 = tpu.memref_slice %arg2[%dma_wait3A_67, %dma_wait3A_72, %dma_wait3A_73] : memref<1x10240x16xf32, #tpu.memory_space<hbm>> -> memref<1x10240x16xf32, #tpu.memory_space<hbm>>
    %dma_wait3A_75 = tpu.memref_squeeze %dma_wait3A_74 : memref<1x10240x16xf32, #tpu.memory_space<hbm>> -> memref<10240x16xf32, #tpu.memory_space<hbm>>
    %dma_wait3A_76 = arith.constant 0 : i32
    %dma_wait3A_77 = arith.constant 0 : i32
    %dma_wait3A_78 = tpu.memref_slice %dma_wait3A_75[%dma_wait3A_76, %dma_wait3A_77] : memref<10240x16xf32, #tpu.memory_space<hbm>> -> memref<10240x16xf32, #tpu.memory_space<hbm>>
    tpu.wait_indirect_dma semaphore(%arg14 : memref<!tpu.dma_semaphore, #tpu.memory_space<semaphore_mem>>) src(%dma_wait3A_78 : memref<10240x16xf32, #tpu.memory_space<hbm>>) dst(%arg10 : memref<125x16xf32, #tpu.memory_space<vmem>>)
    %dma_wait3A_79 = arith.constant 0 : i32
    %dma_wait3A_80 = arith.constant 0 : i32
    %dma_wait3A_81 = arith.constant 0 : i32
    %dma_wait3A_82 = tpu.memref_slice %arg7[%dma_wait3A_80, %dma_wait3A_81] : memref<40x125xi32, #tpu.memory_space<vmem>> -> memref<1x125xi32, #tpu.memory_space<vmem>>
    %dma_wait3A_83 = tpu.memref_squeeze %dma_wait3A_82 : memref<1x125xi32, #tpu.memory_space<vmem>> -> memref<125xi32, #tpu.memory_space<vmem>>
    %dma_wait3A_84 = arith.constant 0 : i32
    %dma_wait3A_85 = arith.constant 0 : i32
    %dma_wait3A_86 = tpu.memref_slice %arg2[%dma_wait3A_79, %dma_wait3A_84, %dma_wait3A_85] : memref<1x10240x16xf32, #tpu.memory_space<hbm>> -> memref<1x10240x16xf32, #tpu.memory_space<hbm>>
    %dma_wait3A_87 = tpu.memref_squeeze %dma_wait3A_86 : memref<1x10240x16xf32, #tpu.memory_space<hbm>> -> memref<10240x16xf32, #tpu.memory_space<hbm>>
    %dma_wait3A_88 = arith.constant 0 : i32
    %dma_wait3A_89 = arith.constant 0 : i32
    %dma_wait3A_90 = tpu.memref_slice %dma_wait3A_87[%dma_wait3A_88, %dma_wait3A_89] : memref<10240x16xf32, #tpu.memory_space<hbm>> -> memref<10240x16xf32, #tpu.memory_space<hbm>>
    tpu.wait_indirect_dma semaphore(%arg15 : memref<!tpu.dma_semaphore, #tpu.memory_space<semaphore_mem>>) src(%dma_wait3A_90 : memref<10240x16xf32, #tpu.memory_space<hbm>>) dst(%arg11 : memref<125x16xf32, #tpu.memory_space<vmem>>)
    %dma_wait3A_91 = arith.constant 0 : i32
    %dma_wait3A_92 = arith.constant 0 : i32
    %dma_wait3A_93 = arith.constant 0 : i32
    %dma_wait3A_94 = tpu.memref_slice %arg7[%dma_wait3A_92, %dma_wait3A_93] : memref<40x125xi32, #tpu.memory_space<vmem>> -> memref<1x125xi32, #tpu.memory_space<vmem>>
    %dma_wait3A_95 = tpu.memref_squeeze %dma_wait3A_94 : memref<1x125xi32, #tpu.memory_space<vmem>> -> memref<125xi32, #tpu.memory_space<vmem>>
    %dma_wait3A_96 = arith.constant 0 : i32
    %dma_wait3A_97 = arith.constant 0 : i32
    %dma_wait3A_98 = tpu.memref_slice %arg2[%dma_wait3A_91, %dma_wait3A_96, %dma_wait3A_97] : memref<1x10240x16xf32, #tpu.memory_space<hbm>> -> memref<1x10240x16xf32, #tpu.memory_space<hbm>>
    %dma_wait3A_99 = tpu.memref_squeeze %dma_wait3A_98 : memref<1x10240x16xf32, #tpu.memory_space<hbm>> -> memref<10240x16xf32, #tpu.memory_space<hbm>>
    %dma_wait3A_100 = arith.constant 0 : i32
    %dma_wait3A_101 = arith.constant 0 : i32
    %dma_wait3A_102 = tpu.memref_slice %dma_wait3A_99[%dma_wait3A_100, %dma_wait3A_101] : memref<10240x16xf32, #tpu.memory_space<hbm>> -> memref<10240x16xf32, #tpu.memory_space<hbm>>
    tpu.wait_indirect_dma semaphore(%arg16 : memref<!tpu.dma_semaphore, #tpu.memory_space<semaphore_mem>>) src(%dma_wait3A_102 : memref<10240x16xf32, #tpu.memory_space<hbm>>) dst(%arg12 : memref<125x16xf32, #tpu.memory_space<vmem>>)
    %barrier3A_103 = arith.constant 0 : index
    tpu.barrier barrier_id(%barrier3A_103)
    "tpu.region"() ({
      %run_scoped3A_104 = tpu.sem_alloc : memref<!tpu.dma_semaphore, #tpu.memory_space<semaphore_mem>>
      %dma_start3A_105 = arith.constant 0 : i32
      %dma_start3A_106 = tpu.memref_slice %arg5[%arg0, %mul3A_0, %dma_start3A_105] : memref<2x10240x16xf32, #tpu.memory_space<hbm>> -> memref<1x640x16xf32, #tpu.memory_space<hbm>>
      %dma_start3A_107 = tpu.memref_squeeze %dma_start3A_106 : memref<1x640x16xf32, #tpu.memory_space<hbm>> -> memref<640x16xf32, #tpu.memory_space<hbm>>
      %dma_start3A_108 = arith.constant 0 : i32
      %dma_start3A_109 = tpu.memref_slice %arg6[%mul3A_0, %dma_start3A_108] : memref<10240x16xf32, #tpu.memory_space<vmem_shared>> -> memref<640x16xf32, #tpu.memory_space<vmem_shared>>
      tpu.enqueue_dma source(%dma_start3A_109 : memref<640x16xf32, #tpu.memory_space<vmem_shared>>) target(%dma_start3A_107 : memref<640x16xf32, #tpu.memory_space<hbm>>) target_semaphore(%run_scoped3A_104 : memref<!tpu.dma_semaphore, #tpu.memory_space<semaphore_mem>>)
      %dma_wait3A_110 = arith.constant 0 : i32
      %dma_wait3A_111 = tpu.memref_slice %arg5[%arg0, %mul3A_0, %dma_wait3A_110] : memref<2x10240x16xf32, #tpu.memory_space<hbm>> -> memref<1x640x16xf32, #tpu.memory_space<hbm>>
      %dma_wait3A_112 = tpu.memref_squeeze %dma_wait3A_111 : memref<1x640x16xf32, #tpu.memory_space<hbm>> -> memref<640x16xf32, #tpu.memory_space<hbm>>
      %dma_wait3A_113 = arith.constant 0 : i32
      %dma_wait3A_114 = tpu.memref_slice %arg6[%mul3A_0, %dma_wait3A_113] : memref<10240x16xf32, #tpu.memory_space<vmem_shared>> -> memref<640x16xf32, #tpu.memory_space<vmem_shared>>
      tpu.wait_dma2 semaphore(%run_scoped3A_104 : memref<!tpu.dma_semaphore, #tpu.memory_space<semaphore_mem>>) src(%dma_wait3A_114 : memref<640x16xf32, #tpu.memory_space<vmem_shared>>) dst(%dma_wait3A_112 : memref<640x16xf32, #tpu.memory_space<hbm>>)
      tpu.yield
    }) : () -> ()
    return
  }
}

#map = affine_map<(d0, d1) -> (0, 0, 0)>
module attributes {stable_mosaic.version = 14 : i64} {
  func.func @prop(%arg0: i32, %arg1: i32, %arg2: memref<4x10240x128xbf16, #tpu.memory_space<hbm>>, %arg3: memref<16x80x125xi32, #tpu.memory_space<hbm>>, %arg4: memref<16x80x125xi32, #tpu.memory_space<hbm>>, %arg5: memref<4x10240x128xbf16, #tpu.memory_space<hbm>>, %arg6: memref<10240x128xbf16, #tpu.memory_space<vmem_shared>>, %arg7: memref<80x125xi32, #tpu.memory_space<vmem>>, %arg8: memref<80x125xi32, #tpu.memory_space<vmem>>, %arg9: memref<125x128xbf16, #tpu.memory_space<vmem>>, %arg10: memref<125x128xbf16, #tpu.memory_space<vmem>>, %arg11: memref<125x128xbf16, #tpu.memory_space<vmem>>, %arg12: memref<125x128xbf16, #tpu.memory_space<vmem>>, %arg13: memref<!tpu.dma_semaphore, #tpu.memory_space<semaphore_mem>>, %arg14: memref<!tpu.dma_semaphore, #tpu.memory_space<semaphore_mem>>, %arg15: memref<!tpu.dma_semaphore, #tpu.memory_space<semaphore_mem>>, %arg16: memref<!tpu.dma_semaphore, #tpu.memory_space<semaphore_mem>>, %arg17: memref<!tpu.dma_semaphore, #tpu.memory_space<semaphore_mem>>, %arg18: memref<!tpu.dma_semaphore, #tpu.memory_space<semaphore_mem>>, %arg19: memref<!tpu.dma_semaphore, #tpu.memory_space<semaphore_mem>>, %arg20: memref<!tpu.dma_semaphore, #tpu.memory_space<semaphore_mem>>) attributes {dimension_semantics = [#tpu.dimension_semantics<core_parallel>, #tpu.dimension_semantics<subcore_parallel>], iteration_bounds = array<i64: 2, 16>, scalar_prefetch = 0 : i64, scratch_operands = 15 : i64, tpu.core_type = #tpu.core_type<sc_vector_subcore>, window_params = [{transform_indices = #map}, {transform_indices = #map}, {transform_indices = #map}, {transform_indices = #map}]} {
    %mul3A = arith.constant 640 : i32
    %mul3A_0 = arith.muli %arg1, %mul3A : i32
    "tpu.region"() ({
      %run_scoped3A = tpu.sem_alloc : memref<!tpu.dma_semaphore, #tpu.memory_space<semaphore_mem>>
      %dma_start3A_193 = arith.constant 0 : i32
      %dma_start3A_194 = arith.constant 0 : i32
      %dma_start3A_195 = tpu.memref_slice %arg4[%arg1, %dma_start3A_193, %dma_start3A_194] : memref<16x80x125xi32, #tpu.memory_space<hbm>> -> memref<1x80x125xi32, #tpu.memory_space<hbm>>
      %dma_start3A_196 = tpu.memref_squeeze %dma_start3A_195 : memref<1x80x125xi32, #tpu.memory_space<hbm>> -> memref<80x125xi32, #tpu.memory_space<hbm>>
      %dma_start3A_197 = arith.constant 0 : i32
      %dma_start3A_198 = arith.constant 0 : i32
      %dma_start3A_199 = tpu.memref_slice %arg4[%arg1, %dma_start3A_197, %dma_start3A_198] : memref<16x80x125xi32, #tpu.memory_space<hbm>> -> memref<1x80x125xi32, #tpu.memory_space<hbm>>
      %dma_start3A_200 = tpu.memref_squeeze %dma_start3A_199 : memref<1x80x125xi32, #tpu.memory_space<hbm>> -> memref<80x125xi32, #tpu.memory_space<hbm>>
      tpu.enqueue_dma source(%dma_start3A_200 : memref<80x125xi32, #tpu.memory_space<hbm>>) target(%arg8 : memref<80x125xi32, #tpu.memory_space<vmem>>) target_semaphore(%run_scoped3A : memref<!tpu.dma_semaphore, #tpu.memory_space<semaphore_mem>>)
      %dma_wait3A_201 = arith.constant 0 : i32
      %dma_wait3A_202 = arith.constant 0 : i32
      %dma_wait3A_203 = tpu.memref_slice %arg4[%arg1, %dma_wait3A_201, %dma_wait3A_202] : memref<16x80x125xi32, #tpu.memory_space<hbm>> -> memref<1x80x125xi32, #tpu.memory_space<hbm>>
      %dma_wait3A_204 = tpu.memref_squeeze %dma_wait3A_203 : memref<1x80x125xi32, #tpu.memory_space<hbm>> -> memref<80x125xi32, #tpu.memory_space<hbm>>
      %dma_wait3A_205 = arith.constant 0 : i32
      %dma_wait3A_206 = arith.constant 0 : i32
      %dma_wait3A_207 = tpu.memref_slice %arg4[%arg1, %dma_wait3A_205, %dma_wait3A_206] : memref<16x80x125xi32, #tpu.memory_space<hbm>> -> memref<1x80x125xi32, #tpu.memory_space<hbm>>
      %dma_wait3A_208 = tpu.memref_squeeze %dma_wait3A_207 : memref<1x80x125xi32, #tpu.memory_space<hbm>> -> memref<80x125xi32, #tpu.memory_space<hbm>>
      tpu.wait_dma2 semaphore(%run_scoped3A : memref<!tpu.dma_semaphore, #tpu.memory_space<semaphore_mem>>) src(%dma_wait3A_208 : memref<80x125xi32, #tpu.memory_space<hbm>>) dst(%arg8 : memref<80x125xi32, #tpu.memory_space<vmem>>)
      tpu.yield
    }) : () -> ()
    %add3A = arith.constant 0 : i32
    %add3A_1 = arith.addi %add3A, %arg0 : i32
    "tpu.region"() ({
      %run_scoped3A = tpu.sem_alloc : memref<!tpu.dma_semaphore, #tpu.memory_space<semaphore_mem>>
      %dma_start3A_193 = arith.constant 0 : i32
      %dma_start3A_194 = arith.constant 0 : i32
      %dma_start3A_195 = tpu.memref_slice %arg3[%arg1, %dma_start3A_193, %dma_start3A_194] : memref<16x80x125xi32, #tpu.memory_space<hbm>> -> memref<1x80x125xi32, #tpu.memory_space<hbm>>
      %dma_start3A_196 = tpu.memref_squeeze %dma_start3A_195 : memref<1x80x125xi32, #tpu.memory_space<hbm>> -> memref<80x125xi32, #tpu.memory_space<hbm>>
      %dma_start3A_197 = arith.constant 0 : i32
      %dma_start3A_198 = arith.constant 0 : i32
      %dma_start3A_199 = tpu.memref_slice %arg3[%arg1, %dma_start3A_197, %dma_start3A_198] : memref<16x80x125xi32, #tpu.memory_space<hbm>> -> memref<1x80x125xi32, #tpu.memory_space<hbm>>
      %dma_start3A_200 = tpu.memref_squeeze %dma_start3A_199 : memref<1x80x125xi32, #tpu.memory_space<hbm>> -> memref<80x125xi32, #tpu.memory_space<hbm>>
      tpu.enqueue_dma source(%dma_start3A_200 : memref<80x125xi32, #tpu.memory_space<hbm>>) target(%arg7 : memref<80x125xi32, #tpu.memory_space<vmem>>) target_semaphore(%run_scoped3A : memref<!tpu.dma_semaphore, #tpu.memory_space<semaphore_mem>>)
      %dma_wait3A_201 = arith.constant 0 : i32
      %dma_wait3A_202 = arith.constant 0 : i32
      %dma_wait3A_203 = tpu.memref_slice %arg3[%arg1, %dma_wait3A_201, %dma_wait3A_202] : memref<16x80x125xi32, #tpu.memory_space<hbm>> -> memref<1x80x125xi32, #tpu.memory_space<hbm>>
      %dma_wait3A_204 = tpu.memref_squeeze %dma_wait3A_203 : memref<1x80x125xi32, #tpu.memory_space<hbm>> -> memref<80x125xi32, #tpu.memory_space<hbm>>
      %dma_wait3A_205 = arith.constant 0 : i32
      %dma_wait3A_206 = arith.constant 0 : i32
      %dma_wait3A_207 = tpu.memref_slice %arg3[%arg1, %dma_wait3A_205, %dma_wait3A_206] : memref<16x80x125xi32, #tpu.memory_space<hbm>> -> memref<1x80x125xi32, #tpu.memory_space<hbm>>
      %dma_wait3A_208 = tpu.memref_squeeze %dma_wait3A_207 : memref<1x80x125xi32, #tpu.memory_space<hbm>> -> memref<80x125xi32, #tpu.memory_space<hbm>>
      tpu.wait_dma2 semaphore(%run_scoped3A : memref<!tpu.dma_semaphore, #tpu.memory_space<semaphore_mem>>) src(%dma_wait3A_208 : memref<80x125xi32, #tpu.memory_space<hbm>>) dst(%arg7 : memref<80x125xi32, #tpu.memory_space<vmem>>)
      tpu.yield
    }) : () -> ()
    "tpu.region"() ({
      %run_scoped3A = tpu.sem_alloc : memref<!tpu.dma_semaphore, #tpu.memory_space<semaphore_mem>>
      %dma_start3A_193 = arith.constant 0 : i32
      %dma_start3A_194 = tpu.memref_slice %arg6[%mul3A_0, %dma_start3A_193] : memref<10240x128xbf16, #tpu.memory_space<vmem_shared>> -> memref<640x128xbf16, #tpu.memory_space<vmem_shared>>
      %dma_start3A_195 = arith.constant 0 : i32
      %dma_start3A_196 = tpu.memref_slice %arg2[%add3A_1, %mul3A_0, %dma_start3A_195] : memref<4x10240x128xbf16, #tpu.memory_space<hbm>> -> memref<1x640x128xbf16, #tpu.memory_space<hbm>>
      %dma_start3A_197 = tpu.memref_squeeze %dma_start3A_196 : memref<1x640x128xbf16, #tpu.memory_space<hbm>> -> memref<640x128xbf16, #tpu.memory_space<hbm>>
      tpu.enqueue_dma source(%dma_start3A_197 : memref<640x128xbf16, #tpu.memory_space<hbm>>) target(%dma_start3A_194 : memref<640x128xbf16, #tpu.memory_space<vmem_shared>>) target_semaphore(%run_scoped3A : memref<!tpu.dma_semaphore, #tpu.memory_space<semaphore_mem>>)
      %dma_wait3A_198 = arith.constant 0 : i32
      %dma_wait3A_199 = tpu.memref_slice %arg6[%mul3A_0, %dma_wait3A_198] : memref<10240x128xbf16, #tpu.memory_space<vmem_shared>> -> memref<640x128xbf16, #tpu.memory_space<vmem_shared>>
      %dma_wait3A_200 = arith.constant 0 : i32
      %dma_wait3A_201 = tpu.memref_slice %arg2[%add3A_1, %mul3A_0, %dma_wait3A_200] : memref<4x10240x128xbf16, #tpu.memory_space<hbm>> -> memref<1x640x128xbf16, #tpu.memory_space<hbm>>
      %dma_wait3A_202 = tpu.memref_squeeze %dma_wait3A_201 : memref<1x640x128xbf16, #tpu.memory_space<hbm>> -> memref<640x128xbf16, #tpu.memory_space<hbm>>
      tpu.wait_dma2 semaphore(%run_scoped3A : memref<!tpu.dma_semaphore, #tpu.memory_space<semaphore_mem>>) src(%dma_wait3A_202 : memref<640x128xbf16, #tpu.memory_space<hbm>>) dst(%dma_wait3A_199 : memref<640x128xbf16, #tpu.memory_space<vmem_shared>>)
      tpu.yield
    }) : () -> ()
    %barrier3A = arith.constant 0 : index
    tpu.barrier barrier_id(%barrier3A)
    %dma_start3A = arith.constant 0 : i32
    %dma_start3A_2 = arith.constant 0 : i32
    %dma_start3A_3 = tpu.memref_slice %arg7[%dma_start3A, %dma_start3A_2] : memref<80x125xi32, #tpu.memory_space<vmem>> -> memref<1x125xi32, #tpu.memory_space<vmem>>
    %dma_start3A_4 = tpu.memref_squeeze %dma_start3A_3 : memref<1x125xi32, #tpu.memory_space<vmem>> -> memref<125xi32, #tpu.memory_space<vmem>>
    %dma_start3A_5 = arith.constant 0 : i32
    %dma_start3A_6 = arith.constant 0 : i32
    %dma_start3A_7 = tpu.memref_slice %arg2[%add3A_1, %dma_start3A_5, %dma_start3A_6] : memref<4x10240x128xbf16, #tpu.memory_space<hbm>> -> memref<1x10240x128xbf16, #tpu.memory_space<hbm>>
    %dma_start3A_8 = tpu.memref_squeeze %dma_start3A_7 : memref<1x10240x128xbf16, #tpu.memory_space<hbm>> -> memref<10240x128xbf16, #tpu.memory_space<hbm>>
    %dma_start3A_9 = arith.constant 0 : i32
    %dma_start3A_10 = arith.constant 0 : i32
    %dma_start3A_11 = tpu.memref_slice %dma_start3A_8[%dma_start3A_9, %dma_start3A_10] : memref<10240x128xbf16, #tpu.memory_space<hbm>> -> memref<10240x128xbf16, #tpu.memory_space<hbm>>
    tpu.enqueue_indirect_dma source(%dma_start3A_11 : memref<10240x128xbf16, #tpu.memory_space<hbm>>) target(%arg9 : memref<125x128xbf16, #tpu.memory_space<vmem>>) offsets(%dma_start3A_4 : memref<125xi32, #tpu.memory_space<vmem>>) semaphore(%arg13 : memref<!tpu.dma_semaphore, #tpu.memory_space<semaphore_mem>>)
    %dma_start3A_12 = arith.constant 1 : i32
    %dma_start3A_13 = arith.constant 0 : i32
    %dma_start3A_14 = tpu.memref_slice %arg7[%dma_start3A_12, %dma_start3A_13] : memref<80x125xi32, #tpu.memory_space<vmem>> -> memref<1x125xi32, #tpu.memory_space<vmem>>
    %dma_start3A_15 = tpu.memref_squeeze %dma_start3A_14 : memref<1x125xi32, #tpu.memory_space<vmem>> -> memref<125xi32, #tpu.memory_space<vmem>>
    %dma_start3A_16 = arith.constant 0 : i32
    %dma_start3A_17 = arith.constant 0 : i32
    %dma_start3A_18 = tpu.memref_slice %arg2[%add3A_1, %dma_start3A_16, %dma_start3A_17] : memref<4x10240x128xbf16, #tpu.memory_space<hbm>> -> memref<1x10240x128xbf16, #tpu.memory_space<hbm>>
    %dma_start3A_19 = tpu.memref_squeeze %dma_start3A_18 : memref<1x10240x128xbf16, #tpu.memory_space<hbm>> -> memref<10240x128xbf16, #tpu.memory_space<hbm>>
    %dma_start3A_20 = arith.constant 0 : i32
    %dma_start3A_21 = arith.constant 0 : i32
    %dma_start3A_22 = tpu.memref_slice %dma_start3A_19[%dma_start3A_20, %dma_start3A_21] : memref<10240x128xbf16, #tpu.memory_space<hbm>> -> memref<10240x128xbf16, #tpu.memory_space<hbm>>
    tpu.enqueue_indirect_dma source(%dma_start3A_22 : memref<10240x128xbf16, #tpu.memory_space<hbm>>) target(%arg10 : memref<125x128xbf16, #tpu.memory_space<vmem>>) offsets(%dma_start3A_15 : memref<125xi32, #tpu.memory_space<vmem>>) semaphore(%arg14 : memref<!tpu.dma_semaphore, #tpu.memory_space<semaphore_mem>>)
    %dma_start3A_23 = arith.constant 2 : i32
    %dma_start3A_24 = arith.constant 0 : i32
    %dma_start3A_25 = tpu.memref_slice %arg7[%dma_start3A_23, %dma_start3A_24] : memref<80x125xi32, #tpu.memory_space<vmem>> -> memref<1x125xi32, #tpu.memory_space<vmem>>
    %dma_start3A_26 = tpu.memref_squeeze %dma_start3A_25 : memref<1x125xi32, #tpu.memory_space<vmem>> -> memref<125xi32, #tpu.memory_space<vmem>>
    %dma_start3A_27 = arith.constant 0 : i32
    %dma_start3A_28 = arith.constant 0 : i32
    %dma_start3A_29 = tpu.memref_slice %arg2[%add3A_1, %dma_start3A_27, %dma_start3A_28] : memref<4x10240x128xbf16, #tpu.memory_space<hbm>> -> memref<1x10240x128xbf16, #tpu.memory_space<hbm>>
    %dma_start3A_30 = tpu.memref_squeeze %dma_start3A_29 : memref<1x10240x128xbf16, #tpu.memory_space<hbm>> -> memref<10240x128xbf16, #tpu.memory_space<hbm>>
    %dma_start3A_31 = arith.constant 0 : i32
    %dma_start3A_32 = arith.constant 0 : i32
    %dma_start3A_33 = tpu.memref_slice %dma_start3A_30[%dma_start3A_31, %dma_start3A_32] : memref<10240x128xbf16, #tpu.memory_space<hbm>> -> memref<10240x128xbf16, #tpu.memory_space<hbm>>
    tpu.enqueue_indirect_dma source(%dma_start3A_33 : memref<10240x128xbf16, #tpu.memory_space<hbm>>) target(%arg11 : memref<125x128xbf16, #tpu.memory_space<vmem>>) offsets(%dma_start3A_26 : memref<125xi32, #tpu.memory_space<vmem>>) semaphore(%arg15 : memref<!tpu.dma_semaphore, #tpu.memory_space<semaphore_mem>>)
    %dma_start3A_34 = arith.constant 3 : i32
    %dma_start3A_35 = arith.constant 0 : i32
    %dma_start3A_36 = tpu.memref_slice %arg7[%dma_start3A_34, %dma_start3A_35] : memref<80x125xi32, #tpu.memory_space<vmem>> -> memref<1x125xi32, #tpu.memory_space<vmem>>
    %dma_start3A_37 = tpu.memref_squeeze %dma_start3A_36 : memref<1x125xi32, #tpu.memory_space<vmem>> -> memref<125xi32, #tpu.memory_space<vmem>>
    %dma_start3A_38 = arith.constant 0 : i32
    %dma_start3A_39 = arith.constant 0 : i32
    %dma_start3A_40 = tpu.memref_slice %arg2[%add3A_1, %dma_start3A_38, %dma_start3A_39] : memref<4x10240x128xbf16, #tpu.memory_space<hbm>> -> memref<1x10240x128xbf16, #tpu.memory_space<hbm>>
    %dma_start3A_41 = tpu.memref_squeeze %dma_start3A_40 : memref<1x10240x128xbf16, #tpu.memory_space<hbm>> -> memref<10240x128xbf16, #tpu.memory_space<hbm>>
    %dma_start3A_42 = arith.constant 0 : i32
    %dma_start3A_43 = arith.constant 0 : i32
    %dma_start3A_44 = tpu.memref_slice %dma_start3A_41[%dma_start3A_42, %dma_start3A_43] : memref<10240x128xbf16, #tpu.memory_space<hbm>> -> memref<10240x128xbf16, #tpu.memory_space<hbm>>
    tpu.enqueue_indirect_dma source(%dma_start3A_44 : memref<10240x128xbf16, #tpu.memory_space<hbm>>) target(%arg12 : memref<125x128xbf16, #tpu.memory_space<vmem>>) offsets(%dma_start3A_37 : memref<125xi32, #tpu.memory_space<vmem>>) semaphore(%arg16 : memref<!tpu.dma_semaphore, #tpu.memory_space<semaphore_mem>>)
    %scan3A = arith.constant 0 : i32
    %scan3A_45 = arith.constant 0 : i32
    %scan3A_46 = arith.constant 20 : i32
    %scan3A_47 = arith.addi %scan3A_45, %scan3A_46 : i32
    %scan3A_48 = arith.constant 1 : i32
    scf.for %scan3A_193 = %scan3A_45 to %scan3A_47 step %scan3A_48  : i32 {
      %mul3A_194 = arith.constant 4 : i32
      %mul3A_195 = arith.muli %mul3A_194, %scan3A_193 : i32
      %dma_wait3A_196 = arith.constant 0 : i32
      %dma_wait3A_197 = arith.constant 0 : i32
      %dma_wait3A_198 = tpu.memref_slice %arg7[%dma_wait3A_196, %dma_wait3A_197] : memref<80x125xi32, #tpu.memory_space<vmem>> -> memref<1x125xi32, #tpu.memory_space<vmem>>
      %dma_wait3A_199 = tpu.memref_squeeze %dma_wait3A_198 : memref<1x125xi32, #tpu.memory_space<vmem>> -> memref<125xi32, #tpu.memory_space<vmem>>
      %dma_wait3A_200 = arith.constant 0 : i32
      %dma_wait3A_201 = arith.constant 0 : i32
      %dma_wait3A_202 = tpu.memref_slice %arg2[%add3A_1, %dma_wait3A_200, %dma_wait3A_201] : memref<4x10240x128xbf16, #tpu.memory_space<hbm>> -> memref<1x10240x128xbf16, #tpu.memory_space<hbm>>
      %dma_wait3A_203 = tpu.memref_squeeze %dma_wait3A_202 : memref<1x10240x128xbf16, #tpu.memory_space<hbm>> -> memref<10240x128xbf16, #tpu.memory_space<hbm>>
      %dma_wait3A_204 = arith.constant 0 : i32
      %dma_wait3A_205 = arith.constant 0 : i32
      %dma_wait3A_206 = tpu.memref_slice %dma_wait3A_203[%dma_wait3A_204, %dma_wait3A_205] : memref<10240x128xbf16, #tpu.memory_space<hbm>> -> memref<10240x128xbf16, #tpu.memory_space<hbm>>
      tpu.wait_indirect_dma semaphore(%arg13 : memref<!tpu.dma_semaphore, #tpu.memory_space<semaphore_mem>>) src(%dma_wait3A_206 : memref<10240x128xbf16, #tpu.memory_space<hbm>>) dst(%arg9 : memref<125x128xbf16, #tpu.memory_space<vmem>>)
      %add3A_207 = arith.constant 0 : i32
      %add3A_208 = arith.addi %mul3A_195, %add3A_207 : i32
      %dma_start3A_209 = arith.constant 0 : i32
      %dma_start3A_210 = tpu.memref_slice %arg8[%add3A_208, %dma_start3A_209] : memref<80x125xi32, #tpu.memory_space<vmem>> -> memref<1x125xi32, #tpu.memory_space<vmem>>
      %dma_start3A_211 = tpu.memref_squeeze %dma_start3A_210 : memref<1x125xi32, #tpu.memory_space<vmem>> -> memref<125xi32, #tpu.memory_space<vmem>>
      %dma_start3A_212 = arith.constant 0 : i32
      %dma_start3A_213 = arith.constant 0 : i32
      %dma_start3A_214 = tpu.memref_slice %arg6[%dma_start3A_212, %dma_start3A_213] : memref<10240x128xbf16, #tpu.memory_space<vmem_shared>> -> memref<10240x128xbf16, #tpu.memory_space<vmem_shared>>
      tpu.enqueue_indirect_dma source(%arg9 : memref<125x128xbf16, #tpu.memory_space<vmem>>) target(%dma_start3A_214 : memref<10240x128xbf16, #tpu.memory_space<vmem_shared>>) offsets(%dma_start3A_211 : memref<125xi32, #tpu.memory_space<vmem>>) semaphore(%arg17 : memref<!tpu.dma_semaphore, #tpu.memory_space<semaphore_mem>>) {add = true}
      %dma_wait3A_215 = arith.constant 0 : i32
      %dma_wait3A_216 = arith.constant 0 : i32
      %dma_wait3A_217 = tpu.memref_slice %arg7[%dma_wait3A_215, %dma_wait3A_216] : memref<80x125xi32, #tpu.memory_space<vmem>> -> memref<1x125xi32, #tpu.memory_space<vmem>>
      %dma_wait3A_218 = tpu.memref_squeeze %dma_wait3A_217 : memref<1x125xi32, #tpu.memory_space<vmem>> -> memref<125xi32, #tpu.memory_space<vmem>>
      %dma_wait3A_219 = arith.constant 0 : i32
      %dma_wait3A_220 = arith.constant 0 : i32
      %dma_wait3A_221 = tpu.memref_slice %arg2[%add3A_1, %dma_wait3A_219, %dma_wait3A_220] : memref<4x10240x128xbf16, #tpu.memory_space<hbm>> -> memref<1x10240x128xbf16, #tpu.memory_space<hbm>>
      %dma_wait3A_222 = tpu.memref_squeeze %dma_wait3A_221 : memref<1x10240x128xbf16, #tpu.memory_space<hbm>> -> memref<10240x128xbf16, #tpu.memory_space<hbm>>
      %dma_wait3A_223 = arith.constant 0 : i32
      %dma_wait3A_224 = arith.constant 0 : i32
      %dma_wait3A_225 = tpu.memref_slice %dma_wait3A_222[%dma_wait3A_223, %dma_wait3A_224] : memref<10240x128xbf16, #tpu.memory_space<hbm>> -> memref<10240x128xbf16, #tpu.memory_space<hbm>>
      tpu.wait_indirect_dma semaphore(%arg14 : memref<!tpu.dma_semaphore, #tpu.memory_space<semaphore_mem>>) src(%dma_wait3A_225 : memref<10240x128xbf16, #tpu.memory_space<hbm>>) dst(%arg10 : memref<125x128xbf16, #tpu.memory_space<vmem>>)
      %add3A_226 = arith.constant 1 : i32
      %add3A_227 = arith.addi %mul3A_195, %add3A_226 : i32
      %dma_start3A_228 = arith.constant 0 : i32
      %dma_start3A_229 = tpu.memref_slice %arg8[%add3A_227, %dma_start3A_228] : memref<80x125xi32, #tpu.memory_space<vmem>> -> memref<1x125xi32, #tpu.memory_space<vmem>>
      %dma_start3A_230 = tpu.memref_squeeze %dma_start3A_229 : memref<1x125xi32, #tpu.memory_space<vmem>> -> memref<125xi32, #tpu.memory_space<vmem>>
      %dma_start3A_231 = arith.constant 0 : i32
      %dma_start3A_232 = arith.constant 0 : i32
      %dma_start3A_233 = tpu.memref_slice %arg6[%dma_start3A_231, %dma_start3A_232] : memref<10240x128xbf16, #tpu.memory_space<vmem_shared>> -> memref<10240x128xbf16, #tpu.memory_space<vmem_shared>>
      tpu.enqueue_indirect_dma source(%arg10 : memref<125x128xbf16, #tpu.memory_space<vmem>>) target(%dma_start3A_233 : memref<10240x128xbf16, #tpu.memory_space<vmem_shared>>) offsets(%dma_start3A_230 : memref<125xi32, #tpu.memory_space<vmem>>) semaphore(%arg18 : memref<!tpu.dma_semaphore, #tpu.memory_space<semaphore_mem>>) {add = true}
      %dma_wait3A_234 = arith.constant 0 : i32
      %dma_wait3A_235 = arith.constant 0 : i32
      %dma_wait3A_236 = tpu.memref_slice %arg7[%dma_wait3A_234, %dma_wait3A_235] : memref<80x125xi32, #tpu.memory_space<vmem>> -> memref<1x125xi32, #tpu.memory_space<vmem>>
      %dma_wait3A_237 = tpu.memref_squeeze %dma_wait3A_236 : memref<1x125xi32, #tpu.memory_space<vmem>> -> memref<125xi32, #tpu.memory_space<vmem>>
      %dma_wait3A_238 = arith.constant 0 : i32
      %dma_wait3A_239 = arith.constant 0 : i32
      %dma_wait3A_240 = tpu.memref_slice %arg2[%add3A_1, %dma_wait3A_238, %dma_wait3A_239] : memref<4x10240x128xbf16, #tpu.memory_space<hbm>> -> memref<1x10240x128xbf16, #tpu.memory_space<hbm>>
      %dma_wait3A_241 = tpu.memref_squeeze %dma_wait3A_240 : memref<1x10240x128xbf16, #tpu.memory_space<hbm>> -> memref<10240x128xbf16, #tpu.memory_space<hbm>>
      %dma_wait3A_242 = arith.constant 0 : i32
      %dma_wait3A_243 = arith.constant 0 : i32
      %dma_wait3A_244 = tpu.memref_slice %dma_wait3A_241[%dma_wait3A_242, %dma_wait3A_243] : memref<10240x128xbf16, #tpu.memory_space<hbm>> -> memref<10240x128xbf16, #tpu.memory_space<hbm>>
      tpu.wait_indirect_dma semaphore(%arg15 : memref<!tpu.dma_semaphore, #tpu.memory_space<semaphore_mem>>) src(%dma_wait3A_244 : memref<10240x128xbf16, #tpu.memory_space<hbm>>) dst(%arg11 : memref<125x128xbf16, #tpu.memory_space<vmem>>)
      %add3A_245 = arith.constant 2 : i32
      %add3A_246 = arith.addi %mul3A_195, %add3A_245 : i32
      %dma_start3A_247 = arith.constant 0 : i32
      %dma_start3A_248 = tpu.memref_slice %arg8[%add3A_246, %dma_start3A_247] : memref<80x125xi32, #tpu.memory_space<vmem>> -> memref<1x125xi32, #tpu.memory_space<vmem>>
      %dma_start3A_249 = tpu.memref_squeeze %dma_start3A_248 : memref<1x125xi32, #tpu.memory_space<vmem>> -> memref<125xi32, #tpu.memory_space<vmem>>
      %dma_start3A_250 = arith.constant 0 : i32
      %dma_start3A_251 = arith.constant 0 : i32
      %dma_start3A_252 = tpu.memref_slice %arg6[%dma_start3A_250, %dma_start3A_251] : memref<10240x128xbf16, #tpu.memory_space<vmem_shared>> -> memref<10240x128xbf16, #tpu.memory_space<vmem_shared>>
      tpu.enqueue_indirect_dma source(%arg11 : memref<125x128xbf16, #tpu.memory_space<vmem>>) target(%dma_start3A_252 : memref<10240x128xbf16, #tpu.memory_space<vmem_shared>>) offsets(%dma_start3A_249 : memref<125xi32, #tpu.memory_space<vmem>>) semaphore(%arg19 : memref<!tpu.dma_semaphore, #tpu.memory_space<semaphore_mem>>) {add = true}
      %dma_wait3A_253 = arith.constant 0 : i32
      %dma_wait3A_254 = arith.constant 0 : i32
      %dma_wait3A_255 = tpu.memref_slice %arg7[%dma_wait3A_253, %dma_wait3A_254] : memref<80x125xi32, #tpu.memory_space<vmem>> -> memref<1x125xi32, #tpu.memory_space<vmem>>
      %dma_wait3A_256 = tpu.memref_squeeze %dma_wait3A_255 : memref<1x125xi32, #tpu.memory_space<vmem>> -> memref<125xi32, #tpu.memory_space<vmem>>
      %dma_wait3A_257 = arith.constant 0 : i32
      %dma_wait3A_258 = arith.constant 0 : i32
      %dma_wait3A_259 = tpu.memref_slice %arg2[%add3A_1, %dma_wait3A_257, %dma_wait3A_258] : memref<4x10240x128xbf16, #tpu.memory_space<hbm>> -> memref<1x10240x128xbf16, #tpu.memory_space<hbm>>
      %dma_wait3A_260 = tpu.memref_squeeze %dma_wait3A_259 : memref<1x10240x128xbf16, #tpu.memory_space<hbm>> -> memref<10240x128xbf16, #tpu.memory_space<hbm>>
      %dma_wait3A_261 = arith.constant 0 : i32
      %dma_wait3A_262 = arith.constant 0 : i32
      %dma_wait3A_263 = tpu.memref_slice %dma_wait3A_260[%dma_wait3A_261, %dma_wait3A_262] : memref<10240x128xbf16, #tpu.memory_space<hbm>> -> memref<10240x128xbf16, #tpu.memory_space<hbm>>
      tpu.wait_indirect_dma semaphore(%arg16 : memref<!tpu.dma_semaphore, #tpu.memory_space<semaphore_mem>>) src(%dma_wait3A_263 : memref<10240x128xbf16, #tpu.memory_space<hbm>>) dst(%arg12 : memref<125x128xbf16, #tpu.memory_space<vmem>>)
      %add3A_264 = arith.constant 3 : i32
      %add3A_265 = arith.addi %mul3A_195, %add3A_264 : i32
      %dma_start3A_266 = arith.constant 0 : i32
      %dma_start3A_267 = tpu.memref_slice %arg8[%add3A_265, %dma_start3A_266] : memref<80x125xi32, #tpu.memory_space<vmem>> -> memref<1x125xi32, #tpu.memory_space<vmem>>
      %dma_start3A_268 = tpu.memref_squeeze %dma_start3A_267 : memref<1x125xi32, #tpu.memory_space<vmem>> -> memref<125xi32, #tpu.memory_space<vmem>>
      %dma_start3A_269 = arith.constant 0 : i32
      %dma_start3A_270 = arith.constant 0 : i32
      %dma_start3A_271 = tpu.memref_slice %arg6[%dma_start3A_269, %dma_start3A_270] : memref<10240x128xbf16, #tpu.memory_space<vmem_shared>> -> memref<10240x128xbf16, #tpu.memory_space<vmem_shared>>
      tpu.enqueue_indirect_dma source(%arg12 : memref<125x128xbf16, #tpu.memory_space<vmem>>) target(%dma_start3A_271 : memref<10240x128xbf16, #tpu.memory_space<vmem_shared>>) offsets(%dma_start3A_268 : memref<125xi32, #tpu.memory_space<vmem>>) semaphore(%arg20 : memref<!tpu.dma_semaphore, #tpu.memory_space<semaphore_mem>>) {add = true}
      %dma_wait3A_272 = arith.constant 0 : i32
      %dma_wait3A_273 = arith.constant 0 : i32
      %dma_wait3A_274 = tpu.memref_slice %arg8[%dma_wait3A_272, %dma_wait3A_273] : memref<80x125xi32, #tpu.memory_space<vmem>> -> memref<1x125xi32, #tpu.memory_space<vmem>>
      %dma_wait3A_275 = tpu.memref_squeeze %dma_wait3A_274 : memref<1x125xi32, #tpu.memory_space<vmem>> -> memref<125xi32, #tpu.memory_space<vmem>>
      %dma_wait3A_276 = arith.constant 0 : i32
      %dma_wait3A_277 = arith.constant 0 : i32
      %dma_wait3A_278 = tpu.memref_slice %arg6[%dma_wait3A_276, %dma_wait3A_277] : memref<10240x128xbf16, #tpu.memory_space<vmem_shared>> -> memref<10240x128xbf16, #tpu.memory_space<vmem_shared>>
      tpu.wait_indirect_dma semaphore(%arg17 : memref<!tpu.dma_semaphore, #tpu.memory_space<semaphore_mem>>) src(%arg9 : memref<125x128xbf16, #tpu.memory_space<vmem>>) dst(%dma_wait3A_278 : memref<10240x128xbf16, #tpu.memory_space<vmem_shared>>)
      %add3A_279 = arith.constant 0 : i32
      %add3A_280 = arith.addi %mul3A_195, %add3A_279 : i32
      %add3A_281 = arith.constant 4 : i32
      %add3A_282 = arith.addi %add3A_280, %add3A_281 : i32
      %min3A = arith.constant 79 : i32
      %min3A_283 = arith.minsi %add3A_282, %min3A : i32
      %dma_start3A_284 = arith.constant 0 : i32
      %dma_start3A_285 = tpu.memref_slice %arg7[%min3A_283, %dma_start3A_284] : memref<80x125xi32, #tpu.memory_space<vmem>> -> memref<1x125xi32, #tpu.memory_space<vmem>>
      %dma_start3A_286 = tpu.memref_squeeze %dma_start3A_285 : memref<1x125xi32, #tpu.memory_space<vmem>> -> memref<125xi32, #tpu.memory_space<vmem>>
      %dma_start3A_287 = arith.constant 0 : i32
      %dma_start3A_288 = arith.constant 0 : i32
      %dma_start3A_289 = tpu.memref_slice %arg2[%add3A_1, %dma_start3A_287, %dma_start3A_288] : memref<4x10240x128xbf16, #tpu.memory_space<hbm>> -> memref<1x10240x128xbf16, #tpu.memory_space<hbm>>
      %dma_start3A_290 = tpu.memref_squeeze %dma_start3A_289 : memref<1x10240x128xbf16, #tpu.memory_space<hbm>> -> memref<10240x128xbf16, #tpu.memory_space<hbm>>
      %dma_start3A_291 = arith.constant 0 : i32
      %dma_start3A_292 = arith.constant 0 : i32
      %dma_start3A_293 = tpu.memref_slice %dma_start3A_290[%dma_start3A_291, %dma_start3A_292] : memref<10240x128xbf16, #tpu.memory_space<hbm>> -> memref<10240x128xbf16, #tpu.memory_space<hbm>>
      tpu.enqueue_indirect_dma source(%dma_start3A_293 : memref<10240x128xbf16, #tpu.memory_space<hbm>>) target(%arg9 : memref<125x128xbf16, #tpu.memory_space<vmem>>) offsets(%dma_start3A_286 : memref<125xi32, #tpu.memory_space<vmem>>) semaphore(%arg13 : memref<!tpu.dma_semaphore, #tpu.memory_space<semaphore_mem>>)
      %dma_wait3A_294 = arith.constant 0 : i32
      %dma_wait3A_295 = arith.constant 0 : i32
      %dma_wait3A_296 = tpu.memref_slice %arg8[%dma_wait3A_294, %dma_wait3A_295] : memref<80x125xi32, #tpu.memory_space<vmem>> -> memref<1x125xi32, #tpu.memory_space<vmem>>
      %dma_wait3A_297 = tpu.memref_squeeze %dma_wait3A_296 : memref<1x125xi32, #tpu.memory_space<vmem>> -> memref<125xi32, #tpu.memory_space<vmem>>
      %dma_wait3A_298 = arith.constant 0 : i32
      %dma_wait3A_299 = arith.constant 0 : i32
      %dma_wait3A_300 = tpu.memref_slice %arg6[%dma_wait3A_298, %dma_wait3A_299] : memref<10240x128xbf16, #tpu.memory_space<vmem_shared>> -> memref<10240x128xbf16, #tpu.memory_space<vmem_shared>>
      tpu.wait_indirect_dma semaphore(%arg18 : memref<!tpu.dma_semaphore, #tpu.memory_space<semaphore_mem>>) src(%arg10 : memref<125x128xbf16, #tpu.memory_space<vmem>>) dst(%dma_wait3A_300 : memref<10240x128xbf16, #tpu.memory_space<vmem_shared>>)
      %add3A_301 = arith.constant 1 : i32
      %add3A_302 = arith.addi %mul3A_195, %add3A_301 : i32
      %add3A_303 = arith.constant 4 : i32
      %add3A_304 = arith.addi %add3A_302, %add3A_303 : i32
      %min3A_305 = arith.constant 79 : i32
      %min3A_306 = arith.minsi %add3A_304, %min3A_305 : i32
      %dma_start3A_307 = arith.constant 0 : i32
      %dma_start3A_308 = tpu.memref_slice %arg7[%min3A_306, %dma_start3A_307] : memref<80x125xi32, #tpu.memory_space<vmem>> -> memref<1x125xi32, #tpu.memory_space<vmem>>
      %dma_start3A_309 = tpu.memref_squeeze %dma_start3A_308 : memref<1x125xi32, #tpu.memory_space<vmem>> -> memref<125xi32, #tpu.memory_space<vmem>>
      %dma_start3A_310 = arith.constant 0 : i32
      %dma_start3A_311 = arith.constant 0 : i32
      %dma_start3A_312 = tpu.memref_slice %arg2[%add3A_1, %dma_start3A_310, %dma_start3A_311] : memref<4x10240x128xbf16, #tpu.memory_space<hbm>> -> memref<1x10240x128xbf16, #tpu.memory_space<hbm>>
      %dma_start3A_313 = tpu.memref_squeeze %dma_start3A_312 : memref<1x10240x128xbf16, #tpu.memory_space<hbm>> -> memref<10240x128xbf16, #tpu.memory_space<hbm>>
      %dma_start3A_314 = arith.constant 0 : i32
      %dma_start3A_315 = arith.constant 0 : i32
      %dma_start3A_316 = tpu.memref_slice %dma_start3A_313[%dma_start3A_314, %dma_start3A_315] : memref<10240x128xbf16, #tpu.memory_space<hbm>> -> memref<10240x128xbf16, #tpu.memory_space<hbm>>
      tpu.enqueue_indirect_dma source(%dma_start3A_316 : memref<10240x128xbf16, #tpu.memory_space<hbm>>) target(%arg10 : memref<125x128xbf16, #tpu.memory_space<vmem>>) offsets(%dma_start3A_309 : memref<125xi32, #tpu.memory_space<vmem>>) semaphore(%arg14 : memref<!tpu.dma_semaphore, #tpu.memory_space<semaphore_mem>>)
      %dma_wait3A_317 = arith.constant 0 : i32
      %dma_wait3A_318 = arith.constant 0 : i32
      %dma_wait3A_319 = tpu.memref_slice %arg8[%dma_wait3A_317, %dma_wait3A_318] : memref<80x125xi32, #tpu.memory_space<vmem>> -> memref<1x125xi32, #tpu.memory_space<vmem>>
      %dma_wait3A_320 = tpu.memref_squeeze %dma_wait3A_319 : memref<1x125xi32, #tpu.memory_space<vmem>> -> memref<125xi32, #tpu.memory_space<vmem>>
      %dma_wait3A_321 = arith.constant 0 : i32
      %dma_wait3A_322 = arith.constant 0 : i32
      %dma_wait3A_323 = tpu.memref_slice %arg6[%dma_wait3A_321, %dma_wait3A_322] : memref<10240x128xbf16, #tpu.memory_space<vmem_shared>> -> memref<10240x128xbf16, #tpu.memory_space<vmem_shared>>
      tpu.wait_indirect_dma semaphore(%arg19 : memref<!tpu.dma_semaphore, #tpu.memory_space<semaphore_mem>>) src(%arg11 : memref<125x128xbf16, #tpu.memory_space<vmem>>) dst(%dma_wait3A_323 : memref<10240x128xbf16, #tpu.memory_space<vmem_shared>>)
      %add3A_324 = arith.constant 2 : i32
      %add3A_325 = arith.addi %mul3A_195, %add3A_324 : i32
      %add3A_326 = arith.constant 4 : i32
      %add3A_327 = arith.addi %add3A_325, %add3A_326 : i32
      %min3A_328 = arith.constant 79 : i32
      %min3A_329 = arith.minsi %add3A_327, %min3A_328 : i32
      %dma_start3A_330 = arith.constant 0 : i32
      %dma_start3A_331 = tpu.memref_slice %arg7[%min3A_329, %dma_start3A_330] : memref<80x125xi32, #tpu.memory_space<vmem>> -> memref<1x125xi32, #tpu.memory_space<vmem>>
      %dma_start3A_332 = tpu.memref_squeeze %dma_start3A_331 : memref<1x125xi32, #tpu.memory_space<vmem>> -> memref<125xi32, #tpu.memory_space<vmem>>
      %dma_start3A_333 = arith.constant 0 : i32
      %dma_start3A_334 = arith.constant 0 : i32
      %dma_start3A_335 = tpu.memref_slice %arg2[%add3A_1, %dma_start3A_333, %dma_start3A_334] : memref<4x10240x128xbf16, #tpu.memory_space<hbm>> -> memref<1x10240x128xbf16, #tpu.memory_space<hbm>>
      %dma_start3A_336 = tpu.memref_squeeze %dma_start3A_335 : memref<1x10240x128xbf16, #tpu.memory_space<hbm>> -> memref<10240x128xbf16, #tpu.memory_space<hbm>>
      %dma_start3A_337 = arith.constant 0 : i32
      %dma_start3A_338 = arith.constant 0 : i32
      %dma_start3A_339 = tpu.memref_slice %dma_start3A_336[%dma_start3A_337, %dma_start3A_338] : memref<10240x128xbf16, #tpu.memory_space<hbm>> -> memref<10240x128xbf16, #tpu.memory_space<hbm>>
      tpu.enqueue_indirect_dma source(%dma_start3A_339 : memref<10240x128xbf16, #tpu.memory_space<hbm>>) target(%arg11 : memref<125x128xbf16, #tpu.memory_space<vmem>>) offsets(%dma_start3A_332 : memref<125xi32, #tpu.memory_space<vmem>>) semaphore(%arg15 : memref<!tpu.dma_semaphore, #tpu.memory_space<semaphore_mem>>)
      %dma_wait3A_340 = arith.constant 0 : i32
      %dma_wait3A_341 = arith.constant 0 : i32
      %dma_wait3A_342 = tpu.memref_slice %arg8[%dma_wait3A_340, %dma_wait3A_341] : memref<80x125xi32, #tpu.memory_space<vmem>> -> memref<1x125xi32, #tpu.memory_space<vmem>>
      %dma_wait3A_343 = tpu.memref_squeeze %dma_wait3A_342 : memref<1x125xi32, #tpu.memory_space<vmem>> -> memref<125xi32, #tpu.memory_space<vmem>>
      %dma_wait3A_344 = arith.constant 0 : i32
      %dma_wait3A_345 = arith.constant 0 : i32
      %dma_wait3A_346 = tpu.memref_slice %arg6[%dma_wait3A_344, %dma_wait3A_345] : memref<10240x128xbf16, #tpu.memory_space<vmem_shared>> -> memref<10240x128xbf16, #tpu.memory_space<vmem_shared>>
      tpu.wait_indirect_dma semaphore(%arg20 : memref<!tpu.dma_semaphore, #tpu.memory_space<semaphore_mem>>) src(%arg12 : memref<125x128xbf16, #tpu.memory_space<vmem>>) dst(%dma_wait3A_346 : memref<10240x128xbf16, #tpu.memory_space<vmem_shared>>)
      %add3A_347 = arith.constant 3 : i32
      %add3A_348 = arith.addi %mul3A_195, %add3A_347 : i32
      %add3A_349 = arith.constant 4 : i32
      %add3A_350 = arith.addi %add3A_348, %add3A_349 : i32
      %min3A_351 = arith.constant 79 : i32
      %min3A_352 = arith.minsi %add3A_350, %min3A_351 : i32
      %dma_start3A_353 = arith.constant 0 : i32
      %dma_start3A_354 = tpu.memref_slice %arg7[%min3A_352, %dma_start3A_353] : memref<80x125xi32, #tpu.memory_space<vmem>> -> memref<1x125xi32, #tpu.memory_space<vmem>>
      %dma_start3A_355 = tpu.memref_squeeze %dma_start3A_354 : memref<1x125xi32, #tpu.memory_space<vmem>> -> memref<125xi32, #tpu.memory_space<vmem>>
      %dma_start3A_356 = arith.constant 0 : i32
      %dma_start3A_357 = arith.constant 0 : i32
      %dma_start3A_358 = tpu.memref_slice %arg2[%add3A_1, %dma_start3A_356, %dma_start3A_357] : memref<4x10240x128xbf16, #tpu.memory_space<hbm>> -> memref<1x10240x128xbf16, #tpu.memory_space<hbm>>
      %dma_start3A_359 = tpu.memref_squeeze %dma_start3A_358 : memref<1x10240x128xbf16, #tpu.memory_space<hbm>> -> memref<10240x128xbf16, #tpu.memory_space<hbm>>
      %dma_start3A_360 = arith.constant 0 : i32
      %dma_start3A_361 = arith.constant 0 : i32
      %dma_start3A_362 = tpu.memref_slice %dma_start3A_359[%dma_start3A_360, %dma_start3A_361] : memref<10240x128xbf16, #tpu.memory_space<hbm>> -> memref<10240x128xbf16, #tpu.memory_space<hbm>>
      tpu.enqueue_indirect_dma source(%dma_start3A_362 : memref<10240x128xbf16, #tpu.memory_space<hbm>>) target(%arg12 : memref<125x128xbf16, #tpu.memory_space<vmem>>) offsets(%dma_start3A_355 : memref<125xi32, #tpu.memory_space<vmem>>) semaphore(%arg16 : memref<!tpu.dma_semaphore, #tpu.memory_space<semaphore_mem>>)
    }
    %scan3A_49 = arith.constant 20 : i32
    %dma_wait3A = arith.constant 0 : i32
    %dma_wait3A_50 = arith.constant 0 : i32
    %dma_wait3A_51 = tpu.memref_slice %arg7[%dma_wait3A, %dma_wait3A_50] : memref<80x125xi32, #tpu.memory_space<vmem>> -> memref<1x125xi32, #tpu.memory_space<vmem>>
    %dma_wait3A_52 = tpu.memref_squeeze %dma_wait3A_51 : memref<1x125xi32, #tpu.memory_space<vmem>> -> memref<125xi32, #tpu.memory_space<vmem>>
    %dma_wait3A_53 = arith.constant 0 : i32
    %dma_wait3A_54 = arith.constant 0 : i32
    %dma_wait3A_55 = tpu.memref_slice %arg2[%add3A_1, %dma_wait3A_53, %dma_wait3A_54] : memref<4x10240x128xbf16, #tpu.memory_space<hbm>> -> memref<1x10240x128xbf16, #tpu.memory_space<hbm>>
    %dma_wait3A_56 = tpu.memref_squeeze %dma_wait3A_55 : memref<1x10240x128xbf16, #tpu.memory_space<hbm>> -> memref<10240x128xbf16, #tpu.memory_space<hbm>>
    %dma_wait3A_57 = arith.constant 0 : i32
    %dma_wait3A_58 = arith.constant 0 : i32
    %dma_wait3A_59 = tpu.memref_slice %dma_wait3A_56[%dma_wait3A_57, %dma_wait3A_58] : memref<10240x128xbf16, #tpu.memory_space<hbm>> -> memref<10240x128xbf16, #tpu.memory_space<hbm>>
    tpu.wait_indirect_dma semaphore(%arg13 : memref<!tpu.dma_semaphore, #tpu.memory_space<semaphore_mem>>) src(%dma_wait3A_59 : memref<10240x128xbf16, #tpu.memory_space<hbm>>) dst(%arg9 : memref<125x128xbf16, #tpu.memory_space<vmem>>)
    %dma_wait3A_60 = arith.constant 0 : i32
    %dma_wait3A_61 = arith.constant 0 : i32
    %dma_wait3A_62 = tpu.memref_slice %arg7[%dma_wait3A_60, %dma_wait3A_61] : memref<80x125xi32, #tpu.memory_space<vmem>> -> memref<1x125xi32, #tpu.memory_space<vmem>>
    %dma_wait3A_63 = tpu.memref_squeeze %dma_wait3A_62 : memref<1x125xi32, #tpu.memory_space<vmem>> -> memref<125xi32, #tpu.memory_space<vmem>>
    %dma_wait3A_64 = arith.constant 0 : i32
    %dma_wait3A_65 = arith.constant 0 : i32
    %dma_wait3A_66 = tpu.memref_slice %arg2[%add3A_1, %dma_wait3A_64, %dma_wait3A_65] : memref<4x10240x128xbf16, #tpu.memory_space<hbm>> -> memref<1x10240x128xbf16, #tpu.memory_space<hbm>>
    %dma_wait3A_67 = tpu.memref_squeeze %dma_wait3A_66 : memref<1x10240x128xbf16, #tpu.memory_space<hbm>> -> memref<10240x128xbf16, #tpu.memory_space<hbm>>
    %dma_wait3A_68 = arith.constant 0 : i32
    %dma_wait3A_69 = arith.constant 0 : i32
    %dma_wait3A_70 = tpu.memref_slice %dma_wait3A_67[%dma_wait3A_68, %dma_wait3A_69] : memref<10240x128xbf16, #tpu.memory_space<hbm>> -> memref<10240x128xbf16, #tpu.memory_space<hbm>>
    tpu.wait_indirect_dma semaphore(%arg14 : memref<!tpu.dma_semaphore, #tpu.memory_space<semaphore_mem>>) src(%dma_wait3A_70 : memref<10240x128xbf16, #tpu.memory_space<hbm>>) dst(%arg10 : memref<125x128xbf16, #tpu.memory_space<vmem>>)
    %dma_wait3A_71 = arith.constant 0 : i32
    %dma_wait3A_72 = arith.constant 0 : i32
    %dma_wait3A_73 = tpu.memref_slice %arg7[%dma_wait3A_71, %dma_wait3A_72] : memref<80x125xi32, #tpu.memory_space<vmem>> -> memref<1x125xi32, #tpu.memory_space<vmem>>
    %dma_wait3A_74 = tpu.memref_squeeze %dma_wait3A_73 : memref<1x125xi32, #tpu.memory_space<vmem>> -> memref<125xi32, #tpu.memory_space<vmem>>
    %dma_wait3A_75 = arith.constant 0 : i32
    %dma_wait3A_76 = arith.constant 0 : i32
    %dma_wait3A_77 = tpu.memref_slice %arg2[%add3A_1, %dma_wait3A_75, %dma_wait3A_76] : memref<4x10240x128xbf16, #tpu.memory_space<hbm>> -> memref<1x10240x128xbf16, #tpu.memory_space<hbm>>
    %dma_wait3A_78 = tpu.memref_squeeze %dma_wait3A_77 : memref<1x10240x128xbf16, #tpu.memory_space<hbm>> -> memref<10240x128xbf16, #tpu.memory_space<hbm>>
    %dma_wait3A_79 = arith.constant 0 : i32
    %dma_wait3A_80 = arith.constant 0 : i32
    %dma_wait3A_81 = tpu.memref_slice %dma_wait3A_78[%dma_wait3A_79, %dma_wait3A_80] : memref<10240x128xbf16, #tpu.memory_space<hbm>> -> memref<10240x128xbf16, #tpu.memory_space<hbm>>
    tpu.wait_indirect_dma semaphore(%arg15 : memref<!tpu.dma_semaphore, #tpu.memory_space<semaphore_mem>>) src(%dma_wait3A_81 : memref<10240x128xbf16, #tpu.memory_space<hbm>>) dst(%arg11 : memref<125x128xbf16, #tpu.memory_space<vmem>>)
    %dma_wait3A_82 = arith.constant 0 : i32
    %dma_wait3A_83 = arith.constant 0 : i32
    %dma_wait3A_84 = tpu.memref_slice %arg7[%dma_wait3A_82, %dma_wait3A_83] : memref<80x125xi32, #tpu.memory_space<vmem>> -> memref<1x125xi32, #tpu.memory_space<vmem>>
    %dma_wait3A_85 = tpu.memref_squeeze %dma_wait3A_84 : memref<1x125xi32, #tpu.memory_space<vmem>> -> memref<125xi32, #tpu.memory_space<vmem>>
    %dma_wait3A_86 = arith.constant 0 : i32
    %dma_wait3A_87 = arith.constant 0 : i32
    %dma_wait3A_88 = tpu.memref_slice %arg2[%add3A_1, %dma_wait3A_86, %dma_wait3A_87] : memref<4x10240x128xbf16, #tpu.memory_space<hbm>> -> memref<1x10240x128xbf16, #tpu.memory_space<hbm>>
    %dma_wait3A_89 = tpu.memref_squeeze %dma_wait3A_88 : memref<1x10240x128xbf16, #tpu.memory_space<hbm>> -> memref<10240x128xbf16, #tpu.memory_space<hbm>>
    %dma_wait3A_90 = arith.constant 0 : i32
    %dma_wait3A_91 = arith.constant 0 : i32
    %dma_wait3A_92 = tpu.memref_slice %dma_wait3A_89[%dma_wait3A_90, %dma_wait3A_91] : memref<10240x128xbf16, #tpu.memory_space<hbm>> -> memref<10240x128xbf16, #tpu.memory_space<hbm>>
    tpu.wait_indirect_dma semaphore(%arg16 : memref<!tpu.dma_semaphore, #tpu.memory_space<semaphore_mem>>) src(%dma_wait3A_92 : memref<10240x128xbf16, #tpu.memory_space<hbm>>) dst(%arg12 : memref<125x128xbf16, #tpu.memory_space<vmem>>)
    %barrier3A_93 = arith.constant 0 : index
    tpu.barrier barrier_id(%barrier3A_93)
    "tpu.region"() ({
      %run_scoped3A = tpu.sem_alloc : memref<!tpu.dma_semaphore, #tpu.memory_space<semaphore_mem>>
      %dma_start3A_193 = arith.constant 0 : i32
      %dma_start3A_194 = tpu.memref_slice %arg5[%add3A_1, %mul3A_0, %dma_start3A_193] : memref<4x10240x128xbf16, #tpu.memory_space<hbm>> -> memref<1x640x128xbf16, #tpu.memory_space<hbm>>
      %dma_start3A_195 = tpu.memref_squeeze %dma_start3A_194 : memref<1x640x128xbf16, #tpu.memory_space<hbm>> -> memref<640x128xbf16, #tpu.memory_space<hbm>>
      %dma_start3A_196 = arith.constant 0 : i32
      %dma_start3A_197 = tpu.memref_slice %arg6[%mul3A_0, %dma_start3A_196] : memref<10240x128xbf16, #tpu.memory_space<vmem_shared>> -> memref<640x128xbf16, #tpu.memory_space<vmem_shared>>
      tpu.enqueue_dma source(%dma_start3A_197 : memref<640x128xbf16, #tpu.memory_space<vmem_shared>>) target(%dma_start3A_195 : memref<640x128xbf16, #tpu.memory_space<hbm>>) target_semaphore(%run_scoped3A : memref<!tpu.dma_semaphore, #tpu.memory_space<semaphore_mem>>)
      %dma_wait3A_198 = arith.constant 0 : i32
      %dma_wait3A_199 = tpu.memref_slice %arg5[%add3A_1, %mul3A_0, %dma_wait3A_198] : memref<4x10240x128xbf16, #tpu.memory_space<hbm>> -> memref<1x640x128xbf16, #tpu.memory_space<hbm>>
      %dma_wait3A_200 = tpu.memref_squeeze %dma_wait3A_199 : memref<1x640x128xbf16, #tpu.memory_space<hbm>> -> memref<640x128xbf16, #tpu.memory_space<hbm>>
      %dma_wait3A_201 = arith.constant 0 : i32
      %dma_wait3A_202 = tpu.memref_slice %arg6[%mul3A_0, %dma_wait3A_201] : memref<10240x128xbf16, #tpu.memory_space<vmem_shared>> -> memref<640x128xbf16, #tpu.memory_space<vmem_shared>>
      tpu.wait_dma2 semaphore(%run_scoped3A : memref<!tpu.dma_semaphore, #tpu.memory_space<semaphore_mem>>) src(%dma_wait3A_202 : memref<640x128xbf16, #tpu.memory_space<vmem_shared>>) dst(%dma_wait3A_200 : memref<640x128xbf16, #tpu.memory_space<hbm>>)
      tpu.yield
    }) : () -> ()
    %barrier3A_94 = arith.constant 0 : index
    tpu.barrier barrier_id(%barrier3A_94)
    %add3A_95 = arith.constant 2 : i32
    %add3A_96 = arith.addi %add3A_95, %arg0 : i32
    "tpu.region"() ({
      %run_scoped3A = tpu.sem_alloc : memref<!tpu.dma_semaphore, #tpu.memory_space<semaphore_mem>>
      %dma_start3A_193 = arith.constant 0 : i32
      %dma_start3A_194 = tpu.memref_slice %arg6[%mul3A_0, %dma_start3A_193] : memref<10240x128xbf16, #tpu.memory_space<vmem_shared>> -> memref<640x128xbf16, #tpu.memory_space<vmem_shared>>
      %dma_start3A_195 = arith.constant 0 : i32
      %dma_start3A_196 = tpu.memref_slice %arg2[%add3A_96, %mul3A_0, %dma_start3A_195] : memref<4x10240x128xbf16, #tpu.memory_space<hbm>> -> memref<1x640x128xbf16, #tpu.memory_space<hbm>>
      %dma_start3A_197 = tpu.memref_squeeze %dma_start3A_196 : memref<1x640x128xbf16, #tpu.memory_space<hbm>> -> memref<640x128xbf16, #tpu.memory_space<hbm>>
      tpu.enqueue_dma source(%dma_start3A_197 : memref<640x128xbf16, #tpu.memory_space<hbm>>) target(%dma_start3A_194 : memref<640x128xbf16, #tpu.memory_space<vmem_shared>>) target_semaphore(%run_scoped3A : memref<!tpu.dma_semaphore, #tpu.memory_space<semaphore_mem>>)
      %dma_wait3A_198 = arith.constant 0 : i32
      %dma_wait3A_199 = tpu.memref_slice %arg6[%mul3A_0, %dma_wait3A_198] : memref<10240x128xbf16, #tpu.memory_space<vmem_shared>> -> memref<640x128xbf16, #tpu.memory_space<vmem_shared>>
      %dma_wait3A_200 = arith.constant 0 : i32
      %dma_wait3A_201 = tpu.memref_slice %arg2[%add3A_96, %mul3A_0, %dma_wait3A_200] : memref<4x10240x128xbf16, #tpu.memory_space<hbm>> -> memref<1x640x128xbf16, #tpu.memory_space<hbm>>
      %dma_wait3A_202 = tpu.memref_squeeze %dma_wait3A_201 : memref<1x640x128xbf16, #tpu.memory_space<hbm>> -> memref<640x128xbf16, #tpu.memory_space<hbm>>
      tpu.wait_dma2 semaphore(%run_scoped3A : memref<!tpu.dma_semaphore, #tpu.memory_space<semaphore_mem>>) src(%dma_wait3A_202 : memref<640x128xbf16, #tpu.memory_space<hbm>>) dst(%dma_wait3A_199 : memref<640x128xbf16, #tpu.memory_space<vmem_shared>>)
      tpu.yield
    }) : () -> ()
    %barrier3A_97 = arith.constant 0 : index
    tpu.barrier barrier_id(%barrier3A_97)
    %dma_start3A_98 = arith.constant 0 : i32
    %dma_start3A_99 = arith.constant 0 : i32
    %dma_start3A_100 = tpu.memref_slice %arg7[%dma_start3A_98, %dma_start3A_99] : memref<80x125xi32, #tpu.memory_space<vmem>> -> memref<1x125xi32, #tpu.memory_space<vmem>>
    %dma_start3A_101 = tpu.memref_squeeze %dma_start3A_100 : memref<1x125xi32, #tpu.memory_space<vmem>> -> memref<125xi32, #tpu.memory_space<vmem>>
    %dma_start3A_102 = arith.constant 0 : i32
    %dma_start3A_103 = arith.constant 0 : i32
    %dma_start3A_104 = tpu.memref_slice %arg2[%add3A_96, %dma_start3A_102, %dma_start3A_103] : memref<4x10240x128xbf16, #tpu.memory_space<hbm>> -> memref<1x10240x128xbf16, #tpu.memory_space<hbm>>
    %dma_start3A_105 = tpu.memref_squeeze %dma_start3A_104 : memref<1x10240x128xbf16, #tpu.memory_space<hbm>> -> memref<10240x128xbf16, #tpu.memory_space<hbm>>
    %dma_start3A_106 = arith.constant 0 : i32
    %dma_start3A_107 = arith.constant 0 : i32
    %dma_start3A_108 = tpu.memref_slice %dma_start3A_105[%dma_start3A_106, %dma_start3A_107] : memref<10240x128xbf16, #tpu.memory_space<hbm>> -> memref<10240x128xbf16, #tpu.memory_space<hbm>>
    tpu.enqueue_indirect_dma source(%dma_start3A_108 : memref<10240x128xbf16, #tpu.memory_space<hbm>>) target(%arg9 : memref<125x128xbf16, #tpu.memory_space<vmem>>) offsets(%dma_start3A_101 : memref<125xi32, #tpu.memory_space<vmem>>) semaphore(%arg13 : memref<!tpu.dma_semaphore, #tpu.memory_space<semaphore_mem>>)
    %dma_start3A_109 = arith.constant 1 : i32
    %dma_start3A_110 = arith.constant 0 : i32
    %dma_start3A_111 = tpu.memref_slice %arg7[%dma_start3A_109, %dma_start3A_110] : memref<80x125xi32, #tpu.memory_space<vmem>> -> memref<1x125xi32, #tpu.memory_space<vmem>>
    %dma_start3A_112 = tpu.memref_squeeze %dma_start3A_111 : memref<1x125xi32, #tpu.memory_space<vmem>> -> memref<125xi32, #tpu.memory_space<vmem>>
    %dma_start3A_113 = arith.constant 0 : i32
    %dma_start3A_114 = arith.constant 0 : i32
    %dma_start3A_115 = tpu.memref_slice %arg2[%add3A_96, %dma_start3A_113, %dma_start3A_114] : memref<4x10240x128xbf16, #tpu.memory_space<hbm>> -> memref<1x10240x128xbf16, #tpu.memory_space<hbm>>
    %dma_start3A_116 = tpu.memref_squeeze %dma_start3A_115 : memref<1x10240x128xbf16, #tpu.memory_space<hbm>> -> memref<10240x128xbf16, #tpu.memory_space<hbm>>
    %dma_start3A_117 = arith.constant 0 : i32
    %dma_start3A_118 = arith.constant 0 : i32
    %dma_start3A_119 = tpu.memref_slice %dma_start3A_116[%dma_start3A_117, %dma_start3A_118] : memref<10240x128xbf16, #tpu.memory_space<hbm>> -> memref<10240x128xbf16, #tpu.memory_space<hbm>>
    tpu.enqueue_indirect_dma source(%dma_start3A_119 : memref<10240x128xbf16, #tpu.memory_space<hbm>>) target(%arg10 : memref<125x128xbf16, #tpu.memory_space<vmem>>) offsets(%dma_start3A_112 : memref<125xi32, #tpu.memory_space<vmem>>) semaphore(%arg14 : memref<!tpu.dma_semaphore, #tpu.memory_space<semaphore_mem>>)
    %dma_start3A_120 = arith.constant 2 : i32
    %dma_start3A_121 = arith.constant 0 : i32
    %dma_start3A_122 = tpu.memref_slice %arg7[%dma_start3A_120, %dma_start3A_121] : memref<80x125xi32, #tpu.memory_space<vmem>> -> memref<1x125xi32, #tpu.memory_space<vmem>>
    %dma_start3A_123 = tpu.memref_squeeze %dma_start3A_122 : memref<1x125xi32, #tpu.memory_space<vmem>> -> memref<125xi32, #tpu.memory_space<vmem>>
    %dma_start3A_124 = arith.constant 0 : i32
    %dma_start3A_125 = arith.constant 0 : i32
    %dma_start3A_126 = tpu.memref_slice %arg2[%add3A_96, %dma_start3A_124, %dma_start3A_125] : memref<4x10240x128xbf16, #tpu.memory_space<hbm>> -> memref<1x10240x128xbf16, #tpu.memory_space<hbm>>
    %dma_start3A_127 = tpu.memref_squeeze %dma_start3A_126 : memref<1x10240x128xbf16, #tpu.memory_space<hbm>> -> memref<10240x128xbf16, #tpu.memory_space<hbm>>
    %dma_start3A_128 = arith.constant 0 : i32
    %dma_start3A_129 = arith.constant 0 : i32
    %dma_start3A_130 = tpu.memref_slice %dma_start3A_127[%dma_start3A_128, %dma_start3A_129] : memref<10240x128xbf16, #tpu.memory_space<hbm>> -> memref<10240x128xbf16, #tpu.memory_space<hbm>>
    tpu.enqueue_indirect_dma source(%dma_start3A_130 : memref<10240x128xbf16, #tpu.memory_space<hbm>>) target(%arg11 : memref<125x128xbf16, #tpu.memory_space<vmem>>) offsets(%dma_start3A_123 : memref<125xi32, #tpu.memory_space<vmem>>) semaphore(%arg15 : memref<!tpu.dma_semaphore, #tpu.memory_space<semaphore_mem>>)
    %dma_start3A_131 = arith.constant 3 : i32
    %dma_start3A_132 = arith.constant 0 : i32
    %dma_start3A_133 = tpu.memref_slice %arg7[%dma_start3A_131, %dma_start3A_132] : memref<80x125xi32, #tpu.memory_space<vmem>> -> memref<1x125xi32, #tpu.memory_space<vmem>>
    %dma_start3A_134 = tpu.memref_squeeze %dma_start3A_133 : memref<1x125xi32, #tpu.memory_space<vmem>> -> memref<125xi32, #tpu.memory_space<vmem>>
    %dma_start3A_135 = arith.constant 0 : i32
    %dma_start3A_136 = arith.constant 0 : i32
    %dma_start3A_137 = tpu.memref_slice %arg2[%add3A_96, %dma_start3A_135, %dma_start3A_136] : memref<4x10240x128xbf16, #tpu.memory_space<hbm>> -> memref<1x10240x128xbf16, #tpu.memory_space<hbm>>
    %dma_start3A_138 = tpu.memref_squeeze %dma_start3A_137 : memref<1x10240x128xbf16, #tpu.memory_space<hbm>> -> memref<10240x128xbf16, #tpu.memory_space<hbm>>
    %dma_start3A_139 = arith.constant 0 : i32
    %dma_start3A_140 = arith.constant 0 : i32
    %dma_start3A_141 = tpu.memref_slice %dma_start3A_138[%dma_start3A_139, %dma_start3A_140] : memref<10240x128xbf16, #tpu.memory_space<hbm>> -> memref<10240x128xbf16, #tpu.memory_space<hbm>>
    tpu.enqueue_indirect_dma source(%dma_start3A_141 : memref<10240x128xbf16, #tpu.memory_space<hbm>>) target(%arg12 : memref<125x128xbf16, #tpu.memory_space<vmem>>) offsets(%dma_start3A_134 : memref<125xi32, #tpu.memory_space<vmem>>) semaphore(%arg16 : memref<!tpu.dma_semaphore, #tpu.memory_space<semaphore_mem>>)
    %scan3A_142 = arith.constant 0 : i32
    %scan3A_143 = arith.constant 0 : i32
    %scan3A_144 = arith.constant 20 : i32
    %scan3A_145 = arith.addi %scan3A_143, %scan3A_144 : i32
    %scan3A_146 = arith.constant 1 : i32
    scf.for %scan3A_193 = %scan3A_143 to %scan3A_145 step %scan3A_146  : i32 {
      %mul3A_194 = arith.constant 4 : i32
      %mul3A_195 = arith.muli %mul3A_194, %scan3A_193 : i32
      %dma_wait3A_196 = arith.constant 0 : i32
      %dma_wait3A_197 = arith.constant 0 : i32
      %dma_wait3A_198 = tpu.memref_slice %arg7[%dma_wait3A_196, %dma_wait3A_197] : memref<80x125xi32, #tpu.memory_space<vmem>> -> memref<1x125xi32, #tpu.memory_space<vmem>>
      %dma_wait3A_199 = tpu.memref_squeeze %dma_wait3A_198 : memref<1x125xi32, #tpu.memory_space<vmem>> -> memref<125xi32, #tpu.memory_space<vmem>>
      %dma_wait3A_200 = arith.constant 0 : i32
      %dma_wait3A_201 = arith.constant 0 : i32
      %dma_wait3A_202 = tpu.memref_slice %arg2[%add3A_96, %dma_wait3A_200, %dma_wait3A_201] : memref<4x10240x128xbf16, #tpu.memory_space<hbm>> -> memref<1x10240x128xbf16, #tpu.memory_space<hbm>>
      %dma_wait3A_203 = tpu.memref_squeeze %dma_wait3A_202 : memref<1x10240x128xbf16, #tpu.memory_space<hbm>> -> memref<10240x128xbf16, #tpu.memory_space<hbm>>
      %dma_wait3A_204 = arith.constant 0 : i32
      %dma_wait3A_205 = arith.constant 0 : i32
      %dma_wait3A_206 = tpu.memref_slice %dma_wait3A_203[%dma_wait3A_204, %dma_wait3A_205] : memref<10240x128xbf16, #tpu.memory_space<hbm>> -> memref<10240x128xbf16, #tpu.memory_space<hbm>>
      tpu.wait_indirect_dma semaphore(%arg13 : memref<!tpu.dma_semaphore, #tpu.memory_space<semaphore_mem>>) src(%dma_wait3A_206 : memref<10240x128xbf16, #tpu.memory_space<hbm>>) dst(%arg9 : memref<125x128xbf16, #tpu.memory_space<vmem>>)
      %add3A_207 = arith.constant 0 : i32
      %add3A_208 = arith.addi %mul3A_195, %add3A_207 : i32
      %dma_start3A_209 = arith.constant 0 : i32
      %dma_start3A_210 = tpu.memref_slice %arg8[%add3A_208, %dma_start3A_209] : memref<80x125xi32, #tpu.memory_space<vmem>> -> memref<1x125xi32, #tpu.memory_space<vmem>>
      %dma_start3A_211 = tpu.memref_squeeze %dma_start3A_210 : memref<1x125xi32, #tpu.memory_space<vmem>> -> memref<125xi32, #tpu.memory_space<vmem>>
      %dma_start3A_212 = arith.constant 0 : i32
      %dma_start3A_213 = arith.constant 0 : i32
      %dma_start3A_214 = tpu.memref_slice %arg6[%dma_start3A_212, %dma_start3A_213] : memref<10240x128xbf16, #tpu.memory_space<vmem_shared>> -> memref<10240x128xbf16, #tpu.memory_space<vmem_shared>>
      tpu.enqueue_indirect_dma source(%arg9 : memref<125x128xbf16, #tpu.memory_space<vmem>>) target(%dma_start3A_214 : memref<10240x128xbf16, #tpu.memory_space<vmem_shared>>) offsets(%dma_start3A_211 : memref<125xi32, #tpu.memory_space<vmem>>) semaphore(%arg17 : memref<!tpu.dma_semaphore, #tpu.memory_space<semaphore_mem>>) {add = true}
      %dma_wait3A_215 = arith.constant 0 : i32
      %dma_wait3A_216 = arith.constant 0 : i32
      %dma_wait3A_217 = tpu.memref_slice %arg7[%dma_wait3A_215, %dma_wait3A_216] : memref<80x125xi32, #tpu.memory_space<vmem>> -> memref<1x125xi32, #tpu.memory_space<vmem>>
      %dma_wait3A_218 = tpu.memref_squeeze %dma_wait3A_217 : memref<1x125xi32, #tpu.memory_space<vmem>> -> memref<125xi32, #tpu.memory_space<vmem>>
      %dma_wait3A_219 = arith.constant 0 : i32
      %dma_wait3A_220 = arith.constant 0 : i32
      %dma_wait3A_221 = tpu.memref_slice %arg2[%add3A_96, %dma_wait3A_219, %dma_wait3A_220] : memref<4x10240x128xbf16, #tpu.memory_space<hbm>> -> memref<1x10240x128xbf16, #tpu.memory_space<hbm>>
      %dma_wait3A_222 = tpu.memref_squeeze %dma_wait3A_221 : memref<1x10240x128xbf16, #tpu.memory_space<hbm>> -> memref<10240x128xbf16, #tpu.memory_space<hbm>>
      %dma_wait3A_223 = arith.constant 0 : i32
      %dma_wait3A_224 = arith.constant 0 : i32
      %dma_wait3A_225 = tpu.memref_slice %dma_wait3A_222[%dma_wait3A_223, %dma_wait3A_224] : memref<10240x128xbf16, #tpu.memory_space<hbm>> -> memref<10240x128xbf16, #tpu.memory_space<hbm>>
      tpu.wait_indirect_dma semaphore(%arg14 : memref<!tpu.dma_semaphore, #tpu.memory_space<semaphore_mem>>) src(%dma_wait3A_225 : memref<10240x128xbf16, #tpu.memory_space<hbm>>) dst(%arg10 : memref<125x128xbf16, #tpu.memory_space<vmem>>)
      %add3A_226 = arith.constant 1 : i32
      %add3A_227 = arith.addi %mul3A_195, %add3A_226 : i32
      %dma_start3A_228 = arith.constant 0 : i32
      %dma_start3A_229 = tpu.memref_slice %arg8[%add3A_227, %dma_start3A_228] : memref<80x125xi32, #tpu.memory_space<vmem>> -> memref<1x125xi32, #tpu.memory_space<vmem>>
      %dma_start3A_230 = tpu.memref_squeeze %dma_start3A_229 : memref<1x125xi32, #tpu.memory_space<vmem>> -> memref<125xi32, #tpu.memory_space<vmem>>
      %dma_start3A_231 = arith.constant 0 : i32
      %dma_start3A_232 = arith.constant 0 : i32
      %dma_start3A_233 = tpu.memref_slice %arg6[%dma_start3A_231, %dma_start3A_232] : memref<10240x128xbf16, #tpu.memory_space<vmem_shared>> -> memref<10240x128xbf16, #tpu.memory_space<vmem_shared>>
      tpu.enqueue_indirect_dma source(%arg10 : memref<125x128xbf16, #tpu.memory_space<vmem>>) target(%dma_start3A_233 : memref<10240x128xbf16, #tpu.memory_space<vmem_shared>>) offsets(%dma_start3A_230 : memref<125xi32, #tpu.memory_space<vmem>>) semaphore(%arg18 : memref<!tpu.dma_semaphore, #tpu.memory_space<semaphore_mem>>) {add = true}
      %dma_wait3A_234 = arith.constant 0 : i32
      %dma_wait3A_235 = arith.constant 0 : i32
      %dma_wait3A_236 = tpu.memref_slice %arg7[%dma_wait3A_234, %dma_wait3A_235] : memref<80x125xi32, #tpu.memory_space<vmem>> -> memref<1x125xi32, #tpu.memory_space<vmem>>
      %dma_wait3A_237 = tpu.memref_squeeze %dma_wait3A_236 : memref<1x125xi32, #tpu.memory_space<vmem>> -> memref<125xi32, #tpu.memory_space<vmem>>
      %dma_wait3A_238 = arith.constant 0 : i32
      %dma_wait3A_239 = arith.constant 0 : i32
      %dma_wait3A_240 = tpu.memref_slice %arg2[%add3A_96, %dma_wait3A_238, %dma_wait3A_239] : memref<4x10240x128xbf16, #tpu.memory_space<hbm>> -> memref<1x10240x128xbf16, #tpu.memory_space<hbm>>
      %dma_wait3A_241 = tpu.memref_squeeze %dma_wait3A_240 : memref<1x10240x128xbf16, #tpu.memory_space<hbm>> -> memref<10240x128xbf16, #tpu.memory_space<hbm>>
      %dma_wait3A_242 = arith.constant 0 : i32
      %dma_wait3A_243 = arith.constant 0 : i32
      %dma_wait3A_244 = tpu.memref_slice %dma_wait3A_241[%dma_wait3A_242, %dma_wait3A_243] : memref<10240x128xbf16, #tpu.memory_space<hbm>> -> memref<10240x128xbf16, #tpu.memory_space<hbm>>
      tpu.wait_indirect_dma semaphore(%arg15 : memref<!tpu.dma_semaphore, #tpu.memory_space<semaphore_mem>>) src(%dma_wait3A_244 : memref<10240x128xbf16, #tpu.memory_space<hbm>>) dst(%arg11 : memref<125x128xbf16, #tpu.memory_space<vmem>>)
      %add3A_245 = arith.constant 2 : i32
      %add3A_246 = arith.addi %mul3A_195, %add3A_245 : i32
      %dma_start3A_247 = arith.constant 0 : i32
      %dma_start3A_248 = tpu.memref_slice %arg8[%add3A_246, %dma_start3A_247] : memref<80x125xi32, #tpu.memory_space<vmem>> -> memref<1x125xi32, #tpu.memory_space<vmem>>
      %dma_start3A_249 = tpu.memref_squeeze %dma_start3A_248 : memref<1x125xi32, #tpu.memory_space<vmem>> -> memref<125xi32, #tpu.memory_space<vmem>>
      %dma_start3A_250 = arith.constant 0 : i32
      %dma_start3A_251 = arith.constant 0 : i32
      %dma_start3A_252 = tpu.memref_slice %arg6[%dma_start3A_250, %dma_start3A_251] : memref<10240x128xbf16, #tpu.memory_space<vmem_shared>> -> memref<10240x128xbf16, #tpu.memory_space<vmem_shared>>
      tpu.enqueue_indirect_dma source(%arg11 : memref<125x128xbf16, #tpu.memory_space<vmem>>) target(%dma_start3A_252 : memref<10240x128xbf16, #tpu.memory_space<vmem_shared>>) offsets(%dma_start3A_249 : memref<125xi32, #tpu.memory_space<vmem>>) semaphore(%arg19 : memref<!tpu.dma_semaphore, #tpu.memory_space<semaphore_mem>>) {add = true}
      %dma_wait3A_253 = arith.constant 0 : i32
      %dma_wait3A_254 = arith.constant 0 : i32
      %dma_wait3A_255 = tpu.memref_slice %arg7[%dma_wait3A_253, %dma_wait3A_254] : memref<80x125xi32, #tpu.memory_space<vmem>> -> memref<1x125xi32, #tpu.memory_space<vmem>>
      %dma_wait3A_256 = tpu.memref_squeeze %dma_wait3A_255 : memref<1x125xi32, #tpu.memory_space<vmem>> -> memref<125xi32, #tpu.memory_space<vmem>>
      %dma_wait3A_257 = arith.constant 0 : i32
      %dma_wait3A_258 = arith.constant 0 : i32
      %dma_wait3A_259 = tpu.memref_slice %arg2[%add3A_96, %dma_wait3A_257, %dma_wait3A_258] : memref<4x10240x128xbf16, #tpu.memory_space<hbm>> -> memref<1x10240x128xbf16, #tpu.memory_space<hbm>>
      %dma_wait3A_260 = tpu.memref_squeeze %dma_wait3A_259 : memref<1x10240x128xbf16, #tpu.memory_space<hbm>> -> memref<10240x128xbf16, #tpu.memory_space<hbm>>
      %dma_wait3A_261 = arith.constant 0 : i32
      %dma_wait3A_262 = arith.constant 0 : i32
      %dma_wait3A_263 = tpu.memref_slice %dma_wait3A_260[%dma_wait3A_261, %dma_wait3A_262] : memref<10240x128xbf16, #tpu.memory_space<hbm>> -> memref<10240x128xbf16, #tpu.memory_space<hbm>>
      tpu.wait_indirect_dma semaphore(%arg16 : memref<!tpu.dma_semaphore, #tpu.memory_space<semaphore_mem>>) src(%dma_wait3A_263 : memref<10240x128xbf16, #tpu.memory_space<hbm>>) dst(%arg12 : memref<125x128xbf16, #tpu.memory_space<vmem>>)
      %add3A_264 = arith.constant 3 : i32
      %add3A_265 = arith.addi %mul3A_195, %add3A_264 : i32
      %dma_start3A_266 = arith.constant 0 : i32
      %dma_start3A_267 = tpu.memref_slice %arg8[%add3A_265, %dma_start3A_266] : memref<80x125xi32, #tpu.memory_space<vmem>> -> memref<1x125xi32, #tpu.memory_space<vmem>>
      %dma_start3A_268 = tpu.memref_squeeze %dma_start3A_267 : memref<1x125xi32, #tpu.memory_space<vmem>> -> memref<125xi32, #tpu.memory_space<vmem>>
      %dma_start3A_269 = arith.constant 0 : i32
      %dma_start3A_270 = arith.constant 0 : i32
      %dma_start3A_271 = tpu.memref_slice %arg6[%dma_start3A_269, %dma_start3A_270] : memref<10240x128xbf16, #tpu.memory_space<vmem_shared>> -> memref<10240x128xbf16, #tpu.memory_space<vmem_shared>>
      tpu.enqueue_indirect_dma source(%arg12 : memref<125x128xbf16, #tpu.memory_space<vmem>>) target(%dma_start3A_271 : memref<10240x128xbf16, #tpu.memory_space<vmem_shared>>) offsets(%dma_start3A_268 : memref<125xi32, #tpu.memory_space<vmem>>) semaphore(%arg20 : memref<!tpu.dma_semaphore, #tpu.memory_space<semaphore_mem>>) {add = true}
      %dma_wait3A_272 = arith.constant 0 : i32
      %dma_wait3A_273 = arith.constant 0 : i32
      %dma_wait3A_274 = tpu.memref_slice %arg8[%dma_wait3A_272, %dma_wait3A_273] : memref<80x125xi32, #tpu.memory_space<vmem>> -> memref<1x125xi32, #tpu.memory_space<vmem>>
      %dma_wait3A_275 = tpu.memref_squeeze %dma_wait3A_274 : memref<1x125xi32, #tpu.memory_space<vmem>> -> memref<125xi32, #tpu.memory_space<vmem>>
      %dma_wait3A_276 = arith.constant 0 : i32
      %dma_wait3A_277 = arith.constant 0 : i32
      %dma_wait3A_278 = tpu.memref_slice %arg6[%dma_wait3A_276, %dma_wait3A_277] : memref<10240x128xbf16, #tpu.memory_space<vmem_shared>> -> memref<10240x128xbf16, #tpu.memory_space<vmem_shared>>
      tpu.wait_indirect_dma semaphore(%arg17 : memref<!tpu.dma_semaphore, #tpu.memory_space<semaphore_mem>>) src(%arg9 : memref<125x128xbf16, #tpu.memory_space<vmem>>) dst(%dma_wait3A_278 : memref<10240x128xbf16, #tpu.memory_space<vmem_shared>>)
      %add3A_279 = arith.constant 0 : i32
      %add3A_280 = arith.addi %mul3A_195, %add3A_279 : i32
      %add3A_281 = arith.constant 4 : i32
      %add3A_282 = arith.addi %add3A_280, %add3A_281 : i32
      %min3A = arith.constant 79 : i32
      %min3A_283 = arith.minsi %add3A_282, %min3A : i32
      %dma_start3A_284 = arith.constant 0 : i32
      %dma_start3A_285 = tpu.memref_slice %arg7[%min3A_283, %dma_start3A_284] : memref<80x125xi32, #tpu.memory_space<vmem>> -> memref<1x125xi32, #tpu.memory_space<vmem>>
      %dma_start3A_286 = tpu.memref_squeeze %dma_start3A_285 : memref<1x125xi32, #tpu.memory_space<vmem>> -> memref<125xi32, #tpu.memory_space<vmem>>
      %dma_start3A_287 = arith.constant 0 : i32
      %dma_start3A_288 = arith.constant 0 : i32
      %dma_start3A_289 = tpu.memref_slice %arg2[%add3A_96, %dma_start3A_287, %dma_start3A_288] : memref<4x10240x128xbf16, #tpu.memory_space<hbm>> -> memref<1x10240x128xbf16, #tpu.memory_space<hbm>>
      %dma_start3A_290 = tpu.memref_squeeze %dma_start3A_289 : memref<1x10240x128xbf16, #tpu.memory_space<hbm>> -> memref<10240x128xbf16, #tpu.memory_space<hbm>>
      %dma_start3A_291 = arith.constant 0 : i32
      %dma_start3A_292 = arith.constant 0 : i32
      %dma_start3A_293 = tpu.memref_slice %dma_start3A_290[%dma_start3A_291, %dma_start3A_292] : memref<10240x128xbf16, #tpu.memory_space<hbm>> -> memref<10240x128xbf16, #tpu.memory_space<hbm>>
      tpu.enqueue_indirect_dma source(%dma_start3A_293 : memref<10240x128xbf16, #tpu.memory_space<hbm>>) target(%arg9 : memref<125x128xbf16, #tpu.memory_space<vmem>>) offsets(%dma_start3A_286 : memref<125xi32, #tpu.memory_space<vmem>>) semaphore(%arg13 : memref<!tpu.dma_semaphore, #tpu.memory_space<semaphore_mem>>)
      %dma_wait3A_294 = arith.constant 0 : i32
      %dma_wait3A_295 = arith.constant 0 : i32
      %dma_wait3A_296 = tpu.memref_slice %arg8[%dma_wait3A_294, %dma_wait3A_295] : memref<80x125xi32, #tpu.memory_space<vmem>> -> memref<1x125xi32, #tpu.memory_space<vmem>>
      %dma_wait3A_297 = tpu.memref_squeeze %dma_wait3A_296 : memref<1x125xi32, #tpu.memory_space<vmem>> -> memref<125xi32, #tpu.memory_space<vmem>>
      %dma_wait3A_298 = arith.constant 0 : i32
      %dma_wait3A_299 = arith.constant 0 : i32
      %dma_wait3A_300 = tpu.memref_slice %arg6[%dma_wait3A_298, %dma_wait3A_299] : memref<10240x128xbf16, #tpu.memory_space<vmem_shared>> -> memref<10240x128xbf16, #tpu.memory_space<vmem_shared>>
      tpu.wait_indirect_dma semaphore(%arg18 : memref<!tpu.dma_semaphore, #tpu.memory_space<semaphore_mem>>) src(%arg10 : memref<125x128xbf16, #tpu.memory_space<vmem>>) dst(%dma_wait3A_300 : memref<10240x128xbf16, #tpu.memory_space<vmem_shared>>)
      %add3A_301 = arith.constant 1 : i32
      %add3A_302 = arith.addi %mul3A_195, %add3A_301 : i32
      %add3A_303 = arith.constant 4 : i32
      %add3A_304 = arith.addi %add3A_302, %add3A_303 : i32
      %min3A_305 = arith.constant 79 : i32
      %min3A_306 = arith.minsi %add3A_304, %min3A_305 : i32
      %dma_start3A_307 = arith.constant 0 : i32
      %dma_start3A_308 = tpu.memref_slice %arg7[%min3A_306, %dma_start3A_307] : memref<80x125xi32, #tpu.memory_space<vmem>> -> memref<1x125xi32, #tpu.memory_space<vmem>>
      %dma_start3A_309 = tpu.memref_squeeze %dma_start3A_308 : memref<1x125xi32, #tpu.memory_space<vmem>> -> memref<125xi32, #tpu.memory_space<vmem>>
      %dma_start3A_310 = arith.constant 0 : i32
      %dma_start3A_311 = arith.constant 0 : i32
      %dma_start3A_312 = tpu.memref_slice %arg2[%add3A_96, %dma_start3A_310, %dma_start3A_311] : memref<4x10240x128xbf16, #tpu.memory_space<hbm>> -> memref<1x10240x128xbf16, #tpu.memory_space<hbm>>
      %dma_start3A_313 = tpu.memref_squeeze %dma_start3A_312 : memref<1x10240x128xbf16, #tpu.memory_space<hbm>> -> memref<10240x128xbf16, #tpu.memory_space<hbm>>
      %dma_start3A_314 = arith.constant 0 : i32
      %dma_start3A_315 = arith.constant 0 : i32
      %dma_start3A_316 = tpu.memref_slice %dma_start3A_313[%dma_start3A_314, %dma_start3A_315] : memref<10240x128xbf16, #tpu.memory_space<hbm>> -> memref<10240x128xbf16, #tpu.memory_space<hbm>>
      tpu.enqueue_indirect_dma source(%dma_start3A_316 : memref<10240x128xbf16, #tpu.memory_space<hbm>>) target(%arg10 : memref<125x128xbf16, #tpu.memory_space<vmem>>) offsets(%dma_start3A_309 : memref<125xi32, #tpu.memory_space<vmem>>) semaphore(%arg14 : memref<!tpu.dma_semaphore, #tpu.memory_space<semaphore_mem>>)
      %dma_wait3A_317 = arith.constant 0 : i32
      %dma_wait3A_318 = arith.constant 0 : i32
      %dma_wait3A_319 = tpu.memref_slice %arg8[%dma_wait3A_317, %dma_wait3A_318] : memref<80x125xi32, #tpu.memory_space<vmem>> -> memref<1x125xi32, #tpu.memory_space<vmem>>
      %dma_wait3A_320 = tpu.memref_squeeze %dma_wait3A_319 : memref<1x125xi32, #tpu.memory_space<vmem>> -> memref<125xi32, #tpu.memory_space<vmem>>
      %dma_wait3A_321 = arith.constant 0 : i32
      %dma_wait3A_322 = arith.constant 0 : i32
      %dma_wait3A_323 = tpu.memref_slice %arg6[%dma_wait3A_321, %dma_wait3A_322] : memref<10240x128xbf16, #tpu.memory_space<vmem_shared>> -> memref<10240x128xbf16, #tpu.memory_space<vmem_shared>>
      tpu.wait_indirect_dma semaphore(%arg19 : memref<!tpu.dma_semaphore, #tpu.memory_space<semaphore_mem>>) src(%arg11 : memref<125x128xbf16, #tpu.memory_space<vmem>>) dst(%dma_wait3A_323 : memref<10240x128xbf16, #tpu.memory_space<vmem_shared>>)
      %add3A_324 = arith.constant 2 : i32
      %add3A_325 = arith.addi %mul3A_195, %add3A_324 : i32
      %add3A_326 = arith.constant 4 : i32
      %add3A_327 = arith.addi %add3A_325, %add3A_326 : i32
      %min3A_328 = arith.constant 79 : i32
      %min3A_329 = arith.minsi %add3A_327, %min3A_328 : i32
      %dma_start3A_330 = arith.constant 0 : i32
      %dma_start3A_331 = tpu.memref_slice %arg7[%min3A_329, %dma_start3A_330] : memref<80x125xi32, #tpu.memory_space<vmem>> -> memref<1x125xi32, #tpu.memory_space<vmem>>
      %dma_start3A_332 = tpu.memref_squeeze %dma_start3A_331 : memref<1x125xi32, #tpu.memory_space<vmem>> -> memref<125xi32, #tpu.memory_space<vmem>>
      %dma_start3A_333 = arith.constant 0 : i32
      %dma_start3A_334 = arith.constant 0 : i32
      %dma_start3A_335 = tpu.memref_slice %arg2[%add3A_96, %dma_start3A_333, %dma_start3A_334] : memref<4x10240x128xbf16, #tpu.memory_space<hbm>> -> memref<1x10240x128xbf16, #tpu.memory_space<hbm>>
      %dma_start3A_336 = tpu.memref_squeeze %dma_start3A_335 : memref<1x10240x128xbf16, #tpu.memory_space<hbm>> -> memref<10240x128xbf16, #tpu.memory_space<hbm>>
      %dma_start3A_337 = arith.constant 0 : i32
      %dma_start3A_338 = arith.constant 0 : i32
      %dma_start3A_339 = tpu.memref_slice %dma_start3A_336[%dma_start3A_337, %dma_start3A_338] : memref<10240x128xbf16, #tpu.memory_space<hbm>> -> memref<10240x128xbf16, #tpu.memory_space<hbm>>
      tpu.enqueue_indirect_dma source(%dma_start3A_339 : memref<10240x128xbf16, #tpu.memory_space<hbm>>) target(%arg11 : memref<125x128xbf16, #tpu.memory_space<vmem>>) offsets(%dma_start3A_332 : memref<125xi32, #tpu.memory_space<vmem>>) semaphore(%arg15 : memref<!tpu.dma_semaphore, #tpu.memory_space<semaphore_mem>>)
      %dma_wait3A_340 = arith.constant 0 : i32
      %dma_wait3A_341 = arith.constant 0 : i32
      %dma_wait3A_342 = tpu.memref_slice %arg8[%dma_wait3A_340, %dma_wait3A_341] : memref<80x125xi32, #tpu.memory_space<vmem>> -> memref<1x125xi32, #tpu.memory_space<vmem>>
      %dma_wait3A_343 = tpu.memref_squeeze %dma_wait3A_342 : memref<1x125xi32, #tpu.memory_space<vmem>> -> memref<125xi32, #tpu.memory_space<vmem>>
      %dma_wait3A_344 = arith.constant 0 : i32
      %dma_wait3A_345 = arith.constant 0 : i32
      %dma_wait3A_346 = tpu.memref_slice %arg6[%dma_wait3A_344, %dma_wait3A_345] : memref<10240x128xbf16, #tpu.memory_space<vmem_shared>> -> memref<10240x128xbf16, #tpu.memory_space<vmem_shared>>
      tpu.wait_indirect_dma semaphore(%arg20 : memref<!tpu.dma_semaphore, #tpu.memory_space<semaphore_mem>>) src(%arg12 : memref<125x128xbf16, #tpu.memory_space<vmem>>) dst(%dma_wait3A_346 : memref<10240x128xbf16, #tpu.memory_space<vmem_shared>>)
      %add3A_347 = arith.constant 3 : i32
      %add3A_348 = arith.addi %mul3A_195, %add3A_347 : i32
      %add3A_349 = arith.constant 4 : i32
      %add3A_350 = arith.addi %add3A_348, %add3A_349 : i32
      %min3A_351 = arith.constant 79 : i32
      %min3A_352 = arith.minsi %add3A_350, %min3A_351 : i32
      %dma_start3A_353 = arith.constant 0 : i32
      %dma_start3A_354 = tpu.memref_slice %arg7[%min3A_352, %dma_start3A_353] : memref<80x125xi32, #tpu.memory_space<vmem>> -> memref<1x125xi32, #tpu.memory_space<vmem>>
      %dma_start3A_355 = tpu.memref_squeeze %dma_start3A_354 : memref<1x125xi32, #tpu.memory_space<vmem>> -> memref<125xi32, #tpu.memory_space<vmem>>
      %dma_start3A_356 = arith.constant 0 : i32
      %dma_start3A_357 = arith.constant 0 : i32
      %dma_start3A_358 = tpu.memref_slice %arg2[%add3A_96, %dma_start3A_356, %dma_start3A_357] : memref<4x10240x128xbf16, #tpu.memory_space<hbm>> -> memref<1x10240x128xbf16, #tpu.memory_space<hbm>>
      %dma_start3A_359 = tpu.memref_squeeze %dma_start3A_358 : memref<1x10240x128xbf16, #tpu.memory_space<hbm>> -> memref<10240x128xbf16, #tpu.memory_space<hbm>>
      %dma_start3A_360 = arith.constant 0 : i32
      %dma_start3A_361 = arith.constant 0 : i32
      %dma_start3A_362 = tpu.memref_slice %dma_start3A_359[%dma_start3A_360, %dma_start3A_361] : memref<10240x128xbf16, #tpu.memory_space<hbm>> -> memref<10240x128xbf16, #tpu.memory_space<hbm>>
      tpu.enqueue_indirect_dma source(%dma_start3A_362 : memref<10240x128xbf16, #tpu.memory_space<hbm>>) target(%arg12 : memref<125x128xbf16, #tpu.memory_space<vmem>>) offsets(%dma_start3A_355 : memref<125xi32, #tpu.memory_space<vmem>>) semaphore(%arg16 : memref<!tpu.dma_semaphore, #tpu.memory_space<semaphore_mem>>)
    }
    %scan3A_147 = arith.constant 20 : i32
    %dma_wait3A_148 = arith.constant 0 : i32
    %dma_wait3A_149 = arith.constant 0 : i32
    %dma_wait3A_150 = tpu.memref_slice %arg7[%dma_wait3A_148, %dma_wait3A_149] : memref<80x125xi32, #tpu.memory_space<vmem>> -> memref<1x125xi32, #tpu.memory_space<vmem>>
    %dma_wait3A_151 = tpu.memref_squeeze %dma_wait3A_150 : memref<1x125xi32, #tpu.memory_space<vmem>> -> memref<125xi32, #tpu.memory_space<vmem>>
    %dma_wait3A_152 = arith.constant 0 : i32
    %dma_wait3A_153 = arith.constant 0 : i32
    %dma_wait3A_154 = tpu.memref_slice %arg2[%add3A_96, %dma_wait3A_152, %dma_wait3A_153] : memref<4x10240x128xbf16, #tpu.memory_space<hbm>> -> memref<1x10240x128xbf16, #tpu.memory_space<hbm>>
    %dma_wait3A_155 = tpu.memref_squeeze %dma_wait3A_154 : memref<1x10240x128xbf16, #tpu.memory_space<hbm>> -> memref<10240x128xbf16, #tpu.memory_space<hbm>>
    %dma_wait3A_156 = arith.constant 0 : i32
    %dma_wait3A_157 = arith.constant 0 : i32
    %dma_wait3A_158 = tpu.memref_slice %dma_wait3A_155[%dma_wait3A_156, %dma_wait3A_157] : memref<10240x128xbf16, #tpu.memory_space<hbm>> -> memref<10240x128xbf16, #tpu.memory_space<hbm>>
    tpu.wait_indirect_dma semaphore(%arg13 : memref<!tpu.dma_semaphore, #tpu.memory_space<semaphore_mem>>) src(%dma_wait3A_158 : memref<10240x128xbf16, #tpu.memory_space<hbm>>) dst(%arg9 : memref<125x128xbf16, #tpu.memory_space<vmem>>)
    %dma_wait3A_159 = arith.constant 0 : i32
    %dma_wait3A_160 = arith.constant 0 : i32
    %dma_wait3A_161 = tpu.memref_slice %arg7[%dma_wait3A_159, %dma_wait3A_160] : memref<80x125xi32, #tpu.memory_space<vmem>> -> memref<1x125xi32, #tpu.memory_space<vmem>>
    %dma_wait3A_162 = tpu.memref_squeeze %dma_wait3A_161 : memref<1x125xi32, #tpu.memory_space<vmem>> -> memref<125xi32, #tpu.memory_space<vmem>>
    %dma_wait3A_163 = arith.constant 0 : i32
    %dma_wait3A_164 = arith.constant 0 : i32
    %dma_wait3A_165 = tpu.memref_slice %arg2[%add3A_96, %dma_wait3A_163, %dma_wait3A_164] : memref<4x10240x128xbf16, #tpu.memory_space<hbm>> -> memref<1x10240x128xbf16, #tpu.memory_space<hbm>>
    %dma_wait3A_166 = tpu.memref_squeeze %dma_wait3A_165 : memref<1x10240x128xbf16, #tpu.memory_space<hbm>> -> memref<10240x128xbf16, #tpu.memory_space<hbm>>
    %dma_wait3A_167 = arith.constant 0 : i32
    %dma_wait3A_168 = arith.constant 0 : i32
    %dma_wait3A_169 = tpu.memref_slice %dma_wait3A_166[%dma_wait3A_167, %dma_wait3A_168] : memref<10240x128xbf16, #tpu.memory_space<hbm>> -> memref<10240x128xbf16, #tpu.memory_space<hbm>>
    tpu.wait_indirect_dma semaphore(%arg14 : memref<!tpu.dma_semaphore, #tpu.memory_space<semaphore_mem>>) src(%dma_wait3A_169 : memref<10240x128xbf16, #tpu.memory_space<hbm>>) dst(%arg10 : memref<125x128xbf16, #tpu.memory_space<vmem>>)
    %dma_wait3A_170 = arith.constant 0 : i32
    %dma_wait3A_171 = arith.constant 0 : i32
    %dma_wait3A_172 = tpu.memref_slice %arg7[%dma_wait3A_170, %dma_wait3A_171] : memref<80x125xi32, #tpu.memory_space<vmem>> -> memref<1x125xi32, #tpu.memory_space<vmem>>
    %dma_wait3A_173 = tpu.memref_squeeze %dma_wait3A_172 : memref<1x125xi32, #tpu.memory_space<vmem>> -> memref<125xi32, #tpu.memory_space<vmem>>
    %dma_wait3A_174 = arith.constant 0 : i32
    %dma_wait3A_175 = arith.constant 0 : i32
    %dma_wait3A_176 = tpu.memref_slice %arg2[%add3A_96, %dma_wait3A_174, %dma_wait3A_175] : memref<4x10240x128xbf16, #tpu.memory_space<hbm>> -> memref<1x10240x128xbf16, #tpu.memory_space<hbm>>
    %dma_wait3A_177 = tpu.memref_squeeze %dma_wait3A_176 : memref<1x10240x128xbf16, #tpu.memory_space<hbm>> -> memref<10240x128xbf16, #tpu.memory_space<hbm>>
    %dma_wait3A_178 = arith.constant 0 : i32
    %dma_wait3A_179 = arith.constant 0 : i32
    %dma_wait3A_180 = tpu.memref_slice %dma_wait3A_177[%dma_wait3A_178, %dma_wait3A_179] : memref<10240x128xbf16, #tpu.memory_space<hbm>> -> memref<10240x128xbf16, #tpu.memory_space<hbm>>
    tpu.wait_indirect_dma semaphore(%arg15 : memref<!tpu.dma_semaphore, #tpu.memory_space<semaphore_mem>>) src(%dma_wait3A_180 : memref<10240x128xbf16, #tpu.memory_space<hbm>>) dst(%arg11 : memref<125x128xbf16, #tpu.memory_space<vmem>>)
    %dma_wait3A_181 = arith.constant 0 : i32
    %dma_wait3A_182 = arith.constant 0 : i32
    %dma_wait3A_183 = tpu.memref_slice %arg7[%dma_wait3A_181, %dma_wait3A_182] : memref<80x125xi32, #tpu.memory_space<vmem>> -> memref<1x125xi32, #tpu.memory_space<vmem>>
    %dma_wait3A_184 = tpu.memref_squeeze %dma_wait3A_183 : memref<1x125xi32, #tpu.memory_space<vmem>> -> memref<125xi32, #tpu.memory_space<vmem>>
    %dma_wait3A_185 = arith.constant 0 : i32
    %dma_wait3A_186 = arith.constant 0 : i32
    %dma_wait3A_187 = tpu.memref_slice %arg2[%add3A_96, %dma_wait3A_185, %dma_wait3A_186] : memref<4x10240x128xbf16, #tpu.memory_space<hbm>> -> memref<1x10240x128xbf16, #tpu.memory_space<hbm>>
    %dma_wait3A_188 = tpu.memref_squeeze %dma_wait3A_187 : memref<1x10240x128xbf16, #tpu.memory_space<hbm>> -> memref<10240x128xbf16, #tpu.memory_space<hbm>>
    %dma_wait3A_189 = arith.constant 0 : i32
    %dma_wait3A_190 = arith.constant 0 : i32
    %dma_wait3A_191 = tpu.memref_slice %dma_wait3A_188[%dma_wait3A_189, %dma_wait3A_190] : memref<10240x128xbf16, #tpu.memory_space<hbm>> -> memref<10240x128xbf16, #tpu.memory_space<hbm>>
    tpu.wait_indirect_dma semaphore(%arg16 : memref<!tpu.dma_semaphore, #tpu.memory_space<semaphore_mem>>) src(%dma_wait3A_191 : memref<10240x128xbf16, #tpu.memory_space<hbm>>) dst(%arg12 : memref<125x128xbf16, #tpu.memory_space<vmem>>)
    %barrier3A_192 = arith.constant 0 : index
    tpu.barrier barrier_id(%barrier3A_192)
    "tpu.region"() ({
      %run_scoped3A = tpu.sem_alloc : memref<!tpu.dma_semaphore, #tpu.memory_space<semaphore_mem>>
      %dma_start3A_193 = arith.constant 0 : i32
      %dma_start3A_194 = tpu.memref_slice %arg5[%add3A_96, %mul3A_0, %dma_start3A_193] : memref<4x10240x128xbf16, #tpu.memory_space<hbm>> -> memref<1x640x128xbf16, #tpu.memory_space<hbm>>
      %dma_start3A_195 = tpu.memref_squeeze %dma_start3A_194 : memref<1x640x128xbf16, #tpu.memory_space<hbm>> -> memref<640x128xbf16, #tpu.memory_space<hbm>>
      %dma_start3A_196 = arith.constant 0 : i32
      %dma_start3A_197 = tpu.memref_slice %arg6[%mul3A_0, %dma_start3A_196] : memref<10240x128xbf16, #tpu.memory_space<vmem_shared>> -> memref<640x128xbf16, #tpu.memory_space<vmem_shared>>
      tpu.enqueue_dma source(%dma_start3A_197 : memref<640x128xbf16, #tpu.memory_space<vmem_shared>>) target(%dma_start3A_195 : memref<640x128xbf16, #tpu.memory_space<hbm>>) target_semaphore(%run_scoped3A : memref<!tpu.dma_semaphore, #tpu.memory_space<semaphore_mem>>)
      %dma_wait3A_198 = arith.constant 0 : i32
      %dma_wait3A_199 = tpu.memref_slice %arg5[%add3A_96, %mul3A_0, %dma_wait3A_198] : memref<4x10240x128xbf16, #tpu.memory_space<hbm>> -> memref<1x640x128xbf16, #tpu.memory_space<hbm>>
      %dma_wait3A_200 = tpu.memref_squeeze %dma_wait3A_199 : memref<1x640x128xbf16, #tpu.memory_space<hbm>> -> memref<640x128xbf16, #tpu.memory_space<hbm>>
      %dma_wait3A_201 = arith.constant 0 : i32
      %dma_wait3A_202 = tpu.memref_slice %arg6[%mul3A_0, %dma_wait3A_201] : memref<10240x128xbf16, #tpu.memory_space<vmem_shared>> -> memref<640x128xbf16, #tpu.memory_space<vmem_shared>>
      tpu.wait_dma2 semaphore(%run_scoped3A : memref<!tpu.dma_semaphore, #tpu.memory_space<semaphore_mem>>) src(%dma_wait3A_202 : memref<640x128xbf16, #tpu.memory_space<vmem_shared>>) dst(%dma_wait3A_200 : memref<640x128xbf16, #tpu.memory_space<hbm>>)
      tpu.yield
    }) : () -> ()
    return
  }
}

module attributes {stable_mosaic.version = 14 : i64} {
  func.func @body(%arg0: i32, %arg1: memref<2x5120x16xf32, #tpu.memory_space<vmem>>, %arg2: memref<5120x256xf32, #tpu.memory_space<vmem>>, %arg3: memref<5120x16xf32, #tpu.memory_space<vmem>>, %arg4: memref<2x5120x128xbf16, #tpu.memory_space<vmem>>) attributes {dimension_semantics = [#tpu.dimension_semantics<arbitrary>], iteration_bounds = array<i64: 2>, scalar_prefetch = 0 : i64, scratch_operands = 0 : i64, tpu.core_type = #tpu.core_type<tc>, window_params = [{transform_indices = @transform_0, window_bounds = array<i64: 2, 5120, 16>}, {transform_indices = @transform_1, window_bounds = array<i64: 5120, 256>}, {transform_indices = @transform_2, window_bounds = array<i64: 5120, 16>}, {transform_indices = @transform_3, window_bounds = array<i64: 2, 5120, 128>}]} {
    %get3A = arith.constant 0 : index
    %get3A_0 = arith.constant 0 : index
    %get3A_1 = arith.constant 0 : index
    %get3A_2 = vector.load %arg1[%get3A, %get3A_0, %get3A_1] : memref<2x5120x16xf32, #tpu.memory_space<vmem>>, vector<2x5120x16xf32>
    %slice3A = vector.extract_strided_slice %get3A_2 {offsets = [0, 0, 0], sizes = [1, 5120, 1], strides = [1, 1, 1]} : vector<2x5120x16xf32> to vector<1x5120x1xf32>
    %squeeze3A = vector.shape_cast %slice3A : vector<1x5120x1xf32> to vector<5120x1xf32>
    %slice3A_3 = vector.extract_strided_slice %get3A_2 {offsets = [1, 0, 0], sizes = [1, 5120, 1], strides = [1, 1, 1]} : vector<2x5120x16xf32> to vector<1x5120x1xf32>
    %squeeze3A_4 = vector.shape_cast %slice3A_3 : vector<1x5120x1xf32> to vector<5120x1xf32>
    %add3A = arith.addf %squeeze3A, %squeeze3A_4 : vector<5120x1xf32>
    %sub3A = arith.constant 1.000000e+00 : f32
    %sub3A_5 = vector.broadcast %sub3A : f32 to vector<5120x1xf32>
    %sub3A_6 = arith.subf %add3A, %sub3A_5 : vector<5120x1xf32>
    %rsqrt3A = math.rsqrt %sub3A_6 : vector<5120x1xf32>
    %broadcast_in_dim3A = vector.shape_cast %rsqrt3A : vector<5120x1xf32> to vector<5120x1xf32>
    %broadcast_in_dim3A_7 = vector.broadcast %broadcast_in_dim3A : vector<5120x1xf32> to vector<5120x16xf32>
    %swap3A = arith.constant 0 : index
    %swap3A_8 = arith.constant 0 : index
    %swap3A_9 = vector.load %arg3[%swap3A, %swap3A_8] : memref<5120x16xf32, #tpu.memory_space<vmem>>, vector<5120x16xf32>
    tpu.vector_store %arg3[%swap3A, %swap3A_8], %broadcast_in_dim3A_7 {strides = array<i32>} : memref<5120x16xf32, #tpu.memory_space<vmem>>, vector<5120x16xf32>,
    %get3A_10 = arith.constant 0 : index
    %get3A_11 = arith.constant 0 : index
    %get3A_12 = vector.load %arg2[%get3A_10, %get3A_11] : memref<5120x256xf32, #tpu.memory_space<vmem>>, vector<5120x256xf32>
    %slice3A_13 = vector.extract_strided_slice %get3A_12 {offsets = [0, 0], sizes = [5120, 128], strides = [1, 1]} : vector<5120x256xf32> to vector<5120x128xf32>
    %mul3A = vector.broadcast %rsqrt3A : vector<5120x1xf32> to vector<5120x128xf32>
    %mul3A_14 = arith.mulf %slice3A_13, %mul3A : vector<5120x128xf32>
    %convert_element_type3A = arith.truncf %mul3A_14 : vector<5120x128xf32> to vector<5120x128xbf16>
    %swap3A_15 = arith.constant 0 : index
    %swap3A_16 = arith.constant 0 : index
    %swap3A_17 = arith.constant 0 : index
    %swap3A_18 = vector.load %arg4[%swap3A_15, %swap3A_16, %swap3A_17] : memref<2x5120x128xbf16, #tpu.memory_space<vmem>>, vector<1x5120x128xbf16>
    %swap3A_19 = vector.shape_cast %swap3A_18 : vector<1x5120x128xbf16> to vector<5120x128xbf16>
    %swap3A_20 = vector.shape_cast %convert_element_type3A : vector<5120x128xbf16> to vector<1x5120x128xbf16>
    tpu.vector_store %arg4[%swap3A_15, %swap3A_16, %swap3A_17], %swap3A_20 {strides = array<i32>} : memref<2x5120x128xbf16, #tpu.memory_space<vmem>>, vector<1x5120x128xbf16>,
    %slice3A_21 = vector.extract_strided_slice %get3A_12 {offsets = [0, 128], sizes = [5120, 128], strides = [1, 1]} : vector<5120x256xf32> to vector<5120x128xf32>
    %mul3A_22 = vector.broadcast %rsqrt3A : vector<5120x1xf32> to vector<5120x128xf32>
    %mul3A_23 = arith.mulf %slice3A_21, %mul3A_22 : vector<5120x128xf32>
    %convert_element_type3A_24 = arith.truncf %mul3A_23 : vector<5120x128xf32> to vector<5120x128xbf16>
    %swap3A_25 = arith.constant 1 : index
    %swap3A_26 = arith.constant 0 : index
    %swap3A_27 = arith.constant 0 : index
    %swap3A_28 = vector.load %arg4[%swap3A_25, %swap3A_26, %swap3A_27] : memref<2x5120x128xbf16, #tpu.memory_space<vmem>>, vector<1x5120x128xbf16>
    %swap3A_29 = vector.shape_cast %swap3A_28 : vector<1x5120x128xbf16> to vector<5120x128xbf16>
    %swap3A_30 = vector.shape_cast %convert_element_type3A_24 : vector<5120x128xbf16> to vector<1x5120x128xbf16>
    tpu.vector_store %arg4[%swap3A_25, %swap3A_26, %swap3A_27], %swap3A_30 {strides = array<i32>} : memref<2x5120x128xbf16, #tpu.memory_space<vmem>>, vector<1x5120x128xbf16>,
    return
  }
  func.func @transform_0(%arg0: i32) -> (i32, i32, i32) {
    %c0_i32 = arith.constant 0 : i32
    %c0_i32_0 = arith.constant 0 : i32
    %c0_i32_1 = arith.constant 0 : i32
    return %c0_i32, %arg0, %c0_i32_0 : i32, i32, i32
  }
  func.func @transform_1(%arg0: i32) -> (i32, i32) {
    %c0_i32 = arith.constant 0 : i32
    %c0_i32_0 = arith.constant 0 : i32
    return %arg0, %c0_i32 : i32, i32
  }
  func.func @transform_2(%arg0: i32) -> (i32, i32) {
    %c0_i32 = arith.constant 0 : i32
    %c0_i32_0 = arith.constant 0 : i32
    return %arg0, %c0_i32 : i32, i32
  }
  func.func @transform_3(%arg0: i32) -> (i32, i32, i32) {
    %c0_i32 = arith.constant 0 : i32
    %c0_i32_0 = arith.constant 0 : i32
    %c0_i32_1 = arith.constant 0 : i32
    return %c0_i32, %arg0, %c0_i32_0 : i32, i32, i32
  }
}

module attributes {stable_mosaic.version = 14 : i64} {
  func.func @body(%arg0: i32, %arg1: memref<2x5120x128xbf16, #tpu.memory_space<vmem>>, %arg2: memref<5120x16xf32, #tpu.memory_space<vmem>>, %arg3: memref<256x512xf32, #tpu.memory_space<vmem>>, %arg4: memref<1x512xf32, #tpu.memory_space<vmem>>, %arg5: memref<4x5120x128xbf16, #tpu.memory_space<vmem>>) attributes {dimension_semantics = [#tpu.dimension_semantics<arbitrary>], iteration_bounds = array<i64: 2>, scalar_prefetch = 0 : i64, scratch_operands = 0 : i64, tpu.core_type = #tpu.core_type<tc>, window_params = [{transform_indices = @transform_0, window_bounds = array<i64: 2, 5120, 128>}, {transform_indices = @transform_1, window_bounds = array<i64: 5120, 16>}, {pipeline_mode = #tpu.pipeline_mode<synchronous>, transform_indices = @transform_2, window_bounds = array<i64: 256, 512>}, {pipeline_mode = #tpu.pipeline_mode<synchronous>, transform_indices = @transform_3, window_bounds = array<i64: 1, 512>}, {transform_indices = @transform_4, window_bounds = array<i64: 4, 5120, 128>}]} {
    %get3A = arith.constant 0 : index
    %get3A_0 = arith.constant 0 : index
    %get3A_1 = arith.constant 0 : index
    %get3A_2 = vector.load %arg1[%get3A, %get3A_0, %get3A_1] : memref<2x5120x128xbf16, #tpu.memory_space<vmem>>, vector<2x5120x128xbf16>
    %convert_element_type3A = arith.extf %get3A_2 : vector<2x5120x128xbf16> to vector<2x5120x128xf32>
    %get3A_3 = arith.constant 0 : index
    %get3A_4 = arith.constant 0 : index
    %get3A_5 = vector.load %arg2[%get3A_3, %get3A_4] : memref<5120x16xf32, #tpu.memory_space<vmem>>, vector<5120x16xf32>
    %slice3A = vector.extract_strided_slice %get3A_5 {offsets = [0, 0], sizes = [5120, 1], strides = [1, 1]} : vector<5120x16xf32> to vector<5120x1xf32>
    %get3A_6 = arith.constant 0 : index
    %get3A_7 = arith.constant 0 : index
    %get3A_8 = vector.load %arg3[%get3A_6, %get3A_7] : memref<256x512xf32, #tpu.memory_space<vmem>>, vector<256x512xf32>
    %broadcast_in_dim3A = arith.constant 0.000000e+00 : f32
    %broadcast_in_dim3A_9 = vector.broadcast %broadcast_in_dim3A : f32 to vector<5120x512xf32>
    %slice3A_10 = vector.extract_strided_slice %convert_element_type3A {offsets = [0, 0, 0], sizes = [1, 5120, 128], strides = [1, 1, 1]} : vector<2x5120x128xf32> to vector<1x5120x128xf32>
    %squeeze3A = vector.shape_cast %slice3A_10 : vector<1x5120x128xf32> to vector<5120x128xf32>
    %mul3A = vector.broadcast %slice3A : vector<5120x1xf32> to vector<5120x128xf32>
    %mul3A_11 = arith.mulf %squeeze3A, %mul3A : vector<5120x128xf32>
    %slice3A_12 = vector.extract_strided_slice %get3A_8 {offsets = [0, 0], sizes = [128, 512], strides = [1, 1]} : vector<256x512xf32> to vector<128x512xf32>
    %dot_general3A = arith.constant dense<0.000000e+00> : vector<5120x512xf32>
    %dot_general3A_13 = tpu.matmul %mul3A_11, %slice3A_12, %dot_general3A {dimension_numbers = #tpu.dot_dimension_numbers<[1], [0], [0], [1], [0, 0, 1, 1], [], []>, transpose_lhs_hint = false} : vector<5120x128xf32>, vector<128x512xf32>, vector<5120x512xf32> -> vector<5120x512xf32>
    %add3A = arith.addf %broadcast_in_dim3A_9, %dot_general3A_13 : vector<5120x512xf32>
    %slice3A_14 = vector.extract_strided_slice %convert_element_type3A {offsets = [1, 0, 0], sizes = [1, 5120, 128], strides = [1, 1, 1]} : vector<2x5120x128xf32> to vector<1x5120x128xf32>
    %squeeze3A_15 = vector.shape_cast %slice3A_14 : vector<1x5120x128xf32> to vector<5120x128xf32>
    %mul3A_16 = vector.broadcast %slice3A : vector<5120x1xf32> to vector<5120x128xf32>
    %mul3A_17 = arith.mulf %squeeze3A_15, %mul3A_16 : vector<5120x128xf32>
    %slice3A_18 = vector.extract_strided_slice %get3A_8 {offsets = [128, 0], sizes = [128, 512], strides = [1, 1]} : vector<256x512xf32> to vector<128x512xf32>
    %dot_general3A_19 = arith.constant dense<0.000000e+00> : vector<5120x512xf32>
    %dot_general3A_20 = tpu.matmul %mul3A_17, %slice3A_18, %dot_general3A_19 {dimension_numbers = #tpu.dot_dimension_numbers<[1], [0], [0], [1], [0, 0, 1, 1], [], []>, transpose_lhs_hint = false} : vector<5120x128xf32>, vector<128x512xf32>, vector<5120x512xf32> -> vector<5120x512xf32>
    %add3A_21 = arith.addf %add3A, %dot_general3A_20 : vector<5120x512xf32>
    %get3A_22 = arith.constant 0 : index
    %get3A_23 = arith.constant 0 : index
    %get3A_24 = vector.load %arg4[%get3A_22, %get3A_23] : memref<1x512xf32, #tpu.memory_space<vmem>>, vector<1x512xf32>
    %add3A_25 = vector.broadcast %get3A_24 : vector<1x512xf32> to vector<5120x512xf32>
    %add3A_26 = arith.addf %add3A_21, %add3A_25 : vector<5120x512xf32>
    %max3A = arith.constant 0.000000e+00 : f32
    %max3A_27 = vector.broadcast %max3A : f32 to vector<5120x512xf32>
    %max3A_28 = arith.maximumf %add3A_26, %max3A_27 : vector<5120x512xf32>
    %mul3A_29 = vector.broadcast %slice3A : vector<5120x1xf32> to vector<5120x512xf32>
    %mul3A_30 = arith.mulf %max3A_28, %mul3A_29 : vector<5120x512xf32>
    %convert_element_type3A_31 = arith.truncf %mul3A_30 : vector<5120x512xf32> to vector<5120x512xbf16>
    %slice3A_32 = vector.extract_strided_slice %convert_element_type3A_31 {offsets = [0, 0], sizes = [5120, 128], strides = [1, 1]} : vector<5120x512xbf16> to vector<5120x128xbf16>
    %swap3A = arith.constant 0 : index
    %swap3A_33 = arith.constant 0 : index
    %swap3A_34 = arith.constant 0 : index
    %swap3A_35 = vector.load %arg5[%swap3A, %swap3A_33, %swap3A_34] : memref<4x5120x128xbf16, #tpu.memory_space<vmem>>, vector<1x5120x128xbf16>
    %swap3A_36 = vector.shape_cast %swap3A_35 : vector<1x5120x128xbf16> to vector<5120x128xbf16>
    %swap3A_37 = vector.shape_cast %slice3A_32 : vector<5120x128xbf16> to vector<1x5120x128xbf16>
    tpu.vector_store %arg5[%swap3A, %swap3A_33, %swap3A_34], %swap3A_37 {strides = array<i32>} : memref<4x5120x128xbf16, #tpu.memory_space<vmem>>, vector<1x5120x128xbf16>,
    %slice3A_38 = vector.extract_strided_slice %convert_element_type3A_31 {offsets = [0, 128], sizes = [5120, 128], strides = [1, 1]} : vector<5120x512xbf16> to vector<5120x128xbf16>
    %swap3A_39 = arith.constant 1 : index
    %swap3A_40 = arith.constant 0 : index
    %swap3A_41 = arith.constant 0 : index
    %swap3A_42 = vector.load %arg5[%swap3A_39, %swap3A_40, %swap3A_41] : memref<4x5120x128xbf16, #tpu.memory_space<vmem>>, vector<1x5120x128xbf16>
    %swap3A_43 = vector.shape_cast %swap3A_42 : vector<1x5120x128xbf16> to vector<5120x128xbf16>
    %swap3A_44 = vector.shape_cast %slice3A_38 : vector<5120x128xbf16> to vector<1x5120x128xbf16>
    tpu.vector_store %arg5[%swap3A_39, %swap3A_40, %swap3A_41], %swap3A_44 {strides = array<i32>} : memref<4x5120x128xbf16, #tpu.memory_space<vmem>>, vector<1x5120x128xbf16>,
    %slice3A_45 = vector.extract_strided_slice %convert_element_type3A_31 {offsets = [0, 256], sizes = [5120, 128], strides = [1, 1]} : vector<5120x512xbf16> to vector<5120x128xbf16>
    %swap3A_46 = arith.constant 2 : index
    %swap3A_47 = arith.constant 0 : index
    %swap3A_48 = arith.constant 0 : index
    %swap3A_49 = vector.load %arg5[%swap3A_46, %swap3A_47, %swap3A_48] : memref<4x5120x128xbf16, #tpu.memory_space<vmem>>, vector<1x5120x128xbf16>
    %swap3A_50 = vector.shape_cast %swap3A_49 : vector<1x5120x128xbf16> to vector<5120x128xbf16>
    %swap3A_51 = vector.shape_cast %slice3A_45 : vector<5120x128xbf16> to vector<1x5120x128xbf16>
    tpu.vector_store %arg5[%swap3A_46, %swap3A_47, %swap3A_48], %swap3A_51 {strides = array<i32>} : memref<4x5120x128xbf16, #tpu.memory_space<vmem>>, vector<1x5120x128xbf16>,
    %slice3A_52 = vector.extract_strided_slice %convert_element_type3A_31 {offsets = [0, 384], sizes = [5120, 128], strides = [1, 1]} : vector<5120x512xbf16> to vector<5120x128xbf16>
    %swap3A_53 = arith.constant 3 : index
    %swap3A_54 = arith.constant 0 : index
    %swap3A_55 = arith.constant 0 : index
    %swap3A_56 = vector.load %arg5[%swap3A_53, %swap3A_54, %swap3A_55] : memref<4x5120x128xbf16, #tpu.memory_space<vmem>>, vector<1x5120x128xbf16>
    %swap3A_57 = vector.shape_cast %swap3A_56 : vector<1x5120x128xbf16> to vector<5120x128xbf16>
    %swap3A_58 = vector.shape_cast %slice3A_52 : vector<5120x128xbf16> to vector<1x5120x128xbf16>
    tpu.vector_store %arg5[%swap3A_53, %swap3A_54, %swap3A_55], %swap3A_58 {strides = array<i32>} : memref<4x5120x128xbf16, #tpu.memory_space<vmem>>, vector<1x5120x128xbf16>,
    return
  }
  func.func @transform_0(%arg0: i32) -> (i32, i32, i32) {
    %c0_i32 = arith.constant 0 : i32
    %c0_i32_0 = arith.constant 0 : i32
    %c0_i32_1 = arith.constant 0 : i32
    return %c0_i32, %arg0, %c0_i32_0 : i32, i32, i32
  }
  func.func @transform_1(%arg0: i32) -> (i32, i32) {
    %c0_i32 = arith.constant 0 : i32
    %c0_i32_0 = arith.constant 0 : i32
    return %arg0, %c0_i32 : i32, i32
  }
  func.func @transform_2(%arg0: i32) -> (i32, i32) {
    %c0_i32 = arith.constant 0 : i32
    %c0_i32_0 = arith.constant 0 : i32
    %c0_i32_1 = arith.constant 0 : i32
    return %c0_i32, %c0_i32_0 : i32, i32
  }
  func.func @transform_3(%arg0: i32) -> (i32, i32) {
    %c0_i32 = arith.constant 0 : i32
    %c0_i32_0 = arith.constant 0 : i32
    %c0_i32_1 = arith.constant 0 : i32
    return %c0_i32, %c0_i32_0 : i32, i32
  }
  func.func @transform_4(%arg0: i32) -> (i32, i32, i32) {
    %c0_i32 = arith.constant 0 : i32
    %c0_i32_0 = arith.constant 0 : i32
    %c0_i32_1 = arith.constant 0 : i32
    return %c0_i32, %arg0, %c0_i32_0 : i32, i32, i32
  }
}

module attributes {stable_mosaic.version = 14 : i64} {
  func.func @body(%arg0: i32, %arg1: memref<4x5120x128xbf16, #tpu.memory_space<vmem>>, %arg2: memref<5120x16xf32, #tpu.memory_space<vmem>>, %arg3: memref<512x512xf32, #tpu.memory_space<vmem>>, %arg4: memref<1x512xf32, #tpu.memory_space<vmem>>, %arg5: memref<512x512xf32, #tpu.memory_space<vmem>>, %arg6: memref<512x16xf32, #tpu.memory_space<vmem>>, %arg7: memref<5120x16xf32, #tpu.memory_space<vmem>>) attributes {dimension_semantics = [#tpu.dimension_semantics<arbitrary>], iteration_bounds = array<i64: 2>, scalar_prefetch = 0 : i64, scratch_operands = 0 : i64, tpu.core_type = #tpu.core_type<tc>, window_params = [{transform_indices = @transform_0, window_bounds = array<i64: 4, 5120, 128>}, {transform_indices = @transform_1, window_bounds = array<i64: 5120, 16>}, {pipeline_mode = #tpu.pipeline_mode<synchronous>, transform_indices = @transform_2, window_bounds = array<i64: 512, 512>}, {pipeline_mode = #tpu.pipeline_mode<synchronous>, transform_indices = @transform_3, window_bounds = array<i64: 1, 512>}, {pipeline_mode = #tpu.pipeline_mode<synchronous>, transform_indices = @transform_4, window_bounds = array<i64: 512, 512>}, {pipeline_mode = #tpu.pipeline_mode<synchronous>, transform_indices = @transform_5, window_bounds = array<i64: 512, 16>}, {transform_indices = @transform_6, window_bounds = array<i64: 5120, 16>}]} {
    %get3A = arith.constant 0 : index
    %get3A_0 = arith.constant 0 : index
    %get3A_1 = arith.constant 0 : index
    %get3A_2 = vector.load %arg1[%get3A, %get3A_0, %get3A_1] : memref<4x5120x128xbf16, #tpu.memory_space<vmem>>, vector<4x5120x128xbf16>
    %convert_element_type3A = arith.extf %get3A_2 : vector<4x5120x128xbf16> to vector<4x5120x128xf32>
    %get3A_3 = arith.constant 0 : index
    %get3A_4 = arith.constant 0 : index
    %get3A_5 = vector.load %arg2[%get3A_3, %get3A_4] : memref<5120x16xf32, #tpu.memory_space<vmem>>, vector<5120x16xf32>
    %slice3A = vector.extract_strided_slice %get3A_5 {offsets = [0, 0], sizes = [5120, 1], strides = [1, 1]} : vector<5120x16xf32> to vector<5120x1xf32>
    %get3A_6 = arith.constant 0 : index
    %get3A_7 = arith.constant 0 : index
    %get3A_8 = vector.load %arg3[%get3A_6, %get3A_7] : memref<512x512xf32, #tpu.memory_space<vmem>>, vector<512x512xf32>
    %get3A_9 = arith.constant 0 : index
    %get3A_10 = arith.constant 0 : index
    %get3A_11 = vector.load %arg5[%get3A_9, %get3A_10] : memref<512x512xf32, #tpu.memory_space<vmem>>, vector<512x512xf32>
    %get3A_12 = arith.constant 0 : index
    %get3A_13 = arith.constant 0 : index
    %get3A_14 = vector.load %arg6[%get3A_12, %get3A_13] : memref<512x16xf32, #tpu.memory_space<vmem>>, vector<512x16xf32>
    %dot_general3A = arith.constant dense<0.000000e+00> : vector<512x16xf32>
    %dot_general3A_15 = tpu.matmul %get3A_11, %get3A_14, %dot_general3A {dimension_numbers = #tpu.dot_dimension_numbers<[1], [0], [0], [1], [0, 0, 1, 1], [], []>, transpose_lhs_hint = false} : vector<512x512xf32>, vector<512x16xf32>, vector<512x16xf32> -> vector<512x16xf32>
    %broadcast_in_dim3A = arith.constant 0.000000e+00 : f32
    %broadcast_in_dim3A_16 = vector.broadcast %broadcast_in_dim3A : f32 to vector<5120x512xf32>
    %slice3A_17 = vector.extract_strided_slice %convert_element_type3A {offsets = [0, 0, 0], sizes = [1, 5120, 128], strides = [1, 1, 1]} : vector<4x5120x128xf32> to vector<1x5120x128xf32>
    %squeeze3A = vector.shape_cast %slice3A_17 : vector<1x5120x128xf32> to vector<5120x128xf32>
    %mul3A = vector.broadcast %slice3A : vector<5120x1xf32> to vector<5120x128xf32>
    %mul3A_18 = arith.mulf %squeeze3A, %mul3A : vector<5120x128xf32>
    %slice3A_19 = vector.extract_strided_slice %get3A_8 {offsets = [0, 0], sizes = [128, 512], strides = [1, 1]} : vector<512x512xf32> to vector<128x512xf32>
    %dot_general3A_20 = arith.constant dense<0.000000e+00> : vector<5120x512xf32>
    %dot_general3A_21 = tpu.matmul %mul3A_18, %slice3A_19, %dot_general3A_20 {dimension_numbers = #tpu.dot_dimension_numbers<[1], [0], [0], [1], [0, 0, 1, 1], [], []>, transpose_lhs_hint = false} : vector<5120x128xf32>, vector<128x512xf32>, vector<5120x512xf32> -> vector<5120x512xf32>
    %add3A = arith.addf %broadcast_in_dim3A_16, %dot_general3A_21 : vector<5120x512xf32>
    %slice3A_22 = vector.extract_strided_slice %convert_element_type3A {offsets = [1, 0, 0], sizes = [1, 5120, 128], strides = [1, 1, 1]} : vector<4x5120x128xf32> to vector<1x5120x128xf32>
    %squeeze3A_23 = vector.shape_cast %slice3A_22 : vector<1x5120x128xf32> to vector<5120x128xf32>
    %mul3A_24 = vector.broadcast %slice3A : vector<5120x1xf32> to vector<5120x128xf32>
    %mul3A_25 = arith.mulf %squeeze3A_23, %mul3A_24 : vector<5120x128xf32>
    %slice3A_26 = vector.extract_strided_slice %get3A_8 {offsets = [128, 0], sizes = [128, 512], strides = [1, 1]} : vector<512x512xf32> to vector<128x512xf32>
    %dot_general3A_27 = arith.constant dense<0.000000e+00> : vector<5120x512xf32>
    %dot_general3A_28 = tpu.matmul %mul3A_25, %slice3A_26, %dot_general3A_27 {dimension_numbers = #tpu.dot_dimension_numbers<[1], [0], [0], [1], [0, 0, 1, 1], [], []>, transpose_lhs_hint = false} : vector<5120x128xf32>, vector<128x512xf32>, vector<5120x512xf32> -> vector<5120x512xf32>
    %add3A_29 = arith.addf %add3A, %dot_general3A_28 : vector<5120x512xf32>
    %slice3A_30 = vector.extract_strided_slice %convert_element_type3A {offsets = [2, 0, 0], sizes = [1, 5120, 128], strides = [1, 1, 1]} : vector<4x5120x128xf32> to vector<1x5120x128xf32>
    %squeeze3A_31 = vector.shape_cast %slice3A_30 : vector<1x5120x128xf32> to vector<5120x128xf32>
    %mul3A_32 = vector.broadcast %slice3A : vector<5120x1xf32> to vector<5120x128xf32>
    %mul3A_33 = arith.mulf %squeeze3A_31, %mul3A_32 : vector<5120x128xf32>
    %slice3A_34 = vector.extract_strided_slice %get3A_8 {offsets = [256, 0], sizes = [128, 512], strides = [1, 1]} : vector<512x512xf32> to vector<128x512xf32>
    %dot_general3A_35 = arith.constant dense<0.000000e+00> : vector<5120x512xf32>
    %dot_general3A_36 = tpu.matmul %mul3A_33, %slice3A_34, %dot_general3A_35 {dimension_numbers = #tpu.dot_dimension_numbers<[1], [0], [0], [1], [0, 0, 1, 1], [], []>, transpose_lhs_hint = false} : vector<5120x128xf32>, vector<128x512xf32>, vector<5120x512xf32> -> vector<5120x512xf32>
    %add3A_37 = arith.addf %add3A_29, %dot_general3A_36 : vector<5120x512xf32>
    %slice3A_38 = vector.extract_strided_slice %convert_element_type3A {offsets = [3, 0, 0], sizes = [1, 5120, 128], strides = [1, 1, 1]} : vector<4x5120x128xf32> to vector<1x5120x128xf32>
    %squeeze3A_39 = vector.shape_cast %slice3A_38 : vector<1x5120x128xf32> to vector<5120x128xf32>
    %mul3A_40 = vector.broadcast %slice3A : vector<5120x1xf32> to vector<5120x128xf32>
    %mul3A_41 = arith.mulf %squeeze3A_39, %mul3A_40 : vector<5120x128xf32>
    %slice3A_42 = vector.extract_strided_slice %get3A_8 {offsets = [384, 0], sizes = [128, 512], strides = [1, 1]} : vector<512x512xf32> to vector<128x512xf32>
    %dot_general3A_43 = arith.constant dense<0.000000e+00> : vector<5120x512xf32>
    %dot_general3A_44 = tpu.matmul %mul3A_41, %slice3A_42, %dot_general3A_43 {dimension_numbers = #tpu.dot_dimension_numbers<[1], [0], [0], [1], [0, 0, 1, 1], [], []>, transpose_lhs_hint = false} : vector<5120x128xf32>, vector<128x512xf32>, vector<5120x512xf32> -> vector<5120x512xf32>
    %add3A_45 = arith.addf %add3A_37, %dot_general3A_44 : vector<5120x512xf32>
    %get3A_46 = arith.constant 0 : index
    %get3A_47 = arith.constant 0 : index
    %get3A_48 = vector.load %arg4[%get3A_46, %get3A_47] : memref<1x512xf32, #tpu.memory_space<vmem>>, vector<1x512xf32>
    %add3A_49 = vector.broadcast %get3A_48 : vector<1x512xf32> to vector<5120x512xf32>
    %add3A_50 = arith.addf %add3A_45, %add3A_49 : vector<5120x512xf32>
    %max3A = arith.constant 0.000000e+00 : f32
    %max3A_51 = vector.broadcast %max3A : f32 to vector<5120x512xf32>
    %max3A_52 = arith.maximumf %add3A_50, %max3A_51 : vector<5120x512xf32>
    %dot_general3A_53 = arith.constant dense<0.000000e+00> : vector<5120x16xf32>
    %dot_general3A_54 = tpu.matmul %max3A_52, %dot_general3A_15, %dot_general3A_53 {dimension_numbers = #tpu.dot_dimension_numbers<[1], [0], [0], [1], [0, 0, 1, 1], [], []>, transpose_lhs_hint = false} : vector<5120x512xf32>, vector<512x16xf32>, vector<5120x16xf32> -> vector<5120x16xf32>
    %mul3A_55 = vector.broadcast %slice3A : vector<5120x1xf32> to vector<5120x16xf32>
    %mul3A_56 = arith.mulf %dot_general3A_54, %mul3A_55 : vector<5120x16xf32>
    %swap3A = arith.constant 0 : index
    %swap3A_57 = arith.constant 0 : index
    %swap3A_58 = vector.load %arg7[%swap3A, %swap3A_57] : memref<5120x16xf32, #tpu.memory_space<vmem>>, vector<5120x16xf32>
    tpu.vector_store %arg7[%swap3A, %swap3A_57], %mul3A_56 {strides = array<i32>} : memref<5120x16xf32, #tpu.memory_space<vmem>>, vector<5120x16xf32>,
    return
  }
  func.func @transform_0(%arg0: i32) -> (i32, i32, i32) {
    %c0_i32 = arith.constant 0 : i32
    %c0_i32_0 = arith.constant 0 : i32
    %c0_i32_1 = arith.constant 0 : i32
    return %c0_i32, %arg0, %c0_i32_0 : i32, i32, i32
  }
  func.func @transform_1(%arg0: i32) -> (i32, i32) {
    %c0_i32 = arith.constant 0 : i32
    %c0_i32_0 = arith.constant 0 : i32
    return %arg0, %c0_i32 : i32, i32
  }
  func.func @transform_2(%arg0: i32) -> (i32, i32) {
    %c0_i32 = arith.constant 0 : i32
    %c0_i32_0 = arith.constant 0 : i32
    %c0_i32_1 = arith.constant 0 : i32
    return %c0_i32, %c0_i32_0 : i32, i32
  }
  func.func @transform_3(%arg0: i32) -> (i32, i32) {
    %c0_i32 = arith.constant 0 : i32
    %c0_i32_0 = arith.constant 0 : i32
    %c0_i32_1 = arith.constant 0 : i32
    return %c0_i32, %c0_i32_0 : i32, i32
  }
  func.func @transform_4(%arg0: i32) -> (i32, i32) {
    %c0_i32 = arith.constant 0 : i32
    %c0_i32_0 = arith.constant 0 : i32
    %c0_i32_1 = arith.constant 0 : i32
    return %c0_i32, %c0_i32_0 : i32, i32
  }
  func.func @transform_5(%arg0: i32) -> (i32, i32) {
    %c0_i32 = arith.constant 0 : i32
    %c0_i32_0 = arith.constant 0 : i32
    %c0_i32_1 = arith.constant 0 : i32
    return %c0_i32, %c0_i32_0 : i32, i32
  }
  func.func @transform_6(%arg0: i32) -> (i32, i32) {
    %c0_i32 = arith.constant 0 : i32
    %c0_i32_0 = arith.constant 0 : i32
    return %arg0, %c0_i32 : i32, i32
  }
}

module attributes {stable_mosaic.version = 14 : i64} {
  func.func @body(%arg0: memref<2x10240x16xf32, #tpu.memory_space<vmem>>, %arg1: memref<10240x16xf32, #tpu.memory_space<vmem>>, %arg2: memref<10240x16xf32, #tpu.memory_space<vmem>>, %arg3: memref<10240x1xi32, #tpu.memory_space<vmem>>, %arg4: memref<1x512xf32, #tpu.memory_space<vmem>>, %arg5: memref<512x16xf32, #tpu.memory_space<vmem>>, %arg6: memref<1x16xf32, #tpu.memory_space<vmem>>, %arg7: memref<64x16xf32, #tpu.memory_space<vmem>>) attributes {dimension_semantics = [], scalar_prefetch = 0 : i64, scratch_operands = 0 : i64, tpu.core_type = #tpu.core_type<tc>} {
    %get3A = arith.constant 0 : index
    %get3A_0 = arith.constant 0 : index
    %get3A_1 = arith.constant 0 : index
    %get3A_2 = vector.load %arg0[%get3A, %get3A_0, %get3A_1] : memref<2x10240x16xf32, #tpu.memory_space<vmem>>, vector<2x10240x16xf32>
    %get3A_3 = arith.constant 0 : index
    %get3A_4 = arith.constant 0 : index
    %get3A_5 = vector.load %arg4[%get3A_3, %get3A_4] : memref<1x512xf32, #tpu.memory_space<vmem>>, vector<1x512xf32>
    %get3A_6 = arith.constant 0 : index
    %get3A_7 = arith.constant 0 : index
    %get3A_8 = vector.load %arg5[%get3A_6, %get3A_7] : memref<512x16xf32, #tpu.memory_space<vmem>>, vector<512x16xf32>
    %dot_general3A = arith.constant dense<0.000000e+00> : vector<1x16xf32>
    %dot_general3A_9 = tpu.matmul %get3A_5, %get3A_8, %dot_general3A {dimension_numbers = #tpu.dot_dimension_numbers<[1], [0], [0], [1], [0, 0, 1, 1], [], []>, transpose_lhs_hint = false} : vector<1x512xf32>, vector<512x16xf32>, vector<1x16xf32> -> vector<1x16xf32>
    %slice3A = vector.extract_strided_slice %get3A_2 {offsets = [0, 0, 0], sizes = [1, 10240, 16], strides = [1, 1, 1]} : vector<2x10240x16xf32> to vector<1x10240x16xf32>
    %squeeze3A = vector.shape_cast %slice3A : vector<1x10240x16xf32> to vector<10240x16xf32>
    %slice3A_10 = vector.extract_strided_slice %get3A_2 {offsets = [1, 0, 0], sizes = [1, 10240, 16], strides = [1, 1, 1]} : vector<2x10240x16xf32> to vector<1x10240x16xf32>
    %squeeze3A_11 = vector.shape_cast %slice3A_10 : vector<1x10240x16xf32> to vector<10240x16xf32>
    %add3A = arith.addf %squeeze3A, %squeeze3A_11 : vector<10240x16xf32>
    %get3A_12 = arith.constant 0 : index
    %get3A_13 = arith.constant 0 : index
    %get3A_14 = vector.load %arg1[%get3A_12, %get3A_13] : memref<10240x16xf32, #tpu.memory_space<vmem>>, vector<10240x16xf32>
    %sub3A = arith.subf %add3A, %get3A_14 : vector<10240x16xf32>
    %get3A_15 = arith.constant 0 : index
    %get3A_16 = arith.constant 0 : index
    %get3A_17 = vector.load %arg2[%get3A_15, %get3A_16] : memref<10240x16xf32, #tpu.memory_space<vmem>>, vector<10240x16xf32>
    %mul3A = arith.mulf %sub3A, %get3A_17 : vector<10240x16xf32>
    %get3A_18 = arith.constant 0 : index
    %get3A_19 = arith.constant 0 : index
    %get3A_20 = vector.load %arg3[%get3A_18, %get3A_19] : memref<10240x1xi32, #tpu.memory_space<vmem>>, vector<10240x1xi32>
    %iota3A = tpu.iota {dimensions = array<i32: 1>} : vector<1x64xi32>
    %eq3A = vector.broadcast %get3A_20 : vector<10240x1xi32> to vector<10240x64xi32>
    %eq3A_21 = vector.broadcast %iota3A : vector<1x64xi32> to vector<10240x64xi32>
    %eq3A_22 = arith.cmpi eq, %eq3A, %eq3A_21 : vector<10240x64xi32>
    %convert_element_type3A = arith.extui %eq3A_22 : vector<10240x64xi1> to vector<10240x64xi32>
    %convert_element_type3A_23 = arith.sitofp %convert_element_type3A : vector<10240x64xi32> to vector<10240x64xf32>
    %broadcast_in_dim3A = arith.constant 1.000000e+00 : f32
    %broadcast_in_dim3A_24 = vector.broadcast %broadcast_in_dim3A : f32 to vector<10240x16xf32>
    %concatenate3A = tpu.concatenate %mul3A, %broadcast_in_dim3A_24 in 1 : vector<10240x16xf32>, vector<10240x16xf32> -> vector<10240x32xf32>
    %dot_general3A_25 = arith.constant dense<0.000000e+00> : vector<64x32xf32>
    %dot_general3A_26 = tpu.matmul %convert_element_type3A_23, %concatenate3A, %dot_general3A_25 {dimension_numbers = #tpu.dot_dimension_numbers<[0], [0], [1], [1], [0, 1, 1, 1], [], []>, transpose_lhs_hint = false} : vector<10240x64xf32>, vector<10240x32xf32>, vector<64x32xf32> -> vector<64x32xf32>
    %slice3A_27 = vector.extract_strided_slice %dot_general3A_26 {offsets = [0, 0], sizes = [64, 16], strides = [1, 1]} : vector<64x32xf32> to vector<64x16xf32>
    %slice3A_28 = vector.extract_strided_slice %dot_general3A_26 {offsets = [0, 16], sizes = [64, 1], strides = [1, 1]} : vector<64x32xf32> to vector<64x1xf32>
    %max3A = arith.constant 1.000000e+00 : f32
    %max3A_29 = vector.broadcast %max3A : f32 to vector<64x1xf32>
    %max3A_30 = arith.maximumf %slice3A_28, %max3A_29 : vector<64x1xf32>
    %div3A = vector.broadcast %max3A_30 : vector<64x1xf32> to vector<64x16xf32>
    %div3A_31 = arith.divf %slice3A_27, %div3A : vector<64x16xf32>
    %gt3A = arith.constant 0.000000e+00 : f32
    %gt3A_32 = vector.broadcast %gt3A : f32 to vector<64x1xf32>
    %gt3A_33 = arith.cmpf ogt, %slice3A_28, %gt3A_32 : vector<64x1xf32>
    %convert_element_type3A_34 = arith.extui %gt3A_33 : vector<64x1xi1> to vector<64x1xi32>
    %convert_element_type3A_35 = arith.sitofp %convert_element_type3A_34 : vector<64x1xi32> to vector<64x1xf32>
    %mul3A_36 = vector.broadcast %convert_element_type3A_35 : vector<64x1xf32> to vector<64x16xf32>
    %mul3A_37 = vector.broadcast %dot_general3A_9 : vector<1x16xf32> to vector<64x16xf32>
    %mul3A_38 = arith.mulf %mul3A_36, %mul3A_37 : vector<64x16xf32>
    %add3A_39 = arith.addf %div3A_31, %mul3A_38 : vector<64x16xf32>
    %get3A_40 = arith.constant 0 : index
    %get3A_41 = arith.constant 0 : index
    %get3A_42 = vector.load %arg6[%get3A_40, %get3A_41] : memref<1x16xf32, #tpu.memory_space<vmem>>, vector<1x16xf32>
    %add3A_43 = vector.broadcast %get3A_42 : vector<1x16xf32> to vector<64x16xf32>
    %add3A_44 = arith.addf %add3A_39, %add3A_43 : vector<64x16xf32>
    %swap3A = arith.constant 0 : index
    %swap3A_45 = arith.constant 0 : index
    %swap3A_46 = vector.load %arg7[%swap3A, %swap3A_45] : memref<64x16xf32, #tpu.memory_space<vmem>>, vector<64x16xf32>
    tpu.vector_store %arg7[%swap3A, %swap3A_45], %add3A_44 {strides = array<i32>} : memref<64x16xf32, #tpu.memory_space<vmem>>, vector<64x16xf32>,
    return
  }
}

</mosaic_0001>

<sc_bundles>
// kernel: kernel.10.cloned.1.call-start
scs
__scs_entry_jumppad:
0x0: {  	(pc) =	sbr.rel $0x88, $3  }
0x1: {  	(tag) =	ssettag $0x0;
	lr =	simm.s32 $0x1  }
0x2: {  	[smem:$0x3F96] =	sst lr;
	_ =	strace $0xD0000000  }
0x3: {  	_ = 	snop  }
0x4: {  	_ = 	snop  }
0x5: {  	_ = 	snop  }
0x6: {  	_ = 	snop  }
0x7: {  	_ = 	snop  }
__scs_overlays_trampoline_lowered:
0x8: {  	[smem:$0x3FA5] =	sst s0  }
0x9: {  	[smem:$0x3FA6] =	sst s1  }
0xa: {  	[smem:$0x3FA7] =	sst s2  }
0xb: {  	[smem:$0x3FA8] =	sst s3  }
0xc: {  	[smem:$0x3FA9] =	sst s4  }
0xd: {  	[smem:$0x3FAA] =	sst s5  }
0xe: {  	[smem:$0x3FAB] =	sst s6  }
0xf: {  	[smem:$0x3FAC] =	sst s7  }
0x10: {  	[smem:$0x3FAD] =	sst s8  }
0x11: {  	[smem:$0x3FAE] =	sst s9;
	s0 =	simm.s32 @!p0 $0x0  }
0x12: {  	s1 =	sld [smem:$0x3F94];
	s0 =	simm.s32 @p0 $0x1  }
0x13: {  	[smem:$0x3FAF] =	sst s0;
	s0 =	simm.s32 @!p1 $0x0  }
0x14: {  	s2 =	sld [smem:$0x3F93];
	s0 =	simm.s32 @p1 $0x1  }
0x15: {  	[smem:$0x3FB0] =	sst s0;
	s0 =	simm.s32 @!p2 $0x0  }
0x16: {  	s3 =	sld [smem:$0x3FDB];
	s0 =	simm.s32 @p2 $0x1  }
0x17: {  	s4 =	simm.s32 $0x1BF5;
	[smem:$0x3FB2] =	sst s0  }
0x18: {  	s0 =	sld [smem:$0x3F95];
	_ =	swait.ge [sflag:s4], $0x0  }
0x19: {  	s7 =	sld [smem:$0x3F96]  }
0x1a: {  	s8 =	sadd.s32 $0xFFFFE003, lr  }
0x1b: {  	s9 =	sadd.s32 $0xFFFFFEF7, lr;
	s5 =	simm.s32 $0xFFFFFFFF;
	p2 =	slt.u32 s8, $0xFFFFF086  }
0x1c: {  	p1 =	slt.u32 s9, $0xF7A;
	s5 =	simm.s32 @!p2 $0x0  }
0x1d: {  	s5 =	simm.s32 @p1 $0x1;
	p0 =	seq.s32 s7, s2  }
0x1e: {  	s7 =	smul.u32 @!p0 $0xF7A, s2;
	p2 =	seq.s32 @!p0 s5, $0x0  }
0x1f: {  	s9 =	smul.u32 $0xF7A, s1;
	s8 =	simm.s32 @!p0 $0x1BF5;
	p2 =	por !p2, p0  }
0x20: {  	[sflag:s8] =	ssyncset.s32 @!p0 $0xFFFFF086;
	s6 =	sadd.s32 @!p0 s3, s7;
	s7 =	simm.s32 @!p0 $0x108  }
0x21: {  	s3 =	sadd.s32 s3, s9;
	s6 =	sadd.s32 @!p0 $0x88, s6;
	s7 =	simm.s32 @p2 $0x1082  }
0x22: {  	[simem:s7], [sflag:s8] =	dma.local @!p0 [hbm:s6], $0xF7A  }
0x23: {  	s9 =	sor.u32 $0xD0000000, s2;
	s6 =	simm.s32 $0x108;
	_ =	swait.ge @!p0 [sflag:s8], $0x0  }
0x24: {  	s3 =	sadd.s32 $0x88, s3;
	s6 =	simm.s32 @!p1 $0x1082;
	[sflag:s4] =	ssyncset.s32 $0xFFFFF086  }
0x25: {  	[simem:s6], [sflag:s4] =	dma.local [hbm:s3], $0xF7A  }
0x26: {  	[smem:$0x3F96] =	sst s1;
	(tag) =	ssettag s2;
	_ =	strace s9  }
0x27: {  	s1 =	sld [smem:$0x3FA6]  }
0x28: {  	s2 =	sld [smem:$0x3FA7]  }
0x29: {  	s4 =	sld [smem:$0x3FA9]  }
0x2a: {  	p0 =	seq.s32 s5, $0x0;
	s5 =	sld [smem:$0x3FAA]  }
0x2b: {  	s6 =	sld [smem:$0x3FAB]  }
0x2c: {  	s7 =	sld [smem:$0x3FAC]  }
0x2d: {  	s3 =	simm.s32 $0x108;
	s8 =	sld [smem:$0x3FAD]  }
0x2e: {  	s3 =	simm.s32 @!p0 $0x1082;
	s9 =	sld [smem:$0x3FAE]  }
0x2f: {  	lr =	sadd.s32 s0, s3;
	s0 =	sld [smem:$0x3FA5]  }
0x30: {  	s3 =	sld [smem:$0x3FA8]  }
0x31: {  	[smem:$0x3FB1] =	sst s10  }
0x32: {  	s10 =	sld [smem:$0x3FAF];
	_ =	sdelay $0x3  }
0x33: {  	p0 =	seq.s32 s10, $0x1;
	s10 =	sld [smem:$0x3FB1];
	_ =	sdelay $0x3  }
0x34: {  	[smem:$0x3FB1] =	sst s10  }
0x35: {  	s10 =	sld [smem:$0x3FB0];
	_ =	sdelay $0x3  }
0x36: {  	p1 =	seq.s32 s10, $0x1;
	s10 =	sld [smem:$0x3FB1];
	_ =	sdelay $0x3  }
0x37: {  	[smem:$0x3FB1] =	sst s10  }
0x38: {  	s10 =	sld [smem:$0x3FB2]  }
0x39: {  	_ = 	snop;
	(pc) =	sbr.ind lr, $3  }
0x3a: {  	_ = 	snop  }
0x3b: {  	_ = 	snop  }
0x3c: {  	p2 =	seq.s32 s10, $0x1;
	s10 =	sld [smem:$0x3FB1]  }
0x3d: {  	_ =	shalt  }
0x3e: {  	_ =	shalt  }
0x3f: {  	_ =	shalt  }
0x40: {  	_ =	shalt  }
0x41: {  	_ =	shalt  }
0x42: {  	_ =	shalt  }
0x43: {  	_ =	shalt  }
0x44: {  	_ =	shalt  }
0x45: {  	_ =	shalt  }
0x46: {  	_ =	shalt  }
0x47: {  	_ =	shalt  }
0x48: {  	_ =	shalt  }
0x49: {  	_ =	shalt  }
0x4a: {  	_ =	shalt  }
0x4b: {  	_ =	shalt  }
0x4c: {  	_ =	shalt  }
0x4d: {  	_ =	shalt  }
0x4e: {  	_ =	shalt  }
0x4f: {  	_ =	shalt  }
0x50: {  	_ =	shalt  }
0x51: {  	_ =	shalt  }
0x52: {  	_ =	shalt  }
0x53: {  	_ =	shalt  }
0x54: {  	_ =	shalt  }
0x55: {  	_ =	shalt  }
0x56: {  	_ =	shalt  }
0x57: {  	_ =	shalt  }
0x58: {  	_ =	shalt  }
0x59: {  	_ =	shalt  }
0x5a: {  	_ =	shalt  }
0x5b: {  	_ =	shalt  }
0x5c: {  	_ =	shalt  }
0x5d: {  	_ =	shalt  }
0x5e: {  	_ =	shalt  }
0x5f: {  	_ =	shalt  }
0x60: {  	_ =	shalt  }
0x61: {  	_ =	shalt  }
0x62: {  	_ =	shalt  }
0x63: {  	_ =	shalt  }
0x64: {  	_ =	shalt  }
0x65: {  	_ =	shalt  }
0x66: {  	_ =	shalt  }
0x67: {  	_ =	shalt  }
0x68: {  	_ =	shalt  }
0x69: {  	_ =	shalt  }
0x6a: {  	_ =	shalt  }
0x6b: {  	_ =	shalt  }
0x6c: {  	_ =	shalt  }
0x6d: {  	_ =	shalt  }
0x6e: {  	_ =	shalt  }
0x6f: {  	_ =	shalt  }
0x70: {  	_ =	shalt  }
0x71: {  	_ =	shalt  }
0x72: {  	_ =	shalt  }
0x73: {  	_ =	shalt  }
0x74: {  	_ =	shalt  }
0x75: {  	_ =	shalt  }
0x76: {  	_ =	shalt  }
0x77: {  	_ =	shalt  }
0x78: {  	_ =	shalt  }
0x79: {  	_ =	shalt  }
0x7a: {  	_ =	shalt  }
0x7b: {  	_ =	shalt  }
0x7c: {  	_ =	shalt  }
0x7d: {  	_ =	shalt  }
0x7e: {  	_ =	shalt  }
0x7f: {  	_ =	shalt  }
0x80: {  	_ =	shalt  }
0x81: {  	_ =	shalt  }
0x82: {  	_ =	shalt  }
0x83: {  	_ =	shalt  }
0x84: {  	_ =	shalt  }
0x85: {  	_ =	shalt  }
0x86: {  	_ =	shalt  }
0x87: {  	_ =	shalt  }
.Lfunc_end0:
.L_simem_size_0:
called_computation_lowered:
.L_overlay_start_0:
0x88: {  	s2 =	sld [smem:$0x3FD9]  }
0x89: {  	s3 =	sld [smem:$0x3FFE];
	_ =	sdelay $0x1  }
0x8a: {  	s1 =	srdreg.scid  }
0x8b: {  	s0 =	sand.u32 $0x1, s1  }
0x8c: {  	s16 =	sshll.u32 s0, $0xA;
	s2 =	sadd.s32 s3, s2  }
0x8d: {  	s2 =	sadd.s32 s2, s16  }
0x8e: {  	[smem:$0x3FBD] =	sst s2  }
0x8f: {  	_ = 	snop  }
0x90: {  	(tm) =	ssettm $0x1  }
0x91: {  	s17 =	sld [smem:$0x3FFB];
	_ =	sdelay $0x3  }
0x92: {  	_ =	strace s17  }
0x93: {  	s2 =	sld [smem:$0x3FFC];
	_ =	sdelay $0x3  }
0x94: {  	_ =	strace s2  }
0x95: {  	s2 =	sld [smem:$0x3FFD];
	_ =	sdelay $0x3  }
0x96: {  	_ =	strace s2  }
0x97: {  	_ =	strace $0x8FFFFFFF  }
0x98: {  	s18 =	sld [smem:$0x3FDB];
	_ =	sdelay $0x1  }
0x99: {  	s19 =	simm.s32 $_scs_section_size  }
0x9a: {  	s4 =	simm.s32 $_size__tile_overlayer_lowered;
	s5 =	simm.s32 $_tile_overlayer_lowered  }
0x9b: {  	s22 =	simm.s32 $0x1BFF;
	s21 =	sshll.u32 s5, $0x1;
	s2 =	sadd.s32 s19, s18  }
0x9c: {  	s6 =	simm.s32 $0x0;
	s20 =	sshll.u32 s4, $0x1;
	s4 =	sadd.s32 s21, s2  }
0x9d: {  	[timem:s6], [sflag:s22] =	dma.local [hbm:s4], s20  }
0x9e: {  	_ =	swait.ge [sflag:s22], s20  }
0x9f: {  	s3 =	ssub.s32 $0x0, s20;
	[sflag:s22] =	ssyncset.done $0x0  }
0xa0: {  	[sflag:s22] =	ssyncadd.s32 s3;
	_ =	sdelay $0x1  }
0xa1: {  	s23 =	simm.s32 $0x1B8B  }
0xa2: {  	_ =	swait.ge [sflag:s23], $0x1  }
0xa3: {  	[sflag:s23] =	ssyncset.done $0x0  }
0xa4: {  	s25 =	simm.s32 $0x1B8E;
	s24 =	sld [smem:$0x3FFE];
	[sflag:s23] =	ssyncadd.s32 $0xFFFFFFFF  }
0xa5: {  	s26 =	simm.s32 $execute0_lowered;
	[smem:$0x3FD2] =	sst s25  }
0xa6: {  	s4 =	sshll.u32 s26, $0x1;
	_ =	strace $0x80000046;
	[dreg:$0x1] =	wrdreg $0xFFFFFFFF  }
0xa7: {  	s28 =	simm.s32 $_size_execute0_lowered;
	s2 =	sadd.s32 s2, s4;
	[dreg:$0x0] =	wrdreg $0x0  }
0xa8: {  	s4 =	sshll.u32 s28, $0x1;
	[dreg:$0x2] =	wrdreg s2  }
0xa9: {  	[dreg:$0x3] =	wrdreg s4  }
0xaa: {  	[dreg:$0x4] =	wrdreg $0xC0  }
0xab: {  	_ =	task [dreg:s6], $0x5FFFF  }
0xac: {  	[dreg:$0x1] =	wrdreg $0xFFFFFFFF  }
0xad: {  	[dreg:$0x0] =	wrdreg $0x60  }
0xae: {  	[dreg:$0x2] =	wrdreg s24  }
0xaf: {  	[dreg:$0x3] =	wrdreg $0x0  }
0xb0: {  	[dreg:$0x4] =	wrdreg $0x9  }
0xb1: {  	_ =	task.clear_ibuf [dreg:s6], $0x5FFFF;
	_ =	strace $0x90000046  }
0xb2: {  	s29 =	simm.s32 $0x9;
	_ =	strace $0x80000048  }
0xb3: {  	_ =	swait.ge [sflag:s29], $0x1  }
0xb4: {  	[sflag:s29] =	ssyncadd.s32 $0xFFFFFFFF  }
0xb5: {  	_ =	strace $0x90000048  }
0xb6: {  	_ =	sfence  }
0xb7: {  	s30 =	sld [smem:$0x0];
	_ =	sdelay $0x2  }
0xb8: {  	s31 =	sshll.u32 s1, $0xD;
	s1 =	sshrl.u32 s1, $0x2  }
0xb9: {  	s3 =	sand.u32 $0x4000, s31;
	s1 =	sadd.s32 s1, s30  }
0xba: {  	s0 =	sor.u32 s3, s0;
	s1 =	sshll.u32 s1, $0x11  }
0xbb: {  	s0 =	sor.u32 s1, s0  }
0xbc: {  	s0 =	sadd.s32 $0x8F2B, s0  }
0xbd: {  	[sflag:s0] =	ssyncadd.remote.s32 $0x1  }
0xbe: {  	_ =	sfence.sel $0xFFFF  }
0xbf: {  	[dreg:$0x0] =	wrdreg $0xFFFFFFFF;
	(pc) =	sbr.abs _section_cstart, $3  }
0xc0: {  	[dreg:$0x1] =	wrdreg $0xFFFFFFFF  }
0xc1: {  	_ =	task.clear_ibuf [dreg:s6], $0x2FFFF;
	_ =	strace $0x9FFFFFFF  }
0xc2: {  	(tm) =	ssettm $0x7FFFFFFF  }
0xc3: {  	_ =	shalt  }
tec
execute0_lowered:
.L_overlay_start_1:
0x0: {  	(tag) =	ssettag $0x1  }
0x1: {  	s0 =	rddreg [dreg:$0x0]  }
0x2: {  	s2 =	rddreg [dreg:$0x1];
	s1 =	srdreg.scid  }
0x3: {  	s11 =	stileid.u32;
	s3 =	simm.s32 $0x0;
	s9 =	simm.s32 $0x2800  }
0x4: {  	s10 =	simm.s32 $0x2;
	s13 =	simm.s32 $0x3C00;
	s14 =	simm.s32 $0x7D  }
0x5: {  	s21 =	simm.s32 $0x3480;
	s22 =	simm.s32 $0x3500;
	s23 =	simm.s32 $0x3580  }
0x6: {  	s24 =	simm.s32 $0x3600;
	s25 =	simm.s32 $0x3680;
	s28 =	simm.s32 $0x3780  }
0x7: {  	s29 =	simm.s32 $0x3800;
	s30 =	simm.s32 $0x3880;
	s31 =	simm.s32 $0x3900  }
0x8: {  	s15 =	simm.s32 $0x3A80;
	s16 =	simm.s32 $0x3B00;
	s17 =	simm.s32 $0x3B80  }
0x9: {  	s18 =	simm.s32 $0x1;
	s19 =	simm.s32 $0x0;
	s1 =	sand.u32 $0x1, s1  }
0xa: {  	s6 =	smul.u32 $0x2800, s11;
	[smem:$0x7FF] =	sst s3;
	s26 =	sshll.u32 s11, $0x6  }
0xb: {  	s4 =	sshll.u32 s1, $0x4;
	s5 =	smul.u32 $0x28000, s1;
	s1 =	ssub.s32 $0x2, s1  }
0xc: {  	_ =	strace $0x80000047;
	s4 =	sor.u32 s11, s4;
	s8 =	sshrl.u32 s1, $0x1  }
0xd: {  	s12 =	sadd.s32 s6, s2;
	s11 =	sor.u32 $0x1C02, s26;
	s26 =	simm.s32 $0x3700  }
0xe: {  	s7 =	smul.u32 $0x280, s4;
	s5 =	sadd.s32 s6, s5;
	s4 =	sadd.s32 $0xC800, s0  }
0xf: {  	s1 =	ssub.s32 s1, s8;
	s6 =	sshrl.u32 s6, $0x3;
	s12 =	sshrl.u32 s12, $0x3  }
0x10: {  	s5 =	sshrl.u32 s5, $0x3;
	s6 =	sadd.s32 s4, s6;
	s8 =	smax.u32 s1, $0x1  }
0x11: {  	s1 =	simm.s32 $0x3A00;
	s7 =	sadd.s32 s7, s0;
	s0 =	sadd.s32 s5, s0  }
0x12: {  	s5 =	sadd.s32 $0x2800, s7;
	s7 =	sadd.s32 $0x11800, s0;
	s0 =	simm.s32 $0x3980  }
.LBB2_1:
0x13: {  	[tilespmem:s9], [sflag:$0x2] =	stream.linear.gather [hbm4b:s5+s3], $0x1400, $0x38;
	[tilespmem:$0x43D0] =	vst v63  }
0x14: {  	_ =	swait.ge [sflag:s10], $0x1400  }
0x15: {  	[sflag:s10] =	ssyncset.done $0x0  }
0x16: {  	[sflag:s10] =	ssyncadd.s32 $0xFFFFEC00  }
0x17: {  	[spmem:s12], [sflag:s11] =	dma.local [hbm:s6], $0x500  }
0x18: {  	_ =	swait.ge [sflag:s10], $0x500  }
0x19: {  	[sflag:s10] =	ssyncset.done $0x0  }
0x1a: {  	[sflag:s10] =	ssyncadd.s32 $0xFFFFFB00  }
0x1b: {  	[tilespmem:s13], [sflag:$0x2] =	stream.linear.gather [hbm4b:s4+s3], $0x7D0, $0x38;
	[tilespmem:$0x43D0] =	vst v63  }
0x1c: {  	_ =	swait.ge [sflag:s10], $0x7D0  }
0x1d: {  	[sflag:s10] =	ssyncset.done $0x0  }
0x1e: {  	[sflag:s10] =	ssyncadd.s32 $0xFFFFF830  }
0x1f: {  	[bflag:$0x0] =	sbarrier.arrive $0xFFFF  }
0x20: {  	[spmem:s2] =	stream.indirect.scatter.add.f32 [tilespmem:s13], [sflag:$0x1], $0x10, s9, s14, $0xb8;
	[tilespmem:$0x43D0] =	vst v63  }
0x21: {  	s20 =	simm.s32 $0x2880  }
0x22: {  	[spmem:s2] =	stream.indirect.scatter.add.f32 [tilespmem:s13], [sflag:$0x1], $0x10, s20, s14, $0xb8;
	[tilespmem:$0x43D0] =	vst v63  }
0x23: {  	s20 =	simm.s32 $0x2900  }
0x24: {  	[spmem:s2] =	stream.indirect.scatter.add.f32 [tilespmem:s13], [sflag:$0x1], $0x10, s20, s14, $0xb8;
	[tilespmem:$0x43D0] =	vst v63  }
0x25: {  	s20 =	simm.s32 $0x2980  }
0x26: {  	[spmem:s2] =	stream.indirect.scatter.add.f32 [tilespmem:s13], [sflag:$0x1], $0x10, s20, s14, $0xb8;
	[tilespmem:$0x43D0] =	vst v63  }
0x27: {  	s20 =	simm.s32 $0x2A00  }
0x28: {  	[spmem:s2] =	stream.indirect.scatter.add.f32 [tilespmem:s13], [sflag:$0x1], $0x10, s20, s14, $0xb8;
	[tilespmem:$0x43D0] =	vst v63  }
0x29: {  	s20 =	simm.s32 $0x2A80  }
0x2a: {  	[spmem:s2] =	stream.indirect.scatter.add.f32 [tilespmem:s13], [sflag:$0x1], $0x10, s20, s14, $0xb8;
	[tilespmem:$0x43D0] =	vst v63  }
0x2b: {  	s20 =	simm.s32 $0x2B00  }
0x2c: {  	[spmem:s2] =	stream.indirect.scatter.add.f32 [tilespmem:s13], [sflag:$0x1], $0x10, s20, s14, $0xb8;
	[tilespmem:$0x43D0] =	vst v63  }
0x2d: {  	s20 =	simm.s32 $0x2B80  }
0x2e: {  	[spmem:s2] =	stream.indirect.scatter.add.f32 [tilespmem:s13], [sflag:$0x1], $0x10, s20, s14, $0xb8;
	[tilespmem:$0x43D0] =	vst v63  }
0x2f: {  	s20 =	simm.s32 $0x2C00  }
0x30: {  	[spmem:s2] =	stream.indirect.scatter.add.f32 [tilespmem:s13], [sflag:$0x1], $0x10, s20, s14, $0xb8;
	[tilespmem:$0x43D0] =	vst v63  }
0x31: {  	s20 =	simm.s32 $0x2C80  }
0x32: {  	[spmem:s2] =	stream.indirect.scatter.add.f32 [tilespmem:s13], [sflag:$0x1], $0x10, s20, s14, $0xb8;
	[tilespmem:$0x43D0] =	vst v63  }
0x33: {  	s20 =	simm.s32 $0x2D00  }
0x34: {  	[spmem:s2] =	stream.indirect.scatter.add.f32 [tilespmem:s13], [sflag:$0x1], $0x10, s20, s14, $0xb8;
	[tilespmem:$0x43D0] =	vst v63  }
0x35: {  	s20 =	simm.s32 $0x2D80  }
0x36: {  	[spmem:s2] =	stream.indirect.scatter.add.f32 [tilespmem:s13], [sflag:$0x1], $0x10, s20, s14, $0xb8;
	[tilespmem:$0x43D0] =	vst v63  }
0x37: {  	s20 =	simm.s32 $0x2E00  }
0x38: {  	[spmem:s2] =	stream.indirect.scatter.add.f32 [tilespmem:s13], [sflag:$0x1], $0x10, s20, s14, $0xb8;
	[tilespmem:$0x43D0] =	vst v63  }
0x39: {  	s20 =	simm.s32 $0x2E80  }
0x3a: {  	[spmem:s2] =	stream.indirect.scatter.add.f32 [tilespmem:s13], [sflag:$0x1], $0x10, s20, s14, $0xb8;
	[tilespmem:$0x43D0] =	vst v63  }
0x3b: {  	s20 =	simm.s32 $0x2F00  }
0x3c: {  	[spmem:s2] =	stream.indirect.scatter.add.f32 [tilespmem:s13], [sflag:$0x1], $0x10, s20, s14, $0xb8;
	[tilespmem:$0x43D0] =	vst v63  }
0x3d: {  	s20 =	simm.s32 $0x2F80  }
0x3e: {  	[spmem:s2] =	stream.indirect.scatter.add.f32 [tilespmem:s13], [sflag:$0x1], $0x10, s20, s14, $0xb8;
	[tilespmem:$0x43D0] =	vst v63  }
0x3f: {  	s20 =	simm.s32 $0x3000  }
0x40: {  	[spmem:s2] =	stream.indirect.scatter.add.f32 [tilespmem:s13], [sflag:$0x1], $0x10, s20, s14, $0xb8;
	[tilespmem:$0x43D0] =	vst v63  }
0x41: {  	s20 =	simm.s32 $0x3080  }
0x42: {  	[spmem:s2] =	stream.indirect.scatter.add.f32 [tilespmem:s13], [sflag:$0x1], $0x10, s20, s14, $0xb8;
	[tilespmem:$0x43D0] =	vst v63  }
0x43: {  	s20 =	simm.s32 $0x3100  }
0x44: {  	[spmem:s2] =	stream.indirect.scatter.add.f32 [tilespmem:s13], [sflag:$0x1], $0x10, s20, s14, $0xb8;
	[tilespmem:$0x43D0] =	vst v63  }
0x45: {  	s20 =	simm.s32 $0x3180  }
0x46: {  	[spmem:s2] =	stream.indirect.scatter.add.f32 [tilespmem:s13], [sflag:$0x1], $0x10, s20, s14, $0xb8;
	[tilespmem:$0x43D0] =	vst v63  }
0x47: {  	s20 =	simm.s32 $0x3200  }
0x48: {  	[spmem:s2] =	stream.indirect.scatter.add.f32 [tilespmem:s13], [sflag:$0x1], $0x10, s20, s14, $0xb8;
	[tilespmem:$0x43D0] =	vst v63  }
0x49: {  	s20 =	simm.s32 $0x3280  }
0x4a: {  	[spmem:s2] =	stream.indirect.scatter.add.f32 [tilespmem:s13], [sflag:$0x1], $0x10, s20, s14, $0xb8;
	[tilespmem:$0x43D0] =	vst v63  }
0x4b: {  	s20 =	simm.s32 $0x3300  }
0x4c: {  	[spmem:s2] =	stream.indirect.scatter.add.f32 [tilespmem:s13], [sflag:$0x1], $0x10, s20, s14, $0xb8;
	[tilespmem:$0x43D0] =	vst v63  }
0x4d: {  	s20 =	simm.s32 $0x3380  }
0x4e: {  	[spmem:s2] =	stream.indirect.scatter.add.f32 [tilespmem:s13], [sflag:$0x1], $0x10, s20, s14, $0xb8;
	[tilespmem:$0x43D0] =	vst v63  }
0x4f: {  	s20 =	simm.s32 $0x3400  }
0x50: {  	[spmem:s2] =	stream.indirect.scatter.add.f32 [tilespmem:s13], [sflag:$0x1], $0x10, s20, s14, $0xb8;
	[tilespmem:$0x43D0] =	vst v63  }
0x51: {  	_ = 	snop  }
0x52: {  	[spmem:s2] =	stream.indirect.scatter.add.f32 [tilespmem:s13], [sflag:$0x1], $0x10, s21, s14, $0xb8;
	[tilespmem:$0x43D0] =	vst v63  }
0x53: {  	_ = 	snop  }
0x54: {  	[spmem:s2] =	stream.indirect.scatter.add.f32 [tilespmem:s13], [sflag:$0x1], $0x10, s22, s14, $0xb8;
	[tilespmem:$0x43D0] =	vst v63  }
0x55: {  	_ = 	snop  }
0x56: {  	[spmem:s2] =	stream.indirect.scatter.add.f32 [tilespmem:s13], [sflag:$0x1], $0x10, s23, s14, $0xb8;
	[tilespmem:$0x43D0] =	vst v63  }
0x57: {  	_ = 	snop  }
0x58: {  	[spmem:s2] =	stream.indirect.scatter.add.f32 [tilespmem:s13], [sflag:$0x1], $0x10, s24, s14, $0xb8;
	[tilespmem:$0x43D0] =	vst v63  }
0x59: {  	_ = 	snop  }
0x5a: {  	[spmem:s2] =	stream.indirect.scatter.add.f32 [tilespmem:s13], [sflag:$0x1], $0x10, s25, s14, $0xb8;
	[tilespmem:$0x43D0] =	vst v63  }
0x5b: {  	_ = 	snop  }
0x5c: {  	[spmem:s2] =	stream.indirect.scatter.add.f32 [tilespmem:s13], [sflag:$0x1], $0x10, s26, s14, $0xb8;
	[tilespmem:$0x43D0] =	vst v63  }
0x5d: {  	_ = 	snop  }
0x5e: {  	[spmem:s2] =	stream.indirect.scatter.add.f32 [tilespmem:s13], [sflag:$0x1], $0x10, s28, s14, $0xb8;
	[tilespmem:$0x43D0] =	vst v63  }
0x5f: {  	_ = 	snop  }
0x60: {  	[spmem:s2] =	stream.indirect.scatter.add.f32 [tilespmem:s13], [sflag:$0x1], $0x10, s29, s14, $0xb8;
	[tilespmem:$0x43D0] =	vst v63  }
0x61: {  	_ = 	snop  }
0x62: {  	[spmem:s2] =	stream.indirect.scatter.add.f32 [tilespmem:s13], [sflag:$0x1], $0x10, s30, s14, $0xb8;
	[tilespmem:$0x43D0] =	vst v63  }
0x63: {  	_ = 	snop  }
0x64: {  	[spmem:s2] =	stream.indirect.scatter.add.f32 [tilespmem:s13], [sflag:$0x1], $0x10, s31, s14, $0xb8;
	[tilespmem:$0x43D0] =	vst v63  }
0x65: {  	_ = 	snop  }
0x66: {  	[spmem:s2] =	stream.indirect.scatter.add.f32 [tilespmem:s13], [sflag:$0x1], $0x10, s0, s14, $0xb8;
	[tilespmem:$0x43D0] =	vst v63  }
0x67: {  	_ = 	snop  }
0x68: {  	[spmem:s2] =	stream.indirect.scatter.add.f32 [tilespmem:s13], [sflag:$0x1], $0x10, s1, s14, $0xb8;
	[tilespmem:$0x43D0] =	vst v63  }
0x69: {  	_ = 	snop  }
0x6a: {  	[spmem:s2] =	stream.indirect.scatter.add.f32 [tilespmem:s13], [sflag:$0x1], $0x10, s15, s14, $0xb8;
	[tilespmem:$0x43D0] =	vst v63  }
0x6b: {  	_ = 	snop  }
0x6c: {  	[spmem:s2] =	stream.indirect.scatter.add.f32 [tilespmem:s13], [sflag:$0x1], $0x10, s16, s14, $0xb8;
	[tilespmem:$0x43D0] =	vst v63  }
0x6d: {  	_ = 	snop  }
0x6e: {  	[spmem:s2] =	stream.indirect.scatter.add.f32 [tilespmem:s13], [sflag:$0x1], $0x10, s17, s14, $0xb8;
	[tilespmem:$0x43D0] =	vst v63  }
0x6f: {  	_ =	swait.ge [sflag:s18], $0x7D0  }
0x70: {  	s20 =	simm.s32 $0x27;
	[sflag:s18] =	ssyncset.done $0x0  }
.LBB2_2:
0x71: {  	p0 =	sne.s32 s20, $0x1;
	s20 =	sadd.s32 $0xFFFFFFFF, s20;
	[sflag:s18] =	ssyncadd.s32 $0xFFFFF830  }
.Ltmp0:
0x72: {  	(pc) =	sbr.rel @p0 .LBB2_2-.Ltmp0, $3  }
0x73: {  	_ =	sdelay $0x1  }
0x74: {  	_ =	swait.ge [sflag:s18], $0x7D0  }
0x75: {  	[sflag:s18] =	ssyncset.done $0x0  }
0x76: {  	s19 =	sadd.s32 $0x1, s19  }
0x77: {  	[sflag:s18] =	ssyncadd.s32 $0xFFFFF830;
	p0 =	sne.s32 s19, s8  }
.Ltmp1:
0x78: {  	[bflag:$0x0] =	sbarrier.arrive $0xFFFF;
	(pc) =	sbr.rel @p0 .LBB2_1-.Ltmp1, $4  }
0x79: {  	[hbm:s7], [sflag:s11] =	dma.local [spmem:s12], $0x500  }
0x7a: {  	_ =	swait.ge [sflag:s10], $0x500  }
0x7b: {  	[sflag:s10] =	ssyncset.done $0x0  }
0x7c: {  	[sflag:s10] =	ssyncadd.s32 $0xFFFFFB00  }
0x7d: {  	_ =	sfence.sel $0x180000  }
0x7e: {  	[bflag:$0x0] =	sbarrier.arrive $0xFFFF  }
0x7f: {  	_ =	strace $0x90000047  }
0x80: {  	s0 =	stileid.u32;
	[bflag:$0x2] =	sbarrier.arrive $0xFFFF  }
0x81: {  	p0 =	sne.s32 s0, $0x0;
	s0 =	rddreg [dreg:$0x2]  }
0x82: {  	s0 =	sadd.s32 @!p0 $0x100000, s0  }
0x83: {  	[sflag:s0] =	ssyncadd.tile.s32 @!p0 $0x1;
	_ =	shalt  }
.Lfunc_end2:
_tile_overlayer_lowered:
.L_overlay_start_2:
0x84: {  	(tag) =	ssettag $0x2  }
0x85: {  	s0 =	rddreg [dreg:$0x0];
	s2 =	stileid.u32  }
0x86: {  	s1 =	rddreg [dreg:$0x1];
	p0 =	sne.s32 s2, $0x0  }
0x87: {  	s3 =	rddreg [dreg:$0x2];
	[bflag:$0x3] =	sbarrier.arrive $0xFFFF;
	s2 =	simm.s32 @!p0 $0x1C02  }
0x88: {  	[timem:s3], [sflag:s2] =	dma.local @!p0 [hbm:s0], s1  }
0x89: {  	s0 =	simm.s32 @!p0 $0x2  }
0x8a: {  	_ =	swait.ge @!p0 [sflag:s0], s1  }
0x8b: {  	s1 =	ssub.s32 @!p0 $0x0, s1;
	[sflag:s0] =	ssyncset.done @!p0 $0x0  }
0x8c: {  	[sflag:s0] =	ssyncadd.s32 @!p0 s1  }
0x8d: {  	[bflag:$0x3] =	sbarrier.arrive $0xFFFF  }
0x8e: {  	_ =	shalt  }

// kernel: kernel.13.cloned.1.call-start
scs
__scs_entry_jumppad:
0x0: {  	(pc) =	sbr.rel $0x88, $3  }
0x1: {  	(tag) =	ssettag $0x0;
	lr =	simm.s32 $0x1  }
0x2: {  	[smem:$0x3F96] =	sst lr;
	_ =	strace $0xD0000000  }
0x3: {  	_ = 	snop  }
0x4: {  	_ = 	snop  }
0x5: {  	_ = 	snop  }
0x6: {  	_ = 	snop  }
0x7: {  	_ = 	snop  }
__scs_overlays_trampoline_lowered:
0x8: {  	[smem:$0x3FA5] =	sst s0  }
0x9: {  	[smem:$0x3FA6] =	sst s1  }
0xa: {  	[smem:$0x3FA7] =	sst s2  }
0xb: {  	[smem:$0x3FA8] =	sst s3  }
0xc: {  	[smem:$0x3FA9] =	sst s4  }
0xd: {  	[smem:$0x3FAA] =	sst s5  }
0xe: {  	[smem:$0x3FAB] =	sst s6  }
0xf: {  	[smem:$0x3FAC] =	sst s7  }
0x10: {  	[smem:$0x3FAD] =	sst s8  }
0x11: {  	[smem:$0x3FAE] =	sst s9;
	s0 =	simm.s32 @!p0 $0x0  }
0x12: {  	s1 =	sld [smem:$0x3F94];
	s0 =	simm.s32 @p0 $0x1  }
0x13: {  	[smem:$0x3FAF] =	sst s0;
	s0 =	simm.s32 @!p1 $0x0  }
0x14: {  	s2 =	sld [smem:$0x3F93];
	s0 =	simm.s32 @p1 $0x1  }
0x15: {  	[smem:$0x3FB0] =	sst s0;
	s0 =	simm.s32 @!p2 $0x0  }
0x16: {  	s3 =	sld [smem:$0x3FDB];
	s0 =	simm.s32 @p2 $0x1  }
0x17: {  	s4 =	simm.s32 $0x1BF5;
	[smem:$0x3FB2] =	sst s0  }
0x18: {  	s0 =	sld [smem:$0x3F95];
	_ =	swait.ge [sflag:s4], $0x0  }
0x19: {  	s7 =	sld [smem:$0x3F96]  }
0x1a: {  	s8 =	sadd.s32 $0xFFFFE003, lr  }
0x1b: {  	s9 =	sadd.s32 $0xFFFFFEF7, lr;
	s5 =	simm.s32 $0xFFFFFFFF;
	p2 =	slt.u32 s8, $0xFFFFF086  }
0x1c: {  	p1 =	slt.u32 s9, $0xF7A;
	s5 =	simm.s32 @!p2 $0x0  }
0x1d: {  	s5 =	simm.s32 @p1 $0x1;
	p0 =	seq.s32 s7, s2  }
0x1e: {  	s7 =	smul.u32 @!p0 $0xF7A, s2;
	p2 =	seq.s32 @!p0 s5, $0x0  }
0x1f: {  	s9 =	smul.u32 $0xF7A, s1;
	s8 =	simm.s32 @!p0 $0x1BF5;
	p2 =	por !p2, p0  }
0x20: {  	[sflag:s8] =	ssyncset.s32 @!p0 $0xFFFFF086;
	s6 =	sadd.s32 @!p0 s3, s7;
	s7 =	simm.s32 @!p0 $0x108  }
0x21: {  	s3 =	sadd.s32 s3, s9;
	s6 =	sadd.s32 @!p0 $0x88, s6;
	s7 =	simm.s32 @p2 $0x1082  }
0x22: {  	[simem:s7], [sflag:s8] =	dma.local @!p0 [hbm:s6], $0xF7A  }
0x23: {  	s9 =	sor.u32 $0xD0000000, s2;
	s6 =	simm.s32 $0x108;
	_ =	swait.ge @!p0 [sflag:s8], $0x0  }
0x24: {  	s3 =	sadd.s32 $0x88, s3;
	s6 =	simm.s32 @!p1 $0x1082;
	[sflag:s4] =	ssyncset.s32 $0xFFFFF086  }
0x25: {  	[simem:s6], [sflag:s4] =	dma.local [hbm:s3], $0xF7A  }
0x26: {  	[smem:$0x3F96] =	sst s1;
	(tag) =	ssettag s2;
	_ =	strace s9  }
0x27: {  	s1 =	sld [smem:$0x3FA6]  }
0x28: {  	s2 =	sld [smem:$0x3FA7]  }
0x29: {  	s4 =	sld [smem:$0x3FA9]  }
0x2a: {  	p0 =	seq.s32 s5, $0x0;
	s5 =	sld [smem:$0x3FAA]  }
0x2b: {  	s6 =	sld [smem:$0x3FAB]  }
0x2c: {  	s7 =	sld [smem:$0x3FAC]  }
0x2d: {  	s3 =	simm.s32 $0x108;
	s8 =	sld [smem:$0x3FAD]  }
0x2e: {  	s3 =	simm.s32 @!p0 $0x1082;
	s9 =	sld [smem:$0x3FAE]  }
0x2f: {  	lr =	sadd.s32 s0, s3;
	s0 =	sld [smem:$0x3FA5]  }
0x30: {  	s3 =	sld [smem:$0x3FA8]  }
0x31: {  	[smem:$0x3FB1] =	sst s10  }
0x32: {  	s10 =	sld [smem:$0x3FAF];
	_ =	sdelay $0x3  }
0x33: {  	p0 =	seq.s32 s10, $0x1;
	s10 =	sld [smem:$0x3FB1];
	_ =	sdelay $0x3  }
0x34: {  	[smem:$0x3FB1] =	sst s10  }
0x35: {  	s10 =	sld [smem:$0x3FB0];
	_ =	sdelay $0x3  }
0x36: {  	p1 =	seq.s32 s10, $0x1;
	s10 =	sld [smem:$0x3FB1];
	_ =	sdelay $0x3  }
0x37: {  	[smem:$0x3FB1] =	sst s10  }
0x38: {  	s10 =	sld [smem:$0x3FB2]  }
0x39: {  	_ = 	snop;
	(pc) =	sbr.ind lr, $3  }
0x3a: {  	_ = 	snop  }
0x3b: {  	_ = 	snop  }
0x3c: {  	p2 =	seq.s32 s10, $0x1;
	s10 =	sld [smem:$0x3FB1]  }
0x3d: {  	_ =	shalt  }
0x3e: {  	_ =	shalt  }
0x3f: {  	_ =	shalt  }
0x40: {  	_ =	shalt  }
0x41: {  	_ =	shalt  }
0x42: {  	_ =	shalt  }
0x43: {  	_ =	shalt  }
0x44: {  	_ =	shalt  }
0x45: {  	_ =	shalt  }
0x46: {  	_ =	shalt  }
0x47: {  	_ =	shalt  }
0x48: {  	_ =	shalt  }
0x49: {  	_ =	shalt  }
0x4a: {  	_ =	shalt  }
0x4b: {  	_ =	shalt  }
0x4c: {  	_ =	shalt  }
0x4d: {  	_ =	shalt  }
0x4e: {  	_ =	shalt  }
0x4f: {  	_ =	shalt  }
0x50: {  	_ =	shalt  }
0x51: {  	_ =	shalt  }
0x52: {  	_ =	shalt  }
0x53: {  	_ =	shalt  }
0x54: {  	_ =	shalt  }
0x55: {  	_ =	shalt  }
0x56: {  	_ =	shalt  }
0x57: {  	_ =	shalt  }
0x58: {  	_ =	shalt  }
0x59: {  	_ =	shalt  }
0x5a: {  	_ =	shalt  }
0x5b: {  	_ =	shalt  }
0x5c: {  	_ =	shalt  }
0x5d: {  	_ =	shalt  }
0x5e: {  	_ =	shalt  }
0x5f: {  	_ =	shalt  }
0x60: {  	_ =	shalt  }
0x61: {  	_ =	shalt  }
0x62: {  	_ =	shalt  }
0x63: {  	_ =	shalt  }
0x64: {  	_ =	shalt  }
0x65: {  	_ =	shalt  }
0x66: {  	_ =	shalt  }
0x67: {  	_ =	shalt  }
0x68: {  	_ =	shalt  }
0x69: {  	_ =	shalt  }
0x6a: {  	_ =	shalt  }
0x6b: {  	_ =	shalt  }
0x6c: {  	_ =	shalt  }
0x6d: {  	_ =	shalt  }
0x6e: {  	_ =	shalt  }
0x6f: {  	_ =	shalt  }
0x70: {  	_ =	shalt  }
0x71: {  	_ =	shalt  }
0x72: {  	_ =	shalt  }
0x73: {  	_ =	shalt  }
0x74: {  	_ =	shalt  }
0x75: {  	_ =	shalt  }
0x76: {  	_ =	shalt  }
0x77: {  	_ =	shalt  }
0x78: {  	_ =	shalt  }
0x79: {  	_ =	shalt  }
0x7a: {  	_ =	shalt  }
0x7b: {  	_ =	shalt  }
0x7c: {  	_ =	shalt  }
0x7d: {  	_ =	shalt  }
0x7e: {  	_ =	shalt  }
0x7f: {  	_ =	shalt  }
0x80: {  	_ =	shalt  }
0x81: {  	_ =	shalt  }
0x82: {  	_ =	shalt  }
0x83: {  	_ =	shalt  }
0x84: {  	_ =	shalt  }
0x85: {  	_ =	shalt  }
0x86: {  	_ =	shalt  }
0x87: {  	_ =	shalt  }
.Lfunc_end0:
.L_simem_size_0:
called_computation.1_lowered:
.L_overlay_start_0:
0x88: {  	s2 =	sld [smem:$0x3FD9]  }
0x89: {  	s3 =	sld [smem:$0x3FFE];
	_ =	sdelay $0x1  }
0x8a: {  	s1 =	srdreg.scid  }
0x8b: {  	s0 =	sand.u32 $0x1, s1  }
0x8c: {  	s16 =	sshll.u32 s0, $0xA;
	s2 =	sadd.s32 s3, s2  }
0x8d: {  	s2 =	sadd.s32 s2, s16  }
0x8e: {  	[smem:$0x3FBD] =	sst s2  }
0x8f: {  	_ = 	snop  }
0x90: {  	(tm) =	ssettm $0x1  }
0x91: {  	s17 =	sld [smem:$0x3FFB];
	_ =	sdelay $0x3  }
0x92: {  	_ =	strace s17  }
0x93: {  	s2 =	sld [smem:$0x3FFC];
	_ =	sdelay $0x3  }
0x94: {  	_ =	strace s2  }
0x95: {  	s2 =	sld [smem:$0x3FFD];
	_ =	sdelay $0x3  }
0x96: {  	_ =	strace s2  }
0x97: {  	_ =	strace $0x8FFFFFFF  }
0x98: {  	s18 =	sld [smem:$0x3FDB];
	_ =	sdelay $0x1  }
0x99: {  	s19 =	simm.s32 $_scs_section_size  }
0x9a: {  	s4 =	simm.s32 $_size__tile_overlayer_lowered;
	s5 =	simm.s32 $_tile_overlayer_lowered  }
0x9b: {  	s22 =	simm.s32 $0x1BFF;
	s21 =	sshll.u32 s5, $0x1;
	s2 =	sadd.s32 s19, s18  }
0x9c: {  	s6 =	simm.s32 $0x0;
	s20 =	sshll.u32 s4, $0x1;
	s4 =	sadd.s32 s21, s2  }
0x9d: {  	[timem:s6], [sflag:s22] =	dma.local [hbm:s4], s20  }
0x9e: {  	_ =	swait.ge [sflag:s22], s20  }
0x9f: {  	s3 =	ssub.s32 $0x0, s20;
	[sflag:s22] =	ssyncset.done $0x0  }
0xa0: {  	[sflag:s22] =	ssyncadd.s32 s3;
	_ =	sdelay $0x1  }
0xa1: {  	s23 =	simm.s32 $0x1B8B  }
0xa2: {  	_ =	swait.ge [sflag:s23], $0x1  }
0xa3: {  	[sflag:s23] =	ssyncset.done $0x0  }
0xa4: {  	s25 =	simm.s32 $0x1B8E;
	s24 =	sld [smem:$0x3FFE];
	[sflag:s23] =	ssyncadd.s32 $0xFFFFFFFF  }
0xa5: {  	s26 =	simm.s32 $execute0_lowered;
	[smem:$0x3FD2] =	sst s25  }
0xa6: {  	s4 =	sshll.u32 s26, $0x1;
	_ =	strace $0x80000049;
	[dreg:$0x1] =	wrdreg $0xFFFFFFFF  }
0xa7: {  	s28 =	simm.s32 $_size_execute0_lowered;
	s2 =	sadd.s32 s2, s4;
	[dreg:$0x0] =	wrdreg $0x0  }
0xa8: {  	s4 =	sshll.u32 s28, $0x1;
	[dreg:$0x2] =	wrdreg s2  }
0xa9: {  	[dreg:$0x3] =	wrdreg s4  }
0xaa: {  	[dreg:$0x4] =	wrdreg $0xC0  }
0xab: {  	_ =	task [dreg:s6], $0x5FFFF  }
0xac: {  	[dreg:$0x1] =	wrdreg $0xFFFFFFFF  }
0xad: {  	[dreg:$0x0] =	wrdreg $0x60  }
0xae: {  	[dreg:$0x2] =	wrdreg s24  }
0xaf: {  	[dreg:$0x3] =	wrdreg $0x0  }
0xb0: {  	[dreg:$0x4] =	wrdreg $0x9  }
0xb1: {  	_ =	task.clear_ibuf [dreg:s6], $0x5FFFF;
	_ =	strace $0x90000049  }
0xb2: {  	s29 =	simm.s32 $0x9;
	_ =	strace $0x8000004B  }
0xb3: {  	_ =	swait.ge [sflag:s29], $0x1  }
0xb4: {  	[sflag:s29] =	ssyncadd.s32 $0xFFFFFFFF  }
0xb5: {  	_ =	strace $0x9000004B  }
0xb6: {  	_ =	sfence  }
0xb7: {  	s30 =	sld [smem:$0x0];
	_ =	sdelay $0x2  }
0xb8: {  	s31 =	sshll.u32 s1, $0xD;
	s1 =	sshrl.u32 s1, $0x2  }
0xb9: {  	s3 =	sand.u32 $0x4000, s31;
	s1 =	sadd.s32 s1, s30  }
0xba: {  	s0 =	sor.u32 s3, s0;
	s1 =	sshll.u32 s1, $0x11  }
0xbb: {  	s0 =	sor.u32 s1, s0  }
0xbc: {  	s0 =	sadd.s32 $0x8F2B, s0  }
0xbd: {  	[sflag:s0] =	ssyncadd.remote.s32 $0x1  }
0xbe: {  	_ =	sfence.sel $0xFFFF  }
0xbf: {  	[dreg:$0x0] =	wrdreg $0xFFFFFFFF;
	(pc) =	sbr.abs _section_cstart, $3  }
0xc0: {  	[dreg:$0x1] =	wrdreg $0xFFFFFFFF  }
0xc1: {  	_ =	task.clear_ibuf [dreg:s6], $0x2FFFF;
	_ =	strace $0x9FFFFFFF  }
0xc2: {  	(tm) =	ssettm $0x7FFFFFFF  }
0xc3: {  	_ =	shalt  }
tec
execute0_lowered:
.L_overlay_start_1:
0x0: {  	(tag) =	ssettag $0x1  }
0x1: {  	s0 =	rddreg [dreg:$0x0];
	s11 =	stileid.u32  }
0x2: {  	s1 =	srdreg.scid;
	s2 =	rddreg [dreg:$0x1]  }
0x3: {  	s3 =	simm.s32 $0x0;
	s12 =	simm.s32 $0xA000;
	s15 =	simm.s32 $0x7D  }
0x4: {  	s16 =	simm.s32 $0xF000;
	s18 =	simm.s32 $0x10F40;
	s20 =	simm.s32 $0x12E80  }
0x5: {  	s22 =	simm.s32 $0x14DC0;
	s23 =	simm.s32 $0x1;
	s28 =	simm.s32 $0x5  }
0x6: {  	s29 =	simm.s32 $0x6;
	s30 =	simm.s32 $0x7;
	s31 =	simm.s32 $0x8  }
0x7: {  	s21 =	simm.s32 $0xEF80;
	s1 =	sand.u32 $0x1, s1;
	s5 =	smul.u32 $0x14000, s11  }
0x8: {  	[smem:$0x7FF] =	sst s3;
	s4 =	smul.u32 $0x500, s11;
	s8 =	sadd.s32 $0x25800, s0  }
0x9: {  	s26 =	sshll.u32 s11, $0x6;
	s11 =	simm.s32 $0x9;
	s6 =	smul.u32 $0x140000, s1  }
0xa: {  	_ =	strace $0x8000004A;
	s1 =	ssub.s32 $0x2, s1;
	s13 =	sor.u32 $0x1C09, s26  }
0xb: {  	s26 =	simm.s32 $0x4;
	s9 =	sadd.s32 s4, s0;
	s24 =	sshrl.u32 s1, $0x1  }
0xc: {  	s10 =	sshrl.u32 s5, $0x1;
	s7 =	sadd.s32 s5, s6;
	s1 =	ssub.s32 s1, s24  }
0xd: {  	s4 =	sadd.s32 $0x1B800, s9;
	s5 =	sadd.s32 $0x20800, s9;
	s10 =	sadd.s32 s10, s2  }
0xe: {  	s25 =	sshrl.u32 s6, $0x4;
	s24 =	simm.s32 $0x2;
	s7 =	sshrl.u32 s7, $0x4  }
0xf: {  	s9 =	smax.u32 s1, $0x1;
	s14 =	sshrl.u32 s10, $0x3;
	s1 =	simm.s32 $0x0  }
0x10: {  	s0 =	sadd.s32 s7, s0;
	s6 =	sadd.s32 s8, s7;
	s7 =	sadd.s32 s8, s25  }
0x11: {  	s25 =	simm.s32 $0x3;
	s8 =	sadd.s32 $0x4D800, s0;
	s0 =	simm.s32 $0xC780  }
.LBB2_1:
0x12: {  	s10 =	simm.s32 $0xC800  }
0x13: {  	[tilespmem:s10], [sflag:$0x9] =	stream.linear.gather [hbm4b:s4+s3], $0x2800, $0x38;
	[tilespmem:$0x16D00] =	vst v63  }
0x14: {  	_ =	swait.ge [sflag:s11], $0x2800  }
0x15: {  	[sflag:s11] =	ssyncset.done $0x0  }
0x16: {  	[sflag:s11] =	ssyncadd.s32 $0xFFFFD800  }
0x17: {  	[tilespmem:s12], [sflag:$0x9] =	stream.linear.gather [hbm4b:s5+s3], $0x2800, $0x38;
	[tilespmem:$0x16D00] =	vst v63  }
0x18: {  	_ =	swait.ge [sflag:s11], $0x2800  }
0x19: {  	[sflag:s11] =	ssyncset.done $0x0  }
0x1a: {  	[sflag:s11] =	ssyncadd.s32 $0xFFFFD800  }
0x1b: {  	[spmem:s14], [sflag:s13] =	dma.local [hbm:s6], $0x1400  }
0x1c: {  	_ =	swait.ge [sflag:s11], $0x1400  }
0x1d: {  	[sflag:s11] =	ssyncset.done $0x0  }
0x1e: {  	[sflag:s11] =	ssyncadd.s32 $0xFFFFEC00  }
0x1f: {  	[bflag:$0x0] =	sbarrier.arrive $0xFFFF  }
0x20: {  	[tilespmem:s16], [sflag:$0x1] =	stream.indirect.gather [hbm4b:s7+s15], $0x40, s12, s15, $0xb8;
	[tilespmem:$0x16D00] =	vst v63  }
0x21: {  	s17 =	simm.s32 $0xA080  }
0x22: {  	[tilespmem:s18], [sflag:$0x2] =	stream.indirect.gather [hbm4b:s7+s15], $0x40, s17, s15, $0xb8;
	[tilespmem:$0x16D00] =	vst v63  }
0x23: {  	s19 =	simm.s32 $0xA100  }
0x24: {  	[tilespmem:s20], [sflag:$0x3] =	stream.indirect.gather [hbm4b:s7+s15], $0x40, s19, s15, $0xb8;
	[tilespmem:$0x16D00] =	vst v63  }
0x25: {  	s17 =	simm.s32 $0xA180  }
0x26: {  	[tilespmem:s22], [sflag:$0x4] =	stream.indirect.gather [hbm4b:s7+s15], $0x40, s17, s15, $0xb8;
	[tilespmem:$0x16D00] =	vst v63  }
0x27: {  	_ =	swait.ge [sflag:s23], $0x1F40  }
0x28: {  	[sflag:s23] =	ssyncset.done $0x0  }
0x29: {  	s19 =	simm.s32 $0xC800;
	[sflag:s23] =	ssyncadd.s32 $0xFFFFE0C0  }
0x2a: {  	[spmem:s2] =	stream.indirect.scatter.add.bf16 [tilespmem:s16], [sflag:$0x5], $0x40, s19, s15, $0xb8;
	[tilespmem:$0x16D00] =	vst v63  }
0x2b: {  	_ =	swait.ge [sflag:s24], $0x1F40  }
0x2c: {  	[sflag:s24] =	ssyncset.done $0x0  }
0x2d: {  	s17 =	simm.s32 $0xC880;
	[sflag:s24] =	ssyncadd.s32 $0xFFFFE0C0  }
0x2e: {  	[spmem:s2] =	stream.indirect.scatter.add.bf16 [tilespmem:s18], [sflag:$0x6], $0x40, s17, s15, $0xb8;
	[tilespmem:$0x16D00] =	vst v63  }
0x2f: {  	_ =	swait.ge [sflag:s25], $0x1F40  }
0x30: {  	[sflag:s25] =	ssyncset.done $0x0  }
0x31: {  	s19 =	simm.s32 $0xC900;
	[sflag:s25] =	ssyncadd.s32 $0xFFFFE0C0  }
0x32: {  	[spmem:s2] =	stream.indirect.scatter.add.bf16 [tilespmem:s20], [sflag:$0x7], $0x40, s19, s15, $0xb8;
	[tilespmem:$0x16D00] =	vst v63  }
0x33: {  	_ =	swait.ge [sflag:s26], $0x1F40  }
0x34: {  	[sflag:s26] =	ssyncset.done $0x0  }
0x35: {  	s17 =	simm.s32 $0xC980;
	[sflag:s26] =	ssyncadd.s32 $0xFFFFE0C0  }
0x36: {  	[spmem:s2] =	stream.indirect.scatter.add.bf16 [tilespmem:s22], [sflag:$0x8], $0x40, s17, s15, $0xb8;
	[tilespmem:$0x16D00] =	vst v63  }
0x37: {  	_ =	swait.ge [sflag:s28], $0x1F40  }
0x38: {  	[sflag:s28] =	ssyncset.done $0x0  }
0x39: {  	s19 =	simm.s32 $0xA200;
	[sflag:s28] =	ssyncadd.s32 $0xFFFFE0C0  }
0x3a: {  	[tilespmem:s16], [sflag:$0x1] =	stream.indirect.gather [hbm4b:s7+s15], $0x40, s19, s15, $0xb8;
	[tilespmem:$0x16D00] =	vst v63  }
0x3b: {  	_ =	swait.ge [sflag:s29], $0x1F40  }
0x3c: {  	[sflag:s29] =	ssyncset.done $0x0  }
0x3d: {  	s17 =	simm.s32 $0xA280;
	[sflag:s29] =	ssyncadd.s32 $0xFFFFE0C0  }
0x3e: {  	[tilespmem:s18], [sflag:$0x2] =	stream.indirect.gather [hbm4b:s7+s15], $0x40, s17, s15, $0xb8;
	[tilespmem:$0x16D00] =	vst v63  }
0x3f: {  	_ =	swait.ge [sflag:s30], $0x1F40  }
0x40: {  	[sflag:s30] =	ssyncset.done $0x0  }
0x41: {  	s19 =	simm.s32 $0xA300;
	[sflag:s30] =	ssyncadd.s32 $0xFFFFE0C0  }
0x42: {  	[tilespmem:s20], [sflag:$0x3] =	stream.indirect.gather [hbm4b:s7+s15], $0x40, s19, s15, $0xb8;
	[tilespmem:$0x16D00] =	vst v63  }
0x43: {  	_ =	swait.ge [sflag:s31], $0x1F40  }
0x44: {  	[sflag:s31] =	ssyncset.done $0x0  }
0x45: {  	s10 =	simm.s32 $0x800;
	s17 =	simm.s32 $0xA380;
	[sflag:s31] =	ssyncadd.s32 $0xFFFFE0C0  }
.LBB2_2:
0x46: {  	[tilespmem:s22], [sflag:$0x4] =	stream.indirect.gather [hbm4b:s7+s15], $0x40, s17, s15, $0xb8;
	[tilespmem:$0x16D00] =	vst v63  }
0x47: {  	s17 =	smov.u32 s10  }
0x48: {  	p0 =	sne.s32 s10, $0x8800;
	s10 =	sadd.s32 $0x800, s10;
	_ =	swait.ge [sflag:s23], $0x1F40  }
0x49: {  	s17 =	sshra.s32 s17, $0x2;
	[sflag:s23] =	ssyncset.done $0x0  }
0x4a: {  	s19 =	sadd.s32 $0xC800, s17;
	[sflag:s23] =	ssyncadd.s32 $0xFFFFE0C0  }
0x4b: {  	[spmem:s2] =	stream.indirect.scatter.add.bf16 [tilespmem:s16], [sflag:$0x5], $0x40, s19, s15, $0xb8;
	[tilespmem:$0x16D00] =	vst v63  }
0x4c: {  	_ =	swait.ge [sflag:s24], $0x1F40  }
0x4d: {  	[sflag:s24] =	ssyncset.done $0x0  }
0x4e: {  	s19 =	sadd.s32 $0xC880, s17;
	[sflag:s24] =	ssyncadd.s32 $0xFFFFE0C0  }
0x4f: {  	[spmem:s2] =	stream.indirect.scatter.add.bf16 [tilespmem:s18], [sflag:$0x6], $0x40, s19, s15, $0xb8;
	[tilespmem:$0x16D00] =	vst v63  }
0x50: {  	_ =	swait.ge [sflag:s25], $0x1F40  }
0x51: {  	[sflag:s25] =	ssyncset.done $0x0  }
0x52: {  	s19 =	sadd.s32 $0xC900, s17;
	[sflag:s25] =	ssyncadd.s32 $0xFFFFE0C0  }
0x53: {  	[spmem:s2] =	stream.indirect.scatter.add.bf16 [tilespmem:s20], [sflag:$0x7], $0x40, s19, s15, $0xb8;
	[tilespmem:$0x16D00] =	vst v63  }
0x54: {  	_ =	swait.ge [sflag:s26], $0x1F40  }
0x55: {  	[sflag:s26] =	ssyncset.done $0x0  }
0x56: {  	s19 =	sadd.s32 $0xC980, s17;
	[sflag:s26] =	ssyncadd.s32 $0xFFFFE0C0  }
0x57: {  	[spmem:s2] =	stream.indirect.scatter.add.bf16 [tilespmem:s22], [sflag:$0x8], $0x40, s19, s15, $0xb8;
	[tilespmem:$0x16D00] =	vst v63  }
0x58: {  	_ =	swait.ge [sflag:s28], $0x1F40  }
0x59: {  	[sflag:s28] =	ssyncset.done $0x0  }
0x5a: {  	s19 =	sadd.s32 $0xA200, s17;
	[sflag:s28] =	ssyncadd.s32 $0xFFFFE0C0  }
0x5b: {  	[tilespmem:s16], [sflag:$0x1] =	stream.indirect.gather [hbm4b:s7+s15], $0x40, s19, s15, $0xb8;
	[tilespmem:$0x16D00] =	vst v63  }
0x5c: {  	_ =	swait.ge [sflag:s29], $0x1F40  }
0x5d: {  	[sflag:s29] =	ssyncset.done $0x0  }
0x5e: {  	s19 =	sadd.s32 $0xA280, s17;
	[sflag:s29] =	ssyncadd.s32 $0xFFFFE0C0  }
0x5f: {  	[tilespmem:s18], [sflag:$0x2] =	stream.indirect.gather [hbm4b:s7+s15], $0x40, s19, s15, $0xb8;
	[tilespmem:$0x16D00] =	vst v63  }
0x60: {  	_ =	swait.ge [sflag:s30], $0x1F40  }
0x61: {  	[sflag:s30] =	ssyncset.done $0x0  }
.Ltmp0:
0x62: {  	s19 =	sadd.s32 $0xA300, s17;
	[sflag:s30] =	ssyncadd.s32 $0xFFFFE0C0;
	(pc) =	sbr.rel @p0 .LBB2_2-.Ltmp0, $4  }
0x63: {  	[tilespmem:s20], [sflag:$0x3] =	stream.indirect.gather [hbm4b:s7+s15], $0x40, s19, s15, $0xb8;
	[tilespmem:$0x16D00] =	vst v63  }
0x64: {  	_ =	swait.ge [sflag:s31], $0x1F40  }
0x65: {  	[sflag:s31] =	ssyncset.done $0x0  }
0x66: {  	s17 =	sadd.s32 $0xA380, s17;
	[sflag:s31] =	ssyncadd.s32 $0xFFFFE0C0  }
0x67: {  	[tilespmem:s22], [sflag:$0x4] =	stream.indirect.gather [hbm4b:s7+s15], $0x40, s17, s15, $0xb8;
	[tilespmem:$0x16D00] =	vst v63  }
0x68: {  	_ =	swait.ge [sflag:s23], $0x1F40  }
0x69: {  	[sflag:s23] =	ssyncset.done $0x0  }
0x6a: {  	s10 =	simm.s32 $0xEC00;
	[sflag:s23] =	ssyncadd.s32 $0xFFFFE0C0  }
0x6b: {  	[spmem:s2] =	stream.indirect.scatter.add.bf16 [tilespmem:s16], [sflag:$0x5], $0x40, s10, s15, $0xb8;
	[tilespmem:$0x16D00] =	vst v63  }
0x6c: {  	_ =	swait.ge [sflag:s24], $0x1F40  }
0x6d: {  	[sflag:s24] =	ssyncset.done $0x0  }
0x6e: {  	s19 =	simm.s32 $0xEC80;
	[sflag:s24] =	ssyncadd.s32 $0xFFFFE0C0  }
0x6f: {  	[spmem:s2] =	stream.indirect.scatter.add.bf16 [tilespmem:s18], [sflag:$0x6], $0x40, s19, s15, $0xb8;
	[tilespmem:$0x16D00] =	vst v63  }
0x70: {  	_ =	swait.ge [sflag:s25], $0x1F40  }
0x71: {  	[sflag:s25] =	ssyncset.done $0x0  }
0x72: {  	s17 =	simm.s32 $0xED00;
	[sflag:s25] =	ssyncadd.s32 $0xFFFFE0C0  }
0x73: {  	[spmem:s2] =	stream.indirect.scatter.add.bf16 [tilespmem:s20], [sflag:$0x7], $0x40, s17, s15, $0xb8;
	[tilespmem:$0x16D00] =	vst v63  }
0x74: {  	_ =	swait.ge [sflag:s26], $0x1F40  }
0x75: {  	[sflag:s26] =	ssyncset.done $0x0  }
0x76: {  	s19 =	simm.s32 $0xED80;
	[sflag:s26] =	ssyncadd.s32 $0xFFFFE0C0  }
0x77: {  	[spmem:s2] =	stream.indirect.scatter.add.bf16 [tilespmem:s22], [sflag:$0x8], $0x40, s19, s15, $0xb8;
	[tilespmem:$0x16D00] =	vst v63  }
0x78: {  	_ =	swait.ge [sflag:s28], $0x1F40  }
0x79: {  	[sflag:s28] =	ssyncset.done $0x0  }
0x7a: {  	s17 =	simm.s32 $0xC600;
	[sflag:s28] =	ssyncadd.s32 $0xFFFFE0C0  }
0x7b: {  	[tilespmem:s16], [sflag:$0x1] =	stream.indirect.gather [hbm4b:s7+s15], $0x40, s17, s15, $0xb8;
	[tilespmem:$0x16D00] =	vst v63  }
0x7c: {  	_ =	swait.ge [sflag:s29], $0x1F40  }
0x7d: {  	[sflag:s29] =	ssyncset.done $0x0  }
0x7e: {  	s19 =	simm.s32 $0xC680;
	[sflag:s29] =	ssyncadd.s32 $0xFFFFE0C0  }
0x7f: {  	[tilespmem:s18], [sflag:$0x2] =	stream.indirect.gather [hbm4b:s7+s15], $0x40, s19, s15, $0xb8;
	[tilespmem:$0x16D00] =	vst v63  }
0x80: {  	_ =	swait.ge [sflag:s30], $0x1F40  }
0x81: {  	[sflag:s30] =	ssyncset.done $0x0  }
0x82: {  	s17 =	simm.s32 $0xC700;
	[sflag:s30] =	ssyncadd.s32 $0xFFFFE0C0  }
0x83: {  	[tilespmem:s20], [sflag:$0x3] =	stream.indirect.gather [hbm4b:s7+s15], $0x40, s17, s15, $0xb8;
	[tilespmem:$0x16D00] =	vst v63  }
0x84: {  	_ =	swait.ge [sflag:s31], $0x1F40  }
0x85: {  	[sflag:s31] =	ssyncset.done $0x0  }
0x86: {  	[sflag:s31] =	ssyncadd.s32 $0xFFFFE0C0  }
0x87: {  	[tilespmem:s22], [sflag:$0x4] =	stream.indirect.gather [hbm4b:s7+s15], $0x40, s0, s15, $0xb8;
	[tilespmem:$0x16D00] =	vst v63  }
0x88: {  	_ =	swait.ge [sflag:s23], $0x1F40  }
0x89: {  	[sflag:s23] =	ssyncset.done $0x0  }
0x8a: {  	s19 =	simm.s32 $0xEE00;
	[sflag:s23] =	ssyncadd.s32 $0xFFFFE0C0  }
0x8b: {  	[spmem:s2] =	stream.indirect.scatter.add.bf16 [tilespmem:s16], [sflag:$0x5], $0x40, s19, s15, $0xb8;
	[tilespmem:$0x16D00] =	vst v63  }
0x8c: {  	_ =	swait.ge [sflag:s24], $0x1F40  }
0x8d: {  	[sflag:s24] =	ssyncset.done $0x0  }
0x8e: {  	s17 =	simm.s32 $0xEE80;
	[sflag:s24] =	ssyncadd.s32 $0xFFFFE0C0  }
0x8f: {  	[spmem:s2] =	stream.indirect.scatter.add.bf16 [tilespmem:s18], [sflag:$0x6], $0x40, s17, s15, $0xb8;
	[tilespmem:$0x16D00] =	vst v63  }
0x90: {  	_ =	swait.ge [sflag:s25], $0x1F40  }
0x91: {  	[sflag:s25] =	ssyncset.done $0x0  }
0x92: {  	s19 =	simm.s32 $0xEF00;
	[sflag:s25] =	ssyncadd.s32 $0xFFFFE0C0  }
0x93: {  	[spmem:s2] =	stream.indirect.scatter.add.bf16 [tilespmem:s20], [sflag:$0x7], $0x40, s19, s15, $0xb8;
	[tilespmem:$0x16D00] =	vst v63  }
0x94: {  	_ =	swait.ge [sflag:s26], $0x1F40  }
0x95: {  	[sflag:s26] =	ssyncset.done $0x0  }
0x96: {  	[sflag:s26] =	ssyncadd.s32 $0xFFFFE0C0  }
0x97: {  	[spmem:s2] =	stream.indirect.scatter.add.bf16 [tilespmem:s22], [sflag:$0x8], $0x40, s21, s15, $0xb8;
	[tilespmem:$0x16D00] =	vst v63  }
0x98: {  	_ =	swait.ge [sflag:s28], $0x1F40  }
0x99: {  	[sflag:s28] =	ssyncset.done $0x0  }
0x9a: {  	[sflag:s28] =	ssyncadd.s32 $0xFFFFE0C0  }
0x9b: {  	[tilespmem:s16], [sflag:$0x1] =	stream.indirect.gather [hbm4b:s7+s15], $0x40, s0, s15, $0xb8;
	[tilespmem:$0x16D00] =	vst v63  }
0x9c: {  	_ =	swait.ge [sflag:s29], $0x1F40  }
0x9d: {  	[sflag:s29] =	ssyncset.done $0x0  }
0x9e: {  	[sflag:s29] =	ssyncadd.s32 $0xFFFFE0C0  }
0x9f: {  	[tilespmem:s18], [sflag:$0x2] =	stream.indirect.gather [hbm4b:s7+s15], $0x40, s0, s15, $0xb8;
	[tilespmem:$0x16D00] =	vst v63  }
0xa0: {  	_ =	swait.ge [sflag:s30], $0x1F40  }
0xa1: {  	[sflag:s30] =	ssyncset.done $0x0  }
0xa2: {  	[sflag:s30] =	ssyncadd.s32 $0xFFFFE0C0  }
0xa3: {  	[tilespmem:s20], [sflag:$0x3] =	stream.indirect.gather [hbm4b:s7+s15], $0x40, s0, s15, $0xb8;
	[tilespmem:$0x16D00] =	vst v63  }
0xa4: {  	_ =	swait.ge [sflag:s31], $0x1F40  }
0xa5: {  	[sflag:s31] =	ssyncset.done $0x0  }
0xa6: {  	[sflag:s31] =	ssyncadd.s32 $0xFFFFE0C0  }
0xa7: {  	[tilespmem:s22], [sflag:$0x4] =	stream.indirect.gather [hbm4b:s7+s15], $0x40, s0, s15, $0xb8;
	[tilespmem:$0x16D00] =	vst v63  }
0xa8: {  	_ =	swait.ge [sflag:s23], $0x1F40  }
0xa9: {  	[sflag:s23] =	ssyncset.done $0x0  }
0xaa: {  	[sflag:s23] =	ssyncadd.s32 $0xFFFFE0C0  }
0xab: {  	_ =	swait.ge [sflag:s24], $0x1F40  }
0xac: {  	[sflag:s24] =	ssyncset.done $0x0  }
0xad: {  	[sflag:s24] =	ssyncadd.s32 $0xFFFFE0C0  }
0xae: {  	_ =	swait.ge [sflag:s25], $0x1F40  }
0xaf: {  	[sflag:s25] =	ssyncset.done $0x0  }
0xb0: {  	[sflag:s25] =	ssyncadd.s32 $0xFFFFE0C0  }
0xb1: {  	_ =	swait.ge [sflag:s26], $0x1F40  }
0xb2: {  	s1 =	sadd.s32 $0x1, s1;
	[sflag:s26] =	ssyncset.done $0x0  }
0xb3: {  	p0 =	sne.s32 s1, s9;
	[sflag:s26] =	ssyncadd.s32 $0xFFFFE0C0  }
.Ltmp1:
0xb4: {  	[bflag:$0x0] =	sbarrier.arrive $0xFFFF;
	(pc) =	sbr.rel @p0 .LBB2_1-.Ltmp1, $4  }
0xb5: {  	[hbm:s8], [sflag:s13] =	dma.local [spmem:s14], $0x1400  }
0xb6: {  	_ =	swait.ge [sflag:s11], $0x1400  }
0xb7: {  	[sflag:s11] =	ssyncset.done $0x0  }
0xb8: {  	[sflag:s11] =	ssyncadd.s32 $0xFFFFEC00  }
0xb9: {  	_ =	sfence.sel $0x180000  }
0xba: {  	[bflag:$0x0] =	sbarrier.arrive $0xFFFF  }
0xbb: {  	_ =	strace $0x9000004A  }
0xbc: {  	s0 =	stileid.u32;
	[bflag:$0x2] =	sbarrier.arrive $0xFFFF  }
0xbd: {  	p0 =	sne.s32 s0, $0x0;
	s0 =	rddreg [dreg:$0x2]  }
0xbe: {  	s0 =	sadd.s32 @!p0 $0x100000, s0  }
0xbf: {  	[sflag:s0] =	ssyncadd.tile.s32 @!p0 $0x1;
	_ =	shalt  }
.Lfunc_end2:
_tile_overlayer_lowered:
.L_overlay_start_2:
0xc0: {  	(tag) =	ssettag $0x2  }
0xc1: {  	s0 =	rddreg [dreg:$0x0];
	s2 =	stileid.u32  }
0xc2: {  	s1 =	rddreg [dreg:$0x1];
	p0 =	sne.s32 s2, $0x0  }
0xc3: {  	s3 =	rddreg [dreg:$0x2];
	[bflag:$0x3] =	sbarrier.arrive $0xFFFF;
	s2 =	simm.s32 @!p0 $0x1C09  }
0xc4: {  	[timem:s3], [sflag:s2] =	dma.local @!p0 [hbm:s0], s1  }
0xc5: {  	s0 =	simm.s32 @!p0 $0x9  }
0xc6: {  	_ =	swait.ge @!p0 [sflag:s0], s1  }
0xc7: {  	s1 =	ssub.s32 @!p0 $0x0, s1;
	[sflag:s0] =	ssyncset.done @!p0 $0x0  }
0xc8: {  	[sflag:s0] =	ssyncadd.s32 @!p0 s1  }
0xc9: {  	[bflag:$0x3] =	sbarrier.arrive $0xFFFF  }
0xca: {  	_ =	shalt  }

// kernel: kernel.16.cloned.1.call-start
scs
__scs_entry_jumppad:
0x0: {  	(pc) =	sbr.rel $0x88, $3  }
0x1: {  	(tag) =	ssettag $0x0;
	lr =	simm.s32 $0x1  }
0x2: {  	[smem:$0x3F96] =	sst lr;
	_ =	strace $0xD0000000  }
0x3: {  	_ = 	snop  }
0x4: {  	_ = 	snop  }
0x5: {  	_ = 	snop  }
0x6: {  	_ = 	snop  }
0x7: {  	_ = 	snop  }
__scs_overlays_trampoline_lowered:
0x8: {  	[smem:$0x3FA5] =	sst s0  }
0x9: {  	[smem:$0x3FA6] =	sst s1  }
0xa: {  	[smem:$0x3FA7] =	sst s2  }
0xb: {  	[smem:$0x3FA8] =	sst s3  }
0xc: {  	[smem:$0x3FA9] =	sst s4  }
0xd: {  	[smem:$0x3FAA] =	sst s5  }
0xe: {  	[smem:$0x3FAB] =	sst s6  }
0xf: {  	[smem:$0x3FAC] =	sst s7  }
0x10: {  	[smem:$0x3FAD] =	sst s8  }
0x11: {  	[smem:$0x3FAE] =	sst s9;
	s0 =	simm.s32 @!p0 $0x0  }
0x12: {  	s1 =	sld [smem:$0x3F94];
	s0 =	simm.s32 @p0 $0x1  }
0x13: {  	[smem:$0x3FAF] =	sst s0;
	s0 =	simm.s32 @!p1 $0x0  }
0x14: {  	s2 =	sld [smem:$0x3F93];
	s0 =	simm.s32 @p1 $0x1  }
0x15: {  	[smem:$0x3FB0] =	sst s0;
	s0 =	simm.s32 @!p2 $0x0  }
0x16: {  	s3 =	sld [smem:$0x3FDB];
	s0 =	simm.s32 @p2 $0x1  }
0x17: {  	s4 =	simm.s32 $0x1BF5;
	[smem:$0x3FB2] =	sst s0  }
0x18: {  	s0 =	sld [smem:$0x3F95];
	_ =	swait.ge [sflag:s4], $0x0  }
0x19: {  	s7 =	sld [smem:$0x3F96]  }
0x1a: {  	s8 =	sadd.s32 $0xFFFFE003, lr  }
0x1b: {  	s9 =	sadd.s32 $0xFFFFFEF7, lr;
	s5 =	simm.s32 $0xFFFFFFFF;
	p2 =	slt.u32 s8, $0xFFFFF086  }
0x1c: {  	p1 =	slt.u32 s9, $0xF7A;
	s5 =	simm.s32 @!p2 $0x0  }
0x1d: {  	s5 =	simm.s32 @p1 $0x1;
	p0 =	seq.s32 s7, s2  }
0x1e: {  	s7 =	smul.u32 @!p0 $0xF7A, s2;
	p2 =	seq.s32 @!p0 s5, $0x0  }
0x1f: {  	s9 =	smul.u32 $0xF7A, s1;
	s8 =	simm.s32 @!p0 $0x1BF5;
	p2 =	por !p2, p0  }
0x20: {  	[sflag:s8] =	ssyncset.s32 @!p0 $0xFFFFF086;
	s6 =	sadd.s32 @!p0 s3, s7;
	s7 =	simm.s32 @!p0 $0x108  }
0x21: {  	s3 =	sadd.s32 s3, s9;
	s6 =	sadd.s32 @!p0 $0x88, s6;
	s7 =	simm.s32 @p2 $0x1082  }
0x22: {  	[simem:s7], [sflag:s8] =	dma.local @!p0 [hbm:s6], $0xF7A  }
0x23: {  	s9 =	sor.u32 $0xD0000000, s2;
	s6 =	simm.s32 $0x108;
	_ =	swait.ge @!p0 [sflag:s8], $0x0  }
0x24: {  	s3 =	sadd.s32 $0x88, s3;
	s6 =	simm.s32 @!p1 $0x1082;
	[sflag:s4] =	ssyncset.s32 $0xFFFFF086  }
0x25: {  	[simem:s6], [sflag:s4] =	dma.local [hbm:s3], $0xF7A  }
0x26: {  	[smem:$0x3F96] =	sst s1;
	(tag) =	ssettag s2;
	_ =	strace s9  }
0x27: {  	s1 =	sld [smem:$0x3FA6]  }
0x28: {  	s2 =	sld [smem:$0x3FA7]  }
0x29: {  	s4 =	sld [smem:$0x3FA9]  }
0x2a: {  	p0 =	seq.s32 s5, $0x0;
	s5 =	sld [smem:$0x3FAA]  }
0x2b: {  	s6 =	sld [smem:$0x3FAB]  }
0x2c: {  	s7 =	sld [smem:$0x3FAC]  }
0x2d: {  	s3 =	simm.s32 $0x108;
	s8 =	sld [smem:$0x3FAD]  }
0x2e: {  	s3 =	simm.s32 @!p0 $0x1082;
	s9 =	sld [smem:$0x3FAE]  }
0x2f: {  	lr =	sadd.s32 s0, s3;
	s0 =	sld [smem:$0x3FA5]  }
0x30: {  	s3 =	sld [smem:$0x3FA8]  }
0x31: {  	[smem:$0x3FB1] =	sst s10  }
0x32: {  	s10 =	sld [smem:$0x3FAF];
	_ =	sdelay $0x3  }
0x33: {  	p0 =	seq.s32 s10, $0x1;
	s10 =	sld [smem:$0x3FB1];
	_ =	sdelay $0x3  }
0x34: {  	[smem:$0x3FB1] =	sst s10  }
0x35: {  	s10 =	sld [smem:$0x3FB0];
	_ =	sdelay $0x3  }
0x36: {  	p1 =	seq.s32 s10, $0x1;
	s10 =	sld [smem:$0x3FB1];
	_ =	sdelay $0x3  }
0x37: {  	[smem:$0x3FB1] =	sst s10  }
0x38: {  	s10 =	sld [smem:$0x3FB2]  }
0x39: {  	_ = 	snop;
	(pc) =	sbr.ind lr, $3  }
0x3a: {  	_ = 	snop  }
0x3b: {  	_ = 	snop  }
0x3c: {  	p2 =	seq.s32 s10, $0x1;
	s10 =	sld [smem:$0x3FB1]  }
0x3d: {  	_ =	shalt  }
0x3e: {  	_ =	shalt  }
0x3f: {  	_ =	shalt  }
0x40: {  	_ =	shalt  }
0x41: {  	_ =	shalt  }
0x42: {  	_ =	shalt  }
0x43: {  	_ =	shalt  }
0x44: {  	_ =	shalt  }
0x45: {  	_ =	shalt  }
0x46: {  	_ =	shalt  }
0x47: {  	_ =	shalt  }
0x48: {  	_ =	shalt  }
0x49: {  	_ =	shalt  }
0x4a: {  	_ =	shalt  }
0x4b: {  	_ =	shalt  }
0x4c: {  	_ =	shalt  }
0x4d: {  	_ =	shalt  }
0x4e: {  	_ =	shalt  }
0x4f: {  	_ =	shalt  }
0x50: {  	_ =	shalt  }
0x51: {  	_ =	shalt  }
0x52: {  	_ =	shalt  }
0x53: {  	_ =	shalt  }
0x54: {  	_ =	shalt  }
0x55: {  	_ =	shalt  }
0x56: {  	_ =	shalt  }
0x57: {  	_ =	shalt  }
0x58: {  	_ =	shalt  }
0x59: {  	_ =	shalt  }
0x5a: {  	_ =	shalt  }
0x5b: {  	_ =	shalt  }
0x5c: {  	_ =	shalt  }
0x5d: {  	_ =	shalt  }
0x5e: {  	_ =	shalt  }
0x5f: {  	_ =	shalt  }
0x60: {  	_ =	shalt  }
0x61: {  	_ =	shalt  }
0x62: {  	_ =	shalt  }
0x63: {  	_ =	shalt  }
0x64: {  	_ =	shalt  }
0x65: {  	_ =	shalt  }
0x66: {  	_ =	shalt  }
0x67: {  	_ =	shalt  }
0x68: {  	_ =	shalt  }
0x69: {  	_ =	shalt  }
0x6a: {  	_ =	shalt  }
0x6b: {  	_ =	shalt  }
0x6c: {  	_ =	shalt  }
0x6d: {  	_ =	shalt  }
0x6e: {  	_ =	shalt  }
0x6f: {  	_ =	shalt  }
0x70: {  	_ =	shalt  }
0x71: {  	_ =	shalt  }
0x72: {  	_ =	shalt  }
0x73: {  	_ =	shalt  }
0x74: {  	_ =	shalt  }
0x75: {  	_ =	shalt  }
0x76: {  	_ =	shalt  }
0x77: {  	_ =	shalt  }
0x78: {  	_ =	shalt  }
0x79: {  	_ =	shalt  }
0x7a: {  	_ =	shalt  }
0x7b: {  	_ =	shalt  }
0x7c: {  	_ =	shalt  }
0x7d: {  	_ =	shalt  }
0x7e: {  	_ =	shalt  }
0x7f: {  	_ =	shalt  }
0x80: {  	_ =	shalt  }
0x81: {  	_ =	shalt  }
0x82: {  	_ =	shalt  }
0x83: {  	_ =	shalt  }
0x84: {  	_ =	shalt  }
0x85: {  	_ =	shalt  }
0x86: {  	_ =	shalt  }
0x87: {  	_ =	shalt  }
.Lfunc_end0:
.L_simem_size_0:
called_computation.2_lowered:
.L_overlay_start_0:
0x88: {  	s2 =	sld [smem:$0x3FD9]  }
0x89: {  	s3 =	sld [smem:$0x3FFE];
	_ =	sdelay $0x1  }
0x8a: {  	s1 =	srdreg.scid  }
0x8b: {  	s0 =	sand.u32 $0x1, s1  }
0x8c: {  	s16 =	sshll.u32 s0, $0xA;
	s2 =	sadd.s32 s3, s2  }
0x8d: {  	s2 =	sadd.s32 s2, s16  }
0x8e: {  	[smem:$0x3FBD] =	sst s2  }
0x8f: {  	_ = 	snop  }
0x90: {  	(tm) =	ssettm $0x1  }
0x91: {  	s17 =	sld [smem:$0x3FFB];
	_ =	sdelay $0x3  }
0x92: {  	_ =	strace s17  }
0x93: {  	s2 =	sld [smem:$0x3FFC];
	_ =	sdelay $0x3  }
0x94: {  	_ =	strace s2  }
0x95: {  	s2 =	sld [smem:$0x3FFD];
	_ =	sdelay $0x3  }
0x96: {  	_ =	strace s2  }
0x97: {  	_ =	strace $0x8FFFFFFF  }
0x98: {  	s18 =	sld [smem:$0x3FDB];
	_ =	sdelay $0x1  }
0x99: {  	s19 =	simm.s32 $_scs_section_size  }
0x9a: {  	s4 =	simm.s32 $_size__tile_overlayer_lowered;
	s5 =	simm.s32 $_tile_overlayer_lowered  }
0x9b: {  	s22 =	simm.s32 $0x1BFF;
	s21 =	sshll.u32 s5, $0x1;
	s2 =	sadd.s32 s19, s18  }
0x9c: {  	s6 =	simm.s32 $0x0;
	s20 =	sshll.u32 s4, $0x1;
	s4 =	sadd.s32 s21, s2  }
0x9d: {  	[timem:s6], [sflag:s22] =	dma.local [hbm:s4], s20  }
0x9e: {  	_ =	swait.ge [sflag:s22], s20  }
0x9f: {  	s3 =	ssub.s32 $0x0, s20;
	[sflag:s22] =	ssyncset.done $0x0  }
0xa0: {  	[sflag:s22] =	ssyncadd.s32 s3;
	_ =	sdelay $0x1  }
0xa1: {  	s23 =	simm.s32 $0x1B8B  }
0xa2: {  	_ =	swait.ge [sflag:s23], $0x1  }
0xa3: {  	[sflag:s23] =	ssyncset.done $0x0  }
0xa4: {  	s25 =	simm.s32 $0x1B8E;
	s24 =	sld [smem:$0x3FFE];
	[sflag:s23] =	ssyncadd.s32 $0xFFFFFFFF  }
0xa5: {  	s26 =	simm.s32 $execute0_lowered;
	[smem:$0x3FD2] =	sst s25  }
0xa6: {  	s4 =	sshll.u32 s26, $0x1;
	_ =	strace $0x8000004C;
	[dreg:$0x1] =	wrdreg $0xFFFFFFFF  }
0xa7: {  	s28 =	simm.s32 $_size_execute0_lowered;
	s2 =	sadd.s32 s2, s4;
	[dreg:$0x0] =	wrdreg $0x0  }
0xa8: {  	s4 =	sshll.u32 s28, $0x1;
	[dreg:$0x2] =	wrdreg s2  }
0xa9: {  	[dreg:$0x3] =	wrdreg s4  }
0xaa: {  	[dreg:$0x4] =	wrdreg $0xC0  }
0xab: {  	_ =	task [dreg:s6], $0x5FFFF  }
0xac: {  	[dreg:$0x1] =	wrdreg $0xFFFFFFFF  }
0xad: {  	[dreg:$0x0] =	wrdreg $0x60  }
0xae: {  	[dreg:$0x2] =	wrdreg s24  }
0xaf: {  	[dreg:$0x3] =	wrdreg $0x0  }
0xb0: {  	[dreg:$0x4] =	wrdreg $0x9  }
0xb1: {  	_ =	task.clear_ibuf [dreg:s6], $0x5FFFF;
	_ =	strace $0x9000004C  }
0xb2: {  	s29 =	simm.s32 $0x9;
	_ =	strace $0x8000004E  }
0xb3: {  	_ =	swait.ge [sflag:s29], $0x1  }
0xb4: {  	[sflag:s29] =	ssyncadd.s32 $0xFFFFFFFF  }
0xb5: {  	_ =	strace $0x9000004E  }
0xb6: {  	_ =	sfence  }
0xb7: {  	s30 =	sld [smem:$0x0];
	_ =	sdelay $0x2  }
0xb8: {  	s31 =	sshll.u32 s1, $0xD;
	s1 =	sshrl.u32 s1, $0x2  }
0xb9: {  	s3 =	sand.u32 $0x4000, s31;
	s1 =	sadd.s32 s1, s30  }
0xba: {  	s0 =	sor.u32 s3, s0;
	s1 =	sshll.u32 s1, $0x11  }
0xbb: {  	s0 =	sor.u32 s1, s0  }
0xbc: {  	s0 =	sadd.s32 $0x8F2B, s0  }
0xbd: {  	[sflag:s0] =	ssyncadd.remote.s32 $0x1  }
0xbe: {  	_ =	sfence.sel $0xFFFF  }
0xbf: {  	[dreg:$0x0] =	wrdreg $0xFFFFFFFF;
	(pc) =	sbr.abs _section_cstart, $3  }
0xc0: {  	[dreg:$0x1] =	wrdreg $0xFFFFFFFF  }
0xc1: {  	_ =	task.clear_ibuf [dreg:s6], $0x2FFFF;
	_ =	strace $0x9FFFFFFF  }
0xc2: {  	(tm) =	ssettm $0x7FFFFFFF  }
0xc3: {  	_ =	shalt  }
tec
execute0_lowered:
.L_overlay_start_1:
0x0: {  	(tag) =	ssettag $0x1  }
0x1: {  	s0 =	rddreg [dreg:$0x0]  }
0x2: {  	s2 =	rddreg [dreg:$0x1]  }
0x3: {  	s1 =	simm.s32 $0x0;
	s9 =	stileid.u32;
	s3 =	srdreg.scid  }
0x4: {  	s14 =	simm.s32 $0x9;
	s15 =	simm.s32 $0xA000;
	s28 =	simm.s32 $0x2  }
0x5: {  	s29 =	simm.s32 $0x3;
	s30 =	simm.s32 $0x4;
	s31 =	simm.s32 $0x5  }
0x6: {  	s13 =	simm.s32 $0x8;
	s11 =	simm.s32 $0xC700;
	s12 =	simm.s32 $0xC780  }
0x7: {  	[smem:$0x7FF] =	sst s1;
	s18 =	smul.u32 $0x500, s9;
	s4 =	sadd.s32 $0x25800, s0  }
0x8: {  	s3 =	sand.u32 $0x1, s3;
	s6 =	smul.u32 $0x14000, s9;
	s26 =	sshll.u32 s9, $0x6  }
0x9: {  	s9 =	simm.s32 $0xC680;
	_ =	strace $0x8000004D;
	s5 =	ssub.s32 $0x2, s3  }
0xa: {  	s3 =	smul.u32 $0x140000, s3;
	s16 =	sor.u32 $0x1C09, s26;
	s26 =	simm.s32 $0x1  }
0xb: {  	s1 =	sadd.s32 s18, s0;
	s0 =	sadd.s32 $0x75800, s0;
	s7 =	sshrl.u32 s5, $0x1  }
0xc: {  	s20 =	sshrl.u32 s6, $0x1;
	s18 =	simm.s32 $0x7D;
	s5 =	ssub.s32 s5, s7  }
0xd: {  	s19 =	sadd.s32 $0x1B800, s1;
	s1 =	sadd.s32 $0x20800, s1;
	s21 =	sadd.s32 s20, s2  }
0xe: {  	s22 =	sadd.s32 s6, s3;
	s23 =	sshrl.u32 s3, $0x4;
	[dreg:$0x3] =	wrdreg s19  }
0xf: {  	s3 =	sadd.s32 $0x280000, s3;
	s20 =	simm.s32 $0xEE00;
	[dreg:$0x4] =	wrdreg s1  }
0x10: {  	s8 =	sshrl.u32 s22, $0x4;
	s7 =	sadd.s32 s4, s23;
	s6 =	sadd.s32 s6, s3  }
0x11: {  	s3 =	sshrl.u32 s3, $0x4;
	s25 =	smax.u32 s5, $0x1;
	s17 =	sshrl.u32 s21, $0x3  }
0x12: {  	s19 =	simm.s32 $0xF000;
	s21 =	simm.s32 $0x10F40;
	s23 =	simm.s32 $0x12E80  }
0x13: {  	s1 =	simm.s32 $0x7;
	s10 =	sadd.s32 s4, s8;
	[dreg:$0x9] =	wrdreg s25  }
0x14: {  	s22 =	simm.s32 $0xEE80;
	s8 =	sadd.s32 s0, s8;
	[dreg:$0x5] =	wrdreg s10  }
0x15: {  	s6 =	sshrl.u32 s6, $0x4;
	s25 =	simm.s32 $0x14DC0;
	[dreg:$0x6] =	wrdreg s8  }
0x16: {  	s24 =	sadd.s32 s4, s6;
	s10 =	sadd.s32 s4, s3;
	s0 =	sadd.s32 s0, s6  }
0x17: {  	s3 =	simm.s32 $0xEF80;
	s4 =	simm.s32 $0x0;
	[dreg:$0x7] =	wrdreg s24  }
0x18: {  	[dreg:$0x8] =	wrdreg s0;
	s0 =	simm.s32 $0x6;
	s24 =	simm.s32 $0xEF00  }
.LBB2_1:
0x19: {  	s5 =	simm.s32 $0x0;
	s6 =	rddreg [dreg:$0x3];
	s8 =	simm.s32 $0xC800  }
0x1a: {  	[tilespmem:s8], [sflag:$0x9] =	stream.linear.gather [hbm4b:s6+s5], $0x2800, $0x38;
	[tilespmem:$0x16D00] =	vst v63  }
0x1b: {  	_ =	swait.ge [sflag:s14], $0x2800  }
0x1c: {  	[sflag:s14] =	ssyncset.done $0x0  }
0x1d: {  	s8 =	rddreg [dreg:$0x4];
	[sflag:s14] =	ssyncadd.s32 $0xFFFFD800  }
0x1e: {  	[tilespmem:s15], [sflag:$0x9] =	stream.linear.gather [hbm4b:s8+s5], $0x2800, $0x38;
	[tilespmem:$0x16D00] =	vst v63  }
0x1f: {  	_ =	swait.ge [sflag:s14], $0x2800  }
0x20: {  	[sflag:s14] =	ssyncset.done $0x0  }
0x21: {  	s8 =	rddreg [dreg:$0x5];
	[sflag:s14] =	ssyncadd.s32 $0xFFFFD800  }
0x22: {  	[spmem:s17], [sflag:s16] =	dma.local [hbm:s8], $0x1400  }
0x23: {  	_ =	swait.ge [sflag:s14], $0x1400  }
0x24: {  	[sflag:s14] =	ssyncset.done $0x0  }
0x25: {  	[sflag:s14] =	ssyncadd.s32 $0xFFFFEC00  }
0x26: {  	[bflag:$0x0] =	sbarrier.arrive $0xFFFF  }
0x27: {  	[tilespmem:s19], [sflag:$0x1] =	stream.indirect.gather [hbm4b:s7+s18], $0x40, s15, s18, $0xb8;
	[tilespmem:$0x16D00] =	vst v63  }
0x28: {  	s6 =	simm.s32 $0xA080  }
0x29: {  	[tilespmem:s21], [sflag:$0x2] =	stream.indirect.gather [hbm4b:s7+s18], $0x40, s6, s18, $0xb8;
	[tilespmem:$0x16D00] =	vst v63  }
0x2a: {  	s8 =	simm.s32 $0xA100  }
0x2b: {  	[tilespmem:s23], [sflag:$0x3] =	stream.indirect.gather [hbm4b:s7+s18], $0x40, s8, s18, $0xb8;
	[tilespmem:$0x16D00] =	vst v63  }
0x2c: {  	s6 =	simm.s32 $0xA180  }
0x2d: {  	[tilespmem:s25], [sflag:$0x4] =	stream.indirect.gather [hbm4b:s7+s18], $0x40, s6, s18, $0xb8;
	[tilespmem:$0x16D00] =	vst v63  }
0x2e: {  	_ =	swait.ge [sflag:s26], $0x1F40  }
0x2f: {  	[sflag:s26] =	ssyncset.done $0x0  }
0x30: {  	s8 =	simm.s32 $0xC800;
	[sflag:s26] =	ssyncadd.s32 $0xFFFFE0C0  }
0x31: {  	[spmem:s2] =	stream.indirect.scatter.add.bf16 [tilespmem:s19], [sflag:$0x5], $0x40, s8, s18, $0xb8;
	[tilespmem:$0x16D00] =	vst v63  }
0x32: {  	_ =	swait.ge [sflag:s28], $0x1F40  }
0x33: {  	[sflag:s28] =	ssyncset.done $0x0  }
0x34: {  	s6 =	simm.s32 $0xC880;
	[sflag:s28] =	ssyncadd.s32 $0xFFFFE0C0  }
0x35: {  	[spmem:s2] =	stream.indirect.scatter.add.bf16 [tilespmem:s21], [sflag:$0x6], $0x40, s6, s18, $0xb8;
	[tilespmem:$0x16D00] =	vst v63  }
0x36: {  	_ =	swait.ge [sflag:s29], $0x1F40  }
0x37: {  	[sflag:s29] =	ssyncset.done $0x0  }
0x38: {  	s8 =	simm.s32 $0xC900;
	[sflag:s29] =	ssyncadd.s32 $0xFFFFE0C0  }
0x39: {  	[spmem:s2] =	stream.indirect.scatter.add.bf16 [tilespmem:s23], [sflag:$0x7], $0x40, s8, s18, $0xb8;
	[tilespmem:$0x16D00] =	vst v63  }
0x3a: {  	_ =	swait.ge [sflag:s30], $0x1F40  }
0x3b: {  	[sflag:s30] =	ssyncset.done $0x0  }
0x3c: {  	s6 =	simm.s32 $0xC980;
	[sflag:s30] =	ssyncadd.s32 $0xFFFFE0C0  }
0x3d: {  	[spmem:s2] =	stream.indirect.scatter.add.bf16 [tilespmem:s25], [sflag:$0x8], $0x40, s6, s18, $0xb8;
	[tilespmem:$0x16D00] =	vst v63  }
0x3e: {  	_ =	swait.ge [sflag:s31], $0x1F40  }
0x3f: {  	[sflag:s31] =	ssyncset.done $0x0  }
0x40: {  	s8 =	simm.s32 $0xA200;
	[sflag:s31] =	ssyncadd.s32 $0xFFFFE0C0  }
0x41: {  	[tilespmem:s19], [sflag:$0x1] =	stream.indirect.gather [hbm4b:s7+s18], $0x40, s8, s18, $0xb8;
	[tilespmem:$0x16D00] =	vst v63  }
0x42: {  	_ =	swait.ge [sflag:s0], $0x1F40  }
0x43: {  	[sflag:s0] =	ssyncset.done $0x0  }
0x44: {  	s6 =	simm.s32 $0xA280;
	[sflag:s0] =	ssyncadd.s32 $0xFFFFE0C0  }
0x45: {  	[tilespmem:s21], [sflag:$0x2] =	stream.indirect.gather [hbm4b:s7+s18], $0x40, s6, s18, $0xb8;
	[tilespmem:$0x16D00] =	vst v63  }
0x46: {  	_ =	swait.ge [sflag:s1], $0x1F40  }
0x47: {  	[sflag:s1] =	ssyncset.done $0x0  }
0x48: {  	s8 =	simm.s32 $0xA300;
	[sflag:s1] =	ssyncadd.s32 $0xFFFFE0C0  }
0x49: {  	[tilespmem:s23], [sflag:$0x3] =	stream.indirect.gather [hbm4b:s7+s18], $0x40, s8, s18, $0xb8;
	[tilespmem:$0x16D00] =	vst v63  }
0x4a: {  	_ =	swait.ge [sflag:s13], $0x1F40  }
0x4b: {  	[sflag:s13] =	ssyncset.done $0x0  }
0x4c: {  	s5 =	simm.s32 $0x800;
	s6 =	simm.s32 $0xA380;
	[sflag:s13] =	ssyncadd.s32 $0xFFFFE0C0  }
.LBB2_2:
0x4d: {  	[tilespmem:s25], [sflag:$0x4] =	stream.indirect.gather [hbm4b:s7+s18], $0x40, s6, s18, $0xb8;
	[tilespmem:$0x16D00] =	vst v63  }
0x4e: {  	s6 =	smov.u32 s5  }
0x4f: {  	p0 =	sne.s32 s5, $0x8800;
	s5 =	sadd.s32 $0x800, s5;
	_ =	swait.ge [sflag:s26], $0x1F40  }
0x50: {  	s6 =	sshra.s32 s6, $0x2;
	[sflag:s26] =	ssyncset.done $0x0  }
0x51: {  	s8 =	sadd.s32 $0xC800, s6;
	[sflag:s26] =	ssyncadd.s32 $0xFFFFE0C0  }
0x52: {  	[spmem:s2] =	stream.indirect.scatter.add.bf16 [tilespmem:s19], [sflag:$0x5], $0x40, s8, s18, $0xb8;
	[tilespmem:$0x16D00] =	vst v63  }
0x53: {  	_ =	swait.ge [sflag:s28], $0x1F40  }
0x54: {  	[sflag:s28] =	ssyncset.done $0x0  }
0x55: {  	s8 =	sadd.s32 $0xC880, s6;
	[sflag:s28] =	ssyncadd.s32 $0xFFFFE0C0  }
0x56: {  	[spmem:s2] =	stream.indirect.scatter.add.bf16 [tilespmem:s21], [sflag:$0x6], $0x40, s8, s18, $0xb8;
	[tilespmem:$0x16D00] =	vst v63  }
0x57: {  	_ =	swait.ge [sflag:s29], $0x1F40  }
0x58: {  	[sflag:s29] =	ssyncset.done $0x0  }
0x59: {  	s8 =	sadd.s32 $0xC900, s6;
	[sflag:s29] =	ssyncadd.s32 $0xFFFFE0C0  }
0x5a: {  	[spmem:s2] =	stream.indirect.scatter.add.bf16 [tilespmem:s23], [sflag:$0x7], $0x40, s8, s18, $0xb8;
	[tilespmem:$0x16D00] =	vst v63  }
0x5b: {  	_ =	swait.ge [sflag:s30], $0x1F40  }
0x5c: {  	[sflag:s30] =	ssyncset.done $0x0  }
0x5d: {  	s8 =	sadd.s32 $0xC980, s6;
	[sflag:s30] =	ssyncadd.s32 $0xFFFFE0C0  }
0x5e: {  	[spmem:s2] =	stream.indirect.scatter.add.bf16 [tilespmem:s25], [sflag:$0x8], $0x40, s8, s18, $0xb8;
	[tilespmem:$0x16D00] =	vst v63  }
0x5f: {  	_ =	swait.ge [sflag:s31], $0x1F40  }
0x60: {  	[sflag:s31] =	ssyncset.done $0x0  }
0x61: {  	s8 =	sadd.s32 $0xA200, s6;
	[sflag:s31] =	ssyncadd.s32 $0xFFFFE0C0  }
0x62: {  	[tilespmem:s19], [sflag:$0x1] =	stream.indirect.gather [hbm4b:s7+s18], $0x40, s8, s18, $0xb8;
	[tilespmem:$0x16D00] =	vst v63  }
0x63: {  	_ =	swait.ge [sflag:s0], $0x1F40  }
0x64: {  	[sflag:s0] =	ssyncset.done $0x0  }
0x65: {  	s8 =	sadd.s32 $0xA280, s6;
	[sflag:s0] =	ssyncadd.s32 $0xFFFFE0C0  }
0x66: {  	[tilespmem:s21], [sflag:$0x2] =	stream.indirect.gather [hbm4b:s7+s18], $0x40, s8, s18, $0xb8;
	[tilespmem:$0x16D00] =	vst v63  }
0x67: {  	_ =	swait.ge [sflag:s1], $0x1F40  }
0x68: {  	[sflag:s1] =	ssyncset.done $0x0  }
.Ltmp0:
0x69: {  	s8 =	sadd.s32 $0xA300, s6;
	[sflag:s1] =	ssyncadd.s32 $0xFFFFE0C0;
	(pc) =	sbr.rel @p0 .LBB2_2-.Ltmp0, $4  }
0x6a: {  	[tilespmem:s23], [sflag:$0x3] =	stream.indirect.gather [hbm4b:s7+s18], $0x40, s8, s18, $0xb8;
	[tilespmem:$0x16D00] =	vst v63  }
0x6b: {  	_ =	swait.ge [sflag:s13], $0x1F40  }
0x6c: {  	[sflag:s13] =	ssyncset.done $0x0  }
0x6d: {  	s6 =	sadd.s32 $0xA380, s6;
	[sflag:s13] =	ssyncadd.s32 $0xFFFFE0C0  }
0x6e: {  	[tilespmem:s25], [sflag:$0x4] =	stream.indirect.gather [hbm4b:s7+s18], $0x40, s6, s18, $0xb8;
	[tilespmem:$0x16D00] =	vst v63  }
0x6f: {  	_ =	swait.ge [sflag:s26], $0x1F40  }
0x70: {  	[sflag:s26] =	ssyncset.done $0x0  }
0x71: {  	s5 =	simm.s32 $0xEC00;
	[sflag:s26] =	ssyncadd.s32 $0xFFFFE0C0  }
0x72: {  	[spmem:s2] =	stream.indirect.scatter.add.bf16 [tilespmem:s19], [sflag:$0x5], $0x40, s5, s18, $0xb8;
	[tilespmem:$0x16D00] =	vst v63  }
0x73: {  	_ =	swait.ge [sflag:s28], $0x1F40  }
0x74: {  	[sflag:s28] =	ssyncset.done $0x0  }
0x75: {  	s6 =	simm.s32 $0xEC80;
	[sflag:s28] =	ssyncadd.s32 $0xFFFFE0C0  }
0x76: {  	[spmem:s2] =	stream.indirect.scatter.add.bf16 [tilespmem:s21], [sflag:$0x6], $0x40, s6, s18, $0xb8;
	[tilespmem:$0x16D00] =	vst v63  }
0x77: {  	_ =	swait.ge [sflag:s29], $0x1F40  }
0x78: {  	[sflag:s29] =	ssyncset.done $0x0  }
0x79: {  	s8 =	simm.s32 $0xED00;
	[sflag:s29] =	ssyncadd.s32 $0xFFFFE0C0  }
0x7a: {  	[spmem:s2] =	stream.indirect.scatter.add.bf16 [tilespmem:s23], [sflag:$0x7], $0x40, s8, s18, $0xb8;
	[tilespmem:$0x16D00] =	vst v63  }
0x7b: {  	_ =	swait.ge [sflag:s30], $0x1F40  }
0x7c: {  	[sflag:s30] =	ssyncset.done $0x0  }
0x7d: {  	s6 =	simm.s32 $0xED80;
	[sflag:s30] =	ssyncadd.s32 $0xFFFFE0C0  }
0x7e: {  	[spmem:s2] =	stream.indirect.scatter.add.bf16 [tilespmem:s25], [sflag:$0x8], $0x40, s6, s18, $0xb8;
	[tilespmem:$0x16D00] =	vst v63  }
0x7f: {  	_ =	swait.ge [sflag:s31], $0x1F40  }
0x80: {  	[sflag:s31] =	ssyncset.done $0x0  }
0x81: {  	s8 =	simm.s32 $0xC600;
	[sflag:s31] =	ssyncadd.s32 $0xFFFFE0C0  }
0x82: {  	[tilespmem:s19], [sflag:$0x1] =	stream.indirect.gather [hbm4b:s7+s18], $0x40, s8, s18, $0xb8;
	[tilespmem:$0x16D00] =	vst v63  }
0x83: {  	_ =	swait.ge [sflag:s0], $0x1F40  }
0x84: {  	[sflag:s0] =	ssyncset.done $0x0  }
0x85: {  	[sflag:s0] =	ssyncadd.s32 $0xFFFFE0C0  }
0x86: {  	[tilespmem:s21], [sflag:$0x2] =	stream.indirect.gather [hbm4b:s7+s18], $0x40, s9, s18, $0xb8;
	[tilespmem:$0x16D00] =	vst v63  }
0x87: {  	_ =	swait.ge [sflag:s1], $0x1F40  }
0x88: {  	[sflag:s1] =	ssyncset.done $0x0  }
0x89: {  	[sflag:s1] =	ssyncadd.s32 $0xFFFFE0C0  }
0x8a: {  	[tilespmem:s23], [sflag:$0x3] =	stream.indirect.gather [hbm4b:s7+s18], $0x40, s11, s18, $0xb8;
	[tilespmem:$0x16D00] =	vst v63  }
0x8b: {  	_ =	swait.ge [sflag:s13], $0x1F40  }
0x8c: {  	[sflag:s13] =	ssyncset.done $0x0  }
0x8d: {  	[sflag:s13] =	ssyncadd.s32 $0xFFFFE0C0  }
0x8e: {  	[tilespmem:s25], [sflag:$0x4] =	stream.indirect.gather [hbm4b:s7+s18], $0x40, s12, s18, $0xb8;
	[tilespmem:$0x16D00] =	vst v63  }
0x8f: {  	_ =	swait.ge [sflag:s26], $0x1F40  }
0x90: {  	[sflag:s26] =	ssyncset.done $0x0  }
0x91: {  	[sflag:s26] =	ssyncadd.s32 $0xFFFFE0C0  }
0x92: {  	[spmem:s2] =	stream.indirect.scatter.add.bf16 [tilespmem:s19], [sflag:$0x5], $0x40, s20, s18, $0xb8;
	[tilespmem:$0x16D00] =	vst v63  }
0x93: {  	_ =	swait.ge [sflag:s28], $0x1F40  }
0x94: {  	[sflag:s28] =	ssyncset.done $0x0  }
0x95: {  	[sflag:s28] =	ssyncadd.s32 $0xFFFFE0C0  }
0x96: {  	[spmem:s2] =	stream.indirect.scatter.add.bf16 [tilespmem:s21], [sflag:$0x6], $0x40, s22, s18, $0xb8;
	[tilespmem:$0x16D00] =	vst v63  }
0x97: {  	_ =	swait.ge [sflag:s29], $0x1F40  }
0x98: {  	[sflag:s29] =	ssyncset.done $0x0  }
0x99: {  	[sflag:s29] =	ssyncadd.s32 $0xFFFFE0C0  }
0x9a: {  	[spmem:s2] =	stream.indirect.scatter.add.bf16 [tilespmem:s23], [sflag:$0x7], $0x40, s24, s18, $0xb8;
	[tilespmem:$0x16D00] =	vst v63  }
0x9b: {  	_ =	swait.ge [sflag:s30], $0x1F40  }
0x9c: {  	[sflag:s30] =	ssyncset.done $0x0  }
0x9d: {  	[sflag:s30] =	ssyncadd.s32 $0xFFFFE0C0  }
0x9e: {  	[spmem:s2] =	stream.indirect.scatter.add.bf16 [tilespmem:s25], [sflag:$0x8], $0x40, s3, s18, $0xb8;
	[tilespmem:$0x16D00] =	vst v63  }
0x9f: {  	_ =	swait.ge [sflag:s31], $0x1F40  }
0xa0: {  	[sflag:s31] =	ssyncset.done $0x0  }
0xa1: {  	[sflag:s31] =	ssyncadd.s32 $0xFFFFE0C0  }
0xa2: {  	[tilespmem:s19], [sflag:$0x1] =	stream.indirect.gather [hbm4b:s7+s18], $0x40, s12, s18, $0xb8;
	[tilespmem:$0x16D00] =	vst v63  }
0xa3: {  	_ =	swait.ge [sflag:s0], $0x1F40  }
0xa4: {  	[sflag:s0] =	ssyncset.done $0x0  }
0xa5: {  	[sflag:s0] =	ssyncadd.s32 $0xFFFFE0C0  }
0xa6: {  	[tilespmem:s21], [sflag:$0x2] =	stream.indirect.gather [hbm4b:s7+s18], $0x40, s12, s18, $0xb8;
	[tilespmem:$0x16D00] =	vst v63  }
0xa7: {  	_ =	swait.ge [sflag:s1], $0x1F40  }
0xa8: {  	[sflag:s1] =	ssyncset.done $0x0  }
0xa9: {  	[sflag:s1] =	ssyncadd.s32 $0xFFFFE0C0  }
0xaa: {  	[tilespmem:s23], [sflag:$0x3] =	stream.indirect.gather [hbm4b:s7+s18], $0x40, s12, s18, $0xb8;
	[tilespmem:$0x16D00] =	vst v63  }
0xab: {  	_ =	swait.ge [sflag:s13], $0x1F40  }
0xac: {  	[sflag:s13] =	ssyncset.done $0x0  }
0xad: {  	[sflag:s13] =	ssyncadd.s32 $0xFFFFE0C0  }
0xae: {  	[tilespmem:s25], [sflag:$0x4] =	stream.indirect.gather [hbm4b:s7+s18], $0x40, s12, s18, $0xb8;
	[tilespmem:$0x16D00] =	vst v63  }
0xaf: {  	_ =	swait.ge [sflag:s26], $0x1F40  }
0xb0: {  	[sflag:s26] =	ssyncset.done $0x0  }
0xb1: {  	[sflag:s26] =	ssyncadd.s32 $0xFFFFE0C0  }
0xb2: {  	_ =	swait.ge [sflag:s28], $0x1F40  }
0xb3: {  	[sflag:s28] =	ssyncset.done $0x0  }
0xb4: {  	[sflag:s28] =	ssyncadd.s32 $0xFFFFE0C0  }
0xb5: {  	_ =	swait.ge [sflag:s29], $0x1F40  }
0xb6: {  	[sflag:s29] =	ssyncset.done $0x0  }
0xb7: {  	[sflag:s29] =	ssyncadd.s32 $0xFFFFE0C0  }
0xb8: {  	_ =	swait.ge [sflag:s30], $0x1F40  }
0xb9: {  	[sflag:s30] =	ssyncset.done $0x0  }
0xba: {  	[sflag:s30] =	ssyncadd.s32 $0xFFFFE0C0  }
0xbb: {  	[bflag:$0x0] =	sbarrier.arrive $0xFFFF  }
0xbc: {  	s6 =	rddreg [dreg:$0x6]  }
0xbd: {  	[hbm:s6], [sflag:s16] =	dma.local [spmem:s17], $0x1400  }
0xbe: {  	_ =	swait.ge [sflag:s14], $0x1400  }
0xbf: {  	[sflag:s14] =	ssyncset.done $0x0  }
0xc0: {  	[sflag:s14] =	ssyncadd.s32 $0xFFFFEC00  }
0xc1: {  	[bflag:$0x0] =	sbarrier.arrive $0xFFFF  }
0xc2: {  	s8 =	rddreg [dreg:$0x7]  }
0xc3: {  	[spmem:s17], [sflag:s16] =	dma.local [hbm:s8], $0x1400  }
0xc4: {  	_ =	swait.ge [sflag:s14], $0x1400  }
0xc5: {  	[sflag:s14] =	ssyncset.done $0x0  }
0xc6: {  	[sflag:s14] =	ssyncadd.s32 $0xFFFFEC00  }
0xc7: {  	[bflag:$0x0] =	sbarrier.arrive $0xFFFF  }
0xc8: {  	[tilespmem:s19], [sflag:$0x1] =	stream.indirect.gather [hbm4b:s10+s18], $0x40, s15, s18, $0xb8;
	[tilespmem:$0x16D00] =	vst v63  }
0xc9: {  	s6 =	simm.s32 $0xA080  }
0xca: {  	[tilespmem:s21], [sflag:$0x2] =	stream.indirect.gather [hbm4b:s10+s18], $0x40, s6, s18, $0xb8;
	[tilespmem:$0x16D00] =	vst v63  }
0xcb: {  	s8 =	simm.s32 $0xA100  }
0xcc: {  	[tilespmem:s23], [sflag:$0x3] =	stream.indirect.gather [hbm4b:s10+s18], $0x40, s8, s18, $0xb8;
	[tilespmem:$0x16D00] =	vst v63  }
0xcd: {  	s6 =	simm.s32 $0xA180  }
0xce: {  	[tilespmem:s25], [sflag:$0x4] =	stream.indirect.gather [hbm4b:s10+s18], $0x40, s6, s18, $0xb8;
	[tilespmem:$0x16D00] =	vst v63  }
0xcf: {  	_ =	swait.ge [sflag:s26], $0x1F40  }
0xd0: {  	[sflag:s26] =	ssyncset.done $0x0  }
0xd1: {  	s8 =	simm.s32 $0xC800;
	[sflag:s26] =	ssyncadd.s32 $0xFFFFE0C0  }
0xd2: {  	[spmem:s2] =	stream.indirect.scatter.add.bf16 [tilespmem:s19], [sflag:$0x5], $0x40, s8, s18, $0xb8;
	[tilespmem:$0x16D00] =	vst v63  }
0xd3: {  	_ =	swait.ge [sflag:s28], $0x1F40  }
0xd4: {  	[sflag:s28] =	ssyncset.done $0x0  }
0xd5: {  	s6 =	simm.s32 $0xC880;
	[sflag:s28] =	ssyncadd.s32 $0xFFFFE0C0  }
0xd6: {  	[spmem:s2] =	stream.indirect.scatter.add.bf16 [tilespmem:s21], [sflag:$0x6], $0x40, s6, s18, $0xb8;
	[tilespmem:$0x16D00] =	vst v63  }
0xd7: {  	_ =	swait.ge [sflag:s29], $0x1F40  }
0xd8: {  	[sflag:s29] =	ssyncset.done $0x0  }
0xd9: {  	s8 =	simm.s32 $0xC900;
	[sflag:s29] =	ssyncadd.s32 $0xFFFFE0C0  }
0xda: {  	[spmem:s2] =	stream.indirect.scatter.add.bf16 [tilespmem:s23], [sflag:$0x7], $0x40, s8, s18, $0xb8;
	[tilespmem:$0x16D00] =	vst v63  }
0xdb: {  	_ =	swait.ge [sflag:s30], $0x1F40  }
0xdc: {  	[sflag:s30] =	ssyncset.done $0x0  }
0xdd: {  	s6 =	simm.s32 $0xC980;
	[sflag:s30] =	ssyncadd.s32 $0xFFFFE0C0  }
0xde: {  	[spmem:s2] =	stream.indirect.scatter.add.bf16 [tilespmem:s25], [sflag:$0x8], $0x40, s6, s18, $0xb8;
	[tilespmem:$0x16D00] =	vst v63  }
0xdf: {  	_ =	swait.ge [sflag:s31], $0x1F40  }
0xe0: {  	[sflag:s31] =	ssyncset.done $0x0  }
0xe1: {  	s8 =	simm.s32 $0xA200;
	[sflag:s31] =	ssyncadd.s32 $0xFFFFE0C0  }
0xe2: {  	[tilespmem:s19], [sflag:$0x1] =	stream.indirect.gather [hbm4b:s10+s18], $0x40, s8, s18, $0xb8;
	[tilespmem:$0x16D00] =	vst v63  }
0xe3: {  	_ =	swait.ge [sflag:s0], $0x1F40  }
0xe4: {  	[sflag:s0] =	ssyncset.done $0x0  }
0xe5: {  	s6 =	simm.s32 $0xA280;
	[sflag:s0] =	ssyncadd.s32 $0xFFFFE0C0  }
0xe6: {  	[tilespmem:s21], [sflag:$0x2] =	stream.indirect.gather [hbm4b:s10+s18], $0x40, s6, s18, $0xb8;
	[tilespmem:$0x16D00] =	vst v63  }
0xe7: {  	_ =	swait.ge [sflag:s1], $0x1F40  }
0xe8: {  	[sflag:s1] =	ssyncset.done $0x0  }
0xe9: {  	s8 =	simm.s32 $0xA300;
	[sflag:s1] =	ssyncadd.s32 $0xFFFFE0C0  }
0xea: {  	[tilespmem:s23], [sflag:$0x3] =	stream.indirect.gather [hbm4b:s10+s18], $0x40, s8, s18, $0xb8;
	[tilespmem:$0x16D00] =	vst v63  }
0xeb: {  	_ =	swait.ge [sflag:s13], $0x1F40  }
0xec: {  	[sflag:s13] =	ssyncset.done $0x0  }
0xed: {  	s5 =	simm.s32 $0x800;
	s6 =	simm.s32 $0xA380;
	[sflag:s13] =	ssyncadd.s32 $0xFFFFE0C0  }
.LBB2_4:
0xee: {  	[tilespmem:s25], [sflag:$0x4] =	stream.indirect.gather [hbm4b:s10+s18], $0x40, s6, s18, $0xb8;
	[tilespmem:$0x16D00] =	vst v63  }
0xef: {  	s6 =	smov.u32 s5  }
0xf0: {  	p0 =	sne.s32 s5, $0x8800;
	s5 =	sadd.s32 $0x800, s5;
	_ =	swait.ge [sflag:s26], $0x1F40  }
0xf1: {  	s6 =	sshra.s32 s6, $0x2;
	[sflag:s26] =	ssyncset.done $0x0  }
0xf2: {  	s8 =	sadd.s32 $0xC800, s6;
	[sflag:s26] =	ssyncadd.s32 $0xFFFFE0C0  }
0xf3: {  	[spmem:s2] =	stream.indirect.scatter.add.bf16 [tilespmem:s19], [sflag:$0x5], $0x40, s8, s18, $0xb8;
	[tilespmem:$0x16D00] =	vst v63  }
0xf4: {  	_ =	swait.ge [sflag:s28], $0x1F40  }
0xf5: {  	[sflag:s28] =	ssyncset.done $0x0  }
0xf6: {  	s8 =	sadd.s32 $0xC880, s6;
	[sflag:s28] =	ssyncadd.s32 $0xFFFFE0C0  }
0xf7: {  	[spmem:s2] =	stream.indirect.scatter.add.bf16 [tilespmem:s21], [sflag:$0x6], $0x40, s8, s18, $0xb8;
	[tilespmem:$0x16D00] =	vst v63  }
0xf8: {  	_ =	swait.ge [sflag:s29], $0x1F40  }
0xf9: {  	[sflag:s29] =	ssyncset.done $0x0  }
0xfa: {  	s8 =	sadd.s32 $0xC900, s6;
	[sflag:s29] =	ssyncadd.s32 $0xFFFFE0C0  }
0xfb: {  	[spmem:s2] =	stream.indirect.scatter.add.bf16 [tilespmem:s23], [sflag:$0x7], $0x40, s8, s18, $0xb8;
	[tilespmem:$0x16D00] =	vst v63  }
0xfc: {  	_ =	swait.ge [sflag:s30], $0x1F40  }
0xfd: {  	[sflag:s30] =	ssyncset.done $0x0  }
0xfe: {  	s8 =	sadd.s32 $0xC980, s6;
	[sflag:s30] =	ssyncadd.s32 $0xFFFFE0C0  }
0xff: {  	[spmem:s2] =	stream.indirect.scatter.add.bf16 [tilespmem:s25], [sflag:$0x8], $0x40, s8, s18, $0xb8;
	[tilespmem:$0x16D00] =	vst v63  }
0x100: {  	_ =	swait.ge [sflag:s31], $0x1F40  }
0x101: {  	[sflag:s31] =	ssyncset.done $0x0  }
0x102: {  	s8 =	sadd.s32 $0xA200, s6;
	[sflag:s31] =	ssyncadd.s32 $0xFFFFE0C0  }
0x103: {  	[tilespmem:s19], [sflag:$0x1] =	stream.indirect.gather [hbm4b:s10+s18], $0x40, s8, s18, $0xb8;
	[tilespmem:$0x16D00] =	vst v63  }
0x104: {  	_ =	swait.ge [sflag:s0], $0x1F40  }
0x105: {  	[sflag:s0] =	ssyncset.done $0x0  }
0x106: {  	s8 =	sadd.s32 $0xA280, s6;
	[sflag:s0] =	ssyncadd.s32 $0xFFFFE0C0  }
0x107: {  	[tilespmem:s21], [sflag:$0x2] =	stream.indirect.gather [hbm4b:s10+s18], $0x40, s8, s18, $0xb8;
	[tilespmem:$0x16D00] =	vst v63  }
0x108: {  	_ =	swait.ge [sflag:s1], $0x1F40  }
0x109: {  	[sflag:s1] =	ssyncset.done $0x0  }
.Ltmp1:
0x10a: {  	s8 =	sadd.s32 $0xA300, s6;
	[sflag:s1] =	ssyncadd.s32 $0xFFFFE0C0;
	(pc) =	sbr.rel @p0 .LBB2_4-.Ltmp1, $4  }
0x10b: {  	[tilespmem:s23], [sflag:$0x3] =	stream.indirect.gather [hbm4b:s10+s18], $0x40, s8, s18, $0xb8;
	[tilespmem:$0x16D00] =	vst v63  }
0x10c: {  	_ =	swait.ge [sflag:s13], $0x1F40  }
0x10d: {  	[sflag:s13] =	ssyncset.done $0x0  }
0x10e: {  	s6 =	sadd.s32 $0xA380, s6;
	[sflag:s13] =	ssyncadd.s32 $0xFFFFE0C0  }
0x10f: {  	[tilespmem:s25], [sflag:$0x4] =	stream.indirect.gather [hbm4b:s10+s18], $0x40, s6, s18, $0xb8;
	[tilespmem:$0x16D00] =	vst v63  }
0x110: {  	_ =	swait.ge [sflag:s26], $0x1F40  }
0x111: {  	[sflag:s26] =	ssyncset.done $0x0  }
0x112: {  	s5 =	simm.s32 $0xEC00;
	[sflag:s26] =	ssyncadd.s32 $0xFFFFE0C0  }
0x113: {  	[spmem:s2] =	stream.indirect.scatter.add.bf16 [tilespmem:s19], [sflag:$0x5], $0x40, s5, s18, $0xb8;
	[tilespmem:$0x16D00] =	vst v63  }
0x114: {  	_ =	swait.ge [sflag:s28], $0x1F40  }
0x115: {  	[sflag:s28] =	ssyncset.done $0x0  }
0x116: {  	s6 =	simm.s32 $0xEC80;
	[sflag:s28] =	ssyncadd.s32 $0xFFFFE0C0  }
0x117: {  	[spmem:s2] =	stream.indirect.scatter.add.bf16 [tilespmem:s21], [sflag:$0x6], $0x40, s6, s18, $0xb8;
	[tilespmem:$0x16D00] =	vst v63  }
0x118: {  	_ =	swait.ge [sflag:s29], $0x1F40  }
0x119: {  	[sflag:s29] =	ssyncset.done $0x0  }
0x11a: {  	s8 =	simm.s32 $0xED00;
	[sflag:s29] =	ssyncadd.s32 $0xFFFFE0C0  }
0x11b: {  	[spmem:s2] =	stream.indirect.scatter.add.bf16 [tilespmem:s23], [sflag:$0x7], $0x40, s8, s18, $0xb8;
	[tilespmem:$0x16D00] =	vst v63  }
0x11c: {  	_ =	swait.ge [sflag:s30], $0x1F40  }
0x11d: {  	[sflag:s30] =	ssyncset.done $0x0  }
0x11e: {  	s6 =	simm.s32 $0xED80;
	[sflag:s30] =	ssyncadd.s32 $0xFFFFE0C0  }
0x11f: {  	[spmem:s2] =	stream.indirect.scatter.add.bf16 [tilespmem:s25], [sflag:$0x8], $0x40, s6, s18, $0xb8;
	[tilespmem:$0x16D00] =	vst v63  }
0x120: {  	_ =	swait.ge [sflag:s31], $0x1F40  }
0x121: {  	[sflag:s31] =	ssyncset.done $0x0  }
0x122: {  	s8 =	simm.s32 $0xC600;
	[sflag:s31] =	ssyncadd.s32 $0xFFFFE0C0  }
0x123: {  	[tilespmem:s19], [sflag:$0x1] =	stream.indirect.gather [hbm4b:s10+s18], $0x40, s8, s18, $0xb8;
	[tilespmem:$0x16D00] =	vst v63  }
0x124: {  	_ =	swait.ge [sflag:s0], $0x1F40  }
0x125: {  	[sflag:s0] =	ssyncset.done $0x0  }
0x126: {  	[sflag:s0] =	ssyncadd.s32 $0xFFFFE0C0  }
0x127: {  	[tilespmem:s21], [sflag:$0x2] =	stream.indirect.gather [hbm4b:s10+s18], $0x40, s9, s18, $0xb8;
	[tilespmem:$0x16D00] =	vst v63  }
0x128: {  	_ =	swait.ge [sflag:s1], $0x1F40  }
0x129: {  	[sflag:s1] =	ssyncset.done $0x0  }
0x12a: {  	[sflag:s1] =	ssyncadd.s32 $0xFFFFE0C0  }
0x12b: {  	[tilespmem:s23], [sflag:$0x3] =	stream.indirect.gather [hbm4b:s10+s18], $0x40, s11, s18, $0xb8;
	[tilespmem:$0x16D00] =	vst v63  }
0x12c: {  	_ =	swait.ge [sflag:s13], $0x1F40  }
0x12d: {  	[sflag:s13] =	ssyncset.done $0x0  }
0x12e: {  	[sflag:s13] =	ssyncadd.s32 $0xFFFFE0C0  }
0x12f: {  	[tilespmem:s25], [sflag:$0x4] =	stream.indirect.gather [hbm4b:s10+s18], $0x40, s12, s18, $0xb8;
	[tilespmem:$0x16D00] =	vst v63  }
0x130: {  	_ =	swait.ge [sflag:s26], $0x1F40  }
0x131: {  	[sflag:s26] =	ssyncset.done $0x0  }
0x132: {  	[sflag:s26] =	ssyncadd.s32 $0xFFFFE0C0  }
0x133: {  	[spmem:s2] =	stream.indirect.scatter.add.bf16 [tilespmem:s19], [sflag:$0x5], $0x40, s20, s18, $0xb8;
	[tilespmem:$0x16D00] =	vst v63  }
0x134: {  	_ =	swait.ge [sflag:s28], $0x1F40  }
0x135: {  	[sflag:s28] =	ssyncset.done $0x0  }
0x136: {  	[sflag:s28] =	ssyncadd.s32 $0xFFFFE0C0  }
0x137: {  	[spmem:s2] =	stream.indirect.scatter.add.bf16 [tilespmem:s21], [sflag:$0x6], $0x40, s22, s18, $0xb8;
	[tilespmem:$0x16D00] =	vst v63  }
0x138: {  	_ =	swait.ge [sflag:s29], $0x1F40  }
0x139: {  	[sflag:s29] =	ssyncset.done $0x0  }
0x13a: {  	[sflag:s29] =	ssyncadd.s32 $0xFFFFE0C0  }
0x13b: {  	[spmem:s2] =	stream.indirect.scatter.add.bf16 [tilespmem:s23], [sflag:$0x7], $0x40, s24, s18, $0xb8;
	[tilespmem:$0x16D00] =	vst v63  }
0x13c: {  	_ =	swait.ge [sflag:s30], $0x1F40  }
0x13d: {  	[sflag:s30] =	ssyncset.done $0x0  }
0x13e: {  	[sflag:s30] =	ssyncadd.s32 $0xFFFFE0C0  }
0x13f: {  	[spmem:s2] =	stream.indirect.scatter.add.bf16 [tilespmem:s25], [sflag:$0x8], $0x40, s3, s18, $0xb8;
	[tilespmem:$0x16D00] =	vst v63  }
0x140: {  	_ =	swait.ge [sflag:s31], $0x1F40  }
0x141: {  	[sflag:s31] =	ssyncset.done $0x0  }
0x142: {  	[sflag:s31] =	ssyncadd.s32 $0xFFFFE0C0  }
0x143: {  	[tilespmem:s19], [sflag:$0x1] =	stream.indirect.gather [hbm4b:s10+s18], $0x40, s12, s18, $0xb8;
	[tilespmem:$0x16D00] =	vst v63  }
0x144: {  	_ =	swait.ge [sflag:s0], $0x1F40  }
0x145: {  	[sflag:s0] =	ssyncset.done $0x0  }
0x146: {  	[sflag:s0] =	ssyncadd.s32 $0xFFFFE0C0  }
0x147: {  	[tilespmem:s21], [sflag:$0x2] =	stream.indirect.gather [hbm4b:s10+s18], $0x40, s12, s18, $0xb8;
	[tilespmem:$0x16D00] =	vst v63  }
0x148: {  	_ =	swait.ge [sflag:s1], $0x1F40  }
0x149: {  	[sflag:s1] =	ssyncset.done $0x0  }
0x14a: {  	[sflag:s1] =	ssyncadd.s32 $0xFFFFE0C0  }
0x14b: {  	[tilespmem:s23], [sflag:$0x3] =	stream.indirect.gather [hbm4b:s10+s18], $0x40, s12, s18, $0xb8;
	[tilespmem:$0x16D00] =	vst v63  }
0x14c: {  	_ =	swait.ge [sflag:s13], $0x1F40  }
0x14d: {  	[sflag:s13] =	ssyncset.done $0x0  }
0x14e: {  	[sflag:s13] =	ssyncadd.s32 $0xFFFFE0C0  }
0x14f: {  	[tilespmem:s25], [sflag:$0x4] =	stream.indirect.gather [hbm4b:s10+s18], $0x40, s12, s18, $0xb8;
	[tilespmem:$0x16D00] =	vst v63  }
0x150: {  	_ =	swait.ge [sflag:s26], $0x1F40  }
0x151: {  	[sflag:s26] =	ssyncset.done $0x0  }
0x152: {  	[sflag:s26] =	ssyncadd.s32 $0xFFFFE0C0  }
0x153: {  	_ =	swait.ge [sflag:s28], $0x1F40  }
0x154: {  	[sflag:s28] =	ssyncset.done $0x0  }
0x155: {  	[sflag:s28] =	ssyncadd.s32 $0xFFFFE0C0  }
0x156: {  	_ =	swait.ge [sflag:s29], $0x1F40  }
0x157: {  	[sflag:s29] =	ssyncset.done $0x0  }
0x158: {  	[sflag:s29] =	ssyncadd.s32 $0xFFFFE0C0  }
0x159: {  	_ =	swait.ge [sflag:s30], $0x1F40  }
0x15a: {  	[sflag:s30] =	ssyncset.done $0x0  }
0x15b: {  	[sflag:s30] =	ssyncadd.s32 $0xFFFFE0C0  }
0x15c: {  	[bflag:$0x0] =	sbarrier.arrive $0xFFFF  }
0x15d: {  	s6 =	rddreg [dreg:$0x8]  }
0x15e: {  	[hbm:s6], [sflag:s16] =	dma.local [spmem:s17], $0x1400  }
0x15f: {  	_ =	swait.ge [sflag:s14], $0x1400  }
0x160: {  	s4 =	sadd.s32 $0x1, s4;
	s8 =	rddreg [dreg:$0x9]  }
0x161: {  	p0 =	sne.s32 s4, s8  }
.Ltmp2:
0x162: {  	_ = 	snop;
	(pc) =	sbr.rel @p0 .LBB2_1-.Ltmp2, $3  }
0x163: {  	_ =	sdelay $0x1  }
0x164: {  	[sflag:s14] =	ssyncset.done $0x0  }
0x165: {  	[sflag:s14] =	ssyncadd.s32 $0xFFFFEC00  }
0x166: {  	_ =	sfence.sel $0x180000  }
0x167: {  	[bflag:$0x0] =	sbarrier.arrive $0xFFFF  }
0x168: {  	_ =	strace $0x9000004D  }
0x169: {  	s0 =	stileid.u32;
	[bflag:$0x2] =	sbarrier.arrive $0xFFFF  }
0x16a: {  	p0 =	sne.s32 s0, $0x0;
	s0 =	rddreg [dreg:$0x2]  }
0x16b: {  	s0 =	sadd.s32 @!p0 $0x100000, s0  }
0x16c: {  	[sflag:s0] =	ssyncadd.tile.s32 @!p0 $0x1;
	_ =	shalt  }
.Lfunc_end2:
_tile_overlayer_lowered:
.L_overlay_start_2:
0x16d: {  	(tag) =	ssettag $0x2  }
0x16e: {  	s0 =	rddreg [dreg:$0x0];
	s2 =	stileid.u32  }
0x16f: {  	s1 =	rddreg [dreg:$0x1];
	p0 =	sne.s32 s2, $0x0  }
0x170: {  	s3 =	rddreg [dreg:$0x2];
	[bflag:$0x3] =	sbarrier.arrive $0xFFFF;
	s2 =	simm.s32 @!p0 $0x1C09  }
0x171: {  	[timem:s3], [sflag:s2] =	dma.local @!p0 [hbm:s0], s1  }
0x172: {  	s0 =	simm.s32 @!p0 $0x9  }
0x173: {  	_ =	swait.ge @!p0 [sflag:s0], s1  }
0x174: {  	s1 =	ssub.s32 @!p0 $0x0, s1;
	[sflag:s0] =	ssyncset.done @!p0 $0x0  }
0x175: {  	[sflag:s0] =	ssyncadd.s32 @!p0 s1  }
0x176: {  	[bflag:$0x3] =	sbarrier.arrive $0xFFFF  }
0x177: {  	_ =	shalt  }

// kernel: kernel.19.cloned.1.call-start
scs
__scs_entry_jumppad:
0x0: {  	(pc) =	sbr.rel $0x88, $3  }
0x1: {  	(tag) =	ssettag $0x0;
	lr =	simm.s32 $0x1  }
0x2: {  	[smem:$0x3F96] =	sst lr;
	_ =	strace $0xD0000000  }
0x3: {  	_ = 	snop  }
0x4: {  	_ = 	snop  }
0x5: {  	_ = 	snop  }
0x6: {  	_ = 	snop  }
0x7: {  	_ = 	snop  }
__scs_overlays_trampoline_lowered:
0x8: {  	[smem:$0x3FA5] =	sst s0  }
0x9: {  	[smem:$0x3FA6] =	sst s1  }
0xa: {  	[smem:$0x3FA7] =	sst s2  }
0xb: {  	[smem:$0x3FA8] =	sst s3  }
0xc: {  	[smem:$0x3FA9] =	sst s4  }
0xd: {  	[smem:$0x3FAA] =	sst s5  }
0xe: {  	[smem:$0x3FAB] =	sst s6  }
0xf: {  	[smem:$0x3FAC] =	sst s7  }
0x10: {  	[smem:$0x3FAD] =	sst s8  }
0x11: {  	[smem:$0x3FAE] =	sst s9;
	s0 =	simm.s32 @!p0 $0x0  }
0x12: {  	s1 =	sld [smem:$0x3F94];
	s0 =	simm.s32 @p0 $0x1  }
0x13: {  	[smem:$0x3FAF] =	sst s0;
	s0 =	simm.s32 @!p1 $0x0  }
0x14: {  	s2 =	sld [smem:$0x3F93];
	s0 =	simm.s32 @p1 $0x1  }
0x15: {  	[smem:$0x3FB0] =	sst s0;
	s0 =	simm.s32 @!p2 $0x0  }
0x16: {  	s3 =	sld [smem:$0x3FDB];
	s0 =	simm.s32 @p2 $0x1  }
0x17: {  	s4 =	simm.s32 $0x1BF5;
	[smem:$0x3FB2] =	sst s0  }
0x18: {  	s0 =	sld [smem:$0x3F95];
	_ =	swait.ge [sflag:s4], $0x0  }
0x19: {  	s7 =	sld [smem:$0x3F96]  }
0x1a: {  	s8 =	sadd.s32 $0xFFFFE003, lr  }
0x1b: {  	s9 =	sadd.s32 $0xFFFFFEF7, lr;
	s5 =	simm.s32 $0xFFFFFFFF;
	p2 =	slt.u32 s8, $0xFFFFF086  }
0x1c: {  	p1 =	slt.u32 s9, $0xF7A;
	s5 =	simm.s32 @!p2 $0x0  }
0x1d: {  	s5 =	simm.s32 @p1 $0x1;
	p0 =	seq.s32 s7, s2  }
0x1e: {  	s7 =	smul.u32 @!p0 $0xF7A, s2;
	p2 =	seq.s32 @!p0 s5, $0x0  }
0x1f: {  	s9 =	smul.u32 $0xF7A, s1;
	s8 =	simm.s32 @!p0 $0x1BF5;
	p2 =	por !p2, p0  }
0x20: {  	[sflag:s8] =	ssyncset.s32 @!p0 $0xFFFFF086;
	s6 =	sadd.s32 @!p0 s3, s7;
	s7 =	simm.s32 @!p0 $0x108  }
0x21: {  	s3 =	sadd.s32 s3, s9;
	s6 =	sadd.s32 @!p0 $0x88, s6;
	s7 =	simm.s32 @p2 $0x1082  }
0x22: {  	[simem:s7], [sflag:s8] =	dma.local @!p0 [hbm:s6], $0xF7A  }
0x23: {  	s9 =	sor.u32 $0xD0000000, s2;
	s6 =	simm.s32 $0x108;
	_ =	swait.ge @!p0 [sflag:s8], $0x0  }
0x24: {  	s3 =	sadd.s32 $0x88, s3;
	s6 =	simm.s32 @!p1 $0x1082;
	[sflag:s4] =	ssyncset.s32 $0xFFFFF086  }
0x25: {  	[simem:s6], [sflag:s4] =	dma.local [hbm:s3], $0xF7A  }
0x26: {  	[smem:$0x3F96] =	sst s1;
	(tag) =	ssettag s2;
	_ =	strace s9  }
0x27: {  	s1 =	sld [smem:$0x3FA6]  }
0x28: {  	s2 =	sld [smem:$0x3FA7]  }
0x29: {  	s4 =	sld [smem:$0x3FA9]  }
0x2a: {  	p0 =	seq.s32 s5, $0x0;
	s5 =	sld [smem:$0x3FAA]  }
0x2b: {  	s6 =	sld [smem:$0x3FAB]  }
0x2c: {  	s7 =	sld [smem:$0x3FAC]  }
0x2d: {  	s3 =	simm.s32 $0x108;
	s8 =	sld [smem:$0x3FAD]  }
0x2e: {  	s3 =	simm.s32 @!p0 $0x1082;
	s9 =	sld [smem:$0x3FAE]  }
0x2f: {  	lr =	sadd.s32 s0, s3;
	s0 =	sld [smem:$0x3FA5]  }
0x30: {  	s3 =	sld [smem:$0x3FA8]  }
0x31: {  	[smem:$0x3FB1] =	sst s10  }
0x32: {  	s10 =	sld [smem:$0x3FAF];
	_ =	sdelay $0x3  }
0x33: {  	p0 =	seq.s32 s10, $0x1;
	s10 =	sld [smem:$0x3FB1];
	_ =	sdelay $0x3  }
0x34: {  	[smem:$0x3FB1] =	sst s10  }
0x35: {  	s10 =	sld [smem:$0x3FB0];
	_ =	sdelay $0x3  }
0x36: {  	p1 =	seq.s32 s10, $0x1;
	s10 =	sld [smem:$0x3FB1];
	_ =	sdelay $0x3  }
0x37: {  	[smem:$0x3FB1] =	sst s10  }
0x38: {  	s10 =	sld [smem:$0x3FB2]  }
0x39: {  	_ = 	snop;
	(pc) =	sbr.ind lr, $3  }
0x3a: {  	_ = 	snop  }
0x3b: {  	_ = 	snop  }
0x3c: {  	p2 =	seq.s32 s10, $0x1;
	s10 =	sld [smem:$0x3FB1]  }
0x3d: {  	_ =	shalt  }
0x3e: {  	_ =	shalt  }
0x3f: {  	_ =	shalt  }
0x40: {  	_ =	shalt  }
0x41: {  	_ =	shalt  }
0x42: {  	_ =	shalt  }
0x43: {  	_ =	shalt  }
0x44: {  	_ =	shalt  }
0x45: {  	_ =	shalt  }
0x46: {  	_ =	shalt  }
0x47: {  	_ =	shalt  }
0x48: {  	_ =	shalt  }
0x49: {  	_ =	shalt  }
0x4a: {  	_ =	shalt  }
0x4b: {  	_ =	shalt  }
0x4c: {  	_ =	shalt  }
0x4d: {  	_ =	shalt  }
0x4e: {  	_ =	shalt  }
0x4f: {  	_ =	shalt  }
0x50: {  	_ =	shalt  }
0x51: {  	_ =	shalt  }
0x52: {  	_ =	shalt  }
0x53: {  	_ =	shalt  }
0x54: {  	_ =	shalt  }
0x55: {  	_ =	shalt  }
0x56: {  	_ =	shalt  }
0x57: {  	_ =	shalt  }
0x58: {  	_ =	shalt  }
0x59: {  	_ =	shalt  }
0x5a: {  	_ =	shalt  }
0x5b: {  	_ =	shalt  }
0x5c: {  	_ =	shalt  }
0x5d: {  	_ =	shalt  }
0x5e: {  	_ =	shalt  }
0x5f: {  	_ =	shalt  }
0x60: {  	_ =	shalt  }
0x61: {  	_ =	shalt  }
0x62: {  	_ =	shalt  }
0x63: {  	_ =	shalt  }
0x64: {  	_ =	shalt  }
0x65: {  	_ =	shalt  }
0x66: {  	_ =	shalt  }
0x67: {  	_ =	shalt  }
0x68: {  	_ =	shalt  }
0x69: {  	_ =	shalt  }
0x6a: {  	_ =	shalt  }
0x6b: {  	_ =	shalt  }
0x6c: {  	_ =	shalt  }
0x6d: {  	_ =	shalt  }
0x6e: {  	_ =	shalt  }
0x6f: {  	_ =	shalt  }
0x70: {  	_ =	shalt  }
0x71: {  	_ =	shalt  }
0x72: {  	_ =	shalt  }
0x73: {  	_ =	shalt  }
0x74: {  	_ =	shalt  }
0x75: {  	_ =	shalt  }
0x76: {  	_ =	shalt  }
0x77: {  	_ =	shalt  }
0x78: {  	_ =	shalt  }
0x79: {  	_ =	shalt  }
0x7a: {  	_ =	shalt  }
0x7b: {  	_ =	shalt  }
0x7c: {  	_ =	shalt  }
0x7d: {  	_ =	shalt  }
0x7e: {  	_ =	shalt  }
0x7f: {  	_ =	shalt  }
0x80: {  	_ =	shalt  }
0x81: {  	_ =	shalt  }
0x82: {  	_ =	shalt  }
0x83: {  	_ =	shalt  }
0x84: {  	_ =	shalt  }
0x85: {  	_ =	shalt  }
0x86: {  	_ =	shalt  }
0x87: {  	_ =	shalt  }
.Lfunc_end0:
.L_simem_size_0:
called_computation.3_lowered:
.L_overlay_start_0:
0x88: {  	s2 =	sld [smem:$0x3FD9]  }
0x89: {  	s3 =	sld [smem:$0x3FFE];
	_ =	sdelay $0x1  }
0x8a: {  	s1 =	srdreg.scid  }
0x8b: {  	s0 =	sand.u32 $0x1, s1  }
0x8c: {  	s16 =	sshll.u32 s0, $0xA;
	s2 =	sadd.s32 s3, s2  }
0x8d: {  	s2 =	sadd.s32 s2, s16  }
0x8e: {  	[smem:$0x3FBD] =	sst s2  }
0x8f: {  	_ = 	snop  }
0x90: {  	(tm) =	ssettm $0x1  }
0x91: {  	s17 =	sld [smem:$0x3FFB];
	_ =	sdelay $0x3  }
0x92: {  	_ =	strace s17  }
0x93: {  	s2 =	sld [smem:$0x3FFC];
	_ =	sdelay $0x3  }
0x94: {  	_ =	strace s2  }
0x95: {  	s2 =	sld [smem:$0x3FFD];
	_ =	sdelay $0x3  }
0x96: {  	_ =	strace s2  }
0x97: {  	_ =	strace $0x8FFFFFFF  }
0x98: {  	s18 =	sld [smem:$0x3FDB];
	_ =	sdelay $0x1  }
0x99: {  	s19 =	simm.s32 $_scs_section_size  }
0x9a: {  	s4 =	simm.s32 $_size__tile_overlayer_lowered;
	s5 =	simm.s32 $_tile_overlayer_lowered  }
0x9b: {  	s22 =	simm.s32 $0x1BFF;
	s21 =	sshll.u32 s5, $0x1;
	s2 =	sadd.s32 s19, s18  }
0x9c: {  	s6 =	simm.s32 $0x0;
	s20 =	sshll.u32 s4, $0x1;
	s4 =	sadd.s32 s21, s2  }
0x9d: {  	[timem:s6], [sflag:s22] =	dma.local [hbm:s4], s20  }
0x9e: {  	_ =	swait.ge [sflag:s22], s20  }
0x9f: {  	s3 =	ssub.s32 $0x0, s20;
	[sflag:s22] =	ssyncset.done $0x0  }
0xa0: {  	[sflag:s22] =	ssyncadd.s32 s3;
	_ =	sdelay $0x1  }
0xa1: {  	s23 =	simm.s32 $0x1B8B  }
0xa2: {  	_ =	swait.ge [sflag:s23], $0x1  }
0xa3: {  	[sflag:s23] =	ssyncset.done $0x0  }
0xa4: {  	s25 =	simm.s32 $0x1B8E;
	s24 =	sld [smem:$0x3FFE];
	[sflag:s23] =	ssyncadd.s32 $0xFFFFFFFF  }
0xa5: {  	s26 =	simm.s32 $execute0_lowered;
	[smem:$0x3FD2] =	sst s25  }
0xa6: {  	s4 =	sshll.u32 s26, $0x1;
	_ =	strace $0x8000004F;
	[dreg:$0x1] =	wrdreg $0xFFFFFFFF  }
0xa7: {  	s28 =	simm.s32 $_size_execute0_lowered;
	s2 =	sadd.s32 s2, s4;
	[dreg:$0x0] =	wrdreg $0x0  }
0xa8: {  	s4 =	sshll.u32 s28, $0x1;
	[dreg:$0x2] =	wrdreg s2  }
0xa9: {  	[dreg:$0x3] =	wrdreg s4  }
0xaa: {  	[dreg:$0x4] =	wrdreg $0xC0  }
0xab: {  	_ =	task [dreg:s6], $0x5FFFF  }
0xac: {  	[dreg:$0x1] =	wrdreg $0xFFFFFFFF  }
0xad: {  	[dreg:$0x0] =	wrdreg $0x60  }
0xae: {  	[dreg:$0x2] =	wrdreg s24  }
0xaf: {  	[dreg:$0x3] =	wrdreg $0x0  }
0xb0: {  	[dreg:$0x4] =	wrdreg $0x9  }
0xb1: {  	_ =	task.clear_ibuf [dreg:s6], $0x5FFFF;
	_ =	strace $0x9000004F  }
0xb2: {  	s29 =	simm.s32 $0x9;
	_ =	strace $0x80000051  }
0xb3: {  	_ =	swait.ge [sflag:s29], $0x1  }
0xb4: {  	[sflag:s29] =	ssyncadd.s32 $0xFFFFFFFF  }
0xb5: {  	_ =	strace $0x90000051  }
0xb6: {  	_ =	sfence  }
0xb7: {  	s30 =	sld [smem:$0x0];
	_ =	sdelay $0x2  }
0xb8: {  	s31 =	sshll.u32 s1, $0xD;
	s1 =	sshrl.u32 s1, $0x2  }
0xb9: {  	s3 =	sand.u32 $0x4000, s31;
	s1 =	sadd.s32 s1, s30  }
0xba: {  	s0 =	sor.u32 s3, s0;
	s1 =	sshll.u32 s1, $0x11  }
0xbb: {  	s0 =	sor.u32 s1, s0  }
0xbc: {  	s0 =	sadd.s32 $0x8F2B, s0  }
0xbd: {  	[sflag:s0] =	ssyncadd.remote.s32 $0x1  }
0xbe: {  	_ =	sfence.sel $0xFFFF  }
0xbf: {  	[dreg:$0x0] =	wrdreg $0xFFFFFFFF;
	(pc) =	sbr.abs _section_cstart, $3  }
0xc0: {  	[dreg:$0x1] =	wrdreg $0xFFFFFFFF  }
0xc1: {  	_ =	task.clear_ibuf [dreg:s6], $0x2FFFF;
	_ =	strace $0x9FFFFFFF  }
0xc2: {  	(tm) =	ssettm $0x7FFFFFFF  }
0xc3: {  	_ =	shalt  }
tec
execute0_lowered:
.L_overlay_start_1:
0x0: {  	(tag) =	ssettag $0x1  }
0x1: {  	s0 =	rddreg [dreg:$0x0]  }
0x2: {  	s2 =	rddreg [dreg:$0x1]  }
0x3: {  	s1 =	srdreg.scid;
	s11 =	stileid.u32  }
0x4: {  	s3 =	simm.s32 $0x0;
	s12 =	simm.s32 $0x2800;
	s15 =	simm.s32 $0x7D  }
0x5: {  	s16 =	simm.s32 $0x5000;
	s18 =	simm.s32 $0x57D0;
	s20 =	simm.s32 $0x5FA0  }
0x6: {  	s22 =	simm.s32 $0x6770;
	s23 =	simm.s32 $0x1;
	s24 =	simm.s32 $0x2  }
0x7: {  	s28 =	simm.s32 $0x5;
	s29 =	simm.s32 $0x6;
	s30 =	simm.s32 $0x7  }
0x8: {  	s31 =	simm.s32 $0x8;
	s21 =	simm.s32 $0x4F80;
	s1 =	sand.u32 $0x1, s1  }
0x9: {  	s7 =	smul.u32 $0x2800, s11;
	[smem:$0x7FF] =	sst s3;
	s26 =	sshll.u32 s11, $0x6  }
0xa: {  	s4 =	sshll.u32 s1, $0x4;
	s5 =	smul.u32 $0x28000, s1;
	_ =	strace $0x80000050  }
0xb: {  	s1 =	ssub.s32 $0x2, s1;
	s13 =	sor.u32 $0x1C09, s26;
	s26 =	simm.s32 $0x4  }
0xc: {  	s4 =	sor.u32 s11, s4;
	s8 =	sshrl.u32 s1, $0x1;
	s25 =	sshrl.u32 s7, $0x3  }
0xd: {  	s10 =	sadd.s32 s7, s2;
	s11 =	simm.s32 $0x9;
	s6 =	smul.u32 $0x280, s4  }
0xe: {  	s5 =	sadd.s32 s7, s5;
	s4 =	sadd.s32 $0xC800, s0;
	s1 =	ssub.s32 s1, s8  }
0xf: {  	s14 =	sshrl.u32 s10, $0x3;
	s5 =	sshrl.u32 s5, $0x3;
	s7 =	sadd.s32 s4, s25  }
0x10: {  	s9 =	smax.u32 s1, $0x1;
	s25 =	simm.s32 $0x3;
	s6 =	sadd.s32 s6, s0  }
0x11: {  	s1 =	simm.s32 $0x3B80;
	s0 =	sadd.s32 s5, s0;
	s5 =	sadd.s32 $0x2800, s6  }
0x12: {  	s6 =	sadd.s32 $0x7800, s6;
	s8 =	sadd.s32 $0x11800, s0;
	s0 =	simm.s32 $0x0  }
.LBB2_1:
0x13: {  	s10 =	simm.s32 $0x3C00  }
0x14: {  	[tilespmem:s10], [sflag:$0x9] =	stream.linear.gather [hbm4b:s5+s3], $0x1400, $0x38;
	[tilespmem:$0x6F40] =	vst v63  }
0x15: {  	_ =	swait.ge [sflag:s11], $0x1400  }
0x16: {  	[sflag:s11] =	ssyncset.done $0x0  }
0x17: {  	[sflag:s11] =	ssyncadd.s32 $0xFFFFEC00  }
0x18: {  	[tilespmem:s12], [sflag:$0x9] =	stream.linear.gather [hbm4b:s6+s3], $0x1400, $0x38;
	[tilespmem:$0x6F40] =	vst v63  }
0x19: {  	_ =	swait.ge [sflag:s11], $0x1400  }
0x1a: {  	[sflag:s11] =	ssyncset.done $0x0  }
0x1b: {  	[sflag:s11] =	ssyncadd.s32 $0xFFFFEC00  }
0x1c: {  	[spmem:s14], [sflag:s13] =	dma.local [hbm:s7], $0x500  }
0x1d: {  	_ =	swait.ge [sflag:s11], $0x500  }
0x1e: {  	[sflag:s11] =	ssyncset.done $0x0  }
0x1f: {  	[sflag:s11] =	ssyncadd.s32 $0xFFFFFB00  }
0x20: {  	[bflag:$0x0] =	sbarrier.arrive $0xFFFF  }
0x21: {  	[tilespmem:s16], [sflag:$0x1] =	stream.indirect.gather [hbm4b:s4+s15], $0x10, s12, s15, $0xb8;
	[tilespmem:$0x6F40] =	vst v63  }
0x22: {  	s17 =	simm.s32 $0x2880  }
0x23: {  	[tilespmem:s18], [sflag:$0x2] =	stream.indirect.gather [hbm4b:s4+s15], $0x10, s17, s15, $0xb8;
	[tilespmem:$0x6F40] =	vst v63  }
0x24: {  	s19 =	simm.s32 $0x2900  }
0x25: {  	[tilespmem:s20], [sflag:$0x3] =	stream.indirect.gather [hbm4b:s4+s15], $0x10, s19, s15, $0xb8;
	[tilespmem:$0x6F40] =	vst v63  }
0x26: {  	s17 =	simm.s32 $0x2980  }
0x27: {  	[tilespmem:s22], [sflag:$0x4] =	stream.indirect.gather [hbm4b:s4+s15], $0x10, s17, s15, $0xb8;
	[tilespmem:$0x6F40] =	vst v63  }
0x28: {  	_ =	swait.ge [sflag:s23], $0x7D0  }
0x29: {  	[sflag:s23] =	ssyncset.done $0x0  }
0x2a: {  	s19 =	simm.s32 $0x3C00;
	[sflag:s23] =	ssyncadd.s32 $0xFFFFF830  }
0x2b: {  	[spmem:s2] =	stream.indirect.scatter.add.f32 [tilespmem:s16], [sflag:$0x5], $0x10, s19, s15, $0xb8;
	[tilespmem:$0x6F40] =	vst v63  }
0x2c: {  	_ =	swait.ge [sflag:s24], $0x7D0  }
0x2d: {  	[sflag:s24] =	ssyncset.done $0x0  }
0x2e: {  	s17 =	simm.s32 $0x3C80;
	[sflag:s24] =	ssyncadd.s32 $0xFFFFF830  }
0x2f: {  	[spmem:s2] =	stream.indirect.scatter.add.f32 [tilespmem:s18], [sflag:$0x6], $0x10, s17, s15, $0xb8;
	[tilespmem:$0x6F40] =	vst v63  }
0x30: {  	_ =	swait.ge [sflag:s25], $0x7D0  }
0x31: {  	[sflag:s25] =	ssyncset.done $0x0  }
0x32: {  	s19 =	simm.s32 $0x3D00;
	[sflag:s25] =	ssyncadd.s32 $0xFFFFF830  }
0x33: {  	[spmem:s2] =	stream.indirect.scatter.add.f32 [tilespmem:s20], [sflag:$0x7], $0x10, s19, s15, $0xb8;
	[tilespmem:$0x6F40] =	vst v63  }
0x34: {  	_ =	swait.ge [sflag:s26], $0x7D0  }
0x35: {  	[sflag:s26] =	ssyncset.done $0x0  }
0x36: {  	s17 =	simm.s32 $0x3D80;
	[sflag:s26] =	ssyncadd.s32 $0xFFFFF830  }
0x37: {  	[spmem:s2] =	stream.indirect.scatter.add.f32 [tilespmem:s22], [sflag:$0x8], $0x10, s17, s15, $0xb8;
	[tilespmem:$0x6F40] =	vst v63  }
0x38: {  	_ =	swait.ge [sflag:s28], $0x7D0  }
0x39: {  	[sflag:s28] =	ssyncset.done $0x0  }
0x3a: {  	s19 =	simm.s32 $0x2A00;
	[sflag:s28] =	ssyncadd.s32 $0xFFFFF830  }
0x3b: {  	[tilespmem:s16], [sflag:$0x1] =	stream.indirect.gather [hbm4b:s4+s15], $0x10, s19, s15, $0xb8;
	[tilespmem:$0x6F40] =	vst v63  }
0x3c: {  	_ =	swait.ge [sflag:s29], $0x7D0  }
0x3d: {  	[sflag:s29] =	ssyncset.done $0x0  }
0x3e: {  	s17 =	simm.s32 $0x2A80;
	[sflag:s29] =	ssyncadd.s32 $0xFFFFF830  }
0x3f: {  	[tilespmem:s18], [sflag:$0x2] =	stream.indirect.gather [hbm4b:s4+s15], $0x10, s17, s15, $0xb8;
	[tilespmem:$0x6F40] =	vst v63  }
0x40: {  	_ =	swait.ge [sflag:s30], $0x7D0  }
0x41: {  	[sflag:s30] =	ssyncset.done $0x0  }
0x42: {  	s19 =	simm.s32 $0x2B00;
	[sflag:s30] =	ssyncadd.s32 $0xFFFFF830  }
0x43: {  	[tilespmem:s20], [sflag:$0x3] =	stream.indirect.gather [hbm4b:s4+s15], $0x10, s19, s15, $0xb8;
	[tilespmem:$0x6F40] =	vst v63  }
0x44: {  	_ =	swait.ge [sflag:s31], $0x7D0  }
0x45: {  	[sflag:s31] =	ssyncset.done $0x0  }
0x46: {  	s10 =	simm.s32 $0x800;
	s17 =	simm.s32 $0x2B80;
	[sflag:s31] =	ssyncadd.s32 $0xFFFFF830  }
.LBB2_2:
0x47: {  	[tilespmem:s22], [sflag:$0x4] =	stream.indirect.gather [hbm4b:s4+s15], $0x10, s17, s15, $0xb8;
	[tilespmem:$0x6F40] =	vst v63  }
0x48: {  	s17 =	smov.u32 s10  }
0x49: {  	p0 =	sne.s32 s10, $0x3800;
	s10 =	sadd.s32 $0x800, s10;
	_ =	swait.ge [sflag:s23], $0x7D0  }
0x4a: {  	s17 =	sshra.s32 s17, $0x2;
	[sflag:s23] =	ssyncset.done $0x0  }
0x4b: {  	s19 =	sadd.s32 $0x3C00, s17;
	[sflag:s23] =	ssyncadd.s32 $0xFFFFF830  }
0x4c: {  	[spmem:s2] =	stream.indirect.scatter.add.f32 [tilespmem:s16], [sflag:$0x5], $0x10, s19, s15, $0xb8;
	[tilespmem:$0x6F40] =	vst v63  }
0x4d: {  	_ =	swait.ge [sflag:s24], $0x7D0  }
0x4e: {  	[sflag:s24] =	ssyncset.done $0x0  }
0x4f: {  	s19 =	sadd.s32 $0x3C80, s17;
	[sflag:s24] =	ssyncadd.s32 $0xFFFFF830  }
0x50: {  	[spmem:s2] =	stream.indirect.scatter.add.f32 [tilespmem:s18], [sflag:$0x6], $0x10, s19, s15, $0xb8;
	[tilespmem:$0x6F40] =	vst v63  }
0x51: {  	_ =	swait.ge [sflag:s25], $0x7D0  }
0x52: {  	[sflag:s25] =	ssyncset.done $0x0  }
0x53: {  	s19 =	sadd.s32 $0x3D00, s17;
	[sflag:s25] =	ssyncadd.s32 $0xFFFFF830  }
0x54: {  	[spmem:s2] =	stream.indirect.scatter.add.f32 [tilespmem:s20], [sflag:$0x7], $0x10, s19, s15, $0xb8;
	[tilespmem:$0x6F40] =	vst v63  }
0x55: {  	_ =	swait.ge [sflag:s26], $0x7D0  }
0x56: {  	[sflag:s26] =	ssyncset.done $0x0  }
0x57: {  	s19 =	sadd.s32 $0x3D80, s17;
	[sflag:s26] =	ssyncadd.s32 $0xFFFFF830  }
0x58: {  	[spmem:s2] =	stream.indirect.scatter.add.f32 [tilespmem:s22], [sflag:$0x8], $0x10, s19, s15, $0xb8;
	[tilespmem:$0x6F40] =	vst v63  }
0x59: {  	_ =	swait.ge [sflag:s28], $0x7D0  }
0x5a: {  	[sflag:s28] =	ssyncset.done $0x0  }
0x5b: {  	s19 =	sadd.s32 $0x2A00, s17;
	[sflag:s28] =	ssyncadd.s32 $0xFFFFF830  }
0x5c: {  	[tilespmem:s16], [sflag:$0x1] =	stream.indirect.gather [hbm4b:s4+s15], $0x10, s19, s15, $0xb8;
	[tilespmem:$0x6F40] =	vst v63  }
0x5d: {  	_ =	swait.ge [sflag:s29], $0x7D0  }
0x5e: {  	[sflag:s29] =	ssyncset.done $0x0  }
0x5f: {  	s19 =	sadd.s32 $0x2A80, s17;
	[sflag:s29] =	ssyncadd.s32 $0xFFFFF830  }
0x60: {  	[tilespmem:s18], [sflag:$0x2] =	stream.indirect.gather [hbm4b:s4+s15], $0x10, s19, s15, $0xb8;
	[tilespmem:$0x6F40] =	vst v63  }
0x61: {  	_ =	swait.ge [sflag:s30], $0x7D0  }
0x62: {  	[sflag:s30] =	ssyncset.done $0x0  }
.Ltmp0:
0x63: {  	s19 =	sadd.s32 $0x2B00, s17;
	[sflag:s30] =	ssyncadd.s32 $0xFFFFF830;
	(pc) =	sbr.rel @p0 .LBB2_2-.Ltmp0, $4  }
0x64: {  	[tilespmem:s20], [sflag:$0x3] =	stream.indirect.gather [hbm4b:s4+s15], $0x10, s19, s15, $0xb8;
	[tilespmem:$0x6F40] =	vst v63  }
0x65: {  	_ =	swait.ge [sflag:s31], $0x7D0  }
0x66: {  	[sflag:s31] =	ssyncset.done $0x0  }
0x67: {  	s17 =	sadd.s32 $0x2B80, s17;
	[sflag:s31] =	ssyncadd.s32 $0xFFFFF830  }
0x68: {  	[tilespmem:s22], [sflag:$0x4] =	stream.indirect.gather [hbm4b:s4+s15], $0x10, s17, s15, $0xb8;
	[tilespmem:$0x6F40] =	vst v63  }
0x69: {  	_ =	swait.ge [sflag:s23], $0x7D0  }
0x6a: {  	[sflag:s23] =	ssyncset.done $0x0  }
0x6b: {  	s10 =	simm.s32 $0x4C00;
	[sflag:s23] =	ssyncadd.s32 $0xFFFFF830  }
0x6c: {  	[spmem:s2] =	stream.indirect.scatter.add.f32 [tilespmem:s16], [sflag:$0x5], $0x10, s10, s15, $0xb8;
	[tilespmem:$0x6F40] =	vst v63  }
0x6d: {  	_ =	swait.ge [sflag:s24], $0x7D0  }
0x6e: {  	[sflag:s24] =	ssyncset.done $0x0  }
0x6f: {  	s19 =	simm.s32 $0x4C80;
	[sflag:s24] =	ssyncadd.s32 $0xFFFFF830  }
0x70: {  	[spmem:s2] =	stream.indirect.scatter.add.f32 [tilespmem:s18], [sflag:$0x6], $0x10, s19, s15, $0xb8;
	[tilespmem:$0x6F40] =	vst v63  }
0x71: {  	_ =	swait.ge [sflag:s25], $0x7D0  }
0x72: {  	[sflag:s25] =	ssyncset.done $0x0  }
0x73: {  	s17 =	simm.s32 $0x4D00;
	[sflag:s25] =	ssyncadd.s32 $0xFFFFF830  }
0x74: {  	[spmem:s2] =	stream.indirect.scatter.add.f32 [tilespmem:s20], [sflag:$0x7], $0x10, s17, s15, $0xb8;
	[tilespmem:$0x6F40] =	vst v63  }
0x75: {  	_ =	swait.ge [sflag:s26], $0x7D0  }
0x76: {  	[sflag:s26] =	ssyncset.done $0x0  }
0x77: {  	s19 =	simm.s32 $0x4D80;
	[sflag:s26] =	ssyncadd.s32 $0xFFFFF830  }
0x78: {  	[spmem:s2] =	stream.indirect.scatter.add.f32 [tilespmem:s22], [sflag:$0x8], $0x10, s19, s15, $0xb8;
	[tilespmem:$0x6F40] =	vst v63  }
0x79: {  	_ =	swait.ge [sflag:s28], $0x7D0  }
0x7a: {  	[sflag:s28] =	ssyncset.done $0x0  }
0x7b: {  	s17 =	simm.s32 $0x3A00;
	[sflag:s28] =	ssyncadd.s32 $0xFFFFF830  }
0x7c: {  	[tilespmem:s16], [sflag:$0x1] =	stream.indirect.gather [hbm4b:s4+s15], $0x10, s17, s15, $0xb8;
	[tilespmem:$0x6F40] =	vst v63  }
0x7d: {  	_ =	swait.ge [sflag:s29], $0x7D0  }
0x7e: {  	[sflag:s29] =	ssyncset.done $0x0  }
0x7f: {  	s19 =	simm.s32 $0x3A80;
	[sflag:s29] =	ssyncadd.s32 $0xFFFFF830  }
0x80: {  	[tilespmem:s18], [sflag:$0x2] =	stream.indirect.gather [hbm4b:s4+s15], $0x10, s19, s15, $0xb8;
	[tilespmem:$0x6F40] =	vst v63  }
0x81: {  	_ =	swait.ge [sflag:s30], $0x7D0  }
0x82: {  	[sflag:s30] =	ssyncset.done $0x0  }
0x83: {  	s17 =	simm.s32 $0x3B00;
	[sflag:s30] =	ssyncadd.s32 $0xFFFFF830  }
0x84: {  	[tilespmem:s20], [sflag:$0x3] =	stream.indirect.gather [hbm4b:s4+s15], $0x10, s17, s15, $0xb8;
	[tilespmem:$0x6F40] =	vst v63  }
0x85: {  	_ =	swait.ge [sflag:s31], $0x7D0  }
0x86: {  	[sflag:s31] =	ssyncset.done $0x0  }
0x87: {  	[sflag:s31] =	ssyncadd.s32 $0xFFFFF830  }
0x88: {  	[tilespmem:s22], [sflag:$0x4] =	stream.indirect.gather [hbm4b:s4+s15], $0x10, s1, s15, $0xb8;
	[tilespmem:$0x6F40] =	vst v63  }
0x89: {  	_ =	swait.ge [sflag:s23], $0x7D0  }
0x8a: {  	[sflag:s23] =	ssyncset.done $0x0  }
0x8b: {  	s19 =	simm.s32 $0x4E00;
	[sflag:s23] =	ssyncadd.s32 $0xFFFFF830  }
0x8c: {  	[spmem:s2] =	stream.indirect.scatter.add.f32 [tilespmem:s16], [sflag:$0x5], $0x10, s19, s15, $0xb8;
	[tilespmem:$0x6F40] =	vst v63  }
0x8d: {  	_ =	swait.ge [sflag:s24], $0x7D0  }
0x8e: {  	[sflag:s24] =	ssyncset.done $0x0  }
0x8f: {  	s17 =	simm.s32 $0x4E80;
	[sflag:s24] =	ssyncadd.s32 $0xFFFFF830  }
0x90: {  	[spmem:s2] =	stream.indirect.scatter.add.f32 [tilespmem:s18], [sflag:$0x6], $0x10, s17, s15, $0xb8;
	[tilespmem:$0x6F40] =	vst v63  }
0x91: {  	_ =	swait.ge [sflag:s25], $0x7D0  }
0x92: {  	[sflag:s25] =	ssyncset.done $0x0  }
0x93: {  	s19 =	simm.s32 $0x4F00;
	[sflag:s25] =	ssyncadd.s32 $0xFFFFF830  }
0x94: {  	[spmem:s2] =	stream.indirect.scatter.add.f32 [tilespmem:s20], [sflag:$0x7], $0x10, s19, s15, $0xb8;
	[tilespmem:$0x6F40] =	vst v63  }
0x95: {  	_ =	swait.ge [sflag:s26], $0x7D0  }
0x96: {  	[sflag:s26] =	ssyncset.done $0x0  }
0x97: {  	[sflag:s26] =	ssyncadd.s32 $0xFFFFF830  }
0x98: {  	[spmem:s2] =	stream.indirect.scatter.add.f32 [tilespmem:s22], [sflag:$0x8], $0x10, s21, s15, $0xb8;
	[tilespmem:$0x6F40] =	vst v63  }
0x99: {  	_ =	swait.ge [sflag:s28], $0x7D0  }
0x9a: {  	[sflag:s28] =	ssyncset.done $0x0  }
0x9b: {  	[sflag:s28] =	ssyncadd.s32 $0xFFFFF830  }
0x9c: {  	[tilespmem:s16], [sflag:$0x1] =	stream.indirect.gather [hbm4b:s4+s15], $0x10, s1, s15, $0xb8;
	[tilespmem:$0x6F40] =	vst v63  }
0x9d: {  	_ =	swait.ge [sflag:s29], $0x7D0  }
0x9e: {  	[sflag:s29] =	ssyncset.done $0x0  }
0x9f: {  	[sflag:s29] =	ssyncadd.s32 $0xFFFFF830  }
0xa0: {  	[tilespmem:s18], [sflag:$0x2] =	stream.indirect.gather [hbm4b:s4+s15], $0x10, s1, s15, $0xb8;
	[tilespmem:$0x6F40] =	vst v63  }
0xa1: {  	_ =	swait.ge [sflag:s30], $0x7D0  }
0xa2: {  	[sflag:s30] =	ssyncset.done $0x0  }
0xa3: {  	[sflag:s30] =	ssyncadd.s32 $0xFFFFF830  }
0xa4: {  	[tilespmem:s20], [sflag:$0x3] =	stream.indirect.gather [hbm4b:s4+s15], $0x10, s1, s15, $0xb8;
	[tilespmem:$0x6F40] =	vst v63  }
0xa5: {  	_ =	swait.ge [sflag:s31], $0x7D0  }
0xa6: {  	[sflag:s31] =	ssyncset.done $0x0  }
0xa7: {  	[sflag:s31] =	ssyncadd.s32 $0xFFFFF830  }
0xa8: {  	[tilespmem:s22], [sflag:$0x4] =	stream.indirect.gather [hbm4b:s4+s15], $0x10, s1, s15, $0xb8;
	[tilespmem:$0x6F40] =	vst v63  }
0xa9: {  	_ =	swait.ge [sflag:s23], $0x7D0  }
0xaa: {  	[sflag:s23] =	ssyncset.done $0x0  }
0xab: {  	[sflag:s23] =	ssyncadd.s32 $0xFFFFF830  }
0xac: {  	_ =	swait.ge [sflag:s24], $0x7D0  }
0xad: {  	[sflag:s24] =	ssyncset.done $0x0  }
0xae: {  	[sflag:s24] =	ssyncadd.s32 $0xFFFFF830  }
0xaf: {  	_ =	swait.ge [sflag:s25], $0x7D0  }
0xb0: {  	[sflag:s25] =	ssyncset.done $0x0  }
0xb1: {  	[sflag:s25] =	ssyncadd.s32 $0xFFFFF830  }
0xb2: {  	_ =	swait.ge [sflag:s26], $0x7D0  }
0xb3: {  	s0 =	sadd.s32 $0x1, s0;
	[sflag:s26] =	ssyncset.done $0x0  }
0xb4: {  	p0 =	sne.s32 s0, s9;
	[sflag:s26] =	ssyncadd.s32 $0xFFFFF830  }
.Ltmp1:
0xb5: {  	[bflag:$0x0] =	sbarrier.arrive $0xFFFF;
	(pc) =	sbr.rel @p0 .LBB2_1-.Ltmp1, $4  }
0xb6: {  	[hbm:s8], [sflag:s13] =	dma.local [spmem:s14], $0x500  }
0xb7: {  	_ =	swait.ge [sflag:s11], $0x500  }
0xb8: {  	[sflag:s11] =	ssyncset.done $0x0  }
0xb9: {  	[sflag:s11] =	ssyncadd.s32 $0xFFFFFB00  }
0xba: {  	_ =	sfence.sel $0x180000  }
0xbb: {  	[bflag:$0x0] =	sbarrier.arrive $0xFFFF  }
0xbc: {  	_ =	strace $0x90000050  }
0xbd: {  	s0 =	stileid.u32;
	[bflag:$0x2] =	sbarrier.arrive $0xFFFF  }
0xbe: {  	p0 =	sne.s32 s0, $0x0;
	s0 =	rddreg [dreg:$0x2]  }
0xbf: {  	s0 =	sadd.s32 @!p0 $0x100000, s0  }
0xc0: {  	[sflag:s0] =	ssyncadd.tile.s32 @!p0 $0x1;
	_ =	shalt  }
.Lfunc_end2:
_tile_overlayer_lowered:
.L_overlay_start_2:
0xc1: {  	(tag) =	ssettag $0x2  }
0xc2: {  	s0 =	rddreg [dreg:$0x0];
	s2 =	stileid.u32  }
0xc3: {  	s1 =	rddreg [dreg:$0x1];
	p0 =	sne.s32 s2, $0x0  }
0xc4: {  	s3 =	rddreg [dreg:$0x2];
	[bflag:$0x3] =	sbarrier.arrive $0xFFFF;
	s2 =	simm.s32 @!p0 $0x1C09  }
0xc5: {  	[timem:s3], [sflag:s2] =	dma.local @!p0 [hbm:s0], s1  }
0xc6: {  	s0 =	simm.s32 @!p0 $0x9  }
0xc7: {  	_ =	swait.ge @!p0 [sflag:s0], s1  }
0xc8: {  	s1 =	ssub.s32 @!p0 $0x0, s1;
	[sflag:s0] =	ssyncset.done @!p0 $0x0  }
0xc9: {  	[sflag:s0] =	ssyncadd.s32 @!p0 s1  }
0xca: {  	[bflag:$0x3] =	sbarrier.arrive $0xFFFF  }
0xcb: {  	_ =	shalt  }

</sc_bundles>
